<compile_context>
chip_gen: v7x
topology: tpu7x:2x2x1
jax: 0.10.2.dev20260603
libtpu: 0.0.44.dev20260713+nightly
codegen_flags: <defaults>
</compile_context>

<pallas_src>
import functools

import numpy as np
import jax
import jax.numpy as jnp
from jax import lax
from jax.experimental import pallas as pl
from jax.experimental.pallas import tpu as pltpu
from jax.experimental.pallas import tpu_sc as plsc

_GRID_LEVELS = 16
_BANK_DIM = 2
_TBL = 2 ** 16
_COARSE = 16
_FINE = 512
_FEAT_DIM = 16
_BBOX_MIN = np.array([-1.0, 0.0, 0.0], dtype=np.float32)
_BBOX_MAX = np.array([1.0, 2.0, 1.0], dtype=np.float32)
_B_GROWTH = float(np.exp(np.log(_FINE / _COARSE) / (_GRID_LEVELS - 1)))
_RES = [int(np.floor(_COARSE * (_B_GROWTH ** l))) for l in range(_GRID_LEVELS)]
_P1_I32 = int(np.int64(2654435761) - (1 << 32))
_P2_I32 = 805459861

_NC = 2
_NS = 16
_NW = _NC * _NS
_CHUNK = 8192


def _sc_body(xn_hbm, tbl_hbm, res_hbm, out_hbm, u_v, v_v, w_v, o_v, t_v, r_v,
             *, p0, p_full, span):
    wid = lax.axis_index("s") * _NC + lax.axis_index("c")
    lvl = wid % _GRID_LEVELS
    half = wid // _GRID_LEVELS
    ppw = span // 2
    base = p0 + half * ppw

    pltpu.sync_copy(tbl_hbm.at[pl.ds(lvl * _TBL, _TBL)], t_v)
    pltpu.sync_copy(res_hbm.at[pl.ds(lvl * 16, 16)], r_v)
    res_f = r_v[...]

    nchunks = ppw // _CHUNK

    def chunk_body(g, _):
        off = base + g * _CHUNK
        pltpu.sync_copy(xn_hbm.at[pl.ds(off, _CHUNK)], u_v)
        pltpu.sync_copy(xn_hbm.at[pl.ds(p_full + off, _CHUNK)], v_v)
        pltpu.sync_copy(xn_hbm.at[pl.ds(2 * p_full + off, _CHUNK)], w_v)

        @plsc.parallel_loop(0, _CHUNK, 16, unroll=4)
        def vec_body(b):
            pu = u_v[pl.ds(b, 16)] * res_f
            pv = v_v[pl.ds(b, 16)] * res_f
            pw = w_v[pl.ds(b, 16)] * res_f
            iu = pu.astype(jnp.int32)
            iv = pv.astype(jnp.int32)
            iw = pw.astype(jnp.int32)
            fu = pu - iu.astype(jnp.float32)
            fv = pv - iv.astype(jnp.float32)
            fw = pw - iw.astype(jnp.float32)
            m0 = iu & (_TBL - 1)
            m0p = (iu + 1) & (_TBL - 1)
            h1 = iv * _P1_I32
            m1 = h1 & (_TBL - 1)
            m1p = (h1 + _P1_I32) & (_TBL - 1)
            h2 = iw * _P2_I32
            m2 = h2 & (_TBL - 1)
            m2p = (h2 + _P2_I32) & (_TBL - 1)
            x00 = m0 ^ m1
            x10 = m0p ^ m1
            x01 = m0 ^ m1p
            x11 = m0p ^ m1p
            wu0 = 1.0 - fu
            wv0 = 1.0 - fv
            ww0 = 1.0 - fw
            a00 = wu0 * wv0
            a10 = fu * wv0
            a01 = wu0 * fv
            a11 = fu * fv
            acc = jnp.zeros((32,), jnp.bfloat16)
            for (xy, axy) in ((x00, a00), (x10, a10), (x01, a01), (x11, a11)):
                for (mz, wz) in ((m2, ww0), (m2p, fw)):
                    g16 = plsc.load_gather(t_v, [xy ^ mz])
                    gb = plsc.bitcast(g16, jnp.bfloat16)
                    wc = axy * wz
                    wp = plsc.pack(wc, wc, format=plsc.PackFormat.INTERLEAVED)
                    acc = acc + wp * gb
            o_v[pl.ds(b, 16)] = plsc.bitcast(acc, jnp.int32)
        pltpu.sync_copy(o_v, out_hbm.at[pl.ds(lvl * span + (off - p0), _CHUNK)])
        return 0

    lax.fori_loop(0, nchunks, chunk_body, 0)


def _sc_interp(xn_flat, packed_tbl_flat, res_flat, p0, span):
    p_full = xn_flat.shape[0] // 3
    mesh = plsc.VectorSubcoreMesh(core_axis_name="c", subcore_axis_name="s")
    return pl.kernel(
        functools.partial(_sc_body, p0=p0, p_full=p_full, span=span),
        out_type=jax.ShapeDtypeStruct((_GRID_LEVELS * span,), jnp.int32),
        mesh=mesh,
        compiler_params=pltpu.CompilerParams(needs_layout_passes=False),
        scratch_types=[
            pltpu.VMEM((_CHUNK,), jnp.float32),
            pltpu.VMEM((_CHUNK,), jnp.float32),
            pltpu.VMEM((_CHUNK,), jnp.float32),
            pltpu.VMEM((_CHUNK,), jnp.int32),
            pltpu.VMEM((_TBL,), jnp.int32),
            pltpu.VMEM((16,), jnp.float32),
        ],
    )(xn_flat, packed_tbl_flat, res_flat)


_TC_CHUNK = 2048


def _tc_body(pk_ref, ptst_ref, w0_ref, w1_ref, scale_ref, off_ref, out_ref):
    pk = pk_ref[...]
    f0 = lax.bitcast_convert_type(pk << 16, jnp.float32)
    f1 = lax.bitcast_convert_type(pk & (-65536), jnp.float32)
    feat = lax.dot_general(
        f0, w0_ref[...], (((0,), (0,)), ((), ())),
        preferred_element_type=jnp.float32)
    feat = feat + lax.dot_general(
        f1, w1_ref[...], (((0,), (0,)), ((), ())),
        preferred_element_type=jnp.float32)
    pt = ptst_ref[...]
    zt = jnp.concatenate([pt] * 12, axis=0) * scale_ref[...] + off_ref[...]
    magic = jnp.float32(12582912.0)
    yf = zt * jnp.float32(0.3183098861837907) + magic
    yi = lax.bitcast_convert_type(yf, jnp.int32) - jnp.int32(0x4B400000)
    nf = yi.astype(jnp.float32)
    r = zt - nf * jnp.float32(3.1415927410125732)
    r = r - nf * jnp.float32(-8.742277657347586e-08)
    r2 = r * r
    poly = r * (jnp.float32(1.0) + r2 * (
        jnp.float32(-0.16666667) + r2 * (
            jnp.float32(0.008333331) + r2 * jnp.float32(-0.00019840874))))
    trigt = lax.bitcast_convert_type(
        lax.bitcast_convert_type(poly, jnp.int32) ^ (yi << 31), jnp.float32)
    tail = jnp.concatenate([pt, trigt], axis=0).T
    out_ref[...] = jnp.concatenate([feat, tail], axis=1)


def _tc_body_alias(prev_ref, pk_ref, ptst_ref, w0_ref, w1_ref, scale_ref,
                   off_ref, out_ref):
    del prev_ref
    _tc_body(pk_ref, ptst_ref, w0_ref, w1_ref, scale_ref, off_ref, out_ref)


def _tc_combine(packed_acc, pts_t, w0, w1, scale, off, grid0, prev=None):
    p_total = pts_t.shape[1]
    span = packed_acc.shape[1]
    grid = (span // _TC_CHUNK,)
    in_specs = [
        pl.BlockSpec((_GRID_LEVELS, _TC_CHUNK), lambda i: (0, i)),
        pl.BlockSpec((3, _TC_CHUNK), lambda i: (0, i + grid0)),
        pl.BlockSpec((_GRID_LEVELS, _FEAT_DIM), lambda i: (0, 0)),
        pl.BlockSpec((_GRID_LEVELS, _FEAT_DIM), lambda i: (0, 0)),
        pl.BlockSpec((36, 1), lambda i: (0, 0)),
        pl.BlockSpec((36, 1), lambda i: (0, 0)),
    ]
    out_specs = pl.BlockSpec((_TC_CHUNK, 55), lambda i: (i + grid0, 0))
    out_shape = jax.ShapeDtypeStruct((p_total, 55), jnp.float32)
    if prev is None:
        return pl.pallas_call(
            _tc_body, grid=grid, in_specs=in_specs, out_specs=out_specs,
            out_shape=out_shape,
        )(packed_acc, pts_t, w0, w1, scale, off)
    in_specs = [pl.BlockSpec(memory_space=pltpu.MemorySpace.HBM)] + in_specs
    return pl.pallas_call(
        _tc_body_alias, grid=grid, in_specs=in_specs, out_specs=out_specs,
        out_shape=out_shape, input_output_aliases={0: 0},
    )(prev, packed_acc, pts_t, w0, w1, scale, off)


def _posenc_consts():
    scale = np.zeros((36, 1), np.float32)
    off = np.zeros((36, 1), np.float32)
    for i in range(6):
        for k in range(6):
            j = 6 * i + k
            scale[j, 0] = float((2.0 ** i) * np.pi)
            off[j, 0] = 0.0 if k < 3 else float(np.pi / 2)
    return scale, off


_SCALE_NP, _OFF_NP = _posenc_consts()


def kernel(x, t, mask, layerid, table, W):
    n, s, _ = x.shape
    p_total = n * s
    sel = mask[1:].astype(jnp.int32)
    inv = 1.0 / (_BBOX_MAX - _BBOX_MIN)
    p0 = jnp.take(x, sel[0], axis=-1).reshape(p_total)
    p1 = jnp.take(x, sel[1], axis=-1).reshape(p_total)
    p2 = jnp.broadcast_to(t[:, None, :], (n, s, 1)).reshape(p_total)
    u = (p0 - _BBOX_MIN[0]) * inv[0]
    v = (p1 - _BBOX_MIN[1]) * inv[1]
    w = (p2 - _BBOX_MIN[2]) * inv[2]
    xn_flat = jnp.concatenate([u, v, w])
    pts_t = jnp.stack([p0, p1, p2])

    tb16 = lax.bitcast_convert_type(
        table.astype(jnp.bfloat16), jnp.uint16).astype(jnp.uint32)
    packed_tbl = lax.bitcast_convert_type(
        tb16[..., 0] | (tb16[..., 1] << 16), jnp.int32).reshape(-1)

    res_b = jnp.asarray(
        np.broadcast_to(
            np.array(_RES, np.float32)[:, None], (_GRID_LEVELS, 16)).reshape(-1).copy())

    w0 = W[0::2]
    w1 = W[1::2]
    scale = jnp.asarray(_SCALE_NP)
    off = jnp.asarray(_OFF_NP)

    nsplit = 4
    h = p_total // nsplit
    accs = [
        _sc_interp(xn_flat, packed_tbl, res_b, q * h, h).reshape(_GRID_LEVELS, h)
        for q in range(nsplit)
    ]
    lat = None
    for q in range(nsplit):
        lat = _tc_combine(accs[q], pts_t, w0, w1, scale, off,
                          q * (h // _TC_CHUNK), prev=lat)
    return lat.reshape(n, s, 55)

# --- scband reference (transcript-rebuilt; emitter-appended) ---
"""Pipeline reference for scband-hash-grid-tcnn-79164837200475 (READ-ONLY COPY).

The authoritative reference and input builder live on the scoring server;
editing this copy changes nothing except your own understanding.
"""

import jax, jax.numpy as jnp
import numpy as np

GRID_LEVELS = 16
BANK_DIM = 2
TBL = 2 ** 16
COARSE = 16
FINE = 512
FEAT_DIM = 16
# bbox for table 0 (couple=0): dims (y,z) of [[-1,-1,0],[1,1,2]] plus t-dim [0,1]
BBOX_MIN = np.array([-1.0, 0.0, 0.0], dtype=np.float32)
BBOX_MAX = np.array([1.0, 2.0, 1.0], dtype=np.float32)
PRIMES = np.array([1, 2654435761, 805459861], dtype=np.uint32)
B_GROWTH = float(np.exp(np.log(FINE / COARSE) / (GRID_LEVELS - 1)))


def positional_encoding(x, num_frequencies=6, incl_input=True):
    results = []
    if incl_input:
        results.append(x)
    for i in range(num_frequencies):
        results.append(jnp.sin(x * (2 ** i) * jnp.pi))
        results.append(jnp.cos(x * (2 ** i) * jnp.pi))
    return jnp.concatenate(results, axis=-1)


def hash_grid_query(pts, table, W):
    # pts: [P, 3] inside bbox
    xn = (pts - BBOX_MIN) / (BBOX_MAX - BBOX_MIN)
    feats = []
    for l in range(GRID_LEVELS):
        res = int(np.floor(COARSE * (B_GROWTH ** l)))
        pos = xn * res
        pos0 = jnp.floor(pos).astype(jnp.int32)
        frac = pos - pos0.astype(jnp.float32)
        acc = jnp.zeros((pts.shape[0], BANK_DIM), dtype=jnp.float32)
        for corner in range(8):
            off = np.array([(corner >> d) & 1 for d in range(3)], dtype=np.int32)
            c = (pos0 + off).astype(jnp.uint32)
            h = (c[:, 0] * PRIMES[0]) ^ (c[:, 1] * PRIMES[1]) ^ (c[:, 2] * PRIMES[2])
            idx = (h & jnp.uint32(TBL - 1)).astype(jnp.int32)
            f = table[l][idx]  # gather [P, BANK_DIM]
            w = jnp.prod(jnp.where(off.astype(bool), frac, 1.0 - frac), axis=-1, keepdims=True)
            acc = acc + w * f
        feats.append(acc)
    feat = jnp.concatenate(feats, axis=-1)  # [P, GRID_LEVELS*BANK_DIM]
    return feat @ W  # project to FEAT_DIM


def setup_inputs(seed: int = 0) -> dict:
    key = jax.random.key(seed)
    k1, k2, k3, k4 = jax.random.split(key, 4)
    N, S = 4096, 128
    x = jax.random.uniform(k1, (N, S, 3), dtype=jnp.float32)
    t = jax.random.uniform(k2, (N, 1), dtype=jnp.float32)
    mask = jnp.arange(3)  # -> bool [F, T, T], selects 2 spatial dims
    layerid = 0
    table = (jax.random.uniform(k3, (GRID_LEVELS, TBL, BANK_DIM), dtype=jnp.float32) - 0.5) * 2e-4
    W = jax.random.normal(k4, (GRID_LEVELS * BANK_DIM, FEAT_DIM), dtype=jnp.float32) * 0.1
    return {"x": x, "t": t, "mask": mask, "layerid": layerid, "table": table, "W": W}


def reference(x, t, mask, layerid, table, W):
    sel = mask[1:].astype(jnp.int32)
    xs = jnp.take(x, sel, axis=-1)  # [N, S, 2]
    tt = jnp.repeat(t[:, None], xs.shape[1], axis=1)  # [N, S, 1]
    x_t = jnp.concatenate([xs, tt], axis=-1)  # [N, S, 3]
    N, S = x_t.shape[0], x_t.shape[1]
    feat = hash_grid_query(x_t.reshape(-1, 3), table, W).reshape(N, S, -1)
    x_encode = positional_encoding(x_t, num_frequencies=6, incl_input=True)
    latent = jnp.concatenate([feat, x_encode], axis=-1)
    return latent

if __name__ == "__main__":
    import jax
    _d = setup_inputs()
    print(jax.jit(kernel)(*tuple(_d.values())))

</pallas_src>

<mosaic_0001>
#map = affine_map<(d0, d1) -> (0)>
module attributes {stable_mosaic.version = 14 : i64} {
  func.func @_sc_body(%arg0: i32, %arg1: i32, %arg2: memref<1572864xf32, #tpu.memory_space<hbm>>, %arg3: memref<1048576xi32, #tpu.memory_space<hbm>>, %arg4: memref<256xf32, #tpu.memory_space<hbm>>, %arg5: memref<2097152xi32, #tpu.memory_space<hbm>>, %arg6: memref<8192xf32, #tpu.memory_space<vmem>>, %arg7: memref<8192xf32, #tpu.memory_space<vmem>>, %arg8: memref<8192xf32, #tpu.memory_space<vmem>>, %arg9: memref<8192xi32, #tpu.memory_space<vmem>>, %arg10: memref<65536xi32, #tpu.memory_space<vmem>>, %arg11: memref<16xf32, #tpu.memory_space<vmem>>) attributes {dimension_semantics = [#tpu.dimension_semantics<core_parallel>, #tpu.dimension_semantics<subcore_parallel>], iteration_bounds = array<i64: 2, 16>, scalar_prefetch = 0 : i64, scratch_operands = 6 : i64, tpu.core_type = #tpu.core_type<sc_vector_subcore>, window_params = [{transform_indices = #map}, {transform_indices = #map}, {transform_indices = #map}, {transform_indices = #map}]} {
    %mul3A = arith.constant 2 : i32
    %mul3A_0 = arith.muli %arg1, %mul3A : i32
    %add3A = arith.addi %mul3A_0, %arg0 : i32
    %jit3A = arith.constant 16 : i32
    %eq3A = arith.constant 0 : i32
    %eq3A_1 = arith.cmpi eq, %jit3A, %eq3A : i32
    %jit3A_2 = arith.constant 1 : i32
    %select_n3A = arith.select %eq3A_1, %jit3A_2, %jit3A : i32
    %rem3A = arith.remsi %add3A, %select_n3A : i32
    %ne3A = arith.constant 0 : i32
    %ne3A_3 = arith.cmpi ne, %rem3A, %ne3A : i32
    %lt3A = arith.constant 0 : i32
    %lt3A_4 = arith.cmpi slt, %rem3A, %lt3A : i32
    %lt3A_5 = arith.constant 0 : i32
    %lt3A_6 = arith.cmpi slt, %select_n3A, %lt3A_5 : i32
    %ne3A_7 = arith.xori %lt3A_4, %lt3A_6 : i1
    %and3A = arith.andi %ne3A_7, %ne3A_3 : i1
    %add3A_8 = arith.addi %rem3A, %select_n3A : i32
    %select_n3A_9 = arith.select %and3A, %add3A_8, %rem3A : i32
    %jit3A_10 = arith.constant 16 : i32
    %div3A = arith.divsi %add3A, %jit3A_10 : i32
    %sign3A = arith.constant 0 : i32
    %sign3A_11 = arith.cmpi sgt, %add3A, %sign3A : i32
    %sign3A_12 = arith.extui %sign3A_11 : i1 to i32
    %sign3A_13 = arith.constant 0 : i32
    %sign3A_14 = arith.cmpi slt, %add3A, %sign3A_13 : i32
    %sign3A_15 = arith.extui %sign3A_14 : i1 to i32
    %sign3A_16 = arith.subi %sign3A_12, %sign3A_15 : i32
    %sign3A_17 = arith.constant 0 : i32
    %sign3A_18 = arith.cmpi sgt, %jit3A_10, %sign3A_17 : i32
    %sign3A_19 = arith.extui %sign3A_18 : i1 to i32
    %sign3A_20 = arith.constant 0 : i32
    %sign3A_21 = arith.cmpi slt, %jit3A_10, %sign3A_20 : i32
    %sign3A_22 = arith.extui %sign3A_21 : i1 to i32
    %sign3A_23 = arith.subi %sign3A_19, %sign3A_22 : i32
    %ne3A_24 = arith.cmpi ne, %sign3A_16, %sign3A_23 : i32
    %rem3A_25 = arith.remsi %add3A, %jit3A_10 : i32
    %ne3A_26 = arith.constant 0 : i32
    %ne3A_27 = arith.cmpi ne, %rem3A_25, %ne3A_26 : i32
    %and3A_28 = arith.andi %ne3A_24, %ne3A_27 : i1
    %sub3A = arith.constant 1 : i32
    %sub3A_29 = arith.subi %div3A, %sub3A : i32
    %select_n3A_30 = arith.select %and3A_28, %sub3A_29, %div3A : i32
    %mul3A_31 = arith.constant 65536 : i32
    %mul3A_32 = arith.muli %select_n3A_30, %mul3A_31 : i32
    %add3A_33 = arith.constant 0 : i32
    %add3A_34 = arith.addi %add3A_33, %mul3A_32 : i32
    %mul3A_35 = arith.constant 65536 : i32
    %mul3A_36 = arith.muli %select_n3A_9, %mul3A_35 : i32
    "tpu.region"() ({
      %run_scoped3A = tpu.sem_alloc : memref<!tpu.dma_semaphore, #tpu.memory_space<semaphore_mem>>
      %dma_start3A = tpu.memref_slice %arg3[%mul3A_36] : memref<1048576xi32, #tpu.memory_space<hbm>> -> memref<65536xi32, #tpu.memory_space<hbm>>
      %dma_start3A_46 = tpu.memref_slice %arg3[%mul3A_36] : memref<1048576xi32, #tpu.memory_space<hbm>> -> memref<65536xi32, #tpu.memory_space<hbm>>
      tpu.enqueue_dma source(%dma_start3A_46 : memref<65536xi32, #tpu.memory_space<hbm>>) target(%arg10 : memref<65536xi32, #tpu.memory_space<vmem>>) target_semaphore(%run_scoped3A : memref<!tpu.dma_semaphore, #tpu.memory_space<semaphore_mem>>)
      %dma_wait3A = tpu.memref_slice %arg3[%mul3A_36] : memref<1048576xi32, #tpu.memory_space<hbm>> -> memref<65536xi32, #tpu.memory_space<hbm>>
      %dma_wait3A_47 = tpu.memref_slice %arg3[%mul3A_36] : memref<1048576xi32, #tpu.memory_space<hbm>> -> memref<65536xi32, #tpu.memory_space<hbm>>
      tpu.wait_dma2 semaphore(%run_scoped3A : memref<!tpu.dma_semaphore, #tpu.memory_space<semaphore_mem>>) src(%dma_wait3A_47 : memref<65536xi32, #tpu.memory_space<hbm>>) dst(%arg10 : memref<65536xi32, #tpu.memory_space<vmem>>)
      tpu.yield
    }) : () -> ()
    %mul3A_37 = arith.constant 16 : i32
    %mul3A_38 = arith.muli %select_n3A_9, %mul3A_37 : i32
    "tpu.region"() ({
      %run_scoped3A = tpu.sem_alloc : memref<!tpu.dma_semaphore, #tpu.memory_space<semaphore_mem>>
      %dma_start3A = tpu.memref_slice %arg4[%mul3A_38] : memref<256xf32, #tpu.memory_space<hbm>> -> memref<16xf32, #tpu.memory_space<hbm>>
      %dma_start3A_46 = tpu.memref_slice %arg4[%mul3A_38] : memref<256xf32, #tpu.memory_space<hbm>> -> memref<16xf32, #tpu.memory_space<hbm>>
      tpu.enqueue_dma source(%dma_start3A_46 : memref<16xf32, #tpu.memory_space<hbm>>) target(%arg11 : memref<16xf32, #tpu.memory_space<vmem>>) target_semaphore(%run_scoped3A : memref<!tpu.dma_semaphore, #tpu.memory_space<semaphore_mem>>)
      %dma_wait3A = tpu.memref_slice %arg4[%mul3A_38] : memref<256xf32, #tpu.memory_space<hbm>> -> memref<16xf32, #tpu.memory_space<hbm>>
      %dma_wait3A_47 = tpu.memref_slice %arg4[%mul3A_38] : memref<256xf32, #tpu.memory_space<hbm>> -> memref<16xf32, #tpu.memory_space<hbm>>
      tpu.wait_dma2 semaphore(%run_scoped3A : memref<!tpu.dma_semaphore, #tpu.memory_space<semaphore_mem>>) src(%dma_wait3A_47 : memref<16xf32, #tpu.memory_space<hbm>>) dst(%arg11 : memref<16xf32, #tpu.memory_space<vmem>>)
      tpu.yield
    }) : () -> ()
    %get3A = arith.constant 0 : index
    %get3A_39 = tpu.vector_load %arg11[%get3A] {strides = array<i32>} : memref<16xf32, #tpu.memory_space<vmem>>, vector<16xf32>,
    %scan3A = arith.constant 0 : i32
    %scan3A_40 = arith.constant 0 : i32
    %scan3A_41 = arith.constant 8 : i32
    %scan3A_42 = arith.addi %scan3A_40, %scan3A_41 : i32
    %scan3A_43 = arith.constant 1 : i32
    %scan3A_44 = scf.for %scan3A_46 = %scan3A_40 to %scan3A_42 step %scan3A_43 iter_args(%scan3A_47 = %scan3A) -> (i32)  : i32 {
      %mul3A_48 = arith.constant 8192 : i32
      %mul3A_49 = arith.muli %scan3A_46, %mul3A_48 : i32
      %add3A_50 = arith.addi %add3A_34, %mul3A_49 : i32
      "tpu.region"() ({
        %run_scoped3A = tpu.sem_alloc : memref<!tpu.dma_semaphore, #tpu.memory_space<semaphore_mem>>
        %dma_start3A = tpu.memref_slice %arg2[%add3A_50] : memref<1572864xf32, #tpu.memory_space<hbm>> -> memref<8192xf32, #tpu.memory_space<hbm>>
        %dma_start3A_63 = tpu.memref_slice %arg2[%add3A_50] : memref<1572864xf32, #tpu.memory_space<hbm>> -> memref<8192xf32, #tpu.memory_space<hbm>>
        tpu.enqueue_dma source(%dma_start3A_63 : memref<8192xf32, #tpu.memory_space<hbm>>) target(%arg6 : memref<8192xf32, #tpu.memory_space<vmem>>) target_semaphore(%run_scoped3A : memref<!tpu.dma_semaphore, #tpu.memory_space<semaphore_mem>>)
        %dma_wait3A = tpu.memref_slice %arg2[%add3A_50] : memref<1572864xf32, #tpu.memory_space<hbm>> -> memref<8192xf32, #tpu.memory_space<hbm>>
        %dma_wait3A_64 = tpu.memref_slice %arg2[%add3A_50] : memref<1572864xf32, #tpu.memory_space<hbm>> -> memref<8192xf32, #tpu.memory_space<hbm>>
        tpu.wait_dma2 semaphore(%run_scoped3A : memref<!tpu.dma_semaphore, #tpu.memory_space<semaphore_mem>>) src(%dma_wait3A_64 : memref<8192xf32, #tpu.memory_space<hbm>>) dst(%arg6 : memref<8192xf32, #tpu.memory_space<vmem>>)
        tpu.yield
      }) : () -> ()
      %add3A_51 = arith.constant 524288 : i32
      %add3A_52 = arith.addi %add3A_51, %add3A_50 : i32
      "tpu.region"() ({
        %run_scoped3A = tpu.sem_alloc : memref<!tpu.dma_semaphore, #tpu.memory_space<semaphore_mem>>
        %dma_start3A = tpu.memref_slice %arg2[%add3A_52] : memref<1572864xf32, #tpu.memory_space<hbm>> -> memref<8192xf32, #tpu.memory_space<hbm>>
        %dma_start3A_63 = tpu.memref_slice %arg2[%add3A_52] : memref<1572864xf32, #tpu.memory_space<hbm>> -> memref<8192xf32, #tpu.memory_space<hbm>>
        tpu.enqueue_dma source(%dma_start3A_63 : memref<8192xf32, #tpu.memory_space<hbm>>) target(%arg7 : memref<8192xf32, #tpu.memory_space<vmem>>) target_semaphore(%run_scoped3A : memref<!tpu.dma_semaphore, #tpu.memory_space<semaphore_mem>>)
        %dma_wait3A = tpu.memref_slice %arg2[%add3A_52] : memref<1572864xf32, #tpu.memory_space<hbm>> -> memref<8192xf32, #tpu.memory_space<hbm>>
        %dma_wait3A_64 = tpu.memref_slice %arg2[%add3A_52] : memref<1572864xf32, #tpu.memory_space<hbm>> -> memref<8192xf32, #tpu.memory_space<hbm>>
        tpu.wait_dma2 semaphore(%run_scoped3A : memref<!tpu.dma_semaphore, #tpu.memory_space<semaphore_mem>>) src(%dma_wait3A_64 : memref<8192xf32, #tpu.memory_space<hbm>>) dst(%arg7 : memref<8192xf32, #tpu.memory_space<vmem>>)
        tpu.yield
      }) : () -> ()
      %add3A_53 = arith.constant 1048576 : i32
      %add3A_54 = arith.addi %add3A_53, %add3A_50 : i32
      "tpu.region"() ({
        %run_scoped3A = tpu.sem_alloc : memref<!tpu.dma_semaphore, #tpu.memory_space<semaphore_mem>>
        %dma_start3A = tpu.memref_slice %arg2[%add3A_54] : memref<1572864xf32, #tpu.memory_space<hbm>> -> memref<8192xf32, #tpu.memory_space<hbm>>
        %dma_start3A_63 = tpu.memref_slice %arg2[%add3A_54] : memref<1572864xf32, #tpu.memory_space<hbm>> -> memref<8192xf32, #tpu.memory_space<hbm>>
        tpu.enqueue_dma source(%dma_start3A_63 : memref<8192xf32, #tpu.memory_space<hbm>>) target(%arg8 : memref<8192xf32, #tpu.memory_space<vmem>>) target_semaphore(%run_scoped3A : memref<!tpu.dma_semaphore, #tpu.memory_space<semaphore_mem>>)
        %dma_wait3A = tpu.memref_slice %arg2[%add3A_54] : memref<1572864xf32, #tpu.memory_space<hbm>> -> memref<8192xf32, #tpu.memory_space<hbm>>
        %dma_wait3A_64 = tpu.memref_slice %arg2[%add3A_54] : memref<1572864xf32, #tpu.memory_space<hbm>> -> memref<8192xf32, #tpu.memory_space<hbm>>
        tpu.wait_dma2 semaphore(%run_scoped3A : memref<!tpu.dma_semaphore, #tpu.memory_space<semaphore_mem>>) src(%dma_wait3A_64 : memref<8192xf32, #tpu.memory_space<hbm>>) dst(%arg8 : memref<8192xf32, #tpu.memory_space<vmem>>)
        tpu.yield
      }) : () -> ()
      %parallel_loop3A = arith.constant 0 : i32
      %parallel_loop3A_55 = arith.constant 8192 : i32
      %parallel_loop3A_56 = arith.constant 16 : i32
      scf.for %parallel_loop3A_63 = %parallel_loop3A to %parallel_loop3A_55 step %parallel_loop3A_56  : i32 {
        %parallel_loop3A_64 = arith.index_cast %parallel_loop3A_63 : i32 to index
        %parallel_loop3A_65 = tpu.vector_load %arg6[%parallel_loop3A_64] {strides = array<i32>} : memref<8192xf32, #tpu.memory_space<vmem>>, vector<16xf32>,
        %parallel_loop3A_66 = arith.mulf %parallel_loop3A_65, %get3A_39 : vector<16xf32>
        %parallel_loop3A_67 = arith.index_cast %parallel_loop3A_63 : i32 to index
        %parallel_loop3A_68 = tpu.vector_load %arg7[%parallel_loop3A_67] {strides = array<i32>} : memref<8192xf32, #tpu.memory_space<vmem>>, vector<16xf32>,
        %parallel_loop3A_69 = arith.mulf %parallel_loop3A_68, %get3A_39 : vector<16xf32>
        %parallel_loop3A_70 = arith.index_cast %parallel_loop3A_63 : i32 to index
        %parallel_loop3A_71 = tpu.vector_load %arg8[%parallel_loop3A_70] {strides = array<i32>} : memref<8192xf32, #tpu.memory_space<vmem>>, vector<16xf32>,
        %parallel_loop3A_72 = arith.mulf %parallel_loop3A_71, %get3A_39 : vector<16xf32>
        %parallel_loop3A_73 = arith.fptosi %parallel_loop3A_66 : vector<16xf32> to vector<16xi32>
        %parallel_loop3A_74 = arith.fptosi %parallel_loop3A_69 : vector<16xf32> to vector<16xi32>
        %parallel_loop3A_75 = arith.fptosi %parallel_loop3A_72 : vector<16xf32> to vector<16xi32>
        %parallel_loop3A_76 = arith.sitofp %parallel_loop3A_73 : vector<16xi32> to vector<16xf32>
        %parallel_loop3A_77 = arith.subf %parallel_loop3A_66, %parallel_loop3A_76 : vector<16xf32>
        %parallel_loop3A_78 = arith.sitofp %parallel_loop3A_74 : vector<16xi32> to vector<16xf32>
        %parallel_loop3A_79 = arith.subf %parallel_loop3A_69, %parallel_loop3A_78 : vector<16xf32>
        %parallel_loop3A_80 = arith.sitofp %parallel_loop3A_75 : vector<16xi32> to vector<16xf32>
        %parallel_loop3A_81 = arith.subf %parallel_loop3A_72, %parallel_loop3A_80 : vector<16xf32>
        %parallel_loop3A_82 = arith.constant 65535 : i32
        %parallel_loop3A_83 = vector.broadcast %parallel_loop3A_82 : i32 to vector<16xi32>
        %parallel_loop3A_84 = arith.andi %parallel_loop3A_73, %parallel_loop3A_83 : vector<16xi32>
        %parallel_loop3A_85 = arith.constant 1 : i32
        %parallel_loop3A_86 = vector.broadcast %parallel_loop3A_85 : i32 to vector<16xi32>
        %parallel_loop3A_87 = arith.addi %parallel_loop3A_73, %parallel_loop3A_86 : vector<16xi32>
        %parallel_loop3A_88 = arith.constant 65535 : i32
        %parallel_loop3A_89 = vector.broadcast %parallel_loop3A_88 : i32 to vector<16xi32>
        %parallel_loop3A_90 = arith.andi %parallel_loop3A_87, %parallel_loop3A_89 : vector<16xi32>
        %parallel_loop3A_91 = arith.constant -1640531535 : i32
        %parallel_loop3A_92 = vector.broadcast %parallel_loop3A_91 : i32 to vector<16xi32>
        %parallel_loop3A_93 = arith.muli %parallel_loop3A_74, %parallel_loop3A_92 : vector<16xi32>
        %parallel_loop3A_94 = arith.constant 65535 : i32
        %parallel_loop3A_95 = vector.broadcast %parallel_loop3A_94 : i32 to vector<16xi32>
        %parallel_loop3A_96 = arith.andi %parallel_loop3A_93, %parallel_loop3A_95 : vector<16xi32>
        %parallel_loop3A_97 = arith.constant -1640531535 : i32
        %parallel_loop3A_98 = vector.broadcast %parallel_loop3A_97 : i32 to vector<16xi32>
        %parallel_loop3A_99 = arith.addi %parallel_loop3A_93, %parallel_loop3A_98 : vector<16xi32>
        %parallel_loop3A_100 = arith.constant 65535 : i32
        %parallel_loop3A_101 = vector.broadcast %parallel_loop3A_100 : i32 to vector<16xi32>
        %parallel_loop3A_102 = arith.andi %parallel_loop3A_99, %parallel_loop3A_101 : vector<16xi32>
        %parallel_loop3A_103 = arith.constant 805459861 : i32
        %parallel_loop3A_104 = vector.broadcast %parallel_loop3A_103 : i32 to vector<16xi32>
        %parallel_loop3A_105 = arith.muli %parallel_loop3A_75, %parallel_loop3A_104 : vector<16xi32>
        %parallel_loop3A_106 = arith.constant 65535 : i32
        %parallel_loop3A_107 = vector.broadcast %parallel_loop3A_106 : i32 to vector<16xi32>
        %parallel_loop3A_108 = arith.andi %parallel_loop3A_105, %parallel_loop3A_107 : vector<16xi32>
        %parallel_loop3A_109 = arith.constant 805459861 : i32
        %parallel_loop3A_110 = vector.broadcast %parallel_loop3A_109 : i32 to vector<16xi32>
        %parallel_loop3A_111 = arith.addi %parallel_loop3A_105, %parallel_loop3A_110 : vector<16xi32>
        %parallel_loop3A_112 = arith.constant 65535 : i32
        %parallel_loop3A_113 = vector.broadcast %parallel_loop3A_112 : i32 to vector<16xi32>
        %parallel_loop3A_114 = arith.andi %parallel_loop3A_111, %parallel_loop3A_113 : vector<16xi32>
        %parallel_loop3A_115 = arith.xori %parallel_loop3A_84, %parallel_loop3A_96 : vector<16xi32>
        %parallel_loop3A_116 = arith.xori %parallel_loop3A_90, %parallel_loop3A_96 : vector<16xi32>
        %parallel_loop3A_117 = arith.xori %parallel_loop3A_84, %parallel_loop3A_102 : vector<16xi32>
        %parallel_loop3A_118 = arith.xori %parallel_loop3A_90, %parallel_loop3A_102 : vector<16xi32>
        %parallel_loop3A_119 = arith.constant 1.000000e+00 : f32
        %parallel_loop3A_120 = vector.broadcast %parallel_loop3A_119 : f32 to vector<16xf32>
        %parallel_loop3A_121 = arith.subf %parallel_loop3A_120, %parallel_loop3A_77 : vector<16xf32>
        %parallel_loop3A_122 = arith.constant 1.000000e+00 : f32
        %parallel_loop3A_123 = vector.broadcast %parallel_loop3A_122 : f32 to vector<16xf32>
        %parallel_loop3A_124 = arith.subf %parallel_loop3A_123, %parallel_loop3A_79 : vector<16xf32>
        %parallel_loop3A_125 = arith.constant 1.000000e+00 : f32
        %parallel_loop3A_126 = vector.broadcast %parallel_loop3A_125 : f32 to vector<16xf32>
        %parallel_loop3A_127 = arith.subf %parallel_loop3A_126, %parallel_loop3A_81 : vector<16xf32>
        %parallel_loop3A_128 = arith.mulf %parallel_loop3A_121, %parallel_loop3A_124 : vector<16xf32>
        %parallel_loop3A_129 = arith.mulf %parallel_loop3A_77, %parallel_loop3A_124 : vector<16xf32>
        %parallel_loop3A_130 = arith.mulf %parallel_loop3A_121, %parallel_loop3A_79 : vector<16xf32>
        %parallel_loop3A_131 = arith.mulf %parallel_loop3A_77, %parallel_loop3A_79 : vector<16xf32>
        %parallel_loop3A_132 = arith.constant 0.000000e+00 : bf16
        %parallel_loop3A_133 = vector.broadcast %parallel_loop3A_132 : bf16 to vector<32xbf16>
        %parallel_loop3A_134 = arith.xori %parallel_loop3A_115, %parallel_loop3A_108 : vector<16xi32>
        %parallel_loop3A_135 = tpu.vector_load_idx %arg10[%parallel_loop3A_134] : memref<65536xi32, #tpu.memory_space<vmem>>[vector<16xi32>], vector<16xi32>,
        %parallel_loop3A_136 = vector.bitcast %parallel_loop3A_135 : vector<16xi32> to vector<32xbf16>
        %parallel_loop3A_137 = arith.mulf %parallel_loop3A_128, %parallel_loop3A_127 : vector<16xf32>
        %parallel_loop3A_138 = tpu.pack_subelements %parallel_loop3A_137, %parallel_loop3A_137 {pack_format = #tpu.pack_format<interleaved>, positions = array<i32: 0, 1>} : vector<16xf32>, vector<16xf32> -> vector<32xbf16>
        %parallel_loop3A_139 = arith.mulf %parallel_loop3A_138, %parallel_loop3A_136 : vector<32xbf16>
        %parallel_loop3A_140 = arith.addf %parallel_loop3A_133, %parallel_loop3A_139 : vector<32xbf16>
        %parallel_loop3A_141 = arith.xori %parallel_loop3A_115, %parallel_loop3A_114 : vector<16xi32>
        %parallel_loop3A_142 = tpu.vector_load_idx %arg10[%parallel_loop3A_141] : memref<65536xi32, #tpu.memory_space<vmem>>[vector<16xi32>], vector<16xi32>,
        %parallel_loop3A_143 = vector.bitcast %parallel_loop3A_142 : vector<16xi32> to vector<32xbf16>
        %parallel_loop3A_144 = arith.mulf %parallel_loop3A_128, %parallel_loop3A_81 : vector<16xf32>
        %parallel_loop3A_145 = tpu.pack_subelements %parallel_loop3A_144, %parallel_loop3A_144 {pack_format = #tpu.pack_format<interleaved>, positions = array<i32: 0, 1>} : vector<16xf32>, vector<16xf32> -> vector<32xbf16>
        %parallel_loop3A_146 = arith.mulf %parallel_loop3A_145, %parallel_loop3A_143 : vector<32xbf16>
        %parallel_loop3A_147 = arith.addf %parallel_loop3A_140, %parallel_loop3A_146 : vector<32xbf16>
        %parallel_loop3A_148 = arith.xori %parallel_loop3A_116, %parallel_loop3A_108 : vector<16xi32>
        %parallel_loop3A_149 = tpu.vector_load_idx %arg10[%parallel_loop3A_148] : memref<65536xi32, #tpu.memory_space<vmem>>[vector<16xi32>], vector<16xi32>,
        %parallel_loop3A_150 = vector.bitcast %parallel_loop3A_149 : vector<16xi32> to vector<32xbf16>
        %parallel_loop3A_151 = arith.mulf %parallel_loop3A_129, %parallel_loop3A_127 : vector<16xf32>
        %parallel_loop3A_152 = tpu.pack_subelements %parallel_loop3A_151, %parallel_loop3A_151 {pack_format = #tpu.pack_format<interleaved>, positions = array<i32: 0, 1>} : vector<16xf32>, vector<16xf32> -> vector<32xbf16>
        %parallel_loop3A_153 = arith.mulf %parallel_loop3A_152, %parallel_loop3A_150 : vector<32xbf16>
        %parallel_loop3A_154 = arith.addf %parallel_loop3A_147, %parallel_loop3A_153 : vector<32xbf16>
        %parallel_loop3A_155 = arith.xori %parallel_loop3A_116, %parallel_loop3A_114 : vector<16xi32>
        %parallel_loop3A_156 = tpu.vector_load_idx %arg10[%parallel_loop3A_155] : memref<65536xi32, #tpu.memory_space<vmem>>[vector<16xi32>], vector<16xi32>,
        %parallel_loop3A_157 = vector.bitcast %parallel_loop3A_156 : vector<16xi32> to vector<32xbf16>
        %parallel_loop3A_158 = arith.mulf %parallel_loop3A_129, %parallel_loop3A_81 : vector<16xf32>
        %parallel_loop3A_159 = tpu.pack_subelements %parallel_loop3A_158, %parallel_loop3A_158 {pack_format = #tpu.pack_format<interleaved>, positions = array<i32: 0, 1>} : vector<16xf32>, vector<16xf32> -> vector<32xbf16>
        %parallel_loop3A_160 = arith.mulf %parallel_loop3A_159, %parallel_loop3A_157 : vector<32xbf16>
        %parallel_loop3A_161 = arith.addf %parallel_loop3A_154, %parallel_loop3A_160 : vector<32xbf16>
        %parallel_loop3A_162 = arith.xori %parallel_loop3A_117, %parallel_loop3A_108 : vector<16xi32>
        %parallel_loop3A_163 = tpu.vector_load_idx %arg10[%parallel_loop3A_162] : memref<65536xi32, #tpu.memory_space<vmem>>[vector<16xi32>], vector<16xi32>,
        %parallel_loop3A_164 = vector.bitcast %parallel_loop3A_163 : vector<16xi32> to vector<32xbf16>
        %parallel_loop3A_165 = arith.mulf %parallel_loop3A_130, %parallel_loop3A_127 : vector<16xf32>
        %parallel_loop3A_166 = tpu.pack_subelements %parallel_loop3A_165, %parallel_loop3A_165 {pack_format = #tpu.pack_format<interleaved>, positions = array<i32: 0, 1>} : vector<16xf32>, vector<16xf32> -> vector<32xbf16>
        %parallel_loop3A_167 = arith.mulf %parallel_loop3A_166, %parallel_loop3A_164 : vector<32xbf16>
        %parallel_loop3A_168 = arith.addf %parallel_loop3A_161, %parallel_loop3A_167 : vector<32xbf16>
        %parallel_loop3A_169 = arith.xori %parallel_loop3A_117, %parallel_loop3A_114 : vector<16xi32>
        %parallel_loop3A_170 = tpu.vector_load_idx %arg10[%parallel_loop3A_169] : memref<65536xi32, #tpu.memory_space<vmem>>[vector<16xi32>], vector<16xi32>,
        %parallel_loop3A_171 = vector.bitcast %parallel_loop3A_170 : vector<16xi32> to vector<32xbf16>
        %parallel_loop3A_172 = arith.mulf %parallel_loop3A_130, %parallel_loop3A_81 : vector<16xf32>
        %parallel_loop3A_173 = tpu.pack_subelements %parallel_loop3A_172, %parallel_loop3A_172 {pack_format = #tpu.pack_format<interleaved>, positions = array<i32: 0, 1>} : vector<16xf32>, vector<16xf32> -> vector<32xbf16>
        %parallel_loop3A_174 = arith.mulf %parallel_loop3A_173, %parallel_loop3A_171 : vector<32xbf16>
        %parallel_loop3A_175 = arith.addf %parallel_loop3A_168, %parallel_loop3A_174 : vector<32xbf16>
        %parallel_loop3A_176 = arith.xori %parallel_loop3A_118, %parallel_loop3A_108 : vector<16xi32>
        %parallel_loop3A_177 = tpu.vector_load_idx %arg10[%parallel_loop3A_176] : memref<65536xi32, #tpu.memory_space<vmem>>[vector<16xi32>], vector<16xi32>,
        %parallel_loop3A_178 = vector.bitcast %parallel_loop3A_177 : vector<16xi32> to vector<32xbf16>
        %parallel_loop3A_179 = arith.mulf %parallel_loop3A_131, %parallel_loop3A_127 : vector<16xf32>
        %parallel_loop3A_180 = tpu.pack_subelements %parallel_loop3A_179, %parallel_loop3A_179 {pack_format = #tpu.pack_format<interleaved>, positions = array<i32: 0, 1>} : vector<16xf32>, vector<16xf32> -> vector<32xbf16>
        %parallel_loop3A_181 = arith.mulf %parallel_loop3A_180, %parallel_loop3A_178 : vector<32xbf16>
        %parallel_loop3A_182 = arith.addf %parallel_loop3A_175, %parallel_loop3A_181 : vector<32xbf16>
        %parallel_loop3A_183 = arith.xori %parallel_loop3A_118, %parallel_loop3A_114 : vector<16xi32>
        %parallel_loop3A_184 = tpu.vector_load_idx %arg10[%parallel_loop3A_183] : memref<65536xi32, #tpu.memory_space<vmem>>[vector<16xi32>], vector<16xi32>,
        %parallel_loop3A_185 = vector.bitcast %parallel_loop3A_184 : vector<16xi32> to vector<32xbf16>
        %parallel_loop3A_186 = arith.mulf %parallel_loop3A_131, %parallel_loop3A_81 : vector<16xf32>
        %parallel_loop3A_187 = tpu.pack_subelements %parallel_loop3A_186, %parallel_loop3A_186 {pack_format = #tpu.pack_format<interleaved>, positions = array<i32: 0, 1>} : vector<16xf32>, vector<16xf32> -> vector<32xbf16>
        %parallel_loop3A_188 = arith.mulf %parallel_loop3A_187, %parallel_loop3A_185 : vector<32xbf16>
        %parallel_loop3A_189 = arith.addf %parallel_loop3A_182, %parallel_loop3A_188 : vector<32xbf16>
        %parallel_loop3A_190 = vector.bitcast %parallel_loop3A_189 : vector<32xbf16> to vector<16xi32>
        %parallel_loop3A_191 = arith.index_cast %parallel_loop3A_63 : i32 to index
        %parallel_loop3A_192 = tpu.vector_load %arg9[%parallel_loop3A_191] {strides = array<i32>} : memref<8192xi32, #tpu.memory_space<vmem>>, vector<16xi32>,
        tpu.vector_store %arg9[%parallel_loop3A_191], %parallel_loop3A_190 {strides = array<i32>} : memref<8192xi32, #tpu.memory_space<vmem>>, vector<16xi32>,
      } {sc.loop_unroll_factor = 4 : i64, sc.parallel_access}
      %mul3A_57 = arith.constant 131072 : i32
      %mul3A_58 = arith.muli %select_n3A_9, %mul3A_57 : i32
      %sub3A_59 = arith.constant 0 : i32
      %sub3A_60 = arith.subi %add3A_50, %sub3A_59 : i32
      %add3A_61 = arith.addi %mul3A_58, %sub3A_60 : i32
      "tpu.region"() ({
        %run_scoped3A = tpu.sem_alloc : memref<!tpu.dma_semaphore, #tpu.memory_space<semaphore_mem>>
        %dma_start3A = tpu.memref_slice %arg5[%add3A_61] : memref<2097152xi32, #tpu.memory_space<hbm>> -> memref<8192xi32, #tpu.memory_space<hbm>>
        %dma_start3A_63 = tpu.memref_slice %arg5[%add3A_61] : memref<2097152xi32, #tpu.memory_space<hbm>> -> memref<8192xi32, #tpu.memory_space<hbm>>
        tpu.enqueue_dma source(%arg9 : memref<8192xi32, #tpu.memory_space<vmem>>) target(%dma_start3A_63 : memref<8192xi32, #tpu.memory_space<hbm>>) target_semaphore(%run_scoped3A : memref<!tpu.dma_semaphore, #tpu.memory_space<semaphore_mem>>)
        %dma_wait3A = tpu.memref_slice %arg5[%add3A_61] : memref<2097152xi32, #tpu.memory_space<hbm>> -> memref<8192xi32, #tpu.memory_space<hbm>>
        %dma_wait3A_64 = tpu.memref_slice %arg5[%add3A_61] : memref<2097152xi32, #tpu.memory_space<hbm>> -> memref<8192xi32, #tpu.memory_space<hbm>>
        tpu.wait_dma2 semaphore(%run_scoped3A : memref<!tpu.dma_semaphore, #tpu.memory_space<semaphore_mem>>) src(%arg9 : memref<8192xi32, #tpu.memory_space<vmem>>) dst(%dma_wait3A_64 : memref<8192xi32, #tpu.memory_space<hbm>>)
        tpu.yield
      }) : () -> ()
      %scan3A_62 = arith.constant 0 : i32
      scf.yield %scan3A_62 : i32
    }
    %scan3A_45 = arith.constant 8 : i32
    return
  }
}

#map = affine_map<(d0, d1) -> (0)>
module attributes {stable_mosaic.version = 14 : i64} {
  func.func @_sc_body(%arg0: i32, %arg1: i32, %arg2: memref<1572864xf32, #tpu.memory_space<hbm>>, %arg3: memref<1048576xi32, #tpu.memory_space<hbm>>, %arg4: memref<256xf32, #tpu.memory_space<hbm>>, %arg5: memref<2097152xi32, #tpu.memory_space<hbm>>, %arg6: memref<8192xf32, #tpu.memory_space<vmem>>, %arg7: memref<8192xf32, #tpu.memory_space<vmem>>, %arg8: memref<8192xf32, #tpu.memory_space<vmem>>, %arg9: memref<8192xi32, #tpu.memory_space<vmem>>, %arg10: memref<65536xi32, #tpu.memory_space<vmem>>, %arg11: memref<16xf32, #tpu.memory_space<vmem>>) attributes {dimension_semantics = [#tpu.dimension_semantics<core_parallel>, #tpu.dimension_semantics<subcore_parallel>], iteration_bounds = array<i64: 2, 16>, scalar_prefetch = 0 : i64, scratch_operands = 6 : i64, tpu.core_type = #tpu.core_type<sc_vector_subcore>, window_params = [{transform_indices = #map}, {transform_indices = #map}, {transform_indices = #map}, {transform_indices = #map}]} {
    %mul3A = arith.constant 2 : i32
    %mul3A_0 = arith.muli %arg1, %mul3A : i32
    %add3A = arith.addi %mul3A_0, %arg0 : i32
    %jit3A = arith.constant 16 : i32
    %eq3A = arith.constant 0 : i32
    %eq3A_1 = arith.cmpi eq, %jit3A, %eq3A : i32
    %jit3A_2 = arith.constant 1 : i32
    %select_n3A = arith.select %eq3A_1, %jit3A_2, %jit3A : i32
    %rem3A = arith.remsi %add3A, %select_n3A : i32
    %ne3A = arith.constant 0 : i32
    %ne3A_3 = arith.cmpi ne, %rem3A, %ne3A : i32
    %lt3A = arith.constant 0 : i32
    %lt3A_4 = arith.cmpi slt, %rem3A, %lt3A : i32
    %lt3A_5 = arith.constant 0 : i32
    %lt3A_6 = arith.cmpi slt, %select_n3A, %lt3A_5 : i32
    %ne3A_7 = arith.xori %lt3A_4, %lt3A_6 : i1
    %and3A = arith.andi %ne3A_7, %ne3A_3 : i1
    %add3A_8 = arith.addi %rem3A, %select_n3A : i32
    %select_n3A_9 = arith.select %and3A, %add3A_8, %rem3A : i32
    %jit3A_10 = arith.constant 16 : i32
    %div3A = arith.divsi %add3A, %jit3A_10 : i32
    %sign3A = arith.constant 0 : i32
    %sign3A_11 = arith.cmpi sgt, %add3A, %sign3A : i32
    %sign3A_12 = arith.extui %sign3A_11 : i1 to i32
    %sign3A_13 = arith.constant 0 : i32
    %sign3A_14 = arith.cmpi slt, %add3A, %sign3A_13 : i32
    %sign3A_15 = arith.extui %sign3A_14 : i1 to i32
    %sign3A_16 = arith.subi %sign3A_12, %sign3A_15 : i32
    %sign3A_17 = arith.constant 0 : i32
    %sign3A_18 = arith.cmpi sgt, %jit3A_10, %sign3A_17 : i32
    %sign3A_19 = arith.extui %sign3A_18 : i1 to i32
    %sign3A_20 = arith.constant 0 : i32
    %sign3A_21 = arith.cmpi slt, %jit3A_10, %sign3A_20 : i32
    %sign3A_22 = arith.extui %sign3A_21 : i1 to i32
    %sign3A_23 = arith.subi %sign3A_19, %sign3A_22 : i32
    %ne3A_24 = arith.cmpi ne, %sign3A_16, %sign3A_23 : i32
    %rem3A_25 = arith.remsi %add3A, %jit3A_10 : i32
    %ne3A_26 = arith.constant 0 : i32
    %ne3A_27 = arith.cmpi ne, %rem3A_25, %ne3A_26 : i32
    %and3A_28 = arith.andi %ne3A_24, %ne3A_27 : i1
    %sub3A = arith.constant 1 : i32
    %sub3A_29 = arith.subi %div3A, %sub3A : i32
    %select_n3A_30 = arith.select %and3A_28, %sub3A_29, %div3A : i32
    %mul3A_31 = arith.constant 65536 : i32
    %mul3A_32 = arith.muli %select_n3A_30, %mul3A_31 : i32
    %add3A_33 = arith.constant 131072 : i32
    %add3A_34 = arith.addi %add3A_33, %mul3A_32 : i32
    %mul3A_35 = arith.constant 65536 : i32
    %mul3A_36 = arith.muli %select_n3A_9, %mul3A_35 : i32
    "tpu.region"() ({
      %run_scoped3A = tpu.sem_alloc : memref<!tpu.dma_semaphore, #tpu.memory_space<semaphore_mem>>
      %dma_start3A = tpu.memref_slice %arg3[%mul3A_36] : memref<1048576xi32, #tpu.memory_space<hbm>> -> memref<65536xi32, #tpu.memory_space<hbm>>
      %dma_start3A_46 = tpu.memref_slice %arg3[%mul3A_36] : memref<1048576xi32, #tpu.memory_space<hbm>> -> memref<65536xi32, #tpu.memory_space<hbm>>
      tpu.enqueue_dma source(%dma_start3A_46 : memref<65536xi32, #tpu.memory_space<hbm>>) target(%arg10 : memref<65536xi32, #tpu.memory_space<vmem>>) target_semaphore(%run_scoped3A : memref<!tpu.dma_semaphore, #tpu.memory_space<semaphore_mem>>)
      %dma_wait3A = tpu.memref_slice %arg3[%mul3A_36] : memref<1048576xi32, #tpu.memory_space<hbm>> -> memref<65536xi32, #tpu.memory_space<hbm>>
      %dma_wait3A_47 = tpu.memref_slice %arg3[%mul3A_36] : memref<1048576xi32, #tpu.memory_space<hbm>> -> memref<65536xi32, #tpu.memory_space<hbm>>
      tpu.wait_dma2 semaphore(%run_scoped3A : memref<!tpu.dma_semaphore, #tpu.memory_space<semaphore_mem>>) src(%dma_wait3A_47 : memref<65536xi32, #tpu.memory_space<hbm>>) dst(%arg10 : memref<65536xi32, #tpu.memory_space<vmem>>)
      tpu.yield
    }) : () -> ()
    %mul3A_37 = arith.constant 16 : i32
    %mul3A_38 = arith.muli %select_n3A_9, %mul3A_37 : i32
    "tpu.region"() ({
      %run_scoped3A = tpu.sem_alloc : memref<!tpu.dma_semaphore, #tpu.memory_space<semaphore_mem>>
      %dma_start3A = tpu.memref_slice %arg4[%mul3A_38] : memref<256xf32, #tpu.memory_space<hbm>> -> memref<16xf32, #tpu.memory_space<hbm>>
      %dma_start3A_46 = tpu.memref_slice %arg4[%mul3A_38] : memref<256xf32, #tpu.memory_space<hbm>> -> memref<16xf32, #tpu.memory_space<hbm>>
      tpu.enqueue_dma source(%dma_start3A_46 : memref<16xf32, #tpu.memory_space<hbm>>) target(%arg11 : memref<16xf32, #tpu.memory_space<vmem>>) target_semaphore(%run_scoped3A : memref<!tpu.dma_semaphore, #tpu.memory_space<semaphore_mem>>)
      %dma_wait3A = tpu.memref_slice %arg4[%mul3A_38] : memref<256xf32, #tpu.memory_space<hbm>> -> memref<16xf32, #tpu.memory_space<hbm>>
      %dma_wait3A_47 = tpu.memref_slice %arg4[%mul3A_38] : memref<256xf32, #tpu.memory_space<hbm>> -> memref<16xf32, #tpu.memory_space<hbm>>
      tpu.wait_dma2 semaphore(%run_scoped3A : memref<!tpu.dma_semaphore, #tpu.memory_space<semaphore_mem>>) src(%dma_wait3A_47 : memref<16xf32, #tpu.memory_space<hbm>>) dst(%arg11 : memref<16xf32, #tpu.memory_space<vmem>>)
      tpu.yield
    }) : () -> ()
    %get3A = arith.constant 0 : index
    %get3A_39 = tpu.vector_load %arg11[%get3A] {strides = array<i32>} : memref<16xf32, #tpu.memory_space<vmem>>, vector<16xf32>,
    %scan3A = arith.constant 0 : i32
    %scan3A_40 = arith.constant 0 : i32
    %scan3A_41 = arith.constant 8 : i32
    %scan3A_42 = arith.addi %scan3A_40, %scan3A_41 : i32
    %scan3A_43 = arith.constant 1 : i32
    %scan3A_44 = scf.for %scan3A_46 = %scan3A_40 to %scan3A_42 step %scan3A_43 iter_args(%scan3A_47 = %scan3A) -> (i32)  : i32 {
      %mul3A_48 = arith.constant 8192 : i32
      %mul3A_49 = arith.muli %scan3A_46, %mul3A_48 : i32
      %add3A_50 = arith.addi %add3A_34, %mul3A_49 : i32
      "tpu.region"() ({
        %run_scoped3A = tpu.sem_alloc : memref<!tpu.dma_semaphore, #tpu.memory_space<semaphore_mem>>
        %dma_start3A = tpu.memref_slice %arg2[%add3A_50] : memref<1572864xf32, #tpu.memory_space<hbm>> -> memref<8192xf32, #tpu.memory_space<hbm>>
        %dma_start3A_63 = tpu.memref_slice %arg2[%add3A_50] : memref<1572864xf32, #tpu.memory_space<hbm>> -> memref<8192xf32, #tpu.memory_space<hbm>>
        tpu.enqueue_dma source(%dma_start3A_63 : memref<8192xf32, #tpu.memory_space<hbm>>) target(%arg6 : memref<8192xf32, #tpu.memory_space<vmem>>) target_semaphore(%run_scoped3A : memref<!tpu.dma_semaphore, #tpu.memory_space<semaphore_mem>>)
        %dma_wait3A = tpu.memref_slice %arg2[%add3A_50] : memref<1572864xf32, #tpu.memory_space<hbm>> -> memref<8192xf32, #tpu.memory_space<hbm>>
        %dma_wait3A_64 = tpu.memref_slice %arg2[%add3A_50] : memref<1572864xf32, #tpu.memory_space<hbm>> -> memref<8192xf32, #tpu.memory_space<hbm>>
        tpu.wait_dma2 semaphore(%run_scoped3A : memref<!tpu.dma_semaphore, #tpu.memory_space<semaphore_mem>>) src(%dma_wait3A_64 : memref<8192xf32, #tpu.memory_space<hbm>>) dst(%arg6 : memref<8192xf32, #tpu.memory_space<vmem>>)
        tpu.yield
      }) : () -> ()
      %add3A_51 = arith.constant 524288 : i32
      %add3A_52 = arith.addi %add3A_51, %add3A_50 : i32
      "tpu.region"() ({
        %run_scoped3A = tpu.sem_alloc : memref<!tpu.dma_semaphore, #tpu.memory_space<semaphore_mem>>
        %dma_start3A = tpu.memref_slice %arg2[%add3A_52] : memref<1572864xf32, #tpu.memory_space<hbm>> -> memref<8192xf32, #tpu.memory_space<hbm>>
        %dma_start3A_63 = tpu.memref_slice %arg2[%add3A_52] : memref<1572864xf32, #tpu.memory_space<hbm>> -> memref<8192xf32, #tpu.memory_space<hbm>>
        tpu.enqueue_dma source(%dma_start3A_63 : memref<8192xf32, #tpu.memory_space<hbm>>) target(%arg7 : memref<8192xf32, #tpu.memory_space<vmem>>) target_semaphore(%run_scoped3A : memref<!tpu.dma_semaphore, #tpu.memory_space<semaphore_mem>>)
        %dma_wait3A = tpu.memref_slice %arg2[%add3A_52] : memref<1572864xf32, #tpu.memory_space<hbm>> -> memref<8192xf32, #tpu.memory_space<hbm>>
        %dma_wait3A_64 = tpu.memref_slice %arg2[%add3A_52] : memref<1572864xf32, #tpu.memory_space<hbm>> -> memref<8192xf32, #tpu.memory_space<hbm>>
        tpu.wait_dma2 semaphore(%run_scoped3A : memref<!tpu.dma_semaphore, #tpu.memory_space<semaphore_mem>>) src(%dma_wait3A_64 : memref<8192xf32, #tpu.memory_space<hbm>>) dst(%arg7 : memref<8192xf32, #tpu.memory_space<vmem>>)
        tpu.yield
      }) : () -> ()
      %add3A_53 = arith.constant 1048576 : i32
      %add3A_54 = arith.addi %add3A_53, %add3A_50 : i32
      "tpu.region"() ({
        %run_scoped3A = tpu.sem_alloc : memref<!tpu.dma_semaphore, #tpu.memory_space<semaphore_mem>>
        %dma_start3A = tpu.memref_slice %arg2[%add3A_54] : memref<1572864xf32, #tpu.memory_space<hbm>> -> memref<8192xf32, #tpu.memory_space<hbm>>
        %dma_start3A_63 = tpu.memref_slice %arg2[%add3A_54] : memref<1572864xf32, #tpu.memory_space<hbm>> -> memref<8192xf32, #tpu.memory_space<hbm>>
        tpu.enqueue_dma source(%dma_start3A_63 : memref<8192xf32, #tpu.memory_space<hbm>>) target(%arg8 : memref<8192xf32, #tpu.memory_space<vmem>>) target_semaphore(%run_scoped3A : memref<!tpu.dma_semaphore, #tpu.memory_space<semaphore_mem>>)
        %dma_wait3A = tpu.memref_slice %arg2[%add3A_54] : memref<1572864xf32, #tpu.memory_space<hbm>> -> memref<8192xf32, #tpu.memory_space<hbm>>
        %dma_wait3A_64 = tpu.memref_slice %arg2[%add3A_54] : memref<1572864xf32, #tpu.memory_space<hbm>> -> memref<8192xf32, #tpu.memory_space<hbm>>
        tpu.wait_dma2 semaphore(%run_scoped3A : memref<!tpu.dma_semaphore, #tpu.memory_space<semaphore_mem>>) src(%dma_wait3A_64 : memref<8192xf32, #tpu.memory_space<hbm>>) dst(%arg8 : memref<8192xf32, #tpu.memory_space<vmem>>)
        tpu.yield
      }) : () -> ()
      %parallel_loop3A = arith.constant 0 : i32
      %parallel_loop3A_55 = arith.constant 8192 : i32
      %parallel_loop3A_56 = arith.constant 16 : i32
      scf.for %parallel_loop3A_63 = %parallel_loop3A to %parallel_loop3A_55 step %parallel_loop3A_56  : i32 {
        %parallel_loop3A_64 = arith.index_cast %parallel_loop3A_63 : i32 to index
        %parallel_loop3A_65 = tpu.vector_load %arg6[%parallel_loop3A_64] {strides = array<i32>} : memref<8192xf32, #tpu.memory_space<vmem>>, vector<16xf32>,
        %parallel_loop3A_66 = arith.mulf %parallel_loop3A_65, %get3A_39 : vector<16xf32>
        %parallel_loop3A_67 = arith.index_cast %parallel_loop3A_63 : i32 to index
        %parallel_loop3A_68 = tpu.vector_load %arg7[%parallel_loop3A_67] {strides = array<i32>} : memref<8192xf32, #tpu.memory_space<vmem>>, vector<16xf32>,
        %parallel_loop3A_69 = arith.mulf %parallel_loop3A_68, %get3A_39 : vector<16xf32>
        %parallel_loop3A_70 = arith.index_cast %parallel_loop3A_63 : i32 to index
        %parallel_loop3A_71 = tpu.vector_load %arg8[%parallel_loop3A_70] {strides = array<i32>} : memref<8192xf32, #tpu.memory_space<vmem>>, vector<16xf32>,
        %parallel_loop3A_72 = arith.mulf %parallel_loop3A_71, %get3A_39 : vector<16xf32>
        %parallel_loop3A_73 = arith.fptosi %parallel_loop3A_66 : vector<16xf32> to vector<16xi32>
        %parallel_loop3A_74 = arith.fptosi %parallel_loop3A_69 : vector<16xf32> to vector<16xi32>
        %parallel_loop3A_75 = arith.fptosi %parallel_loop3A_72 : vector<16xf32> to vector<16xi32>
        %parallel_loop3A_76 = arith.sitofp %parallel_loop3A_73 : vector<16xi32> to vector<16xf32>
        %parallel_loop3A_77 = arith.subf %parallel_loop3A_66, %parallel_loop3A_76 : vector<16xf32>
        %parallel_loop3A_78 = arith.sitofp %parallel_loop3A_74 : vector<16xi32> to vector<16xf32>
        %parallel_loop3A_79 = arith.subf %parallel_loop3A_69, %parallel_loop3A_78 : vector<16xf32>
        %parallel_loop3A_80 = arith.sitofp %parallel_loop3A_75 : vector<16xi32> to vector<16xf32>
        %parallel_loop3A_81 = arith.subf %parallel_loop3A_72, %parallel_loop3A_80 : vector<16xf32>
        %parallel_loop3A_82 = arith.constant 65535 : i32
        %parallel_loop3A_83 = vector.broadcast %parallel_loop3A_82 : i32 to vector<16xi32>
        %parallel_loop3A_84 = arith.andi %parallel_loop3A_73, %parallel_loop3A_83 : vector<16xi32>
        %parallel_loop3A_85 = arith.constant 1 : i32
        %parallel_loop3A_86 = vector.broadcast %parallel_loop3A_85 : i32 to vector<16xi32>
        %parallel_loop3A_87 = arith.addi %parallel_loop3A_73, %parallel_loop3A_86 : vector<16xi32>
        %parallel_loop3A_88 = arith.constant 65535 : i32
        %parallel_loop3A_89 = vector.broadcast %parallel_loop3A_88 : i32 to vector<16xi32>
        %parallel_loop3A_90 = arith.andi %parallel_loop3A_87, %parallel_loop3A_89 : vector<16xi32>
        %parallel_loop3A_91 = arith.constant -1640531535 : i32
        %parallel_loop3A_92 = vector.broadcast %parallel_loop3A_91 : i32 to vector<16xi32>
        %parallel_loop3A_93 = arith.muli %parallel_loop3A_74, %parallel_loop3A_92 : vector<16xi32>
        %parallel_loop3A_94 = arith.constant 65535 : i32
        %parallel_loop3A_95 = vector.broadcast %parallel_loop3A_94 : i32 to vector<16xi32>
        %parallel_loop3A_96 = arith.andi %parallel_loop3A_93, %parallel_loop3A_95 : vector<16xi32>
        %parallel_loop3A_97 = arith.constant -1640531535 : i32
        %parallel_loop3A_98 = vector.broadcast %parallel_loop3A_97 : i32 to vector<16xi32>
        %parallel_loop3A_99 = arith.addi %parallel_loop3A_93, %parallel_loop3A_98 : vector<16xi32>
        %parallel_loop3A_100 = arith.constant 65535 : i32
        %parallel_loop3A_101 = vector.broadcast %parallel_loop3A_100 : i32 to vector<16xi32>
        %parallel_loop3A_102 = arith.andi %parallel_loop3A_99, %parallel_loop3A_101 : vector<16xi32>
        %parallel_loop3A_103 = arith.constant 805459861 : i32
        %parallel_loop3A_104 = vector.broadcast %parallel_loop3A_103 : i32 to vector<16xi32>
        %parallel_loop3A_105 = arith.muli %parallel_loop3A_75, %parallel_loop3A_104 : vector<16xi32>
        %parallel_loop3A_106 = arith.constant 65535 : i32
        %parallel_loop3A_107 = vector.broadcast %parallel_loop3A_106 : i32 to vector<16xi32>
        %parallel_loop3A_108 = arith.andi %parallel_loop3A_105, %parallel_loop3A_107 : vector<16xi32>
        %parallel_loop3A_109 = arith.constant 805459861 : i32
        %parallel_loop3A_110 = vector.broadcast %parallel_loop3A_109 : i32 to vector<16xi32>
        %parallel_loop3A_111 = arith.addi %parallel_loop3A_105, %parallel_loop3A_110 : vector<16xi32>
        %parallel_loop3A_112 = arith.constant 65535 : i32
        %parallel_loop3A_113 = vector.broadcast %parallel_loop3A_112 : i32 to vector<16xi32>
        %parallel_loop3A_114 = arith.andi %parallel_loop3A_111, %parallel_loop3A_113 : vector<16xi32>
        %parallel_loop3A_115 = arith.xori %parallel_loop3A_84, %parallel_loop3A_96 : vector<16xi32>
        %parallel_loop3A_116 = arith.xori %parallel_loop3A_90, %parallel_loop3A_96 : vector<16xi32>
        %parallel_loop3A_117 = arith.xori %parallel_loop3A_84, %parallel_loop3A_102 : vector<16xi32>
        %parallel_loop3A_118 = arith.xori %parallel_loop3A_90, %parallel_loop3A_102 : vector<16xi32>
        %parallel_loop3A_119 = arith.constant 1.000000e+00 : f32
        %parallel_loop3A_120 = vector.broadcast %parallel_loop3A_119 : f32 to vector<16xf32>
        %parallel_loop3A_121 = arith.subf %parallel_loop3A_120, %parallel_loop3A_77 : vector<16xf32>
        %parallel_loop3A_122 = arith.constant 1.000000e+00 : f32
        %parallel_loop3A_123 = vector.broadcast %parallel_loop3A_122 : f32 to vector<16xf32>
        %parallel_loop3A_124 = arith.subf %parallel_loop3A_123, %parallel_loop3A_79 : vector<16xf32>
        %parallel_loop3A_125 = arith.constant 1.000000e+00 : f32
        %parallel_loop3A_126 = vector.broadcast %parallel_loop3A_125 : f32 to vector<16xf32>
        %parallel_loop3A_127 = arith.subf %parallel_loop3A_126, %parallel_loop3A_81 : vector<16xf32>
        %parallel_loop3A_128 = arith.mulf %parallel_loop3A_121, %parallel_loop3A_124 : vector<16xf32>
        %parallel_loop3A_129 = arith.mulf %parallel_loop3A_77, %parallel_loop3A_124 : vector<16xf32>
        %parallel_loop3A_130 = arith.mulf %parallel_loop3A_121, %parallel_loop3A_79 : vector<16xf32>
        %parallel_loop3A_131 = arith.mulf %parallel_loop3A_77, %parallel_loop3A_79 : vector<16xf32>
        %parallel_loop3A_132 = arith.constant 0.000000e+00 : bf16
        %parallel_loop3A_133 = vector.broadcast %parallel_loop3A_132 : bf16 to vector<32xbf16>
        %parallel_loop3A_134 = arith.xori %parallel_loop3A_115, %parallel_loop3A_108 : vector<16xi32>
        %parallel_loop3A_135 = tpu.vector_load_idx %arg10[%parallel_loop3A_134] : memref<65536xi32, #tpu.memory_space<vmem>>[vector<16xi32>], vector<16xi32>,
        %parallel_loop3A_136 = vector.bitcast %parallel_loop3A_135 : vector<16xi32> to vector<32xbf16>
        %parallel_loop3A_137 = arith.mulf %parallel_loop3A_128, %parallel_loop3A_127 : vector<16xf32>
        %parallel_loop3A_138 = tpu.pack_subelements %parallel_loop3A_137, %parallel_loop3A_137 {pack_format = #tpu.pack_format<interleaved>, positions = array<i32: 0, 1>} : vector<16xf32>, vector<16xf32> -> vector<32xbf16>
        %parallel_loop3A_139 = arith.mulf %parallel_loop3A_138, %parallel_loop3A_136 : vector<32xbf16>
        %parallel_loop3A_140 = arith.addf %parallel_loop3A_133, %parallel_loop3A_139 : vector<32xbf16>
        %parallel_loop3A_141 = arith.xori %parallel_loop3A_115, %parallel_loop3A_114 : vector<16xi32>
        %parallel_loop3A_142 = tpu.vector_load_idx %arg10[%parallel_loop3A_141] : memref<65536xi32, #tpu.memory_space<vmem>>[vector<16xi32>], vector<16xi32>,
        %parallel_loop3A_143 = vector.bitcast %parallel_loop3A_142 : vector<16xi32> to vector<32xbf16>
        %parallel_loop3A_144 = arith.mulf %parallel_loop3A_128, %parallel_loop3A_81 : vector<16xf32>
        %parallel_loop3A_145 = tpu.pack_subelements %parallel_loop3A_144, %parallel_loop3A_144 {pack_format = #tpu.pack_format<interleaved>, positions = array<i32: 0, 1>} : vector<16xf32>, vector<16xf32> -> vector<32xbf16>
        %parallel_loop3A_146 = arith.mulf %parallel_loop3A_145, %parallel_loop3A_143 : vector<32xbf16>
        %parallel_loop3A_147 = arith.addf %parallel_loop3A_140, %parallel_loop3A_146 : vector<32xbf16>
        %parallel_loop3A_148 = arith.xori %parallel_loop3A_116, %parallel_loop3A_108 : vector<16xi32>
        %parallel_loop3A_149 = tpu.vector_load_idx %arg10[%parallel_loop3A_148] : memref<65536xi32, #tpu.memory_space<vmem>>[vector<16xi32>], vector<16xi32>,
        %parallel_loop3A_150 = vector.bitcast %parallel_loop3A_149 : vector<16xi32> to vector<32xbf16>
        %parallel_loop3A_151 = arith.mulf %parallel_loop3A_129, %parallel_loop3A_127 : vector<16xf32>
        %parallel_loop3A_152 = tpu.pack_subelements %parallel_loop3A_151, %parallel_loop3A_151 {pack_format = #tpu.pack_format<interleaved>, positions = array<i32: 0, 1>} : vector<16xf32>, vector<16xf32> -> vector<32xbf16>
        %parallel_loop3A_153 = arith.mulf %parallel_loop3A_152, %parallel_loop3A_150 : vector<32xbf16>
        %parallel_loop3A_154 = arith.addf %parallel_loop3A_147, %parallel_loop3A_153 : vector<32xbf16>
        %parallel_loop3A_155 = arith.xori %parallel_loop3A_116, %parallel_loop3A_114 : vector<16xi32>
        %parallel_loop3A_156 = tpu.vector_load_idx %arg10[%parallel_loop3A_155] : memref<65536xi32, #tpu.memory_space<vmem>>[vector<16xi32>], vector<16xi32>,
        %parallel_loop3A_157 = vector.bitcast %parallel_loop3A_156 : vector<16xi32> to vector<32xbf16>
        %parallel_loop3A_158 = arith.mulf %parallel_loop3A_129, %parallel_loop3A_81 : vector<16xf32>
        %parallel_loop3A_159 = tpu.pack_subelements %parallel_loop3A_158, %parallel_loop3A_158 {pack_format = #tpu.pack_format<interleaved>, positions = array<i32: 0, 1>} : vector<16xf32>, vector<16xf32> -> vector<32xbf16>
        %parallel_loop3A_160 = arith.mulf %parallel_loop3A_159, %parallel_loop3A_157 : vector<32xbf16>
        %parallel_loop3A_161 = arith.addf %parallel_loop3A_154, %parallel_loop3A_160 : vector<32xbf16>
        %parallel_loop3A_162 = arith.xori %parallel_loop3A_117, %parallel_loop3A_108 : vector<16xi32>
        %parallel_loop3A_163 = tpu.vector_load_idx %arg10[%parallel_loop3A_162] : memref<65536xi32, #tpu.memory_space<vmem>>[vector<16xi32>], vector<16xi32>,
        %parallel_loop3A_164 = vector.bitcast %parallel_loop3A_163 : vector<16xi32> to vector<32xbf16>
        %parallel_loop3A_165 = arith.mulf %parallel_loop3A_130, %parallel_loop3A_127 : vector<16xf32>
        %parallel_loop3A_166 = tpu.pack_subelements %parallel_loop3A_165, %parallel_loop3A_165 {pack_format = #tpu.pack_format<interleaved>, positions = array<i32: 0, 1>} : vector<16xf32>, vector<16xf32> -> vector<32xbf16>
        %parallel_loop3A_167 = arith.mulf %parallel_loop3A_166, %parallel_loop3A_164 : vector<32xbf16>
        %parallel_loop3A_168 = arith.addf %parallel_loop3A_161, %parallel_loop3A_167 : vector<32xbf16>
        %parallel_loop3A_169 = arith.xori %parallel_loop3A_117, %parallel_loop3A_114 : vector<16xi32>
        %parallel_loop3A_170 = tpu.vector_load_idx %arg10[%parallel_loop3A_169] : memref<65536xi32, #tpu.memory_space<vmem>>[vector<16xi32>], vector<16xi32>,
        %parallel_loop3A_171 = vector.bitcast %parallel_loop3A_170 : vector<16xi32> to vector<32xbf16>
        %parallel_loop3A_172 = arith.mulf %parallel_loop3A_130, %parallel_loop3A_81 : vector<16xf32>
        %parallel_loop3A_173 = tpu.pack_subelements %parallel_loop3A_172, %parallel_loop3A_172 {pack_format = #tpu.pack_format<interleaved>, positions = array<i32: 0, 1>} : vector<16xf32>, vector<16xf32> -> vector<32xbf16>
        %parallel_loop3A_174 = arith.mulf %parallel_loop3A_173, %parallel_loop3A_171 : vector<32xbf16>
        %parallel_loop3A_175 = arith.addf %parallel_loop3A_168, %parallel_loop3A_174 : vector<32xbf16>
        %parallel_loop3A_176 = arith.xori %parallel_loop3A_118, %parallel_loop3A_108 : vector<16xi32>
        %parallel_loop3A_177 = tpu.vector_load_idx %arg10[%parallel_loop3A_176] : memref<65536xi32, #tpu.memory_space<vmem>>[vector<16xi32>], vector<16xi32>,
        %parallel_loop3A_178 = vector.bitcast %parallel_loop3A_177 : vector<16xi32> to vector<32xbf16>
        %parallel_loop3A_179 = arith.mulf %parallel_loop3A_131, %parallel_loop3A_127 : vector<16xf32>
        %parallel_loop3A_180 = tpu.pack_subelements %parallel_loop3A_179, %parallel_loop3A_179 {pack_format = #tpu.pack_format<interleaved>, positions = array<i32: 0, 1>} : vector<16xf32>, vector<16xf32> -> vector<32xbf16>
        %parallel_loop3A_181 = arith.mulf %parallel_loop3A_180, %parallel_loop3A_178 : vector<32xbf16>
        %parallel_loop3A_182 = arith.addf %parallel_loop3A_175, %parallel_loop3A_181 : vector<32xbf16>
        %parallel_loop3A_183 = arith.xori %parallel_loop3A_118, %parallel_loop3A_114 : vector<16xi32>
        %parallel_loop3A_184 = tpu.vector_load_idx %arg10[%parallel_loop3A_183] : memref<65536xi32, #tpu.memory_space<vmem>>[vector<16xi32>], vector<16xi32>,
        %parallel_loop3A_185 = vector.bitcast %parallel_loop3A_184 : vector<16xi32> to vector<32xbf16>
        %parallel_loop3A_186 = arith.mulf %parallel_loop3A_131, %parallel_loop3A_81 : vector<16xf32>
        %parallel_loop3A_187 = tpu.pack_subelements %parallel_loop3A_186, %parallel_loop3A_186 {pack_format = #tpu.pack_format<interleaved>, positions = array<i32: 0, 1>} : vector<16xf32>, vector<16xf32> -> vector<32xbf16>
        %parallel_loop3A_188 = arith.mulf %parallel_loop3A_187, %parallel_loop3A_185 : vector<32xbf16>
        %parallel_loop3A_189 = arith.addf %parallel_loop3A_182, %parallel_loop3A_188 : vector<32xbf16>
        %parallel_loop3A_190 = vector.bitcast %parallel_loop3A_189 : vector<32xbf16> to vector<16xi32>
        %parallel_loop3A_191 = arith.index_cast %parallel_loop3A_63 : i32 to index
        %parallel_loop3A_192 = tpu.vector_load %arg9[%parallel_loop3A_191] {strides = array<i32>} : memref<8192xi32, #tpu.memory_space<vmem>>, vector<16xi32>,
        tpu.vector_store %arg9[%parallel_loop3A_191], %parallel_loop3A_190 {strides = array<i32>} : memref<8192xi32, #tpu.memory_space<vmem>>, vector<16xi32>,
      } {sc.loop_unroll_factor = 4 : i64, sc.parallel_access}
      %mul3A_57 = arith.constant 131072 : i32
      %mul3A_58 = arith.muli %select_n3A_9, %mul3A_57 : i32
      %sub3A_59 = arith.constant 131072 : i32
      %sub3A_60 = arith.subi %add3A_50, %sub3A_59 : i32
      %add3A_61 = arith.addi %mul3A_58, %sub3A_60 : i32
      "tpu.region"() ({
        %run_scoped3A = tpu.sem_alloc : memref<!tpu.dma_semaphore, #tpu.memory_space<semaphore_mem>>
        %dma_start3A = tpu.memref_slice %arg5[%add3A_61] : memref<2097152xi32, #tpu.memory_space<hbm>> -> memref<8192xi32, #tpu.memory_space<hbm>>
        %dma_start3A_63 = tpu.memref_slice %arg5[%add3A_61] : memref<2097152xi32, #tpu.memory_space<hbm>> -> memref<8192xi32, #tpu.memory_space<hbm>>
        tpu.enqueue_dma source(%arg9 : memref<8192xi32, #tpu.memory_space<vmem>>) target(%dma_start3A_63 : memref<8192xi32, #tpu.memory_space<hbm>>) target_semaphore(%run_scoped3A : memref<!tpu.dma_semaphore, #tpu.memory_space<semaphore_mem>>)
        %dma_wait3A = tpu.memref_slice %arg5[%add3A_61] : memref<2097152xi32, #tpu.memory_space<hbm>> -> memref<8192xi32, #tpu.memory_space<hbm>>
        %dma_wait3A_64 = tpu.memref_slice %arg5[%add3A_61] : memref<2097152xi32, #tpu.memory_space<hbm>> -> memref<8192xi32, #tpu.memory_space<hbm>>
        tpu.wait_dma2 semaphore(%run_scoped3A : memref<!tpu.dma_semaphore, #tpu.memory_space<semaphore_mem>>) src(%arg9 : memref<8192xi32, #tpu.memory_space<vmem>>) dst(%dma_wait3A_64 : memref<8192xi32, #tpu.memory_space<hbm>>)
        tpu.yield
      }) : () -> ()
      %scan3A_62 = arith.constant 0 : i32
      scf.yield %scan3A_62 : i32
    }
    %scan3A_45 = arith.constant 8 : i32
    return
  }
}

#map = affine_map<(d0, d1) -> (0)>
module attributes {stable_mosaic.version = 14 : i64} {
  func.func @_sc_body(%arg0: i32, %arg1: i32, %arg2: memref<1572864xf32, #tpu.memory_space<hbm>>, %arg3: memref<1048576xi32, #tpu.memory_space<hbm>>, %arg4: memref<256xf32, #tpu.memory_space<hbm>>, %arg5: memref<2097152xi32, #tpu.memory_space<hbm>>, %arg6: memref<8192xf32, #tpu.memory_space<vmem>>, %arg7: memref<8192xf32, #tpu.memory_space<vmem>>, %arg8: memref<8192xf32, #tpu.memory_space<vmem>>, %arg9: memref<8192xi32, #tpu.memory_space<vmem>>, %arg10: memref<65536xi32, #tpu.memory_space<vmem>>, %arg11: memref<16xf32, #tpu.memory_space<vmem>>) attributes {dimension_semantics = [#tpu.dimension_semantics<core_parallel>, #tpu.dimension_semantics<subcore_parallel>], iteration_bounds = array<i64: 2, 16>, scalar_prefetch = 0 : i64, scratch_operands = 6 : i64, tpu.core_type = #tpu.core_type<sc_vector_subcore>, window_params = [{transform_indices = #map}, {transform_indices = #map}, {transform_indices = #map}, {transform_indices = #map}]} {
    %mul3A = arith.constant 2 : i32
    %mul3A_0 = arith.muli %arg1, %mul3A : i32
    %add3A = arith.addi %mul3A_0, %arg0 : i32
    %jit3A = arith.constant 16 : i32
    %eq3A = arith.constant 0 : i32
    %eq3A_1 = arith.cmpi eq, %jit3A, %eq3A : i32
    %jit3A_2 = arith.constant 1 : i32
    %select_n3A = arith.select %eq3A_1, %jit3A_2, %jit3A : i32
    %rem3A = arith.remsi %add3A, %select_n3A : i32
    %ne3A = arith.constant 0 : i32
    %ne3A_3 = arith.cmpi ne, %rem3A, %ne3A : i32
    %lt3A = arith.constant 0 : i32
    %lt3A_4 = arith.cmpi slt, %rem3A, %lt3A : i32
    %lt3A_5 = arith.constant 0 : i32
    %lt3A_6 = arith.cmpi slt, %select_n3A, %lt3A_5 : i32
    %ne3A_7 = arith.xori %lt3A_4, %lt3A_6 : i1
    %and3A = arith.andi %ne3A_7, %ne3A_3 : i1
    %add3A_8 = arith.addi %rem3A, %select_n3A : i32
    %select_n3A_9 = arith.select %and3A, %add3A_8, %rem3A : i32
    %jit3A_10 = arith.constant 16 : i32
    %div3A = arith.divsi %add3A, %jit3A_10 : i32
    %sign3A = arith.constant 0 : i32
    %sign3A_11 = arith.cmpi sgt, %add3A, %sign3A : i32
    %sign3A_12 = arith.extui %sign3A_11 : i1 to i32
    %sign3A_13 = arith.constant 0 : i32
    %sign3A_14 = arith.cmpi slt, %add3A, %sign3A_13 : i32
    %sign3A_15 = arith.extui %sign3A_14 : i1 to i32
    %sign3A_16 = arith.subi %sign3A_12, %sign3A_15 : i32
    %sign3A_17 = arith.constant 0 : i32
    %sign3A_18 = arith.cmpi sgt, %jit3A_10, %sign3A_17 : i32
    %sign3A_19 = arith.extui %sign3A_18 : i1 to i32
    %sign3A_20 = arith.constant 0 : i32
    %sign3A_21 = arith.cmpi slt, %jit3A_10, %sign3A_20 : i32
    %sign3A_22 = arith.extui %sign3A_21 : i1 to i32
    %sign3A_23 = arith.subi %sign3A_19, %sign3A_22 : i32
    %ne3A_24 = arith.cmpi ne, %sign3A_16, %sign3A_23 : i32
    %rem3A_25 = arith.remsi %add3A, %jit3A_10 : i32
    %ne3A_26 = arith.constant 0 : i32
    %ne3A_27 = arith.cmpi ne, %rem3A_25, %ne3A_26 : i32
    %and3A_28 = arith.andi %ne3A_24, %ne3A_27 : i1
    %sub3A = arith.constant 1 : i32
    %sub3A_29 = arith.subi %div3A, %sub3A : i32
    %select_n3A_30 = arith.select %and3A_28, %sub3A_29, %div3A : i32
    %mul3A_31 = arith.constant 65536 : i32
    %mul3A_32 = arith.muli %select_n3A_30, %mul3A_31 : i32
    %add3A_33 = arith.constant 393216 : i32
    %add3A_34 = arith.addi %add3A_33, %mul3A_32 : i32
    %mul3A_35 = arith.constant 65536 : i32
    %mul3A_36 = arith.muli %select_n3A_9, %mul3A_35 : i32
    "tpu.region"() ({
      %run_scoped3A = tpu.sem_alloc : memref<!tpu.dma_semaphore, #tpu.memory_space<semaphore_mem>>
      %dma_start3A = tpu.memref_slice %arg3[%mul3A_36] : memref<1048576xi32, #tpu.memory_space<hbm>> -> memref<65536xi32, #tpu.memory_space<hbm>>
      %dma_start3A_46 = tpu.memref_slice %arg3[%mul3A_36] : memref<1048576xi32, #tpu.memory_space<hbm>> -> memref<65536xi32, #tpu.memory_space<hbm>>
      tpu.enqueue_dma source(%dma_start3A_46 : memref<65536xi32, #tpu.memory_space<hbm>>) target(%arg10 : memref<65536xi32, #tpu.memory_space<vmem>>) target_semaphore(%run_scoped3A : memref<!tpu.dma_semaphore, #tpu.memory_space<semaphore_mem>>)
      %dma_wait3A = tpu.memref_slice %arg3[%mul3A_36] : memref<1048576xi32, #tpu.memory_space<hbm>> -> memref<65536xi32, #tpu.memory_space<hbm>>
      %dma_wait3A_47 = tpu.memref_slice %arg3[%mul3A_36] : memref<1048576xi32, #tpu.memory_space<hbm>> -> memref<65536xi32, #tpu.memory_space<hbm>>
      tpu.wait_dma2 semaphore(%run_scoped3A : memref<!tpu.dma_semaphore, #tpu.memory_space<semaphore_mem>>) src(%dma_wait3A_47 : memref<65536xi32, #tpu.memory_space<hbm>>) dst(%arg10 : memref<65536xi32, #tpu.memory_space<vmem>>)
      tpu.yield
    }) : () -> ()
    %mul3A_37 = arith.constant 16 : i32
    %mul3A_38 = arith.muli %select_n3A_9, %mul3A_37 : i32
    "tpu.region"() ({
      %run_scoped3A = tpu.sem_alloc : memref<!tpu.dma_semaphore, #tpu.memory_space<semaphore_mem>>
      %dma_start3A = tpu.memref_slice %arg4[%mul3A_38] : memref<256xf32, #tpu.memory_space<hbm>> -> memref<16xf32, #tpu.memory_space<hbm>>
      %dma_start3A_46 = tpu.memref_slice %arg4[%mul3A_38] : memref<256xf32, #tpu.memory_space<hbm>> -> memref<16xf32, #tpu.memory_space<hbm>>
      tpu.enqueue_dma source(%dma_start3A_46 : memref<16xf32, #tpu.memory_space<hbm>>) target(%arg11 : memref<16xf32, #tpu.memory_space<vmem>>) target_semaphore(%run_scoped3A : memref<!tpu.dma_semaphore, #tpu.memory_space<semaphore_mem>>)
      %dma_wait3A = tpu.memref_slice %arg4[%mul3A_38] : memref<256xf32, #tpu.memory_space<hbm>> -> memref<16xf32, #tpu.memory_space<hbm>>
      %dma_wait3A_47 = tpu.memref_slice %arg4[%mul3A_38] : memref<256xf32, #tpu.memory_space<hbm>> -> memref<16xf32, #tpu.memory_space<hbm>>
      tpu.wait_dma2 semaphore(%run_scoped3A : memref<!tpu.dma_semaphore, #tpu.memory_space<semaphore_mem>>) src(%dma_wait3A_47 : memref<16xf32, #tpu.memory_space<hbm>>) dst(%arg11 : memref<16xf32, #tpu.memory_space<vmem>>)
      tpu.yield
    }) : () -> ()
    %get3A = arith.constant 0 : index
    %get3A_39 = tpu.vector_load %arg11[%get3A] {strides = array<i32>} : memref<16xf32, #tpu.memory_space<vmem>>, vector<16xf32>,
    %scan3A = arith.constant 0 : i32
    %scan3A_40 = arith.constant 0 : i32
    %scan3A_41 = arith.constant 8 : i32
    %scan3A_42 = arith.addi %scan3A_40, %scan3A_41 : i32
    %scan3A_43 = arith.constant 1 : i32
    %scan3A_44 = scf.for %scan3A_46 = %scan3A_40 to %scan3A_42 step %scan3A_43 iter_args(%scan3A_47 = %scan3A) -> (i32)  : i32 {
      %mul3A_48 = arith.constant 8192 : i32
      %mul3A_49 = arith.muli %scan3A_46, %mul3A_48 : i32
      %add3A_50 = arith.addi %add3A_34, %mul3A_49 : i32
      "tpu.region"() ({
        %run_scoped3A = tpu.sem_alloc : memref<!tpu.dma_semaphore, #tpu.memory_space<semaphore_mem>>
        %dma_start3A = tpu.memref_slice %arg2[%add3A_50] : memref<1572864xf32, #tpu.memory_space<hbm>> -> memref<8192xf32, #tpu.memory_space<hbm>>
        %dma_start3A_63 = tpu.memref_slice %arg2[%add3A_50] : memref<1572864xf32, #tpu.memory_space<hbm>> -> memref<8192xf32, #tpu.memory_space<hbm>>
        tpu.enqueue_dma source(%dma_start3A_63 : memref<8192xf32, #tpu.memory_space<hbm>>) target(%arg6 : memref<8192xf32, #tpu.memory_space<vmem>>) target_semaphore(%run_scoped3A : memref<!tpu.dma_semaphore, #tpu.memory_space<semaphore_mem>>)
        %dma_wait3A = tpu.memref_slice %arg2[%add3A_50] : memref<1572864xf32, #tpu.memory_space<hbm>> -> memref<8192xf32, #tpu.memory_space<hbm>>
        %dma_wait3A_64 = tpu.memref_slice %arg2[%add3A_50] : memref<1572864xf32, #tpu.memory_space<hbm>> -> memref<8192xf32, #tpu.memory_space<hbm>>
        tpu.wait_dma2 semaphore(%run_scoped3A : memref<!tpu.dma_semaphore, #tpu.memory_space<semaphore_mem>>) src(%dma_wait3A_64 : memref<8192xf32, #tpu.memory_space<hbm>>) dst(%arg6 : memref<8192xf32, #tpu.memory_space<vmem>>)
        tpu.yield
      }) : () -> ()
      %add3A_51 = arith.constant 524288 : i32
      %add3A_52 = arith.addi %add3A_51, %add3A_50 : i32
      "tpu.region"() ({
        %run_scoped3A = tpu.sem_alloc : memref<!tpu.dma_semaphore, #tpu.memory_space<semaphore_mem>>
        %dma_start3A = tpu.memref_slice %arg2[%add3A_52] : memref<1572864xf32, #tpu.memory_space<hbm>> -> memref<8192xf32, #tpu.memory_space<hbm>>
        %dma_start3A_63 = tpu.memref_slice %arg2[%add3A_52] : memref<1572864xf32, #tpu.memory_space<hbm>> -> memref<8192xf32, #tpu.memory_space<hbm>>
        tpu.enqueue_dma source(%dma_start3A_63 : memref<8192xf32, #tpu.memory_space<hbm>>) target(%arg7 : memref<8192xf32, #tpu.memory_space<vmem>>) target_semaphore(%run_scoped3A : memref<!tpu.dma_semaphore, #tpu.memory_space<semaphore_mem>>)
        %dma_wait3A = tpu.memref_slice %arg2[%add3A_52] : memref<1572864xf32, #tpu.memory_space<hbm>> -> memref<8192xf32, #tpu.memory_space<hbm>>
        %dma_wait3A_64 = tpu.memref_slice %arg2[%add3A_52] : memref<1572864xf32, #tpu.memory_space<hbm>> -> memref<8192xf32, #tpu.memory_space<hbm>>
        tpu.wait_dma2 semaphore(%run_scoped3A : memref<!tpu.dma_semaphore, #tpu.memory_space<semaphore_mem>>) src(%dma_wait3A_64 : memref<8192xf32, #tpu.memory_space<hbm>>) dst(%arg7 : memref<8192xf32, #tpu.memory_space<vmem>>)
        tpu.yield
      }) : () -> ()
      %add3A_53 = arith.constant 1048576 : i32
      %add3A_54 = arith.addi %add3A_53, %add3A_50 : i32
      "tpu.region"() ({
        %run_scoped3A = tpu.sem_alloc : memref<!tpu.dma_semaphore, #tpu.memory_space<semaphore_mem>>
        %dma_start3A = tpu.memref_slice %arg2[%add3A_54] : memref<1572864xf32, #tpu.memory_space<hbm>> -> memref<8192xf32, #tpu.memory_space<hbm>>
        %dma_start3A_63 = tpu.memref_slice %arg2[%add3A_54] : memref<1572864xf32, #tpu.memory_space<hbm>> -> memref<8192xf32, #tpu.memory_space<hbm>>
        tpu.enqueue_dma source(%dma_start3A_63 : memref<8192xf32, #tpu.memory_space<hbm>>) target(%arg8 : memref<8192xf32, #tpu.memory_space<vmem>>) target_semaphore(%run_scoped3A : memref<!tpu.dma_semaphore, #tpu.memory_space<semaphore_mem>>)
        %dma_wait3A = tpu.memref_slice %arg2[%add3A_54] : memref<1572864xf32, #tpu.memory_space<hbm>> -> memref<8192xf32, #tpu.memory_space<hbm>>
        %dma_wait3A_64 = tpu.memref_slice %arg2[%add3A_54] : memref<1572864xf32, #tpu.memory_space<hbm>> -> memref<8192xf32, #tpu.memory_space<hbm>>
        tpu.wait_dma2 semaphore(%run_scoped3A : memref<!tpu.dma_semaphore, #tpu.memory_space<semaphore_mem>>) src(%dma_wait3A_64 : memref<8192xf32, #tpu.memory_space<hbm>>) dst(%arg8 : memref<8192xf32, #tpu.memory_space<vmem>>)
        tpu.yield
      }) : () -> ()
      %parallel_loop3A = arith.constant 0 : i32
      %parallel_loop3A_55 = arith.constant 8192 : i32
      %parallel_loop3A_56 = arith.constant 16 : i32
      scf.for %parallel_loop3A_63 = %parallel_loop3A to %parallel_loop3A_55 step %parallel_loop3A_56  : i32 {
        %parallel_loop3A_64 = arith.index_cast %parallel_loop3A_63 : i32 to index
        %parallel_loop3A_65 = tpu.vector_load %arg6[%parallel_loop3A_64] {strides = array<i32>} : memref<8192xf32, #tpu.memory_space<vmem>>, vector<16xf32>,
        %parallel_loop3A_66 = arith.mulf %parallel_loop3A_65, %get3A_39 : vector<16xf32>
        %parallel_loop3A_67 = arith.index_cast %parallel_loop3A_63 : i32 to index
        %parallel_loop3A_68 = tpu.vector_load %arg7[%parallel_loop3A_67] {strides = array<i32>} : memref<8192xf32, #tpu.memory_space<vmem>>, vector<16xf32>,
        %parallel_loop3A_69 = arith.mulf %parallel_loop3A_68, %get3A_39 : vector<16xf32>
        %parallel_loop3A_70 = arith.index_cast %parallel_loop3A_63 : i32 to index
        %parallel_loop3A_71 = tpu.vector_load %arg8[%parallel_loop3A_70] {strides = array<i32>} : memref<8192xf32, #tpu.memory_space<vmem>>, vector<16xf32>,
        %parallel_loop3A_72 = arith.mulf %parallel_loop3A_71, %get3A_39 : vector<16xf32>
        %parallel_loop3A_73 = arith.fptosi %parallel_loop3A_66 : vector<16xf32> to vector<16xi32>
        %parallel_loop3A_74 = arith.fptosi %parallel_loop3A_69 : vector<16xf32> to vector<16xi32>
        %parallel_loop3A_75 = arith.fptosi %parallel_loop3A_72 : vector<16xf32> to vector<16xi32>
        %parallel_loop3A_76 = arith.sitofp %parallel_loop3A_73 : vector<16xi32> to vector<16xf32>
        %parallel_loop3A_77 = arith.subf %parallel_loop3A_66, %parallel_loop3A_76 : vector<16xf32>
        %parallel_loop3A_78 = arith.sitofp %parallel_loop3A_74 : vector<16xi32> to vector<16xf32>
        %parallel_loop3A_79 = arith.subf %parallel_loop3A_69, %parallel_loop3A_78 : vector<16xf32>
        %parallel_loop3A_80 = arith.sitofp %parallel_loop3A_75 : vector<16xi32> to vector<16xf32>
        %parallel_loop3A_81 = arith.subf %parallel_loop3A_72, %parallel_loop3A_80 : vector<16xf32>
        %parallel_loop3A_82 = arith.constant 65535 : i32
        %parallel_loop3A_83 = vector.broadcast %parallel_loop3A_82 : i32 to vector<16xi32>
        %parallel_loop3A_84 = arith.andi %parallel_loop3A_73, %parallel_loop3A_83 : vector<16xi32>
        %parallel_loop3A_85 = arith.constant 1 : i32
        %parallel_loop3A_86 = vector.broadcast %parallel_loop3A_85 : i32 to vector<16xi32>
        %parallel_loop3A_87 = arith.addi %parallel_loop3A_73, %parallel_loop3A_86 : vector<16xi32>
        %parallel_loop3A_88 = arith.constant 65535 : i32
        %parallel_loop3A_89 = vector.broadcast %parallel_loop3A_88 : i32 to vector<16xi32>
        %parallel_loop3A_90 = arith.andi %parallel_loop3A_87, %parallel_loop3A_89 : vector<16xi32>
        %parallel_loop3A_91 = arith.constant -1640531535 : i32
        %parallel_loop3A_92 = vector.broadcast %parallel_loop3A_91 : i32 to vector<16xi32>
        %parallel_loop3A_93 = arith.muli %parallel_loop3A_74, %parallel_loop3A_92 : vector<16xi32>
        %parallel_loop3A_94 = arith.constant 65535 : i32
        %parallel_loop3A_95 = vector.broadcast %parallel_loop3A_94 : i32 to vector<16xi32>
        %parallel_loop3A_96 = arith.andi %parallel_loop3A_93, %parallel_loop3A_95 : vector<16xi32>
        %parallel_loop3A_97 = arith.constant -1640531535 : i32
        %parallel_loop3A_98 = vector.broadcast %parallel_loop3A_97 : i32 to vector<16xi32>
        %parallel_loop3A_99 = arith.addi %parallel_loop3A_93, %parallel_loop3A_98 : vector<16xi32>
        %parallel_loop3A_100 = arith.constant 65535 : i32
        %parallel_loop3A_101 = vector.broadcast %parallel_loop3A_100 : i32 to vector<16xi32>
        %parallel_loop3A_102 = arith.andi %parallel_loop3A_99, %parallel_loop3A_101 : vector<16xi32>
        %parallel_loop3A_103 = arith.constant 805459861 : i32
        %parallel_loop3A_104 = vector.broadcast %parallel_loop3A_103 : i32 to vector<16xi32>
        %parallel_loop3A_105 = arith.muli %parallel_loop3A_75, %parallel_loop3A_104 : vector<16xi32>
        %parallel_loop3A_106 = arith.constant 65535 : i32
        %parallel_loop3A_107 = vector.broadcast %parallel_loop3A_106 : i32 to vector<16xi32>
        %parallel_loop3A_108 = arith.andi %parallel_loop3A_105, %parallel_loop3A_107 : vector<16xi32>
        %parallel_loop3A_109 = arith.constant 805459861 : i32
        %parallel_loop3A_110 = vector.broadcast %parallel_loop3A_109 : i32 to vector<16xi32>
        %parallel_loop3A_111 = arith.addi %parallel_loop3A_105, %parallel_loop3A_110 : vector<16xi32>
        %parallel_loop3A_112 = arith.constant 65535 : i32
        %parallel_loop3A_113 = vector.broadcast %parallel_loop3A_112 : i32 to vector<16xi32>
        %parallel_loop3A_114 = arith.andi %parallel_loop3A_111, %parallel_loop3A_113 : vector<16xi32>
        %parallel_loop3A_115 = arith.xori %parallel_loop3A_84, %parallel_loop3A_96 : vector<16xi32>
        %parallel_loop3A_116 = arith.xori %parallel_loop3A_90, %parallel_loop3A_96 : vector<16xi32>
        %parallel_loop3A_117 = arith.xori %parallel_loop3A_84, %parallel_loop3A_102 : vector<16xi32>
        %parallel_loop3A_118 = arith.xori %parallel_loop3A_90, %parallel_loop3A_102 : vector<16xi32>
        %parallel_loop3A_119 = arith.constant 1.000000e+00 : f32
        %parallel_loop3A_120 = vector.broadcast %parallel_loop3A_119 : f32 to vector<16xf32>
        %parallel_loop3A_121 = arith.subf %parallel_loop3A_120, %parallel_loop3A_77 : vector<16xf32>
        %parallel_loop3A_122 = arith.constant 1.000000e+00 : f32
        %parallel_loop3A_123 = vector.broadcast %parallel_loop3A_122 : f32 to vector<16xf32>
        %parallel_loop3A_124 = arith.subf %parallel_loop3A_123, %parallel_loop3A_79 : vector<16xf32>
        %parallel_loop3A_125 = arith.constant 1.000000e+00 : f32
        %parallel_loop3A_126 = vector.broadcast %parallel_loop3A_125 : f32 to vector<16xf32>
        %parallel_loop3A_127 = arith.subf %parallel_loop3A_126, %parallel_loop3A_81 : vector<16xf32>
        %parallel_loop3A_128 = arith.mulf %parallel_loop3A_121, %parallel_loop3A_124 : vector<16xf32>
        %parallel_loop3A_129 = arith.mulf %parallel_loop3A_77, %parallel_loop3A_124 : vector<16xf32>
        %parallel_loop3A_130 = arith.mulf %parallel_loop3A_121, %parallel_loop3A_79 : vector<16xf32>
        %parallel_loop3A_131 = arith.mulf %parallel_loop3A_77, %parallel_loop3A_79 : vector<16xf32>
        %parallel_loop3A_132 = arith.constant 0.000000e+00 : bf16
        %parallel_loop3A_133 = vector.broadcast %parallel_loop3A_132 : bf16 to vector<32xbf16>
        %parallel_loop3A_134 = arith.xori %parallel_loop3A_115, %parallel_loop3A_108 : vector<16xi32>
        %parallel_loop3A_135 = tpu.vector_load_idx %arg10[%parallel_loop3A_134] : memref<65536xi32, #tpu.memory_space<vmem>>[vector<16xi32>], vector<16xi32>,
        %parallel_loop3A_136 = vector.bitcast %parallel_loop3A_135 : vector<16xi32> to vector<32xbf16>
        %parallel_loop3A_137 = arith.mulf %parallel_loop3A_128, %parallel_loop3A_127 : vector<16xf32>
        %parallel_loop3A_138 = tpu.pack_subelements %parallel_loop3A_137, %parallel_loop3A_137 {pack_format = #tpu.pack_format<interleaved>, positions = array<i32: 0, 1>} : vector<16xf32>, vector<16xf32> -> vector<32xbf16>
        %parallel_loop3A_139 = arith.mulf %parallel_loop3A_138, %parallel_loop3A_136 : vector<32xbf16>
        %parallel_loop3A_140 = arith.addf %parallel_loop3A_133, %parallel_loop3A_139 : vector<32xbf16>
        %parallel_loop3A_141 = arith.xori %parallel_loop3A_115, %parallel_loop3A_114 : vector<16xi32>
        %parallel_loop3A_142 = tpu.vector_load_idx %arg10[%parallel_loop3A_141] : memref<65536xi32, #tpu.memory_space<vmem>>[vector<16xi32>], vector<16xi32>,
        %parallel_loop3A_143 = vector.bitcast %parallel_loop3A_142 : vector<16xi32> to vector<32xbf16>
        %parallel_loop3A_144 = arith.mulf %parallel_loop3A_128, %parallel_loop3A_81 : vector<16xf32>
        %parallel_loop3A_145 = tpu.pack_subelements %parallel_loop3A_144, %parallel_loop3A_144 {pack_format = #tpu.pack_format<interleaved>, positions = array<i32: 0, 1>} : vector<16xf32>, vector<16xf32> -> vector<32xbf16>
        %parallel_loop3A_146 = arith.mulf %parallel_loop3A_145, %parallel_loop3A_143 : vector<32xbf16>
        %parallel_loop3A_147 = arith.addf %parallel_loop3A_140, %parallel_loop3A_146 : vector<32xbf16>
        %parallel_loop3A_148 = arith.xori %parallel_loop3A_116, %parallel_loop3A_108 : vector<16xi32>
        %parallel_loop3A_149 = tpu.vector_load_idx %arg10[%parallel_loop3A_148] : memref<65536xi32, #tpu.memory_space<vmem>>[vector<16xi32>], vector<16xi32>,
        %parallel_loop3A_150 = vector.bitcast %parallel_loop3A_149 : vector<16xi32> to vector<32xbf16>
        %parallel_loop3A_151 = arith.mulf %parallel_loop3A_129, %parallel_loop3A_127 : vector<16xf32>
        %parallel_loop3A_152 = tpu.pack_subelements %parallel_loop3A_151, %parallel_loop3A_151 {pack_format = #tpu.pack_format<interleaved>, positions = array<i32: 0, 1>} : vector<16xf32>, vector<16xf32> -> vector<32xbf16>
        %parallel_loop3A_153 = arith.mulf %parallel_loop3A_152, %parallel_loop3A_150 : vector<32xbf16>
        %parallel_loop3A_154 = arith.addf %parallel_loop3A_147, %parallel_loop3A_153 : vector<32xbf16>
        %parallel_loop3A_155 = arith.xori %parallel_loop3A_116, %parallel_loop3A_114 : vector<16xi32>
        %parallel_loop3A_156 = tpu.vector_load_idx %arg10[%parallel_loop3A_155] : memref<65536xi32, #tpu.memory_space<vmem>>[vector<16xi32>], vector<16xi32>,
        %parallel_loop3A_157 = vector.bitcast %parallel_loop3A_156 : vector<16xi32> to vector<32xbf16>
        %parallel_loop3A_158 = arith.mulf %parallel_loop3A_129, %parallel_loop3A_81 : vector<16xf32>
        %parallel_loop3A_159 = tpu.pack_subelements %parallel_loop3A_158, %parallel_loop3A_158 {pack_format = #tpu.pack_format<interleaved>, positions = array<i32: 0, 1>} : vector<16xf32>, vector<16xf32> -> vector<32xbf16>
        %parallel_loop3A_160 = arith.mulf %parallel_loop3A_159, %parallel_loop3A_157 : vector<32xbf16>
        %parallel_loop3A_161 = arith.addf %parallel_loop3A_154, %parallel_loop3A_160 : vector<32xbf16>
        %parallel_loop3A_162 = arith.xori %parallel_loop3A_117, %parallel_loop3A_108 : vector<16xi32>
        %parallel_loop3A_163 = tpu.vector_load_idx %arg10[%parallel_loop3A_162] : memref<65536xi32, #tpu.memory_space<vmem>>[vector<16xi32>], vector<16xi32>,
        %parallel_loop3A_164 = vector.bitcast %parallel_loop3A_163 : vector<16xi32> to vector<32xbf16>
        %parallel_loop3A_165 = arith.mulf %parallel_loop3A_130, %parallel_loop3A_127 : vector<16xf32>
        %parallel_loop3A_166 = tpu.pack_subelements %parallel_loop3A_165, %parallel_loop3A_165 {pack_format = #tpu.pack_format<interleaved>, positions = array<i32: 0, 1>} : vector<16xf32>, vector<16xf32> -> vector<32xbf16>
        %parallel_loop3A_167 = arith.mulf %parallel_loop3A_166, %parallel_loop3A_164 : vector<32xbf16>
        %parallel_loop3A_168 = arith.addf %parallel_loop3A_161, %parallel_loop3A_167 : vector<32xbf16>
        %parallel_loop3A_169 = arith.xori %parallel_loop3A_117, %parallel_loop3A_114 : vector<16xi32>
        %parallel_loop3A_170 = tpu.vector_load_idx %arg10[%parallel_loop3A_169] : memref<65536xi32, #tpu.memory_space<vmem>>[vector<16xi32>], vector<16xi32>,
        %parallel_loop3A_171 = vector.bitcast %parallel_loop3A_170 : vector<16xi32> to vector<32xbf16>
        %parallel_loop3A_172 = arith.mulf %parallel_loop3A_130, %parallel_loop3A_81 : vector<16xf32>
        %parallel_loop3A_173 = tpu.pack_subelements %parallel_loop3A_172, %parallel_loop3A_172 {pack_format = #tpu.pack_format<interleaved>, positions = array<i32: 0, 1>} : vector<16xf32>, vector<16xf32> -> vector<32xbf16>
        %parallel_loop3A_174 = arith.mulf %parallel_loop3A_173, %parallel_loop3A_171 : vector<32xbf16>
        %parallel_loop3A_175 = arith.addf %parallel_loop3A_168, %parallel_loop3A_174 : vector<32xbf16>
        %parallel_loop3A_176 = arith.xori %parallel_loop3A_118, %parallel_loop3A_108 : vector<16xi32>
        %parallel_loop3A_177 = tpu.vector_load_idx %arg10[%parallel_loop3A_176] : memref<65536xi32, #tpu.memory_space<vmem>>[vector<16xi32>], vector<16xi32>,
        %parallel_loop3A_178 = vector.bitcast %parallel_loop3A_177 : vector<16xi32> to vector<32xbf16>
        %parallel_loop3A_179 = arith.mulf %parallel_loop3A_131, %parallel_loop3A_127 : vector<16xf32>
        %parallel_loop3A_180 = tpu.pack_subelements %parallel_loop3A_179, %parallel_loop3A_179 {pack_format = #tpu.pack_format<interleaved>, positions = array<i32: 0, 1>} : vector<16xf32>, vector<16xf32> -> vector<32xbf16>
        %parallel_loop3A_181 = arith.mulf %parallel_loop3A_180, %parallel_loop3A_178 : vector<32xbf16>
        %parallel_loop3A_182 = arith.addf %parallel_loop3A_175, %parallel_loop3A_181 : vector<32xbf16>
        %parallel_loop3A_183 = arith.xori %parallel_loop3A_118, %parallel_loop3A_114 : vector<16xi32>
        %parallel_loop3A_184 = tpu.vector_load_idx %arg10[%parallel_loop3A_183] : memref<65536xi32, #tpu.memory_space<vmem>>[vector<16xi32>], vector<16xi32>,
        %parallel_loop3A_185 = vector.bitcast %parallel_loop3A_184 : vector<16xi32> to vector<32xbf16>
        %parallel_loop3A_186 = arith.mulf %parallel_loop3A_131, %parallel_loop3A_81 : vector<16xf32>
        %parallel_loop3A_187 = tpu.pack_subelements %parallel_loop3A_186, %parallel_loop3A_186 {pack_format = #tpu.pack_format<interleaved>, positions = array<i32: 0, 1>} : vector<16xf32>, vector<16xf32> -> vector<32xbf16>
        %parallel_loop3A_188 = arith.mulf %parallel_loop3A_187, %parallel_loop3A_185 : vector<32xbf16>
        %parallel_loop3A_189 = arith.addf %parallel_loop3A_182, %parallel_loop3A_188 : vector<32xbf16>
        %parallel_loop3A_190 = vector.bitcast %parallel_loop3A_189 : vector<32xbf16> to vector<16xi32>
        %parallel_loop3A_191 = arith.index_cast %parallel_loop3A_63 : i32 to index
        %parallel_loop3A_192 = tpu.vector_load %arg9[%parallel_loop3A_191] {strides = array<i32>} : memref<8192xi32, #tpu.memory_space<vmem>>, vector<16xi32>,
        tpu.vector_store %arg9[%parallel_loop3A_191], %parallel_loop3A_190 {strides = array<i32>} : memref<8192xi32, #tpu.memory_space<vmem>>, vector<16xi32>,
      } {sc.loop_unroll_factor = 4 : i64, sc.parallel_access}
      %mul3A_57 = arith.constant 131072 : i32
      %mul3A_58 = arith.muli %select_n3A_9, %mul3A_57 : i32
      %sub3A_59 = arith.constant 393216 : i32
      %sub3A_60 = arith.subi %add3A_50, %sub3A_59 : i32
      %add3A_61 = arith.addi %mul3A_58, %sub3A_60 : i32
      "tpu.region"() ({
        %run_scoped3A = tpu.sem_alloc : memref<!tpu.dma_semaphore, #tpu.memory_space<semaphore_mem>>
        %dma_start3A = tpu.memref_slice %arg5[%add3A_61] : memref<2097152xi32, #tpu.memory_space<hbm>> -> memref<8192xi32, #tpu.memory_space<hbm>>
        %dma_start3A_63 = tpu.memref_slice %arg5[%add3A_61] : memref<2097152xi32, #tpu.memory_space<hbm>> -> memref<8192xi32, #tpu.memory_space<hbm>>
        tpu.enqueue_dma source(%arg9 : memref<8192xi32, #tpu.memory_space<vmem>>) target(%dma_start3A_63 : memref<8192xi32, #tpu.memory_space<hbm>>) target_semaphore(%run_scoped3A : memref<!tpu.dma_semaphore, #tpu.memory_space<semaphore_mem>>)
        %dma_wait3A = tpu.memref_slice %arg5[%add3A_61] : memref<2097152xi32, #tpu.memory_space<hbm>> -> memref<8192xi32, #tpu.memory_space<hbm>>
        %dma_wait3A_64 = tpu.memref_slice %arg5[%add3A_61] : memref<2097152xi32, #tpu.memory_space<hbm>> -> memref<8192xi32, #tpu.memory_space<hbm>>
        tpu.wait_dma2 semaphore(%run_scoped3A : memref<!tpu.dma_semaphore, #tpu.memory_space<semaphore_mem>>) src(%arg9 : memref<8192xi32, #tpu.memory_space<vmem>>) dst(%dma_wait3A_64 : memref<8192xi32, #tpu.memory_space<hbm>>)
        tpu.yield
      }) : () -> ()
      %scan3A_62 = arith.constant 0 : i32
      scf.yield %scan3A_62 : i32
    }
    %scan3A_45 = arith.constant 8 : i32
    return
  }
}

#map = affine_map<(d0, d1) -> (0)>
module attributes {stable_mosaic.version = 14 : i64} {
  func.func @_sc_body(%arg0: i32, %arg1: i32, %arg2: memref<1572864xf32, #tpu.memory_space<hbm>>, %arg3: memref<1048576xi32, #tpu.memory_space<hbm>>, %arg4: memref<256xf32, #tpu.memory_space<hbm>>, %arg5: memref<2097152xi32, #tpu.memory_space<hbm>>, %arg6: memref<8192xf32, #tpu.memory_space<vmem>>, %arg7: memref<8192xf32, #tpu.memory_space<vmem>>, %arg8: memref<8192xf32, #tpu.memory_space<vmem>>, %arg9: memref<8192xi32, #tpu.memory_space<vmem>>, %arg10: memref<65536xi32, #tpu.memory_space<vmem>>, %arg11: memref<16xf32, #tpu.memory_space<vmem>>) attributes {dimension_semantics = [#tpu.dimension_semantics<core_parallel>, #tpu.dimension_semantics<subcore_parallel>], iteration_bounds = array<i64: 2, 16>, scalar_prefetch = 0 : i64, scratch_operands = 6 : i64, tpu.core_type = #tpu.core_type<sc_vector_subcore>, window_params = [{transform_indices = #map}, {transform_indices = #map}, {transform_indices = #map}, {transform_indices = #map}]} {
    %mul3A = arith.constant 2 : i32
    %mul3A_0 = arith.muli %arg1, %mul3A : i32
    %add3A = arith.addi %mul3A_0, %arg0 : i32
    %jit3A = arith.constant 16 : i32
    %eq3A = arith.constant 0 : i32
    %eq3A_1 = arith.cmpi eq, %jit3A, %eq3A : i32
    %jit3A_2 = arith.constant 1 : i32
    %select_n3A = arith.select %eq3A_1, %jit3A_2, %jit3A : i32
    %rem3A = arith.remsi %add3A, %select_n3A : i32
    %ne3A = arith.constant 0 : i32
    %ne3A_3 = arith.cmpi ne, %rem3A, %ne3A : i32
    %lt3A = arith.constant 0 : i32
    %lt3A_4 = arith.cmpi slt, %rem3A, %lt3A : i32
    %lt3A_5 = arith.constant 0 : i32
    %lt3A_6 = arith.cmpi slt, %select_n3A, %lt3A_5 : i32
    %ne3A_7 = arith.xori %lt3A_4, %lt3A_6 : i1
    %and3A = arith.andi %ne3A_7, %ne3A_3 : i1
    %add3A_8 = arith.addi %rem3A, %select_n3A : i32
    %select_n3A_9 = arith.select %and3A, %add3A_8, %rem3A : i32
    %jit3A_10 = arith.constant 16 : i32
    %div3A = arith.divsi %add3A, %jit3A_10 : i32
    %sign3A = arith.constant 0 : i32
    %sign3A_11 = arith.cmpi sgt, %add3A, %sign3A : i32
    %sign3A_12 = arith.extui %sign3A_11 : i1 to i32
    %sign3A_13 = arith.constant 0 : i32
    %sign3A_14 = arith.cmpi slt, %add3A, %sign3A_13 : i32
    %sign3A_15 = arith.extui %sign3A_14 : i1 to i32
    %sign3A_16 = arith.subi %sign3A_12, %sign3A_15 : i32
    %sign3A_17 = arith.constant 0 : i32
    %sign3A_18 = arith.cmpi sgt, %jit3A_10, %sign3A_17 : i32
    %sign3A_19 = arith.extui %sign3A_18 : i1 to i32
    %sign3A_20 = arith.constant 0 : i32
    %sign3A_21 = arith.cmpi slt, %jit3A_10, %sign3A_20 : i32
    %sign3A_22 = arith.extui %sign3A_21 : i1 to i32
    %sign3A_23 = arith.subi %sign3A_19, %sign3A_22 : i32
    %ne3A_24 = arith.cmpi ne, %sign3A_16, %sign3A_23 : i32
    %rem3A_25 = arith.remsi %add3A, %jit3A_10 : i32
    %ne3A_26 = arith.constant 0 : i32
    %ne3A_27 = arith.cmpi ne, %rem3A_25, %ne3A_26 : i32
    %and3A_28 = arith.andi %ne3A_24, %ne3A_27 : i1
    %sub3A = arith.constant 1 : i32
    %sub3A_29 = arith.subi %div3A, %sub3A : i32
    %select_n3A_30 = arith.select %and3A_28, %sub3A_29, %div3A : i32
    %mul3A_31 = arith.constant 65536 : i32
    %mul3A_32 = arith.muli %select_n3A_30, %mul3A_31 : i32
    %add3A_33 = arith.constant 262144 : i32
    %add3A_34 = arith.addi %add3A_33, %mul3A_32 : i32
    %mul3A_35 = arith.constant 65536 : i32
    %mul3A_36 = arith.muli %select_n3A_9, %mul3A_35 : i32
    "tpu.region"() ({
      %run_scoped3A = tpu.sem_alloc : memref<!tpu.dma_semaphore, #tpu.memory_space<semaphore_mem>>
      %dma_start3A = tpu.memref_slice %arg3[%mul3A_36] : memref<1048576xi32, #tpu.memory_space<hbm>> -> memref<65536xi32, #tpu.memory_space<hbm>>
      %dma_start3A_46 = tpu.memref_slice %arg3[%mul3A_36] : memref<1048576xi32, #tpu.memory_space<hbm>> -> memref<65536xi32, #tpu.memory_space<hbm>>
      tpu.enqueue_dma source(%dma_start3A_46 : memref<65536xi32, #tpu.memory_space<hbm>>) target(%arg10 : memref<65536xi32, #tpu.memory_space<vmem>>) target_semaphore(%run_scoped3A : memref<!tpu.dma_semaphore, #tpu.memory_space<semaphore_mem>>)
      %dma_wait3A = tpu.memref_slice %arg3[%mul3A_36] : memref<1048576xi32, #tpu.memory_space<hbm>> -> memref<65536xi32, #tpu.memory_space<hbm>>
      %dma_wait3A_47 = tpu.memref_slice %arg3[%mul3A_36] : memref<1048576xi32, #tpu.memory_space<hbm>> -> memref<65536xi32, #tpu.memory_space<hbm>>
      tpu.wait_dma2 semaphore(%run_scoped3A : memref<!tpu.dma_semaphore, #tpu.memory_space<semaphore_mem>>) src(%dma_wait3A_47 : memref<65536xi32, #tpu.memory_space<hbm>>) dst(%arg10 : memref<65536xi32, #tpu.memory_space<vmem>>)
      tpu.yield
    }) : () -> ()
    %mul3A_37 = arith.constant 16 : i32
    %mul3A_38 = arith.muli %select_n3A_9, %mul3A_37 : i32
    "tpu.region"() ({
      %run_scoped3A = tpu.sem_alloc : memref<!tpu.dma_semaphore, #tpu.memory_space<semaphore_mem>>
      %dma_start3A = tpu.memref_slice %arg4[%mul3A_38] : memref<256xf32, #tpu.memory_space<hbm>> -> memref<16xf32, #tpu.memory_space<hbm>>
      %dma_start3A_46 = tpu.memref_slice %arg4[%mul3A_38] : memref<256xf32, #tpu.memory_space<hbm>> -> memref<16xf32, #tpu.memory_space<hbm>>
      tpu.enqueue_dma source(%dma_start3A_46 : memref<16xf32, #tpu.memory_space<hbm>>) target(%arg11 : memref<16xf32, #tpu.memory_space<vmem>>) target_semaphore(%run_scoped3A : memref<!tpu.dma_semaphore, #tpu.memory_space<semaphore_mem>>)
      %dma_wait3A = tpu.memref_slice %arg4[%mul3A_38] : memref<256xf32, #tpu.memory_space<hbm>> -> memref<16xf32, #tpu.memory_space<hbm>>
      %dma_wait3A_47 = tpu.memref_slice %arg4[%mul3A_38] : memref<256xf32, #tpu.memory_space<hbm>> -> memref<16xf32, #tpu.memory_space<hbm>>
      tpu.wait_dma2 semaphore(%run_scoped3A : memref<!tpu.dma_semaphore, #tpu.memory_space<semaphore_mem>>) src(%dma_wait3A_47 : memref<16xf32, #tpu.memory_space<hbm>>) dst(%arg11 : memref<16xf32, #tpu.memory_space<vmem>>)
      tpu.yield
    }) : () -> ()
    %get3A = arith.constant 0 : index
    %get3A_39 = tpu.vector_load %arg11[%get3A] {strides = array<i32>} : memref<16xf32, #tpu.memory_space<vmem>>, vector<16xf32>,
    %scan3A = arith.constant 0 : i32
    %scan3A_40 = arith.constant 0 : i32
    %scan3A_41 = arith.constant 8 : i32
    %scan3A_42 = arith.addi %scan3A_40, %scan3A_41 : i32
    %scan3A_43 = arith.constant 1 : i32
    %scan3A_44 = scf.for %scan3A_46 = %scan3A_40 to %scan3A_42 step %scan3A_43 iter_args(%scan3A_47 = %scan3A) -> (i32)  : i32 {
      %mul3A_48 = arith.constant 8192 : i32
      %mul3A_49 = arith.muli %scan3A_46, %mul3A_48 : i32
      %add3A_50 = arith.addi %add3A_34, %mul3A_49 : i32
      "tpu.region"() ({
        %run_scoped3A = tpu.sem_alloc : memref<!tpu.dma_semaphore, #tpu.memory_space<semaphore_mem>>
        %dma_start3A = tpu.memref_slice %arg2[%add3A_50] : memref<1572864xf32, #tpu.memory_space<hbm>> -> memref<8192xf32, #tpu.memory_space<hbm>>
        %dma_start3A_63 = tpu.memref_slice %arg2[%add3A_50] : memref<1572864xf32, #tpu.memory_space<hbm>> -> memref<8192xf32, #tpu.memory_space<hbm>>
        tpu.enqueue_dma source(%dma_start3A_63 : memref<8192xf32, #tpu.memory_space<hbm>>) target(%arg6 : memref<8192xf32, #tpu.memory_space<vmem>>) target_semaphore(%run_scoped3A : memref<!tpu.dma_semaphore, #tpu.memory_space<semaphore_mem>>)
        %dma_wait3A = tpu.memref_slice %arg2[%add3A_50] : memref<1572864xf32, #tpu.memory_space<hbm>> -> memref<8192xf32, #tpu.memory_space<hbm>>
        %dma_wait3A_64 = tpu.memref_slice %arg2[%add3A_50] : memref<1572864xf32, #tpu.memory_space<hbm>> -> memref<8192xf32, #tpu.memory_space<hbm>>
        tpu.wait_dma2 semaphore(%run_scoped3A : memref<!tpu.dma_semaphore, #tpu.memory_space<semaphore_mem>>) src(%dma_wait3A_64 : memref<8192xf32, #tpu.memory_space<hbm>>) dst(%arg6 : memref<8192xf32, #tpu.memory_space<vmem>>)
        tpu.yield
      }) : () -> ()
      %add3A_51 = arith.constant 524288 : i32
      %add3A_52 = arith.addi %add3A_51, %add3A_50 : i32
      "tpu.region"() ({
        %run_scoped3A = tpu.sem_alloc : memref<!tpu.dma_semaphore, #tpu.memory_space<semaphore_mem>>
        %dma_start3A = tpu.memref_slice %arg2[%add3A_52] : memref<1572864xf32, #tpu.memory_space<hbm>> -> memref<8192xf32, #tpu.memory_space<hbm>>
        %dma_start3A_63 = tpu.memref_slice %arg2[%add3A_52] : memref<1572864xf32, #tpu.memory_space<hbm>> -> memref<8192xf32, #tpu.memory_space<hbm>>
        tpu.enqueue_dma source(%dma_start3A_63 : memref<8192xf32, #tpu.memory_space<hbm>>) target(%arg7 : memref<8192xf32, #tpu.memory_space<vmem>>) target_semaphore(%run_scoped3A : memref<!tpu.dma_semaphore, #tpu.memory_space<semaphore_mem>>)
        %dma_wait3A = tpu.memref_slice %arg2[%add3A_52] : memref<1572864xf32, #tpu.memory_space<hbm>> -> memref<8192xf32, #tpu.memory_space<hbm>>
        %dma_wait3A_64 = tpu.memref_slice %arg2[%add3A_52] : memref<1572864xf32, #tpu.memory_space<hbm>> -> memref<8192xf32, #tpu.memory_space<hbm>>
        tpu.wait_dma2 semaphore(%run_scoped3A : memref<!tpu.dma_semaphore, #tpu.memory_space<semaphore_mem>>) src(%dma_wait3A_64 : memref<8192xf32, #tpu.memory_space<hbm>>) dst(%arg7 : memref<8192xf32, #tpu.memory_space<vmem>>)
        tpu.yield
      }) : () -> ()
      %add3A_53 = arith.constant 1048576 : i32
      %add3A_54 = arith.addi %add3A_53, %add3A_50 : i32
      "tpu.region"() ({
        %run_scoped3A = tpu.sem_alloc : memref<!tpu.dma_semaphore, #tpu.memory_space<semaphore_mem>>
        %dma_start3A = tpu.memref_slice %arg2[%add3A_54] : memref<1572864xf32, #tpu.memory_space<hbm>> -> memref<8192xf32, #tpu.memory_space<hbm>>
        %dma_start3A_63 = tpu.memref_slice %arg2[%add3A_54] : memref<1572864xf32, #tpu.memory_space<hbm>> -> memref<8192xf32, #tpu.memory_space<hbm>>
        tpu.enqueue_dma source(%dma_start3A_63 : memref<8192xf32, #tpu.memory_space<hbm>>) target(%arg8 : memref<8192xf32, #tpu.memory_space<vmem>>) target_semaphore(%run_scoped3A : memref<!tpu.dma_semaphore, #tpu.memory_space<semaphore_mem>>)
        %dma_wait3A = tpu.memref_slice %arg2[%add3A_54] : memref<1572864xf32, #tpu.memory_space<hbm>> -> memref<8192xf32, #tpu.memory_space<hbm>>
        %dma_wait3A_64 = tpu.memref_slice %arg2[%add3A_54] : memref<1572864xf32, #tpu.memory_space<hbm>> -> memref<8192xf32, #tpu.memory_space<hbm>>
        tpu.wait_dma2 semaphore(%run_scoped3A : memref<!tpu.dma_semaphore, #tpu.memory_space<semaphore_mem>>) src(%dma_wait3A_64 : memref<8192xf32, #tpu.memory_space<hbm>>) dst(%arg8 : memref<8192xf32, #tpu.memory_space<vmem>>)
        tpu.yield
      }) : () -> ()
      %parallel_loop3A = arith.constant 0 : i32
      %parallel_loop3A_55 = arith.constant 8192 : i32
      %parallel_loop3A_56 = arith.constant 16 : i32
      scf.for %parallel_loop3A_63 = %parallel_loop3A to %parallel_loop3A_55 step %parallel_loop3A_56  : i32 {
        %parallel_loop3A_64 = arith.index_cast %parallel_loop3A_63 : i32 to index
        %parallel_loop3A_65 = tpu.vector_load %arg6[%parallel_loop3A_64] {strides = array<i32>} : memref<8192xf32, #tpu.memory_space<vmem>>, vector<16xf32>,
        %parallel_loop3A_66 = arith.mulf %parallel_loop3A_65, %get3A_39 : vector<16xf32>
        %parallel_loop3A_67 = arith.index_cast %parallel_loop3A_63 : i32 to index
        %parallel_loop3A_68 = tpu.vector_load %arg7[%parallel_loop3A_67] {strides = array<i32>} : memref<8192xf32, #tpu.memory_space<vmem>>, vector<16xf32>,
        %parallel_loop3A_69 = arith.mulf %parallel_loop3A_68, %get3A_39 : vector<16xf32>
        %parallel_loop3A_70 = arith.index_cast %parallel_loop3A_63 : i32 to index
        %parallel_loop3A_71 = tpu.vector_load %arg8[%parallel_loop3A_70] {strides = array<i32>} : memref<8192xf32, #tpu.memory_space<vmem>>, vector<16xf32>,
        %parallel_loop3A_72 = arith.mulf %parallel_loop3A_71, %get3A_39 : vector<16xf32>
        %parallel_loop3A_73 = arith.fptosi %parallel_loop3A_66 : vector<16xf32> to vector<16xi32>
        %parallel_loop3A_74 = arith.fptosi %parallel_loop3A_69 : vector<16xf32> to vector<16xi32>
        %parallel_loop3A_75 = arith.fptosi %parallel_loop3A_72 : vector<16xf32> to vector<16xi32>
        %parallel_loop3A_76 = arith.sitofp %parallel_loop3A_73 : vector<16xi32> to vector<16xf32>
        %parallel_loop3A_77 = arith.subf %parallel_loop3A_66, %parallel_loop3A_76 : vector<16xf32>
        %parallel_loop3A_78 = arith.sitofp %parallel_loop3A_74 : vector<16xi32> to vector<16xf32>
        %parallel_loop3A_79 = arith.subf %parallel_loop3A_69, %parallel_loop3A_78 : vector<16xf32>
        %parallel_loop3A_80 = arith.sitofp %parallel_loop3A_75 : vector<16xi32> to vector<16xf32>
        %parallel_loop3A_81 = arith.subf %parallel_loop3A_72, %parallel_loop3A_80 : vector<16xf32>
        %parallel_loop3A_82 = arith.constant 65535 : i32
        %parallel_loop3A_83 = vector.broadcast %parallel_loop3A_82 : i32 to vector<16xi32>
        %parallel_loop3A_84 = arith.andi %parallel_loop3A_73, %parallel_loop3A_83 : vector<16xi32>
        %parallel_loop3A_85 = arith.constant 1 : i32
        %parallel_loop3A_86 = vector.broadcast %parallel_loop3A_85 : i32 to vector<16xi32>
        %parallel_loop3A_87 = arith.addi %parallel_loop3A_73, %parallel_loop3A_86 : vector<16xi32>
        %parallel_loop3A_88 = arith.constant 65535 : i32
        %parallel_loop3A_89 = vector.broadcast %parallel_loop3A_88 : i32 to vector<16xi32>
        %parallel_loop3A_90 = arith.andi %parallel_loop3A_87, %parallel_loop3A_89 : vector<16xi32>
        %parallel_loop3A_91 = arith.constant -1640531535 : i32
        %parallel_loop3A_92 = vector.broadcast %parallel_loop3A_91 : i32 to vector<16xi32>
        %parallel_loop3A_93 = arith.muli %parallel_loop3A_74, %parallel_loop3A_92 : vector<16xi32>
        %parallel_loop3A_94 = arith.constant 65535 : i32
        %parallel_loop3A_95 = vector.broadcast %parallel_loop3A_94 : i32 to vector<16xi32>
        %parallel_loop3A_96 = arith.andi %parallel_loop3A_93, %parallel_loop3A_95 : vector<16xi32>
        %parallel_loop3A_97 = arith.constant -1640531535 : i32
        %parallel_loop3A_98 = vector.broadcast %parallel_loop3A_97 : i32 to vector<16xi32>
        %parallel_loop3A_99 = arith.addi %parallel_loop3A_93, %parallel_loop3A_98 : vector<16xi32>
        %parallel_loop3A_100 = arith.constant 65535 : i32
        %parallel_loop3A_101 = vector.broadcast %parallel_loop3A_100 : i32 to vector<16xi32>
        %parallel_loop3A_102 = arith.andi %parallel_loop3A_99, %parallel_loop3A_101 : vector<16xi32>
        %parallel_loop3A_103 = arith.constant 805459861 : i32
        %parallel_loop3A_104 = vector.broadcast %parallel_loop3A_103 : i32 to vector<16xi32>
        %parallel_loop3A_105 = arith.muli %parallel_loop3A_75, %parallel_loop3A_104 : vector<16xi32>
        %parallel_loop3A_106 = arith.constant 65535 : i32
        %parallel_loop3A_107 = vector.broadcast %parallel_loop3A_106 : i32 to vector<16xi32>
        %parallel_loop3A_108 = arith.andi %parallel_loop3A_105, %parallel_loop3A_107 : vector<16xi32>
        %parallel_loop3A_109 = arith.constant 805459861 : i32
        %parallel_loop3A_110 = vector.broadcast %parallel_loop3A_109 : i32 to vector<16xi32>
        %parallel_loop3A_111 = arith.addi %parallel_loop3A_105, %parallel_loop3A_110 : vector<16xi32>
        %parallel_loop3A_112 = arith.constant 65535 : i32
        %parallel_loop3A_113 = vector.broadcast %parallel_loop3A_112 : i32 to vector<16xi32>
        %parallel_loop3A_114 = arith.andi %parallel_loop3A_111, %parallel_loop3A_113 : vector<16xi32>
        %parallel_loop3A_115 = arith.xori %parallel_loop3A_84, %parallel_loop3A_96 : vector<16xi32>
        %parallel_loop3A_116 = arith.xori %parallel_loop3A_90, %parallel_loop3A_96 : vector<16xi32>
        %parallel_loop3A_117 = arith.xori %parallel_loop3A_84, %parallel_loop3A_102 : vector<16xi32>
        %parallel_loop3A_118 = arith.xori %parallel_loop3A_90, %parallel_loop3A_102 : vector<16xi32>
        %parallel_loop3A_119 = arith.constant 1.000000e+00 : f32
        %parallel_loop3A_120 = vector.broadcast %parallel_loop3A_119 : f32 to vector<16xf32>
        %parallel_loop3A_121 = arith.subf %parallel_loop3A_120, %parallel_loop3A_77 : vector<16xf32>
        %parallel_loop3A_122 = arith.constant 1.000000e+00 : f32
        %parallel_loop3A_123 = vector.broadcast %parallel_loop3A_122 : f32 to vector<16xf32>
        %parallel_loop3A_124 = arith.subf %parallel_loop3A_123, %parallel_loop3A_79 : vector<16xf32>
        %parallel_loop3A_125 = arith.constant 1.000000e+00 : f32
        %parallel_loop3A_126 = vector.broadcast %parallel_loop3A_125 : f32 to vector<16xf32>
        %parallel_loop3A_127 = arith.subf %parallel_loop3A_126, %parallel_loop3A_81 : vector<16xf32>
        %parallel_loop3A_128 = arith.mulf %parallel_loop3A_121, %parallel_loop3A_124 : vector<16xf32>
        %parallel_loop3A_129 = arith.mulf %parallel_loop3A_77, %parallel_loop3A_124 : vector<16xf32>
        %parallel_loop3A_130 = arith.mulf %parallel_loop3A_121, %parallel_loop3A_79 : vector<16xf32>
        %parallel_loop3A_131 = arith.mulf %parallel_loop3A_77, %parallel_loop3A_79 : vector<16xf32>
        %parallel_loop3A_132 = arith.constant 0.000000e+00 : bf16
        %parallel_loop3A_133 = vector.broadcast %parallel_loop3A_132 : bf16 to vector<32xbf16>
        %parallel_loop3A_134 = arith.xori %parallel_loop3A_115, %parallel_loop3A_108 : vector<16xi32>
        %parallel_loop3A_135 = tpu.vector_load_idx %arg10[%parallel_loop3A_134] : memref<65536xi32, #tpu.memory_space<vmem>>[vector<16xi32>], vector<16xi32>,
        %parallel_loop3A_136 = vector.bitcast %parallel_loop3A_135 : vector<16xi32> to vector<32xbf16>
        %parallel_loop3A_137 = arith.mulf %parallel_loop3A_128, %parallel_loop3A_127 : vector<16xf32>
        %parallel_loop3A_138 = tpu.pack_subelements %parallel_loop3A_137, %parallel_loop3A_137 {pack_format = #tpu.pack_format<interleaved>, positions = array<i32: 0, 1>} : vector<16xf32>, vector<16xf32> -> vector<32xbf16>
        %parallel_loop3A_139 = arith.mulf %parallel_loop3A_138, %parallel_loop3A_136 : vector<32xbf16>
        %parallel_loop3A_140 = arith.addf %parallel_loop3A_133, %parallel_loop3A_139 : vector<32xbf16>
        %parallel_loop3A_141 = arith.xori %parallel_loop3A_115, %parallel_loop3A_114 : vector<16xi32>
        %parallel_loop3A_142 = tpu.vector_load_idx %arg10[%parallel_loop3A_141] : memref<65536xi32, #tpu.memory_space<vmem>>[vector<16xi32>], vector<16xi32>,
        %parallel_loop3A_143 = vector.bitcast %parallel_loop3A_142 : vector<16xi32> to vector<32xbf16>
        %parallel_loop3A_144 = arith.mulf %parallel_loop3A_128, %parallel_loop3A_81 : vector<16xf32>
        %parallel_loop3A_145 = tpu.pack_subelements %parallel_loop3A_144, %parallel_loop3A_144 {pack_format = #tpu.pack_format<interleaved>, positions = array<i32: 0, 1>} : vector<16xf32>, vector<16xf32> -> vector<32xbf16>
        %parallel_loop3A_146 = arith.mulf %parallel_loop3A_145, %parallel_loop3A_143 : vector<32xbf16>
        %parallel_loop3A_147 = arith.addf %parallel_loop3A_140, %parallel_loop3A_146 : vector<32xbf16>
        %parallel_loop3A_148 = arith.xori %parallel_loop3A_116, %parallel_loop3A_108 : vector<16xi32>
        %parallel_loop3A_149 = tpu.vector_load_idx %arg10[%parallel_loop3A_148] : memref<65536xi32, #tpu.memory_space<vmem>>[vector<16xi32>], vector<16xi32>,
        %parallel_loop3A_150 = vector.bitcast %parallel_loop3A_149 : vector<16xi32> to vector<32xbf16>
        %parallel_loop3A_151 = arith.mulf %parallel_loop3A_129, %parallel_loop3A_127 : vector<16xf32>
        %parallel_loop3A_152 = tpu.pack_subelements %parallel_loop3A_151, %parallel_loop3A_151 {pack_format = #tpu.pack_format<interleaved>, positions = array<i32: 0, 1>} : vector<16xf32>, vector<16xf32> -> vector<32xbf16>
        %parallel_loop3A_153 = arith.mulf %parallel_loop3A_152, %parallel_loop3A_150 : vector<32xbf16>
        %parallel_loop3A_154 = arith.addf %parallel_loop3A_147, %parallel_loop3A_153 : vector<32xbf16>
        %parallel_loop3A_155 = arith.xori %parallel_loop3A_116, %parallel_loop3A_114 : vector<16xi32>
        %parallel_loop3A_156 = tpu.vector_load_idx %arg10[%parallel_loop3A_155] : memref<65536xi32, #tpu.memory_space<vmem>>[vector<16xi32>], vector<16xi32>,
        %parallel_loop3A_157 = vector.bitcast %parallel_loop3A_156 : vector<16xi32> to vector<32xbf16>
        %parallel_loop3A_158 = arith.mulf %parallel_loop3A_129, %parallel_loop3A_81 : vector<16xf32>
        %parallel_loop3A_159 = tpu.pack_subelements %parallel_loop3A_158, %parallel_loop3A_158 {pack_format = #tpu.pack_format<interleaved>, positions = array<i32: 0, 1>} : vector<16xf32>, vector<16xf32> -> vector<32xbf16>
        %parallel_loop3A_160 = arith.mulf %parallel_loop3A_159, %parallel_loop3A_157 : vector<32xbf16>
        %parallel_loop3A_161 = arith.addf %parallel_loop3A_154, %parallel_loop3A_160 : vector<32xbf16>
        %parallel_loop3A_162 = arith.xori %parallel_loop3A_117, %parallel_loop3A_108 : vector<16xi32>
        %parallel_loop3A_163 = tpu.vector_load_idx %arg10[%parallel_loop3A_162] : memref<65536xi32, #tpu.memory_space<vmem>>[vector<16xi32>], vector<16xi32>,
        %parallel_loop3A_164 = vector.bitcast %parallel_loop3A_163 : vector<16xi32> to vector<32xbf16>
        %parallel_loop3A_165 = arith.mulf %parallel_loop3A_130, %parallel_loop3A_127 : vector<16xf32>
        %parallel_loop3A_166 = tpu.pack_subelements %parallel_loop3A_165, %parallel_loop3A_165 {pack_format = #tpu.pack_format<interleaved>, positions = array<i32: 0, 1>} : vector<16xf32>, vector<16xf32> -> vector<32xbf16>
        %parallel_loop3A_167 = arith.mulf %parallel_loop3A_166, %parallel_loop3A_164 : vector<32xbf16>
        %parallel_loop3A_168 = arith.addf %parallel_loop3A_161, %parallel_loop3A_167 : vector<32xbf16>
        %parallel_loop3A_169 = arith.xori %parallel_loop3A_117, %parallel_loop3A_114 : vector<16xi32>
        %parallel_loop3A_170 = tpu.vector_load_idx %arg10[%parallel_loop3A_169] : memref<65536xi32, #tpu.memory_space<vmem>>[vector<16xi32>], vector<16xi32>,
        %parallel_loop3A_171 = vector.bitcast %parallel_loop3A_170 : vector<16xi32> to vector<32xbf16>
        %parallel_loop3A_172 = arith.mulf %parallel_loop3A_130, %parallel_loop3A_81 : vector<16xf32>
        %parallel_loop3A_173 = tpu.pack_subelements %parallel_loop3A_172, %parallel_loop3A_172 {pack_format = #tpu.pack_format<interleaved>, positions = array<i32: 0, 1>} : vector<16xf32>, vector<16xf32> -> vector<32xbf16>
        %parallel_loop3A_174 = arith.mulf %parallel_loop3A_173, %parallel_loop3A_171 : vector<32xbf16>
        %parallel_loop3A_175 = arith.addf %parallel_loop3A_168, %parallel_loop3A_174 : vector<32xbf16>
        %parallel_loop3A_176 = arith.xori %parallel_loop3A_118, %parallel_loop3A_108 : vector<16xi32>
        %parallel_loop3A_177 = tpu.vector_load_idx %arg10[%parallel_loop3A_176] : memref<65536xi32, #tpu.memory_space<vmem>>[vector<16xi32>], vector<16xi32>,
        %parallel_loop3A_178 = vector.bitcast %parallel_loop3A_177 : vector<16xi32> to vector<32xbf16>
        %parallel_loop3A_179 = arith.mulf %parallel_loop3A_131, %parallel_loop3A_127 : vector<16xf32>
        %parallel_loop3A_180 = tpu.pack_subelements %parallel_loop3A_179, %parallel_loop3A_179 {pack_format = #tpu.pack_format<interleaved>, positions = array<i32: 0, 1>} : vector<16xf32>, vector<16xf32> -> vector<32xbf16>
        %parallel_loop3A_181 = arith.mulf %parallel_loop3A_180, %parallel_loop3A_178 : vector<32xbf16>
        %parallel_loop3A_182 = arith.addf %parallel_loop3A_175, %parallel_loop3A_181 : vector<32xbf16>
        %parallel_loop3A_183 = arith.xori %parallel_loop3A_118, %parallel_loop3A_114 : vector<16xi32>
        %parallel_loop3A_184 = tpu.vector_load_idx %arg10[%parallel_loop3A_183] : memref<65536xi32, #tpu.memory_space<vmem>>[vector<16xi32>], vector<16xi32>,
        %parallel_loop3A_185 = vector.bitcast %parallel_loop3A_184 : vector<16xi32> to vector<32xbf16>
        %parallel_loop3A_186 = arith.mulf %parallel_loop3A_131, %parallel_loop3A_81 : vector<16xf32>
        %parallel_loop3A_187 = tpu.pack_subelements %parallel_loop3A_186, %parallel_loop3A_186 {pack_format = #tpu.pack_format<interleaved>, positions = array<i32: 0, 1>} : vector<16xf32>, vector<16xf32> -> vector<32xbf16>
        %parallel_loop3A_188 = arith.mulf %parallel_loop3A_187, %parallel_loop3A_185 : vector<32xbf16>
        %parallel_loop3A_189 = arith.addf %parallel_loop3A_182, %parallel_loop3A_188 : vector<32xbf16>
        %parallel_loop3A_190 = vector.bitcast %parallel_loop3A_189 : vector<32xbf16> to vector<16xi32>
        %parallel_loop3A_191 = arith.index_cast %parallel_loop3A_63 : i32 to index
        %parallel_loop3A_192 = tpu.vector_load %arg9[%parallel_loop3A_191] {strides = array<i32>} : memref<8192xi32, #tpu.memory_space<vmem>>, vector<16xi32>,
        tpu.vector_store %arg9[%parallel_loop3A_191], %parallel_loop3A_190 {strides = array<i32>} : memref<8192xi32, #tpu.memory_space<vmem>>, vector<16xi32>,
      } {sc.loop_unroll_factor = 4 : i64, sc.parallel_access}
      %mul3A_57 = arith.constant 131072 : i32
      %mul3A_58 = arith.muli %select_n3A_9, %mul3A_57 : i32
      %sub3A_59 = arith.constant 262144 : i32
      %sub3A_60 = arith.subi %add3A_50, %sub3A_59 : i32
      %add3A_61 = arith.addi %mul3A_58, %sub3A_60 : i32
      "tpu.region"() ({
        %run_scoped3A = tpu.sem_alloc : memref<!tpu.dma_semaphore, #tpu.memory_space<semaphore_mem>>
        %dma_start3A = tpu.memref_slice %arg5[%add3A_61] : memref<2097152xi32, #tpu.memory_space<hbm>> -> memref<8192xi32, #tpu.memory_space<hbm>>
        %dma_start3A_63 = tpu.memref_slice %arg5[%add3A_61] : memref<2097152xi32, #tpu.memory_space<hbm>> -> memref<8192xi32, #tpu.memory_space<hbm>>
        tpu.enqueue_dma source(%arg9 : memref<8192xi32, #tpu.memory_space<vmem>>) target(%dma_start3A_63 : memref<8192xi32, #tpu.memory_space<hbm>>) target_semaphore(%run_scoped3A : memref<!tpu.dma_semaphore, #tpu.memory_space<semaphore_mem>>)
        %dma_wait3A = tpu.memref_slice %arg5[%add3A_61] : memref<2097152xi32, #tpu.memory_space<hbm>> -> memref<8192xi32, #tpu.memory_space<hbm>>
        %dma_wait3A_64 = tpu.memref_slice %arg5[%add3A_61] : memref<2097152xi32, #tpu.memory_space<hbm>> -> memref<8192xi32, #tpu.memory_space<hbm>>
        tpu.wait_dma2 semaphore(%run_scoped3A : memref<!tpu.dma_semaphore, #tpu.memory_space<semaphore_mem>>) src(%arg9 : memref<8192xi32, #tpu.memory_space<vmem>>) dst(%dma_wait3A_64 : memref<8192xi32, #tpu.memory_space<hbm>>)
        tpu.yield
      }) : () -> ()
      %scan3A_62 = arith.constant 0 : i32
      scf.yield %scan3A_62 : i32
    }
    %scan3A_45 = arith.constant 8 : i32
    return
  }
}

module attributes {stable_mosaic.version = 14 : i64} {
  func.func @_tc_body(%arg0: i32, %arg1: memref<16x2048xi32, #tpu.memory_space<vmem>>, %arg2: memref<3x2048xf32, #tpu.memory_space<vmem>>, %arg3: memref<16x16xf32, #tpu.memory_space<vmem>>, %arg4: memref<16x16xf32, #tpu.memory_space<vmem>>, %arg5: memref<36x1xf32, #tpu.memory_space<vmem>>, %arg6: memref<36x1xf32, #tpu.memory_space<vmem>>, %arg7: memref<2048x55xf32, #tpu.memory_space<vmem>>) attributes {dimension_semantics = [#tpu.dimension_semantics<arbitrary>], iteration_bounds = array<i64: 64>, scalar_prefetch = 0 : i64, scratch_operands = 0 : i64, tpu.core_type = #tpu.core_type<tc>, window_params = [{transform_indices = @transform_0, window_bounds = array<i64: 16, 2048>}, {transform_indices = @transform_1, window_bounds = array<i64: 3, 2048>}, {pipeline_mode = #tpu.pipeline_mode<synchronous>, transform_indices = @transform_2, window_bounds = array<i64: 16, 16>}, {pipeline_mode = #tpu.pipeline_mode<synchronous>, transform_indices = @transform_3, window_bounds = array<i64: 16, 16>}, {pipeline_mode = #tpu.pipeline_mode<synchronous>, transform_indices = @transform_4, window_bounds = array<i64: 36, 1>}, {pipeline_mode = #tpu.pipeline_mode<synchronous>, transform_indices = @transform_5, window_bounds = array<i64: 36, 1>}, {transform_indices = @transform_6, window_bounds = array<i64: 2048, 55>}]} {
    %get3A = arith.constant 0 : index
    %get3A_0 = arith.constant 0 : index
    %get3A_1 = vector.load %arg1[%get3A, %get3A_0] : memref<16x2048xi32, #tpu.memory_space<vmem>>, vector<16x2048xi32>
    %shift_left3A = arith.constant 16 : i32
    %shift_left3A_2 = vector.broadcast %shift_left3A : i32 to vector<16x2048xi32>
    %shift_left3A_3 = arith.shli %get3A_1, %shift_left3A_2 : vector<16x2048xi32>
    %bitcast_convert_type3A = tpu.bitcast %shift_left3A_3 : vector<16x2048xi32> -> vector<16x2048xf32>
    %and3A = arith.constant -65536 : i32
    %and3A_4 = vector.broadcast %and3A : i32 to vector<16x2048xi32>
    %and3A_5 = arith.andi %get3A_1, %and3A_4 : vector<16x2048xi32>
    %bitcast_convert_type3A_6 = tpu.bitcast %and3A_5 : vector<16x2048xi32> -> vector<16x2048xf32>
    %get3A_7 = arith.constant 0 : index
    %get3A_8 = arith.constant 0 : index
    %get3A_9 = vector.load %arg3[%get3A_7, %get3A_8] : memref<16x16xf32, #tpu.memory_space<vmem>>, vector<16x16xf32>
    %dot_general3A = arith.constant dense<0.000000e+00> : vector<2048x16xf32>
    %dot_general3A_10 = tpu.matmul %bitcast_convert_type3A, %get3A_9, %dot_general3A {dimension_numbers = #tpu.dot_dimension_numbers<[0], [0], [1], [1], [0, 1, 1, 1], [], []>, transpose_lhs_hint = false} : vector<16x2048xf32>, vector<16x16xf32>, vector<2048x16xf32> -> vector<2048x16xf32>
    %get3A_11 = arith.constant 0 : index
    %get3A_12 = arith.constant 0 : index
    %get3A_13 = vector.load %arg4[%get3A_11, %get3A_12] : memref<16x16xf32, #tpu.memory_space<vmem>>, vector<16x16xf32>
    %dot_general3A_14 = arith.constant dense<0.000000e+00> : vector<2048x16xf32>
    %dot_general3A_15 = tpu.matmul %bitcast_convert_type3A_6, %get3A_13, %dot_general3A_14 {dimension_numbers = #tpu.dot_dimension_numbers<[0], [0], [1], [1], [0, 1, 1, 1], [], []>, transpose_lhs_hint = false} : vector<16x2048xf32>, vector<16x16xf32>, vector<2048x16xf32> -> vector<2048x16xf32>
    %add3A = arith.addf %dot_general3A_10, %dot_general3A_15 : vector<2048x16xf32>
    %get3A_16 = arith.constant 0 : index
    %get3A_17 = arith.constant 0 : index
    %get3A_18 = vector.load %arg2[%get3A_16, %get3A_17] : memref<3x2048xf32, #tpu.memory_space<vmem>>, vector<3x2048xf32>
    %concatenate3A = tpu.concatenate %get3A_18, %get3A_18, %get3A_18, %get3A_18, %get3A_18, %get3A_18, %get3A_18, %get3A_18, %get3A_18, %get3A_18, %get3A_18, %get3A_18 in 0 : vector<3x2048xf32>, vector<3x2048xf32>, vector<3x2048xf32>, vector<3x2048xf32>, vector<3x2048xf32>, vector<3x2048xf32>, vector<3x2048xf32>, vector<3x2048xf32>, vector<3x2048xf32>, vector<3x2048xf32>, vector<3x2048xf32>, vector<3x2048xf32> -> vector<36x2048xf32>
    %get3A_19 = arith.constant 0 : index
    %get3A_20 = arith.constant 0 : index
    %get3A_21 = vector.load %arg5[%get3A_19, %get3A_20] : memref<36x1xf32, #tpu.memory_space<vmem>>, vector<36x1xf32>
    %mul3A = vector.broadcast %get3A_21 : vector<36x1xf32> to vector<36x2048xf32>
    %mul3A_22 = arith.mulf %concatenate3A, %mul3A : vector<36x2048xf32>
    %get3A_23 = arith.constant 0 : index
    %get3A_24 = arith.constant 0 : index
    %get3A_25 = vector.load %arg6[%get3A_23, %get3A_24] : memref<36x1xf32, #tpu.memory_space<vmem>>, vector<36x1xf32>
    %add3A_26 = vector.broadcast %get3A_25 : vector<36x1xf32> to vector<36x2048xf32>
    %add3A_27 = arith.addf %mul3A_22, %add3A_26 : vector<36x2048xf32>
    %mul3A_28 = arith.constant 0.318309873 : f32
    %mul3A_29 = vector.broadcast %mul3A_28 : f32 to vector<36x2048xf32>
    %mul3A_30 = arith.mulf %add3A_27, %mul3A_29 : vector<36x2048xf32>
    %add3A_31 = arith.constant 0x4B400000 : f32
    %add3A_32 = vector.broadcast %add3A_31 : f32 to vector<36x2048xf32>
    %add3A_33 = arith.addf %mul3A_30, %add3A_32 : vector<36x2048xf32>
    %bitcast_convert_type3A_34 = tpu.bitcast %add3A_33 : vector<36x2048xf32> -> vector<36x2048xi32>
    %sub3A = arith.constant 1262485504 : i32
    %sub3A_35 = vector.broadcast %sub3A : i32 to vector<36x2048xi32>
    %sub3A_36 = arith.subi %bitcast_convert_type3A_34, %sub3A_35 : vector<36x2048xi32>
    %convert_element_type3A = arith.sitofp %sub3A_36 : vector<36x2048xi32> to vector<36x2048xf32>
    %mul3A_37 = arith.constant 3.14159274 : f32
    %mul3A_38 = vector.broadcast %mul3A_37 : f32 to vector<36x2048xf32>
    %mul3A_39 = arith.mulf %convert_element_type3A, %mul3A_38 : vector<36x2048xf32>
    %sub3A_40 = arith.subf %add3A_27, %mul3A_39 : vector<36x2048xf32>
    %mul3A_41 = arith.constant -8.74227765E-8 : f32
    %mul3A_42 = vector.broadcast %mul3A_41 : f32 to vector<36x2048xf32>
    %mul3A_43 = arith.mulf %convert_element_type3A, %mul3A_42 : vector<36x2048xf32>
    %sub3A_44 = arith.subf %sub3A_40, %mul3A_43 : vector<36x2048xf32>
    %mul3A_45 = arith.mulf %sub3A_44, %sub3A_44 : vector<36x2048xf32>
    %mul3A_46 = arith.constant -1.98408743E-4 : f32
    %mul3A_47 = vector.broadcast %mul3A_46 : f32 to vector<36x2048xf32>
    %mul3A_48 = arith.mulf %mul3A_45, %mul3A_47 : vector<36x2048xf32>
    %add3A_49 = arith.constant 0.00833333097 : f32
    %add3A_50 = vector.broadcast %add3A_49 : f32 to vector<36x2048xf32>
    %add3A_51 = arith.addf %add3A_50, %mul3A_48 : vector<36x2048xf32>
    %mul3A_52 = arith.mulf %mul3A_45, %add3A_51 : vector<36x2048xf32>
    %add3A_53 = arith.constant -0.166666672 : f32
    %add3A_54 = vector.broadcast %add3A_53 : f32 to vector<36x2048xf32>
    %add3A_55 = arith.addf %add3A_54, %mul3A_52 : vector<36x2048xf32>
    %mul3A_56 = arith.mulf %mul3A_45, %add3A_55 : vector<36x2048xf32>
    %add3A_57 = arith.constant 1.000000e+00 : f32
    %add3A_58 = vector.broadcast %add3A_57 : f32 to vector<36x2048xf32>
    %add3A_59 = arith.addf %add3A_58, %mul3A_56 : vector<36x2048xf32>
    %mul3A_60 = arith.mulf %sub3A_44, %add3A_59 : vector<36x2048xf32>
    %bitcast_convert_type3A_61 = tpu.bitcast %mul3A_60 : vector<36x2048xf32> -> vector<36x2048xi32>
    %shift_left3A_62 = arith.constant 31 : i32
    %shift_left3A_63 = vector.broadcast %shift_left3A_62 : i32 to vector<36x2048xi32>
    %shift_left3A_64 = arith.shli %sub3A_36, %shift_left3A_63 : vector<36x2048xi32>
    %xor3A = arith.xori %bitcast_convert_type3A_61, %shift_left3A_64 : vector<36x2048xi32>
    %bitcast_convert_type3A_65 = tpu.bitcast %xor3A : vector<36x2048xi32> -> vector<36x2048xf32>
    %concatenate3A_66 = tpu.concatenate %get3A_18, %bitcast_convert_type3A_65 in 0 : vector<3x2048xf32>, vector<36x2048xf32> -> vector<39x2048xf32>
    %transpose3A = tpu.transpose %concatenate3A_66, [1, 0] : vector<39x2048xf32> -> vector<2048x39xf32>
    %concatenate3A_67 = tpu.concatenate %add3A, %transpose3A in 1 : vector<2048x16xf32>, vector<2048x39xf32> -> vector<2048x55xf32>
    %swap3A = arith.constant 0 : index
    %swap3A_68 = arith.constant 0 : index
    %swap3A_69 = vector.load %arg7[%swap3A, %swap3A_68] : memref<2048x55xf32, #tpu.memory_space<vmem>>, vector<2048x55xf32>
    tpu.vector_store %arg7[%swap3A, %swap3A_68], %concatenate3A_67 {strides = array<i32>} : memref<2048x55xf32, #tpu.memory_space<vmem>>, vector<2048x55xf32>,
    return
  }
  func.func @transform_0(%arg0: i32) -> (i32, i32) {
    %c0_i32 = arith.constant 0 : i32
    %c0_i32_0 = arith.constant 0 : i32
    return %c0_i32, %arg0 : i32, i32
  }
  func.func @transform_1(%arg0: i32) -> (i32, i32) {
    %add3A = arith.constant 0 : i32
    %add3A_0 = arith.addi %arg0, %add3A : i32
    %c0_i32 = arith.constant 0 : i32
    %c0_i32_1 = arith.constant 0 : i32
    return %c0_i32, %add3A_0 : i32, i32
  }
  func.func @transform_2(%arg0: i32) -> (i32, i32) {
    %c0_i32 = arith.constant 0 : i32
    %c0_i32_0 = arith.constant 0 : i32
    %c0_i32_1 = arith.constant 0 : i32
    return %c0_i32, %c0_i32_0 : i32, i32
  }
  func.func @transform_3(%arg0: i32) -> (i32, i32) {
    %c0_i32 = arith.constant 0 : i32
    %c0_i32_0 = arith.constant 0 : i32
    %c0_i32_1 = arith.constant 0 : i32
    return %c0_i32, %c0_i32_0 : i32, i32
  }
  func.func @transform_4(%arg0: i32) -> (i32, i32) {
    %c0_i32 = arith.constant 0 : i32
    %c0_i32_0 = arith.constant 0 : i32
    %c0_i32_1 = arith.constant 0 : i32
    return %c0_i32, %c0_i32_0 : i32, i32
  }
  func.func @transform_5(%arg0: i32) -> (i32, i32) {
    %c0_i32 = arith.constant 0 : i32
    %c0_i32_0 = arith.constant 0 : i32
    %c0_i32_1 = arith.constant 0 : i32
    return %c0_i32, %c0_i32_0 : i32, i32
  }
  func.func @transform_6(%arg0: i32) -> (i32, i32) {
    %add3A = arith.constant 0 : i32
    %add3A_0 = arith.addi %arg0, %add3A : i32
    %c0_i32 = arith.constant 0 : i32
    %c0_i32_1 = arith.constant 0 : i32
    return %add3A_0, %c0_i32 : i32, i32
  }
}

module attributes {stable_mosaic.version = 14 : i64} {
  func.func @_tc_body_alias(%arg0: i32, %arg1: memref<524288x55xf32, #tpu.memory_space<hbm>>, %arg2: memref<16x2048xi32, #tpu.memory_space<vmem>>, %arg3: memref<3x2048xf32, #tpu.memory_space<vmem>>, %arg4: memref<16x16xf32, #tpu.memory_space<vmem>>, %arg5: memref<16x16xf32, #tpu.memory_space<vmem>>, %arg6: memref<36x1xf32, #tpu.memory_space<vmem>>, %arg7: memref<36x1xf32, #tpu.memory_space<vmem>>, %arg8: memref<2048x55xf32, #tpu.memory_space<vmem>>) attributes {dimension_semantics = [#tpu.dimension_semantics<arbitrary>], iteration_bounds = array<i64: 64>, scalar_prefetch = 0 : i64, scratch_operands = 0 : i64, tpu.core_type = #tpu.core_type<tc>, window_params = [{}, {transform_indices = @transform_1, window_bounds = array<i64: 16, 2048>}, {transform_indices = @transform_2, window_bounds = array<i64: 3, 2048>}, {pipeline_mode = #tpu.pipeline_mode<synchronous>, transform_indices = @transform_3, window_bounds = array<i64: 16, 16>}, {pipeline_mode = #tpu.pipeline_mode<synchronous>, transform_indices = @transform_4, window_bounds = array<i64: 16, 16>}, {pipeline_mode = #tpu.pipeline_mode<synchronous>, transform_indices = @transform_5, window_bounds = array<i64: 36, 1>}, {pipeline_mode = #tpu.pipeline_mode<synchronous>, transform_indices = @transform_6, window_bounds = array<i64: 36, 1>}, {transform_indices = @transform_7, window_bounds = array<i64: 2048, 55>}]} {
    %get3A = arith.constant 0 : index
    %get3A_0 = arith.constant 0 : index
    %get3A_1 = vector.load %arg2[%get3A, %get3A_0] : memref<16x2048xi32, #tpu.memory_space<vmem>>, vector<16x2048xi32>
    %shift_left3A = arith.constant 16 : i32
    %shift_left3A_2 = vector.broadcast %shift_left3A : i32 to vector<16x2048xi32>
    %shift_left3A_3 = arith.shli %get3A_1, %shift_left3A_2 : vector<16x2048xi32>
    %bitcast_convert_type3A = tpu.bitcast %shift_left3A_3 : vector<16x2048xi32> -> vector<16x2048xf32>
    %and3A = arith.constant -65536 : i32
    %and3A_4 = vector.broadcast %and3A : i32 to vector<16x2048xi32>
    %and3A_5 = arith.andi %get3A_1, %and3A_4 : vector<16x2048xi32>
    %bitcast_convert_type3A_6 = tpu.bitcast %and3A_5 : vector<16x2048xi32> -> vector<16x2048xf32>
    %get3A_7 = arith.constant 0 : index
    %get3A_8 = arith.constant 0 : index
    %get3A_9 = vector.load %arg4[%get3A_7, %get3A_8] : memref<16x16xf32, #tpu.memory_space<vmem>>, vector<16x16xf32>
    %dot_general3A = arith.constant dense<0.000000e+00> : vector<2048x16xf32>
    %dot_general3A_10 = tpu.matmul %bitcast_convert_type3A, %get3A_9, %dot_general3A {dimension_numbers = #tpu.dot_dimension_numbers<[0], [0], [1], [1], [0, 1, 1, 1], [], []>, transpose_lhs_hint = false} : vector<16x2048xf32>, vector<16x16xf32>, vector<2048x16xf32> -> vector<2048x16xf32>
    %get3A_11 = arith.constant 0 : index
    %get3A_12 = arith.constant 0 : index
    %get3A_13 = vector.load %arg5[%get3A_11, %get3A_12] : memref<16x16xf32, #tpu.memory_space<vmem>>, vector<16x16xf32>
    %dot_general3A_14 = arith.constant dense<0.000000e+00> : vector<2048x16xf32>
    %dot_general3A_15 = tpu.matmul %bitcast_convert_type3A_6, %get3A_13, %dot_general3A_14 {dimension_numbers = #tpu.dot_dimension_numbers<[0], [0], [1], [1], [0, 1, 1, 1], [], []>, transpose_lhs_hint = false} : vector<16x2048xf32>, vector<16x16xf32>, vector<2048x16xf32> -> vector<2048x16xf32>
    %add3A = arith.addf %dot_general3A_10, %dot_general3A_15 : vector<2048x16xf32>
    %get3A_16 = arith.constant 0 : index
    %get3A_17 = arith.constant 0 : index
    %get3A_18 = vector.load %arg3[%get3A_16, %get3A_17] : memref<3x2048xf32, #tpu.memory_space<vmem>>, vector<3x2048xf32>
    %concatenate3A = tpu.concatenate %get3A_18, %get3A_18, %get3A_18, %get3A_18, %get3A_18, %get3A_18, %get3A_18, %get3A_18, %get3A_18, %get3A_18, %get3A_18, %get3A_18 in 0 : vector<3x2048xf32>, vector<3x2048xf32>, vector<3x2048xf32>, vector<3x2048xf32>, vector<3x2048xf32>, vector<3x2048xf32>, vector<3x2048xf32>, vector<3x2048xf32>, vector<3x2048xf32>, vector<3x2048xf32>, vector<3x2048xf32>, vector<3x2048xf32> -> vector<36x2048xf32>
    %get3A_19 = arith.constant 0 : index
    %get3A_20 = arith.constant 0 : index
    %get3A_21 = vector.load %arg6[%get3A_19, %get3A_20] : memref<36x1xf32, #tpu.memory_space<vmem>>, vector<36x1xf32>
    %mul3A = vector.broadcast %get3A_21 : vector<36x1xf32> to vector<36x2048xf32>
    %mul3A_22 = arith.mulf %concatenate3A, %mul3A : vector<36x2048xf32>
    %get3A_23 = arith.constant 0 : index
    %get3A_24 = arith.constant 0 : index
    %get3A_25 = vector.load %arg7[%get3A_23, %get3A_24] : memref<36x1xf32, #tpu.memory_space<vmem>>, vector<36x1xf32>
    %add3A_26 = vector.broadcast %get3A_25 : vector<36x1xf32> to vector<36x2048xf32>
    %add3A_27 = arith.addf %mul3A_22, %add3A_26 : vector<36x2048xf32>
    %mul3A_28 = arith.constant 0.318309873 : f32
    %mul3A_29 = vector.broadcast %mul3A_28 : f32 to vector<36x2048xf32>
    %mul3A_30 = arith.mulf %add3A_27, %mul3A_29 : vector<36x2048xf32>
    %add3A_31 = arith.constant 0x4B400000 : f32
    %add3A_32 = vector.broadcast %add3A_31 : f32 to vector<36x2048xf32>
    %add3A_33 = arith.addf %mul3A_30, %add3A_32 : vector<36x2048xf32>
    %bitcast_convert_type3A_34 = tpu.bitcast %add3A_33 : vector<36x2048xf32> -> vector<36x2048xi32>
    %sub3A = arith.constant 1262485504 : i32
    %sub3A_35 = vector.broadcast %sub3A : i32 to vector<36x2048xi32>
    %sub3A_36 = arith.subi %bitcast_convert_type3A_34, %sub3A_35 : vector<36x2048xi32>
    %convert_element_type3A = arith.sitofp %sub3A_36 : vector<36x2048xi32> to vector<36x2048xf32>
    %mul3A_37 = arith.constant 3.14159274 : f32
    %mul3A_38 = vector.broadcast %mul3A_37 : f32 to vector<36x2048xf32>
    %mul3A_39 = arith.mulf %convert_element_type3A, %mul3A_38 : vector<36x2048xf32>
    %sub3A_40 = arith.subf %add3A_27, %mul3A_39 : vector<36x2048xf32>
    %mul3A_41 = arith.constant -8.74227765E-8 : f32
    %mul3A_42 = vector.broadcast %mul3A_41 : f32 to vector<36x2048xf32>
    %mul3A_43 = arith.mulf %convert_element_type3A, %mul3A_42 : vector<36x2048xf32>
    %sub3A_44 = arith.subf %sub3A_40, %mul3A_43 : vector<36x2048xf32>
    %mul3A_45 = arith.mulf %sub3A_44, %sub3A_44 : vector<36x2048xf32>
    %mul3A_46 = arith.constant -1.98408743E-4 : f32
    %mul3A_47 = vector.broadcast %mul3A_46 : f32 to vector<36x2048xf32>
    %mul3A_48 = arith.mulf %mul3A_45, %mul3A_47 : vector<36x2048xf32>
    %add3A_49 = arith.constant 0.00833333097 : f32
    %add3A_50 = vector.broadcast %add3A_49 : f32 to vector<36x2048xf32>
    %add3A_51 = arith.addf %add3A_50, %mul3A_48 : vector<36x2048xf32>
    %mul3A_52 = arith.mulf %mul3A_45, %add3A_51 : vector<36x2048xf32>
    %add3A_53 = arith.constant -0.166666672 : f32
    %add3A_54 = vector.broadcast %add3A_53 : f32 to vector<36x2048xf32>
    %add3A_55 = arith.addf %add3A_54, %mul3A_52 : vector<36x2048xf32>
    %mul3A_56 = arith.mulf %mul3A_45, %add3A_55 : vector<36x2048xf32>
    %add3A_57 = arith.constant 1.000000e+00 : f32
    %add3A_58 = vector.broadcast %add3A_57 : f32 to vector<36x2048xf32>
    %add3A_59 = arith.addf %add3A_58, %mul3A_56 : vector<36x2048xf32>
    %mul3A_60 = arith.mulf %sub3A_44, %add3A_59 : vector<36x2048xf32>
    %bitcast_convert_type3A_61 = tpu.bitcast %mul3A_60 : vector<36x2048xf32> -> vector<36x2048xi32>
    %shift_left3A_62 = arith.constant 31 : i32
    %shift_left3A_63 = vector.broadcast %shift_left3A_62 : i32 to vector<36x2048xi32>
    %shift_left3A_64 = arith.shli %sub3A_36, %shift_left3A_63 : vector<36x2048xi32>
    %xor3A = arith.xori %bitcast_convert_type3A_61, %shift_left3A_64 : vector<36x2048xi32>
    %bitcast_convert_type3A_65 = tpu.bitcast %xor3A : vector<36x2048xi32> -> vector<36x2048xf32>
    %concatenate3A_66 = tpu.concatenate %get3A_18, %bitcast_convert_type3A_65 in 0 : vector<3x2048xf32>, vector<36x2048xf32> -> vector<39x2048xf32>
    %transpose3A = tpu.transpose %concatenate3A_66, [1, 0] : vector<39x2048xf32> -> vector<2048x39xf32>
    %concatenate3A_67 = tpu.concatenate %add3A, %transpose3A in 1 : vector<2048x16xf32>, vector<2048x39xf32> -> vector<2048x55xf32>
    %swap3A = arith.constant 0 : index
    %swap3A_68 = arith.constant 0 : index
    %swap3A_69 = vector.load %arg8[%swap3A, %swap3A_68] : memref<2048x55xf32, #tpu.memory_space<vmem>>, vector<2048x55xf32>
    tpu.vector_store %arg8[%swap3A, %swap3A_68], %concatenate3A_67 {strides = array<i32>} : memref<2048x55xf32, #tpu.memory_space<vmem>>, vector<2048x55xf32>,
    return
  }
  func.func @transform_1(%arg0: i32) -> (i32, i32) {
    %c0_i32 = arith.constant 0 : i32
    %c0_i32_0 = arith.constant 0 : i32
    return %c0_i32, %arg0 : i32, i32
  }
  func.func @transform_2(%arg0: i32) -> (i32, i32) {
    %add3A = arith.constant 64 : i32
    %add3A_0 = arith.addi %arg0, %add3A : i32
    %c0_i32 = arith.constant 0 : i32
    %c0_i32_1 = arith.constant 0 : i32
    return %c0_i32, %add3A_0 : i32, i32
  }
  func.func @transform_3(%arg0: i32) -> (i32, i32) {
    %c0_i32 = arith.constant 0 : i32
    %c0_i32_0 = arith.constant 0 : i32
    %c0_i32_1 = arith.constant 0 : i32
    return %c0_i32, %c0_i32_0 : i32, i32
  }
  func.func @transform_4(%arg0: i32) -> (i32, i32) {
    %c0_i32 = arith.constant 0 : i32
    %c0_i32_0 = arith.constant 0 : i32
    %c0_i32_1 = arith.constant 0 : i32
    return %c0_i32, %c0_i32_0 : i32, i32
  }
  func.func @transform_5(%arg0: i32) -> (i32, i32) {
    %c0_i32 = arith.constant 0 : i32
    %c0_i32_0 = arith.constant 0 : i32
    %c0_i32_1 = arith.constant 0 : i32
    return %c0_i32, %c0_i32_0 : i32, i32
  }
  func.func @transform_6(%arg0: i32) -> (i32, i32) {
    %c0_i32 = arith.constant 0 : i32
    %c0_i32_0 = arith.constant 0 : i32
    %c0_i32_1 = arith.constant 0 : i32
    return %c0_i32, %c0_i32_0 : i32, i32
  }
  func.func @transform_7(%arg0: i32) -> (i32, i32) {
    %add3A = arith.constant 64 : i32
    %add3A_0 = arith.addi %arg0, %add3A : i32
    %c0_i32 = arith.constant 0 : i32
    %c0_i32_1 = arith.constant 0 : i32
    return %add3A_0, %c0_i32 : i32, i32
  }
}

module attributes {stable_mosaic.version = 14 : i64} {
  func.func @_tc_body_alias(%arg0: i32, %arg1: memref<524288x55xf32, #tpu.memory_space<hbm>>, %arg2: memref<16x2048xi32, #tpu.memory_space<vmem>>, %arg3: memref<3x2048xf32, #tpu.memory_space<vmem>>, %arg4: memref<16x16xf32, #tpu.memory_space<vmem>>, %arg5: memref<16x16xf32, #tpu.memory_space<vmem>>, %arg6: memref<36x1xf32, #tpu.memory_space<vmem>>, %arg7: memref<36x1xf32, #tpu.memory_space<vmem>>, %arg8: memref<2048x55xf32, #tpu.memory_space<vmem>>) attributes {dimension_semantics = [#tpu.dimension_semantics<arbitrary>], iteration_bounds = array<i64: 64>, scalar_prefetch = 0 : i64, scratch_operands = 0 : i64, tpu.core_type = #tpu.core_type<tc>, window_params = [{}, {transform_indices = @transform_1, window_bounds = array<i64: 16, 2048>}, {transform_indices = @transform_2, window_bounds = array<i64: 3, 2048>}, {pipeline_mode = #tpu.pipeline_mode<synchronous>, transform_indices = @transform_3, window_bounds = array<i64: 16, 16>}, {pipeline_mode = #tpu.pipeline_mode<synchronous>, transform_indices = @transform_4, window_bounds = array<i64: 16, 16>}, {pipeline_mode = #tpu.pipeline_mode<synchronous>, transform_indices = @transform_5, window_bounds = array<i64: 36, 1>}, {pipeline_mode = #tpu.pipeline_mode<synchronous>, transform_indices = @transform_6, window_bounds = array<i64: 36, 1>}, {transform_indices = @transform_7, window_bounds = array<i64: 2048, 55>}]} {
    %get3A = arith.constant 0 : index
    %get3A_0 = arith.constant 0 : index
    %get3A_1 = vector.load %arg2[%get3A, %get3A_0] : memref<16x2048xi32, #tpu.memory_space<vmem>>, vector<16x2048xi32>
    %shift_left3A = arith.constant 16 : i32
    %shift_left3A_2 = vector.broadcast %shift_left3A : i32 to vector<16x2048xi32>
    %shift_left3A_3 = arith.shli %get3A_1, %shift_left3A_2 : vector<16x2048xi32>
    %bitcast_convert_type3A = tpu.bitcast %shift_left3A_3 : vector<16x2048xi32> -> vector<16x2048xf32>
    %and3A = arith.constant -65536 : i32
    %and3A_4 = vector.broadcast %and3A : i32 to vector<16x2048xi32>
    %and3A_5 = arith.andi %get3A_1, %and3A_4 : vector<16x2048xi32>
    %bitcast_convert_type3A_6 = tpu.bitcast %and3A_5 : vector<16x2048xi32> -> vector<16x2048xf32>
    %get3A_7 = arith.constant 0 : index
    %get3A_8 = arith.constant 0 : index
    %get3A_9 = vector.load %arg4[%get3A_7, %get3A_8] : memref<16x16xf32, #tpu.memory_space<vmem>>, vector<16x16xf32>
    %dot_general3A = arith.constant dense<0.000000e+00> : vector<2048x16xf32>
    %dot_general3A_10 = tpu.matmul %bitcast_convert_type3A, %get3A_9, %dot_general3A {dimension_numbers = #tpu.dot_dimension_numbers<[0], [0], [1], [1], [0, 1, 1, 1], [], []>, transpose_lhs_hint = false} : vector<16x2048xf32>, vector<16x16xf32>, vector<2048x16xf32> -> vector<2048x16xf32>
    %get3A_11 = arith.constant 0 : index
    %get3A_12 = arith.constant 0 : index
    %get3A_13 = vector.load %arg5[%get3A_11, %get3A_12] : memref<16x16xf32, #tpu.memory_space<vmem>>, vector<16x16xf32>
    %dot_general3A_14 = arith.constant dense<0.000000e+00> : vector<2048x16xf32>
    %dot_general3A_15 = tpu.matmul %bitcast_convert_type3A_6, %get3A_13, %dot_general3A_14 {dimension_numbers = #tpu.dot_dimension_numbers<[0], [0], [1], [1], [0, 1, 1, 1], [], []>, transpose_lhs_hint = false} : vector<16x2048xf32>, vector<16x16xf32>, vector<2048x16xf32> -> vector<2048x16xf32>
    %add3A = arith.addf %dot_general3A_10, %dot_general3A_15 : vector<2048x16xf32>
    %get3A_16 = arith.constant 0 : index
    %get3A_17 = arith.constant 0 : index
    %get3A_18 = vector.load %arg3[%get3A_16, %get3A_17] : memref<3x2048xf32, #tpu.memory_space<vmem>>, vector<3x2048xf32>
    %concatenate3A = tpu.concatenate %get3A_18, %get3A_18, %get3A_18, %get3A_18, %get3A_18, %get3A_18, %get3A_18, %get3A_18, %get3A_18, %get3A_18, %get3A_18, %get3A_18 in 0 : vector<3x2048xf32>, vector<3x2048xf32>, vector<3x2048xf32>, vector<3x2048xf32>, vector<3x2048xf32>, vector<3x2048xf32>, vector<3x2048xf32>, vector<3x2048xf32>, vector<3x2048xf32>, vector<3x2048xf32>, vector<3x2048xf32>, vector<3x2048xf32> -> vector<36x2048xf32>
    %get3A_19 = arith.constant 0 : index
    %get3A_20 = arith.constant 0 : index
    %get3A_21 = vector.load %arg6[%get3A_19, %get3A_20] : memref<36x1xf32, #tpu.memory_space<vmem>>, vector<36x1xf32>
    %mul3A = vector.broadcast %get3A_21 : vector<36x1xf32> to vector<36x2048xf32>
    %mul3A_22 = arith.mulf %concatenate3A, %mul3A : vector<36x2048xf32>
    %get3A_23 = arith.constant 0 : index
    %get3A_24 = arith.constant 0 : index
    %get3A_25 = vector.load %arg7[%get3A_23, %get3A_24] : memref<36x1xf32, #tpu.memory_space<vmem>>, vector<36x1xf32>
    %add3A_26 = vector.broadcast %get3A_25 : vector<36x1xf32> to vector<36x2048xf32>
    %add3A_27 = arith.addf %mul3A_22, %add3A_26 : vector<36x2048xf32>
    %mul3A_28 = arith.constant 0.318309873 : f32
    %mul3A_29 = vector.broadcast %mul3A_28 : f32 to vector<36x2048xf32>
    %mul3A_30 = arith.mulf %add3A_27, %mul3A_29 : vector<36x2048xf32>
    %add3A_31 = arith.constant 0x4B400000 : f32
    %add3A_32 = vector.broadcast %add3A_31 : f32 to vector<36x2048xf32>
    %add3A_33 = arith.addf %mul3A_30, %add3A_32 : vector<36x2048xf32>
    %bitcast_convert_type3A_34 = tpu.bitcast %add3A_33 : vector<36x2048xf32> -> vector<36x2048xi32>
    %sub3A = arith.constant 1262485504 : i32
    %sub3A_35 = vector.broadcast %sub3A : i32 to vector<36x2048xi32>
    %sub3A_36 = arith.subi %bitcast_convert_type3A_34, %sub3A_35 : vector<36x2048xi32>
    %convert_element_type3A = arith.sitofp %sub3A_36 : vector<36x2048xi32> to vector<36x2048xf32>
    %mul3A_37 = arith.constant 3.14159274 : f32
    %mul3A_38 = vector.broadcast %mul3A_37 : f32 to vector<36x2048xf32>
    %mul3A_39 = arith.mulf %convert_element_type3A, %mul3A_38 : vector<36x2048xf32>
    %sub3A_40 = arith.subf %add3A_27, %mul3A_39 : vector<36x2048xf32>
    %mul3A_41 = arith.constant -8.74227765E-8 : f32
    %mul3A_42 = vector.broadcast %mul3A_41 : f32 to vector<36x2048xf32>
    %mul3A_43 = arith.mulf %convert_element_type3A, %mul3A_42 : vector<36x2048xf32>
    %sub3A_44 = arith.subf %sub3A_40, %mul3A_43 : vector<36x2048xf32>
    %mul3A_45 = arith.mulf %sub3A_44, %sub3A_44 : vector<36x2048xf32>
    %mul3A_46 = arith.constant -1.98408743E-4 : f32
    %mul3A_47 = vector.broadcast %mul3A_46 : f32 to vector<36x2048xf32>
    %mul3A_48 = arith.mulf %mul3A_45, %mul3A_47 : vector<36x2048xf32>
    %add3A_49 = arith.constant 0.00833333097 : f32
    %add3A_50 = vector.broadcast %add3A_49 : f32 to vector<36x2048xf32>
    %add3A_51 = arith.addf %add3A_50, %mul3A_48 : vector<36x2048xf32>
    %mul3A_52 = arith.mulf %mul3A_45, %add3A_51 : vector<36x2048xf32>
    %add3A_53 = arith.constant -0.166666672 : f32
    %add3A_54 = vector.broadcast %add3A_53 : f32 to vector<36x2048xf32>
    %add3A_55 = arith.addf %add3A_54, %mul3A_52 : vector<36x2048xf32>
    %mul3A_56 = arith.mulf %mul3A_45, %add3A_55 : vector<36x2048xf32>
    %add3A_57 = arith.constant 1.000000e+00 : f32
    %add3A_58 = vector.broadcast %add3A_57 : f32 to vector<36x2048xf32>
    %add3A_59 = arith.addf %add3A_58, %mul3A_56 : vector<36x2048xf32>
    %mul3A_60 = arith.mulf %sub3A_44, %add3A_59 : vector<36x2048xf32>
    %bitcast_convert_type3A_61 = tpu.bitcast %mul3A_60 : vector<36x2048xf32> -> vector<36x2048xi32>
    %shift_left3A_62 = arith.constant 31 : i32
    %shift_left3A_63 = vector.broadcast %shift_left3A_62 : i32 to vector<36x2048xi32>
    %shift_left3A_64 = arith.shli %sub3A_36, %shift_left3A_63 : vector<36x2048xi32>
    %xor3A = arith.xori %bitcast_convert_type3A_61, %shift_left3A_64 : vector<36x2048xi32>
    %bitcast_convert_type3A_65 = tpu.bitcast %xor3A : vector<36x2048xi32> -> vector<36x2048xf32>
    %concatenate3A_66 = tpu.concatenate %get3A_18, %bitcast_convert_type3A_65 in 0 : vector<3x2048xf32>, vector<36x2048xf32> -> vector<39x2048xf32>
    %transpose3A = tpu.transpose %concatenate3A_66, [1, 0] : vector<39x2048xf32> -> vector<2048x39xf32>
    %concatenate3A_67 = tpu.concatenate %add3A, %transpose3A in 1 : vector<2048x16xf32>, vector<2048x39xf32> -> vector<2048x55xf32>
    %swap3A = arith.constant 0 : index
    %swap3A_68 = arith.constant 0 : index
    %swap3A_69 = vector.load %arg8[%swap3A, %swap3A_68] : memref<2048x55xf32, #tpu.memory_space<vmem>>, vector<2048x55xf32>
    tpu.vector_store %arg8[%swap3A, %swap3A_68], %concatenate3A_67 {strides = array<i32>} : memref<2048x55xf32, #tpu.memory_space<vmem>>, vector<2048x55xf32>,
    return
  }
  func.func @transform_1(%arg0: i32) -> (i32, i32) {
    %c0_i32 = arith.constant 0 : i32
    %c0_i32_0 = arith.constant 0 : i32
    return %c0_i32, %arg0 : i32, i32
  }
  func.func @transform_2(%arg0: i32) -> (i32, i32) {
    %add3A = arith.constant 128 : i32
    %add3A_0 = arith.addi %arg0, %add3A : i32
    %c0_i32 = arith.constant 0 : i32
    %c0_i32_1 = arith.constant 0 : i32
    return %c0_i32, %add3A_0 : i32, i32
  }
  func.func @transform_3(%arg0: i32) -> (i32, i32) {
    %c0_i32 = arith.constant 0 : i32
    %c0_i32_0 = arith.constant 0 : i32
    %c0_i32_1 = arith.constant 0 : i32
    return %c0_i32, %c0_i32_0 : i32, i32
  }
  func.func @transform_4(%arg0: i32) -> (i32, i32) {
    %c0_i32 = arith.constant 0 : i32
    %c0_i32_0 = arith.constant 0 : i32
    %c0_i32_1 = arith.constant 0 : i32
    return %c0_i32, %c0_i32_0 : i32, i32
  }
  func.func @transform_5(%arg0: i32) -> (i32, i32) {
    %c0_i32 = arith.constant 0 : i32
    %c0_i32_0 = arith.constant 0 : i32
    %c0_i32_1 = arith.constant 0 : i32
    return %c0_i32, %c0_i32_0 : i32, i32
  }
  func.func @transform_6(%arg0: i32) -> (i32, i32) {
    %c0_i32 = arith.constant 0 : i32
    %c0_i32_0 = arith.constant 0 : i32
    %c0_i32_1 = arith.constant 0 : i32
    return %c0_i32, %c0_i32_0 : i32, i32
  }
  func.func @transform_7(%arg0: i32) -> (i32, i32) {
    %add3A = arith.constant 128 : i32
    %add3A_0 = arith.addi %arg0, %add3A : i32
    %c0_i32 = arith.constant 0 : i32
    %c0_i32_1 = arith.constant 0 : i32
    return %add3A_0, %c0_i32 : i32, i32
  }
}

module attributes {stable_mosaic.version = 14 : i64} {
  func.func @_tc_body_alias(%arg0: i32, %arg1: memref<524288x55xf32, #tpu.memory_space<hbm>>, %arg2: memref<16x2048xi32, #tpu.memory_space<vmem>>, %arg3: memref<3x2048xf32, #tpu.memory_space<vmem>>, %arg4: memref<16x16xf32, #tpu.memory_space<vmem>>, %arg5: memref<16x16xf32, #tpu.memory_space<vmem>>, %arg6: memref<36x1xf32, #tpu.memory_space<vmem>>, %arg7: memref<36x1xf32, #tpu.memory_space<vmem>>, %arg8: memref<2048x55xf32, #tpu.memory_space<vmem>>) attributes {dimension_semantics = [#tpu.dimension_semantics<arbitrary>], iteration_bounds = array<i64: 64>, scalar_prefetch = 0 : i64, scratch_operands = 0 : i64, tpu.core_type = #tpu.core_type<tc>, window_params = [{}, {transform_indices = @transform_1, window_bounds = array<i64: 16, 2048>}, {transform_indices = @transform_2, window_bounds = array<i64: 3, 2048>}, {pipeline_mode = #tpu.pipeline_mode<synchronous>, transform_indices = @transform_3, window_bounds = array<i64: 16, 16>}, {pipeline_mode = #tpu.pipeline_mode<synchronous>, transform_indices = @transform_4, window_bounds = array<i64: 16, 16>}, {pipeline_mode = #tpu.pipeline_mode<synchronous>, transform_indices = @transform_5, window_bounds = array<i64: 36, 1>}, {pipeline_mode = #tpu.pipeline_mode<synchronous>, transform_indices = @transform_6, window_bounds = array<i64: 36, 1>}, {transform_indices = @transform_7, window_bounds = array<i64: 2048, 55>}]} {
    %get3A = arith.constant 0 : index
    %get3A_0 = arith.constant 0 : index
    %get3A_1 = vector.load %arg2[%get3A, %get3A_0] : memref<16x2048xi32, #tpu.memory_space<vmem>>, vector<16x2048xi32>
    %shift_left3A = arith.constant 16 : i32
    %shift_left3A_2 = vector.broadcast %shift_left3A : i32 to vector<16x2048xi32>
    %shift_left3A_3 = arith.shli %get3A_1, %shift_left3A_2 : vector<16x2048xi32>
    %bitcast_convert_type3A = tpu.bitcast %shift_left3A_3 : vector<16x2048xi32> -> vector<16x2048xf32>
    %and3A = arith.constant -65536 : i32
    %and3A_4 = vector.broadcast %and3A : i32 to vector<16x2048xi32>
    %and3A_5 = arith.andi %get3A_1, %and3A_4 : vector<16x2048xi32>
    %bitcast_convert_type3A_6 = tpu.bitcast %and3A_5 : vector<16x2048xi32> -> vector<16x2048xf32>
    %get3A_7 = arith.constant 0 : index
    %get3A_8 = arith.constant 0 : index
    %get3A_9 = vector.load %arg4[%get3A_7, %get3A_8] : memref<16x16xf32, #tpu.memory_space<vmem>>, vector<16x16xf32>
    %dot_general3A = arith.constant dense<0.000000e+00> : vector<2048x16xf32>
    %dot_general3A_10 = tpu.matmul %bitcast_convert_type3A, %get3A_9, %dot_general3A {dimension_numbers = #tpu.dot_dimension_numbers<[0], [0], [1], [1], [0, 1, 1, 1], [], []>, transpose_lhs_hint = false} : vector<16x2048xf32>, vector<16x16xf32>, vector<2048x16xf32> -> vector<2048x16xf32>
    %get3A_11 = arith.constant 0 : index
    %get3A_12 = arith.constant 0 : index
    %get3A_13 = vector.load %arg5[%get3A_11, %get3A_12] : memref<16x16xf32, #tpu.memory_space<vmem>>, vector<16x16xf32>
    %dot_general3A_14 = arith.constant dense<0.000000e+00> : vector<2048x16xf32>
    %dot_general3A_15 = tpu.matmul %bitcast_convert_type3A_6, %get3A_13, %dot_general3A_14 {dimension_numbers = #tpu.dot_dimension_numbers<[0], [0], [1], [1], [0, 1, 1, 1], [], []>, transpose_lhs_hint = false} : vector<16x2048xf32>, vector<16x16xf32>, vector<2048x16xf32> -> vector<2048x16xf32>
    %add3A = arith.addf %dot_general3A_10, %dot_general3A_15 : vector<2048x16xf32>
    %get3A_16 = arith.constant 0 : index
    %get3A_17 = arith.constant 0 : index
    %get3A_18 = vector.load %arg3[%get3A_16, %get3A_17] : memref<3x2048xf32, #tpu.memory_space<vmem>>, vector<3x2048xf32>
    %concatenate3A = tpu.concatenate %get3A_18, %get3A_18, %get3A_18, %get3A_18, %get3A_18, %get3A_18, %get3A_18, %get3A_18, %get3A_18, %get3A_18, %get3A_18, %get3A_18 in 0 : vector<3x2048xf32>, vector<3x2048xf32>, vector<3x2048xf32>, vector<3x2048xf32>, vector<3x2048xf32>, vector<3x2048xf32>, vector<3x2048xf32>, vector<3x2048xf32>, vector<3x2048xf32>, vector<3x2048xf32>, vector<3x2048xf32>, vector<3x2048xf32> -> vector<36x2048xf32>
    %get3A_19 = arith.constant 0 : index
    %get3A_20 = arith.constant 0 : index
    %get3A_21 = vector.load %arg6[%get3A_19, %get3A_20] : memref<36x1xf32, #tpu.memory_space<vmem>>, vector<36x1xf32>
    %mul3A = vector.broadcast %get3A_21 : vector<36x1xf32> to vector<36x2048xf32>
    %mul3A_22 = arith.mulf %concatenate3A, %mul3A : vector<36x2048xf32>
    %get3A_23 = arith.constant 0 : index
    %get3A_24 = arith.constant 0 : index
    %get3A_25 = vector.load %arg7[%get3A_23, %get3A_24] : memref<36x1xf32, #tpu.memory_space<vmem>>, vector<36x1xf32>
    %add3A_26 = vector.broadcast %get3A_25 : vector<36x1xf32> to vector<36x2048xf32>
    %add3A_27 = arith.addf %mul3A_22, %add3A_26 : vector<36x2048xf32>
    %mul3A_28 = arith.constant 0.318309873 : f32
    %mul3A_29 = vector.broadcast %mul3A_28 : f32 to vector<36x2048xf32>
    %mul3A_30 = arith.mulf %add3A_27, %mul3A_29 : vector<36x2048xf32>
    %add3A_31 = arith.constant 0x4B400000 : f32
    %add3A_32 = vector.broadcast %add3A_31 : f32 to vector<36x2048xf32>
    %add3A_33 = arith.addf %mul3A_30, %add3A_32 : vector<36x2048xf32>
    %bitcast_convert_type3A_34 = tpu.bitcast %add3A_33 : vector<36x2048xf32> -> vector<36x2048xi32>
    %sub3A = arith.constant 1262485504 : i32
    %sub3A_35 = vector.broadcast %sub3A : i32 to vector<36x2048xi32>
    %sub3A_36 = arith.subi %bitcast_convert_type3A_34, %sub3A_35 : vector<36x2048xi32>
    %convert_element_type3A = arith.sitofp %sub3A_36 : vector<36x2048xi32> to vector<36x2048xf32>
    %mul3A_37 = arith.constant 3.14159274 : f32
    %mul3A_38 = vector.broadcast %mul3A_37 : f32 to vector<36x2048xf32>
    %mul3A_39 = arith.mulf %convert_element_type3A, %mul3A_38 : vector<36x2048xf32>
    %sub3A_40 = arith.subf %add3A_27, %mul3A_39 : vector<36x2048xf32>
    %mul3A_41 = arith.constant -8.74227765E-8 : f32
    %mul3A_42 = vector.broadcast %mul3A_41 : f32 to vector<36x2048xf32>
    %mul3A_43 = arith.mulf %convert_element_type3A, %mul3A_42 : vector<36x2048xf32>
    %sub3A_44 = arith.subf %sub3A_40, %mul3A_43 : vector<36x2048xf32>
    %mul3A_45 = arith.mulf %sub3A_44, %sub3A_44 : vector<36x2048xf32>
    %mul3A_46 = arith.constant -1.98408743E-4 : f32
    %mul3A_47 = vector.broadcast %mul3A_46 : f32 to vector<36x2048xf32>
    %mul3A_48 = arith.mulf %mul3A_45, %mul3A_47 : vector<36x2048xf32>
    %add3A_49 = arith.constant 0.00833333097 : f32
    %add3A_50 = vector.broadcast %add3A_49 : f32 to vector<36x2048xf32>
    %add3A_51 = arith.addf %add3A_50, %mul3A_48 : vector<36x2048xf32>
    %mul3A_52 = arith.mulf %mul3A_45, %add3A_51 : vector<36x2048xf32>
    %add3A_53 = arith.constant -0.166666672 : f32
    %add3A_54 = vector.broadcast %add3A_53 : f32 to vector<36x2048xf32>
    %add3A_55 = arith.addf %add3A_54, %mul3A_52 : vector<36x2048xf32>
    %mul3A_56 = arith.mulf %mul3A_45, %add3A_55 : vector<36x2048xf32>
    %add3A_57 = arith.constant 1.000000e+00 : f32
    %add3A_58 = vector.broadcast %add3A_57 : f32 to vector<36x2048xf32>
    %add3A_59 = arith.addf %add3A_58, %mul3A_56 : vector<36x2048xf32>
    %mul3A_60 = arith.mulf %sub3A_44, %add3A_59 : vector<36x2048xf32>
    %bitcast_convert_type3A_61 = tpu.bitcast %mul3A_60 : vector<36x2048xf32> -> vector<36x2048xi32>
    %shift_left3A_62 = arith.constant 31 : i32
    %shift_left3A_63 = vector.broadcast %shift_left3A_62 : i32 to vector<36x2048xi32>
    %shift_left3A_64 = arith.shli %sub3A_36, %shift_left3A_63 : vector<36x2048xi32>
    %xor3A = arith.xori %bitcast_convert_type3A_61, %shift_left3A_64 : vector<36x2048xi32>
    %bitcast_convert_type3A_65 = tpu.bitcast %xor3A : vector<36x2048xi32> -> vector<36x2048xf32>
    %concatenate3A_66 = tpu.concatenate %get3A_18, %bitcast_convert_type3A_65 in 0 : vector<3x2048xf32>, vector<36x2048xf32> -> vector<39x2048xf32>
    %transpose3A = tpu.transpose %concatenate3A_66, [1, 0] : vector<39x2048xf32> -> vector<2048x39xf32>
    %concatenate3A_67 = tpu.concatenate %add3A, %transpose3A in 1 : vector<2048x16xf32>, vector<2048x39xf32> -> vector<2048x55xf32>
    %swap3A = arith.constant 0 : index
    %swap3A_68 = arith.constant 0 : index
    %swap3A_69 = vector.load %arg8[%swap3A, %swap3A_68] : memref<2048x55xf32, #tpu.memory_space<vmem>>, vector<2048x55xf32>
    tpu.vector_store %arg8[%swap3A, %swap3A_68], %concatenate3A_67 {strides = array<i32>} : memref<2048x55xf32, #tpu.memory_space<vmem>>, vector<2048x55xf32>,
    return
  }
  func.func @transform_1(%arg0: i32) -> (i32, i32) {
    %c0_i32 = arith.constant 0 : i32
    %c0_i32_0 = arith.constant 0 : i32
    return %c0_i32, %arg0 : i32, i32
  }
  func.func @transform_2(%arg0: i32) -> (i32, i32) {
    %add3A = arith.constant 192 : i32
    %add3A_0 = arith.addi %arg0, %add3A : i32
    %c0_i32 = arith.constant 0 : i32
    %c0_i32_1 = arith.constant 0 : i32
    return %c0_i32, %add3A_0 : i32, i32
  }
  func.func @transform_3(%arg0: i32) -> (i32, i32) {
    %c0_i32 = arith.constant 0 : i32
    %c0_i32_0 = arith.constant 0 : i32
    %c0_i32_1 = arith.constant 0 : i32
    return %c0_i32, %c0_i32_0 : i32, i32
  }
  func.func @transform_4(%arg0: i32) -> (i32, i32) {
    %c0_i32 = arith.constant 0 : i32
    %c0_i32_0 = arith.constant 0 : i32
    %c0_i32_1 = arith.constant 0 : i32
    return %c0_i32, %c0_i32_0 : i32, i32
  }
  func.func @transform_5(%arg0: i32) -> (i32, i32) {
    %c0_i32 = arith.constant 0 : i32
    %c0_i32_0 = arith.constant 0 : i32
    %c0_i32_1 = arith.constant 0 : i32
    return %c0_i32, %c0_i32_0 : i32, i32
  }
  func.func @transform_6(%arg0: i32) -> (i32, i32) {
    %c0_i32 = arith.constant 0 : i32
    %c0_i32_0 = arith.constant 0 : i32
    %c0_i32_1 = arith.constant 0 : i32
    return %c0_i32, %c0_i32_0 : i32, i32
  }
  func.func @transform_7(%arg0: i32) -> (i32, i32) {
    %add3A = arith.constant 192 : i32
    %add3A_0 = arith.addi %arg0, %add3A : i32
    %c0_i32 = arith.constant 0 : i32
    %c0_i32_1 = arith.constant 0 : i32
    return %add3A_0, %c0_i32 : i32, i32
  }
}

</mosaic_0001>

<sc_bundles>
// kernel: kernel.10.cloned.1.call-start
scs
__scs_entry_jumppad:
0x0: {  	(pc) =	sbr.rel $0x88, $3  }
0x1: {  	(tag) =	ssettag $0x0;
	lr =	simm.s32 $0x1  }
0x2: {  	[smem:$0x3F9C] =	sst lr;
	_ =	strace $0xD0000000  }
0x3: {  	_ = 	snop  }
0x4: {  	_ = 	snop  }
0x5: {  	_ = 	snop  }
0x6: {  	_ = 	snop  }
0x7: {  	_ = 	snop  }
__scs_overlays_trampoline_lowered:
0x8: {  	[smem:$0x3FAB] =	sst s0  }
0x9: {  	[smem:$0x3FAC] =	sst s1  }
0xa: {  	[smem:$0x3FAD] =	sst s2  }
0xb: {  	[smem:$0x3FAE] =	sst s3  }
0xc: {  	[smem:$0x3FAF] =	sst s4  }
0xd: {  	[smem:$0x3FB0] =	sst s5  }
0xe: {  	[smem:$0x3FB1] =	sst s6  }
0xf: {  	[smem:$0x3FB2] =	sst s7  }
0x10: {  	[smem:$0x3FB3] =	sst s8  }
0x11: {  	[smem:$0x3FB4] =	sst s9;
	s0 =	simm.s32 @!p0 $0x0  }
0x12: {  	s1 =	sld [smem:$0x3F9A];
	s0 =	simm.s32 @p0 $0x1  }
0x13: {  	[smem:$0x3FB5] =	sst s0;
	s0 =	simm.s32 @!p1 $0x0  }
0x14: {  	s2 =	sld [smem:$0x3F99];
	s0 =	simm.s32 @p1 $0x1  }
0x15: {  	[smem:$0x3FB6] =	sst s0;
	s0 =	simm.s32 @!p2 $0x0  }
0x16: {  	s3 =	sld [smem:$0x3FDB];
	s0 =	simm.s32 @p2 $0x1  }
0x17: {  	s4 =	simm.s32 $0x1BF5;
	[smem:$0x3FB8] =	sst s0  }
0x18: {  	s0 =	sld [smem:$0x3F9B];
	_ =	swait.ge [sflag:s4], $0x0  }
0x19: {  	s7 =	sld [smem:$0x3F9C]  }
0x1a: {  	s8 =	sadd.s32 $0xFFFFE003, lr  }
0x1b: {  	s9 =	sadd.s32 $0xFFFFFEF7, lr;
	s5 =	simm.s32 $0xFFFFFFFF;
	p2 =	slt.u32 s8, $0xFFFFF086  }
0x1c: {  	p1 =	slt.u32 s9, $0xF7A;
	s5 =	simm.s32 @!p2 $0x0  }
0x1d: {  	s5 =	simm.s32 @p1 $0x1;
	p0 =	seq.s32 s7, s2  }
0x1e: {  	s7 =	smul.u32 @!p0 $0xF7A, s2;
	p2 =	seq.s32 @!p0 s5, $0x0  }
0x1f: {  	s9 =	smul.u32 $0xF7A, s1;
	s8 =	simm.s32 @!p0 $0x1BF5;
	p2 =	por !p2, p0  }
0x20: {  	[sflag:s8] =	ssyncset.s32 @!p0 $0xFFFFF086;
	s6 =	sadd.s32 @!p0 s3, s7;
	s7 =	simm.s32 @!p0 $0x108  }
0x21: {  	s3 =	sadd.s32 s3, s9;
	s6 =	sadd.s32 @!p0 $0x88, s6;
	s7 =	simm.s32 @p2 $0x1082  }
0x22: {  	[simem:s7], [sflag:s8] =	dma.local @!p0 [hbm:s6], $0xF7A  }
0x23: {  	s9 =	sor.u32 $0xD0000000, s2;
	s6 =	simm.s32 $0x108;
	_ =	swait.ge @!p0 [sflag:s8], $0x0  }
0x24: {  	s3 =	sadd.s32 $0x88, s3;
	s6 =	simm.s32 @!p1 $0x1082;
	[sflag:s4] =	ssyncset.s32 $0xFFFFF086  }
0x25: {  	[simem:s6], [sflag:s4] =	dma.local [hbm:s3], $0xF7A  }
0x26: {  	[smem:$0x3F9C] =	sst s1;
	(tag) =	ssettag s2;
	_ =	strace s9  }
0x27: {  	s1 =	sld [smem:$0x3FAC]  }
0x28: {  	s2 =	sld [smem:$0x3FAD]  }
0x29: {  	s4 =	sld [smem:$0x3FAF]  }
0x2a: {  	p0 =	seq.s32 s5, $0x0;
	s5 =	sld [smem:$0x3FB0]  }
0x2b: {  	s6 =	sld [smem:$0x3FB1]  }
0x2c: {  	s7 =	sld [smem:$0x3FB2]  }
0x2d: {  	s3 =	simm.s32 $0x108;
	s8 =	sld [smem:$0x3FB3]  }
0x2e: {  	s3 =	simm.s32 @!p0 $0x1082;
	s9 =	sld [smem:$0x3FB4]  }
0x2f: {  	lr =	sadd.s32 s0, s3;
	s0 =	sld [smem:$0x3FAB]  }
0x30: {  	s3 =	sld [smem:$0x3FAE]  }
0x31: {  	[smem:$0x3FB7] =	sst s10  }
0x32: {  	s10 =	sld [smem:$0x3FB5];
	_ =	sdelay $0x3  }
0x33: {  	p0 =	seq.s32 s10, $0x1;
	s10 =	sld [smem:$0x3FB7];
	_ =	sdelay $0x3  }
0x34: {  	[smem:$0x3FB7] =	sst s10  }
0x35: {  	s10 =	sld [smem:$0x3FB6];
	_ =	sdelay $0x3  }
0x36: {  	p1 =	seq.s32 s10, $0x1;
	s10 =	sld [smem:$0x3FB7];
	_ =	sdelay $0x3  }
0x37: {  	[smem:$0x3FB7] =	sst s10  }
0x38: {  	s10 =	sld [smem:$0x3FB8]  }
0x39: {  	_ = 	snop;
	(pc) =	sbr.ind lr, $3  }
0x3a: {  	_ = 	snop  }
0x3b: {  	_ = 	snop  }
0x3c: {  	p2 =	seq.s32 s10, $0x1;
	s10 =	sld [smem:$0x3FB7]  }
0x3d: {  	_ =	shalt  }
0x3e: {  	_ =	shalt  }
0x3f: {  	_ =	shalt  }
0x40: {  	_ =	shalt  }
0x41: {  	_ =	shalt  }
0x42: {  	_ =	shalt  }
0x43: {  	_ =	shalt  }
0x44: {  	_ =	shalt  }
0x45: {  	_ =	shalt  }
0x46: {  	_ =	shalt  }
0x47: {  	_ =	shalt  }
0x48: {  	_ =	shalt  }
0x49: {  	_ =	shalt  }
0x4a: {  	_ =	shalt  }
0x4b: {  	_ =	shalt  }
0x4c: {  	_ =	shalt  }
0x4d: {  	_ =	shalt  }
0x4e: {  	_ =	shalt  }
0x4f: {  	_ =	shalt  }
0x50: {  	_ =	shalt  }
0x51: {  	_ =	shalt  }
0x52: {  	_ =	shalt  }
0x53: {  	_ =	shalt  }
0x54: {  	_ =	shalt  }
0x55: {  	_ =	shalt  }
0x56: {  	_ =	shalt  }
0x57: {  	_ =	shalt  }
0x58: {  	_ =	shalt  }
0x59: {  	_ =	shalt  }
0x5a: {  	_ =	shalt  }
0x5b: {  	_ =	shalt  }
0x5c: {  	_ =	shalt  }
0x5d: {  	_ =	shalt  }
0x5e: {  	_ =	shalt  }
0x5f: {  	_ =	shalt  }
0x60: {  	_ =	shalt  }
0x61: {  	_ =	shalt  }
0x62: {  	_ =	shalt  }
0x63: {  	_ =	shalt  }
0x64: {  	_ =	shalt  }
0x65: {  	_ =	shalt  }
0x66: {  	_ =	shalt  }
0x67: {  	_ =	shalt  }
0x68: {  	_ =	shalt  }
0x69: {  	_ =	shalt  }
0x6a: {  	_ =	shalt  }
0x6b: {  	_ =	shalt  }
0x6c: {  	_ =	shalt  }
0x6d: {  	_ =	shalt  }
0x6e: {  	_ =	shalt  }
0x6f: {  	_ =	shalt  }
0x70: {  	_ =	shalt  }
0x71: {  	_ =	shalt  }
0x72: {  	_ =	shalt  }
0x73: {  	_ =	shalt  }
0x74: {  	_ =	shalt  }
0x75: {  	_ =	shalt  }
0x76: {  	_ =	shalt  }
0x77: {  	_ =	shalt  }
0x78: {  	_ =	shalt  }
0x79: {  	_ =	shalt  }
0x7a: {  	_ =	shalt  }
0x7b: {  	_ =	shalt  }
0x7c: {  	_ =	shalt  }
0x7d: {  	_ =	shalt  }
0x7e: {  	_ =	shalt  }
0x7f: {  	_ =	shalt  }
0x80: {  	_ =	shalt  }
0x81: {  	_ =	shalt  }
0x82: {  	_ =	shalt  }
0x83: {  	_ =	shalt  }
0x84: {  	_ =	shalt  }
0x85: {  	_ =	shalt  }
0x86: {  	_ =	shalt  }
0x87: {  	_ =	shalt  }
.Lfunc_end0:
.L_simem_size_0:
called_computation.1_lowered:
.L_overlay_start_0:
0x88: {  	s2 =	sld [smem:$0x3FD9]  }
0x89: {  	s3 =	sld [smem:$0x3FFE];
	_ =	sdelay $0x1  }
0x8a: {  	s1 =	srdreg.scid  }
0x8b: {  	s0 =	sand.u32 $0x1, s1  }
0x8c: {  	s16 =	sshll.u32 s0, $0xA;
	s2 =	sadd.s32 s3, s2  }
0x8d: {  	s2 =	sadd.s32 s2, s16  }
0x8e: {  	[smem:$0x3FC3] =	sst s2  }
0x8f: {  	_ = 	snop  }
0x90: {  	(tm) =	ssettm $0x1  }
0x91: {  	s17 =	sld [smem:$0x3FFB];
	_ =	sdelay $0x3  }
0x92: {  	_ =	strace s17  }
0x93: {  	s2 =	sld [smem:$0x3FFC];
	_ =	sdelay $0x3  }
0x94: {  	_ =	strace s2  }
0x95: {  	s2 =	sld [smem:$0x3FFD];
	_ =	sdelay $0x3  }
0x96: {  	_ =	strace s2  }
0x97: {  	_ =	strace $0x8FFFFFFF  }
0x98: {  	s18 =	sld [smem:$0x3FDB];
	_ =	sdelay $0x1  }
0x99: {  	s19 =	simm.s32 $_scs_section_size  }
0x9a: {  	s4 =	simm.s32 $_size__tile_overlayer_lowered;
	s5 =	simm.s32 $_tile_overlayer_lowered  }
0x9b: {  	s22 =	simm.s32 $0x1BFF;
	s21 =	sshll.u32 s5, $0x1;
	s2 =	sadd.s32 s19, s18  }
0x9c: {  	s6 =	simm.s32 $0x0;
	s20 =	sshll.u32 s4, $0x1;
	s4 =	sadd.s32 s21, s2  }
0x9d: {  	[timem:s6], [sflag:s22] =	dma.local [hbm:s4], s20  }
0x9e: {  	_ =	swait.ge [sflag:s22], s20  }
0x9f: {  	s3 =	ssub.s32 $0x0, s20;
	[sflag:s22] =	ssyncset.done $0x0  }
0xa0: {  	[sflag:s22] =	ssyncadd.s32 s3;
	_ =	sdelay $0x1  }
0xa1: {  	s23 =	simm.s32 $0x1B8B  }
0xa2: {  	_ =	swait.ge [sflag:s23], $0x1  }
0xa3: {  	[sflag:s23] =	ssyncset.done $0x0  }
0xa4: {  	s25 =	simm.s32 $0x1B8E;
	s24 =	sld [smem:$0x3FFE];
	[sflag:s23] =	ssyncadd.s32 $0xFFFFFFFF  }
0xa5: {  	s26 =	simm.s32 $execute0_lowered;
	[smem:$0x3FD2] =	sst s25  }
0xa6: {  	s4 =	sshll.u32 s26, $0x1;
	_ =	strace $0x80000046;
	[dreg:$0x1] =	wrdreg $0xFFFFFFFF  }
0xa7: {  	s28 =	simm.s32 $_size_execute0_lowered;
	s2 =	sadd.s32 s2, s4;
	[dreg:$0x0] =	wrdreg $0x0  }
0xa8: {  	s4 =	sshll.u32 s28, $0x1;
	[dreg:$0x2] =	wrdreg s2  }
0xa9: {  	[dreg:$0x3] =	wrdreg s4  }
0xaa: {  	[dreg:$0x4] =	wrdreg $0xC0  }
0xab: {  	_ =	task [dreg:s6], $0x5FFFF  }
0xac: {  	[dreg:$0x1] =	wrdreg $0xFFFFFFFF  }
0xad: {  	[dreg:$0x0] =	wrdreg $0x60  }
0xae: {  	[dreg:$0x2] =	wrdreg s24  }
0xaf: {  	[dreg:$0x3] =	wrdreg $0x9  }
0xb0: {  	_ =	task.clear_ibuf [dreg:s6], $0x4FFFF;
	_ =	strace $0x90000046  }
0xb1: {  	s29 =	simm.s32 $0x9;
	_ =	strace $0x80000048  }
0xb2: {  	_ =	swait.ge [sflag:s29], $0x1  }
0xb3: {  	[sflag:s29] =	ssyncadd.s32 $0xFFFFFFFF  }
0xb4: {  	_ =	strace $0x90000048  }
0xb5: {  	_ =	sfence  }
0xb6: {  	s30 =	sld [smem:$0x0];
	_ =	sdelay $0x2  }
0xb7: {  	s31 =	sshll.u32 s1, $0xD;
	s1 =	sshrl.u32 s1, $0x2  }
0xb8: {  	s3 =	sand.u32 $0x4000, s31;
	s1 =	sadd.s32 s1, s30  }
0xb9: {  	s0 =	sor.u32 s3, s0;
	s1 =	sshll.u32 s1, $0x11  }
0xba: {  	s0 =	sor.u32 s1, s0  }
0xbb: {  	s0 =	sadd.s32 $0x8F2B, s0  }
0xbc: {  	[sflag:s0] =	ssyncadd.remote.s32 $0x1  }
0xbd: {  	_ =	sfence.sel $0xFFFF  }
0xbe: {  	[dreg:$0x0] =	wrdreg $0xFFFFFFFF;
	(pc) =	sbr.abs _section_cstart, $3  }
0xbf: {  	[dreg:$0x1] =	wrdreg $0xFFFFFFFF  }
0xc0: {  	_ =	task.clear_ibuf [dreg:s6], $0x2FFFF;
	_ =	strace $0x9FFFFFFF  }
0xc1: {  	(tm) =	ssettm $0x7FFFFFFF  }
tec
execute0_lowered:
.L_overlay_start_1:
0x0: {  	(tag) =	ssettag $0x1  }
0x1: {  	s0 =	stileid.u32;
	s1 =	srdreg.scid  }
0x2: {  	s8 =	rddreg [dreg:$0x0];
	s11 =	simm.s32 $0x8000;
	s12 =	simm.s32 $0x1  }
0x3: {  	s13 =	simm.s32 $0x18000;
	s14 =	simm.s32 $0x2000;
	s15 =	simm.s32 $0x4000  }
0x4: {  	s16 =	simm.s32 $0x6000;
	s2 =	sshll.u32 s0, $0x1;
	s4 =	sand.u32 $0x1, s1  }
0x5: {  	s1 =	rddreg [dreg:$0x1];
	s3 =	sand.u32 $0xE, s2;
	s2 =	simm.s32 $0x0  }
0x6: {  	s17 =	simm.s32 $0x0;
	s5 =	sor.u32 s4, s3;
	[smem:$0x7FF] =	sst s2  }
0x7: {  	s3 =	sadd.s32 $0x22A00, s8;
	s4 =	ssub.s32 $0x2, s4;
	s6 =	sshll.u32 s5, $0xD  }
0x8: {  	_ =	strace $0x80000047;
	s7 =	sshll.u32 s5, $0x1;
	s5 =	sshll.u32 s5, $0xE  }
0x9: {  	s31 =	sshrl.u32 s4, $0x1;
	s6 =	sadd.s32 s6, s8;
	s7 =	sadd.s32 s7, s8  }
0xa: {  	s9 =	sadd.s32 s5, s8;
	s10 =	ssub.s32 s4, s31;
	s4 =	sadd.s32 $0x2A00, s6  }
0xb: {  	s5 =	sadd.s32 $0x52A00, s7;
	s6 =	sand.u32 $0x8, s0;
	s7 =	sadd.s32 $0x32A00, s8  }
0xc: {  	v0 =	vimm.bf16 $0.0e+00;
	s8 =	sadd.s32 $0x42A00, s8;
	s9 =	sadd.s32 $0x53200, s9;
	s10 =	smax.u32 s10, $0x1  }
.LBB2_1:
0xd: {  	[tilespmem:s11], [sflag:$0x1] =	stream.linear.gather [hbm4b:s4+s2], $0x10000, $0x38;
	[tilespmem:$0x18080] =	vst v63  }
0xe: {  	_ =	swait.ge [sflag:s12], $0x10000  }
0xf: {  	[sflag:s12] =	ssyncset.done $0x0  }
0x10: {  	[sflag:s12] =	ssyncadd.s32 $0xFFFF0000  }
0x11: {  	[tilespmem:s13], [sflag:$0x1] =	stream.linear.gather [hbm4b:s5+s2], $0x10, $0x38;
	[tilespmem:$0x18080] =	vst v63  }
0x12: {  	_ =	swait.ge [sflag:s12], $0x10  }
0x13: {  	[sflag:s12] =	ssyncset.done $0x0  }
0x14: {  	[sflag:s12] =	ssyncadd.s32 $0xFFFFFFF0  }
0x15: {  	s18 =	simm.s32 $0x0;
	v1 =	vld [tilespmem:$0x18000]  }
.LBB2_2:
0x16: {  	s19 =	sor.u32 s6, s18  }
0x17: {  	s19 =	sshll.u32 s19, $0xA  }
0x18: {  	s20 =	sadd.s32 s3, s19  }
0x19: {  	[tilespmem:s2], [sflag:$0x1] =	stream.linear.gather [hbm4b:s20+s2], $0x2000, $0x38;
	[tilespmem:$0x18080] =	vst v63  }
0x1a: {  	_ =	swait.ge [sflag:s12], $0x2000  }
0x1b: {  	[sflag:s12] =	ssyncset.done $0x0  }
0x1c: {  	s28 =	sadd.s32 s19, s7;
	[sflag:s12] =	ssyncadd.s32 $0xFFFFE000  }
0x1d: {  	[tilespmem:s14], [sflag:$0x1] =	stream.linear.gather [hbm4b:s28+s2], $0x2000, $0x38;
	[tilespmem:$0x18080] =	vst v63  }
0x1e: {  	_ =	swait.ge [sflag:s12], $0x2000  }
0x1f: {  	[sflag:s12] =	ssyncset.done $0x0  }
0x20: {  	s29 =	sadd.s32 s19, s8;
	[sflag:s12] =	ssyncadd.s32 $0xFFFFE000  }
0x21: {  	[tilespmem:s15], [sflag:$0x1] =	stream.linear.gather [hbm4b:s29+s2], $0x2000, $0x38;
	[tilespmem:$0x18080] =	vst v63  }
0x22: {  	_ =	swait.ge [sflag:s12], $0x2000  }
0x23: {  	[sflag:s12] =	ssyncset.done $0x0  }
0x24: {  	s30 =	simm.s32 $0x2020;
	[sflag:s12] =	ssyncadd.s32 $0xFFFFE000  }
0x25: {  	s21 =	simm.s32 $0x4020;
	v2 =	vld [tilespmem:s30+$0x10]  }
0x26: {  	s22 =	simm.s32 $0x20;
	v3 =	vld [tilespmem:s21+$0x10]  }
0x27: {  	v4 =	vld [tilespmem:s22+$0x10]  }
0x28: {  	v5 =	vld [tilespmem:s30+$0xFFFFFFE0]  }
0x29: {  	v6 =	vld [tilespmem:s30+$0xFFFFFFF0]  }
0x2a: {  	v7 =	vld [tilespmem:s30+$0x0]  }
0x2b: {  	v16 =	vld [tilespmem:s22+$0xFFFFFFF0]  }
0x2c: {  	v19 =	vld [tilespmem:s22+$0xFFFFFFE0];
	_ =	sdelay $0x1  }
0x2d: {  	v2 =	vmul.f32 v2, v1;
	v3 =	vmul.f32 v3, v1  }
0x2e: {  	v21 =	vld [tilespmem:s22+$0x0];
	v4 =	vmul.f32 v4, v1;
	v5 =	vmul.f32 v5, v1  }
0x2f: {  	v23 =	vld [tilespmem:s21+$0xFFFFFFF0];
	v12 =	vmul.f32 v6, v1;
	v13 =	vmul.f32 v7, v1  }
0x30: {  	v19 =	vmul.f32 v19, v1;
	v16 =	vmul.f32 v16, v1  }
0x31: {  	v8 =	vtrunc.f32 v2;
	v9 =	vtrunc.f32 v3  }
0x32: {  	v10 =	vtrunc.f32 v4;
	v8 =	vcvt.f32.s32 v8  }
0x33: {  	v9 =	vcvt.f32.s32 v9;
	v10 =	vcvt.f32.s32 v10  }
0x34: {  	v21 =	vmul.f32 v21, v1;
	v23 =	vmul.f32 v23, v1;
	v11 =	vmul.u32 $0x9E3779B1, v8  }
0x35: {  	v6 =	vmul.u32 $0x30025795, v9;
	v7 =	vand.u32 $0xFFFF, v10;
	v14 =	vadd.s32 $0x1, v10  }
0x36: {  	v10 =	vcvt.s32.f32 v10;
	v8 =	vcvt.s32.f32 v8;
	v15 =	vand.u32 $0xFFFF, v11  }
0x37: {  	v9 =	vcvt.s32.f32 v9;
	v17 =	vand.u32 $0xFFFF, v6;
	v18 =	vxor.u32 v7, v15  }
0x38: {  	v14 =	vand.u32 $0xFFFF, v14;
	v6 =	vadd.s32 $0x5795, v6;
	v20 =	vxor.u32 v17, v18  }
0x39: {  	v4 =	vsub.f32 v4, v10;
	v2 =	vsub.f32 v2, v8;
	v6 =	vand.u32 $0xFFFF, v6  }
0x3a: {  	v3 =	vsub.f32 v3, v9;
	v9 =	vadd.s32 $0x79B1, v11;
	v8 =	vxor.u32 v18, v6  }
0x3b: {  	v10 =	vxor.u32 v14, v15;
	v15 =	vsub.f32 $1.000000000e+00, v4;
	v18 =	vsub.f32 $1.000000000e+00, v2  }
0x3c: {  	v26 =	vtrunc.f32 v5;
	v9 =	vand.u32 $0xFFFF, v9;
	v22 =	vxor.u32 v17, v10  }
0x3d: {  	v24 =	vsub.f32 $1.000000000e+00, v3;
	v10 =	vxor.u32 v10, v6;
	v25 =	vmul.f32 v18, v15;
	v20 =	vld.idx.msk [tilespmem:v20+s11+$0x0], $0xffff  }
0x3e: {  	v27 =	vtrunc.f32 v12;
	v55 =	vtrunc.f32 v16;
	v11 =	vld [tilespmem:s21+$0xFFFFFFE0];
	v7 =	vxor.u32 v7, v9  }
0x3f: {  	v9 =	vxor.u32 v14, v9;
	v29 =	vxor.u32 v17, v7;
	v28 =	vmul.f32 v24, v25;
	v8 =	vld.idx.msk [tilespmem:v8+s11+$0x0], $0xffff  }
0x40: {  	v30 =	vld [tilespmem:s21+$0x0];
	v7 =	vxor.u32 v6, v7;
	v17 =	vxor.u32 v17, v9;
	v18 =	vmul.f32 v18, v4  }
0x41: {  	v15 =	vmul.f32 v2, v15;
	v25 =	vmul.f32 v25, v3;
	v22 =	vld.idx.msk [tilespmem:v22+s11+$0x0], $0xffff;
	v28 =	vpack.i.f32.bf16 v28, v28  }
0x42: {  	v6 =	vxor.u32 v6, v9;
	v2 =	vmul.f32 v2, v4;
	v10 =	vld.idx.msk [tilespmem:v10+s11+$0x0], $0xffff;
	v14 =	vmul.bf16 v20, v28  }
0x43: {  	v31 =	vmul.f32 v11, v1;
	v20 =	vpack.i.f32.bf16 v25, v25;
	v25 =	vmul.f32 v24, v18  }
0x44: {  	v18 =	vmul.f32 v18, v3;
	v8 =	vmul.bf16 v8, v20;
	v14 =	vadd.bf16 v0, v14  }
0x45: {  	v11 =	vtrunc.f32 v13;
	v9 =	vld.idx.msk [tilespmem:v29+s11+$0x0], $0xffff;
	v20 =	vpack.i.f32.bf16 v25, v25;
	v25 =	vmul.f32 v30, v1  }
0x46: {  	v18 =	vpack.i.f32.bf16 v18, v18;
	v8 =	vadd.bf16 v8, v14;
	v14 =	vmul.bf16 v22, v20  }
0x47: {  	v7 =	vld.idx.msk [tilespmem:v7+s11+$0x0], $0xffff;
	v10 =	vmul.bf16 v10, v18;
	v22 =	vmul.f32 v24, v15  }
0x48: {  	v18 =	vcvt.f32.s32 v27;
	v20 =	vtrunc.f32 v19;
	v8 =	vadd.bf16 v14, v8  }
0x49: {  	v15 =	vmul.f32 v3, v15;
	v14 =	vld.idx.msk [tilespmem:v17+s11+$0x0], $0xffff;
	v4 =	vpack.i.f32.bf16 v22, v22;
	v17 =	vtrunc.f32 v21  }
0x4a: {  	v4 =	vmul.bf16 v9, v4;
	v9 =	vcvt.f32.s32 v26;
	v8 =	vadd.bf16 v10, v8  }
0x4b: {  	v6 =	vld.idx.msk [tilespmem:v6+s11+$0x0], $0xffff;
	v10 =	vpack.i.f32.bf16 v15, v15;
	v15 =	vmul.f32 v24, v2;
	v2 =	vmul.f32 v3, v2  }
0x4c: {  	v24 =	vmul.u32 $0x9E3779B1, v18;
	v18 =	vcvt.s32.f32 v18;
	v7 =	vmul.bf16 v7, v10  }
0x4d: {  	v22 =	vmul.u32 $0x9E3779B1, v9;
	v4 =	vadd.bf16 v4, v8;
	v8 =	vcvt.f32.s32 v11  }
0x4e: {  	v10 =	vpack.i.f32.bf16 v15, v15;
	v15 =	vcvt.f32.s32 v20;
	v20 =	vcvt.f32.s32 v17  }
0x4f: {  	v2 =	vpack.i.f32.bf16 v2, v2;
	v59 =	vand.u32 $0xFFFF, v24;
	v24 =	vadd.s32 $0x79B1, v24  }
0x50: {  	v2 =	vmul.bf16 v6, v2;
	v6 =	vtrunc.f32 v25;
	v24 =	vand.u32 $0xFFFF, v24  }
0x51: {  	v3 =	vadd.bf16 v7, v4;
	v4 =	vmul.bf16 v14, v10;
	v14 =	vcvt.f32.s32 v55  }
0x52: {  	v7 =	vtrunc.f32 v31;
	v26 =	vmul.u32 $0x9E3779B1, v8;
	v56 =	vcvt.s32.f32 v20  }
0x53: {  	v58 =	vcvt.s32.f32 v8;
	v8 =	vsub.f32 v12, v18;
	v33 =	vand.u32 $0xFFFF, v15  }
0x54: {  	v35 =	vand.u32 $0xFFFF, v20;
	v20 =	vadd.s32 $0x1, v20;
	v10 =	vcvt.f32.s32 v7  }
0x55: {  	v20 =	vand.u32 $0xFFFF, v20;
	v3 =	vadd.bf16 v4, v3;
	v4 =	vtrunc.f32 v23  }
0x56: {  	v17 =	vcvt.s32.f32 v14;
	v60 =	vand.u32 $0xFFFF, v26;
	v34 =	vand.u32 $0xFFFF, v14  }
0x57: {  	v44 =	vsub.f32 $1.000000000e+00, v8;
	v61 =	vadd.s32 $0x1, v14;
	v26 =	vadd.s32 $0x79B1, v26  }
0x58: {  	v11 =	vcvt.f32.s32 v4;
	v27 =	vmul.u32 $0x30025795, v10;
	v37 =	vxor.u32 v34, v59  }
0x59: {  	v38 =	vxor.u32 v35, v60;
	v29 =	vand.u32 $0xFFFF, v61;
	v30 =	vxor.u32 v20, v60  }
0x5a: {  	v26 =	vand.u32 $0xFFFF, v26;
	v4 =	vadd.bf16 v2, v3;
	v2 =	vcvt.s32.f32 v15  }
0x5b: {  	v34 =	vxor.u32 v34, v24;
	v3 =	vcvt.f32.s32 v6;
	v6 =	vcvt.s32.f32 v9  }
0x5c: {  	v28 =	vxor.u32 v29, v59;
	v35 =	vxor.u32 v35, v26;
	v20 =	vxor.u32 v20, v26  }
0x5d: {  	v57 =	vmul.u32 $0x30025795, v11;
	v39 =	vand.u32 $0xFFFF, v27;
	v32 =	vmul.u32 $0x30025795, v3  }
0x5e: {  	v7 =	vsub.f32 v19, v2;
	v9 =	vsub.f32 v5, v6;
	v2 =	vcvt.s32.f32 v10  }
0x5f: {  	v6 =	vsub.f32 v16, v17;
	v5 =	vcvt.s32.f32 v11;
	v10 =	vsub.f32 v21, v56  }
0x60: {  	v11 =	vsub.f32 v13, v58;
	v12 =	vcvt.s32.f32 v3;
	v21 =	vand.u32 $0xFFFF, v22  }
0x61: {  	v13 =	vadd.s32 $0x5795, v27;
	v22 =	vadd.s32 $0x79B1, v22;
	v36 =	vxor.u32 v33, v21  }
0x62: {  	v18 =	vand.u32 $0xFFFF, v57;
	v16 =	vadd.s32 $0x5795, v57;
	v19 =	vand.u32 $0xFFFF, v13  }
0x63: {  	v22 =	vand.u32 $0xFFFF, v22;
	v40 =	vsub.f32 $1.000000000e+00, v7;
	v41 =	vsub.f32 $1.000000000e+00, v9  }
0x64: {  	v17 =	vand.u32 $0xFFFF, v32;
	v43 =	vsub.f32 $1.000000000e+00, v6;
	v46 =	vsub.f32 $1.000000000e+00, v10  }
0x65: {  	v42 =	vxor.u32 v39, v36;
	v47 =	vsub.f32 $1.000000000e+00, v11;
	v3 =	vsub.f32 v31, v2  }
0x66: {  	v45 =	vxor.u32 v18, v37;
	v5 =	vsub.f32 v23, v5;
	v2 =	vsub.f32 v25, v12  }
0x67: {  	v12 =	vadd.s32 $0x5795, v32;
	v16 =	vand.u32 $0xFFFF, v16;
	v23 =	vadd.s32 $0x1, v15  }
0x68: {  	v63 =	vxor.u32 v36, v19;
	v52 =	vxor.u32 v18, v28;
	v33 =	vxor.u32 v33, v22  }
0x69: {  	v48 =	vxor.u32 v17, v38;
	v12 =	vand.u32 $0xFFFF, v12;
	v56 =	vxor.u32 v37, v16  }
0x6a: {  	v23 =	vand.u32 $0xFFFF, v23;
	v53 =	vxor.u32 v17, v30;
	v28 =	vxor.u32 v28, v16  }
0x6b: {  	v25 =	vmul.f32 v41, v40;
	v27 =	vmul.f32 v44, v43;
	v13 =	vsub.f32 $1.000000000e+00, v3  }
0x6c: {  	v62 =	vmul.f32 v47, v46;
	v15 =	vsub.f32 $1.000000000e+00, v5;
	v14 =	vsub.f32 $1.000000000e+00, v2  }
0x6d: {  	v57 =	vxor.u32 v38, v12;
	v41 =	vmul.f32 v41, v7;
	v44 =	vmul.f32 v44, v6  }
0x6e: {  	v21 =	vxor.u32 v23, v21;
	v40 =	vmul.f32 v9, v40;
	v43 =	vmul.f32 v8, v43  }
0x6f: {  	v30 =	vxor.u32 v30, v12;
	v7 =	vmul.f32 v9, v7;
	v6 =	vmul.f32 v8, v6  }
0x70: {  	v22 =	vxor.u32 v23, v22;
	v58 =	vmul.f32 v13, v25;
	v49 =	vmul.f32 v15, v27  }
0x71: {  	v23 =	vxor.u32 v29, v24;
	v50 =	vmul.f32 v14, v62;
	v25 =	vmul.f32 v25, v3  }
0x72: {  	v8 =	vxor.u32 v12, v20;
	v27 =	vmul.f32 v27, v5;
	v31 =	vmul.f32 v62, v2  }
0x73: {  	v51 =	vxor.u32 v39, v21;
	v60 =	vmul.f32 v13, v41;
	v61 =	vmul.f32 v15, v44;
	v42 =	vld.idx.msk [tilespmem:v42+s11+$0x0], $0xffff  }
0x74: {  	v21 =	vxor.u32 v21, v19;
	v26 =	vmul.f32 v15, v43;
	v15 =	vmul.f32 v15, v6;
	v32 =	vld.idx.msk [tilespmem:v63+s11+$0x0], $0xffff  }
0x75: {  	v63 =	vld.idx.msk [tilespmem:v52+s11+$0x0], $0xffff;
	v52 =	vxor.u32 v18, v34;
	v34 =	vxor.u32 v16, v34;
	v18 =	vxor.u32 v18, v23  }
0x76: {  	v45 =	vld.idx.msk [tilespmem:v45+s11+$0x0], $0xffff;
	v16 =	vxor.u32 v16, v23;
	v38 =	vpack.i.f32.bf16 v58, v58;
	v49 =	vpack.i.f32.bf16 v49, v49  }
0x77: {  	v48 =	vld.idx.msk [tilespmem:v48+s11+$0x0], $0xffff;
	v50 =	vpack.i.f32.bf16 v50, v50;
	v25 =	vpack.i.f32.bf16 v25, v25;
	v27 =	vpack.i.f32.bf16 v27, v27  }
0x78: {  	v36 =	vld.idx.msk [tilespmem:v56+s11+$0x0], $0xffff;
	v31 =	vpack.i.f32.bf16 v31, v31;
	v56 =	vxor.u32 v17, v35;
	v58 =	vmul.f32 v44, v5  }
0x79: {  	v28 =	vld.idx.msk [tilespmem:v28+s11+$0x0], $0xffff;
	v35 =	vxor.u32 v12, v35;
	v17 =	vxor.u32 v17, v20;
	v26 =	vpack.i.f32.bf16 v26, v26  }
0x7a: {  	v15 =	vpack.i.f32.bf16 v15, v15;
	v37 =	vld.idx.msk [tilespmem:v57+s11+$0x0], $0xffff;
	v57 =	vmul.f32 v41, v3;
	v38 =	vmul.bf16 v42, v38  }
0x7b: {  	v41 =	vpack.i.f32.bf16 v58, v58;
	v42 =	vmul.f32 v47, v10;
	v45 =	vmul.bf16 v45, v49  }
0x7c: {  	v51 =	vld.idx.msk [tilespmem:v51+s11+$0x0], $0xffff;
	v25 =	vmul.bf16 v32, v25;
	v32 =	vxor.u32 v39, v33;
	v49 =	vpack.i.f32.bf16 v61, v61  }
0x7d: {  	v33 =	vxor.u32 v19, v33;
	v10 =	vmul.f32 v11, v10;
	v59 =	vmul.bf16 v48, v50  }
0x7e: {  	v53 =	vld.idx.msk [tilespmem:v53+s11+$0x0], $0xffff;
	v27 =	vmul.bf16 v36, v27;
	v48 =	vpack.i.f32.bf16 v60, v60;
	v36 =	vmul.bf16 v63, v49  }
0x7f: {  	v21 =	vld.idx.msk [tilespmem:v21+s11+$0x0], $0xffff;
	v28 =	vmul.bf16 v28, v41;
	v38 =	vadd.bf16 v0, v38;
	v62 =	vmul.f32 v14, v42  }
0x80: {  	v30 =	vld.idx.msk [tilespmem:v30+s11+$0x0], $0xffff;
	v45 =	vadd.bf16 v0, v45;
	v31 =	vmul.bf16 v37, v31;
	v42 =	vmul.f32 v42, v2  }
0x81: {  	v12 =	vld.idx.msk [tilespmem:v18+s11+$0x0], $0xffff;
	v47 =	vadd.bf16 v0, v59;
	v59 =	vmul.f32 v11, v46;
	v60 =	vmul.bf16 v51, v48  }
0x82: {  	v16 =	vld.idx.msk [tilespmem:v16+s11+$0x0], $0xffff;
	v11 =	vxor.u32 v19, v22;
	v50 =	vpack.i.f32.bf16 v62, v62;
	v25 =	vadd.bf16 v25, v38  }
0x83: {  	v17 =	vld.idx.msk [tilespmem:v17+s11+$0x0], $0xffff;
	v27 =	vadd.bf16 v27, v45;
	v38 =	vpack.i.f32.bf16 v57, v57;
	v61 =	vmul.bf16 v53, v50  }
0x84: {  	v37 =	vld.idx.msk [tilespmem:v56+s11+$0x0], $0xffff;
	v42 =	vpack.i.f32.bf16 v42, v42;
	v63 =	vmul.f32 v14, v59;
	v21 =	vmul.bf16 v21, v38  }
0x85: {  	v46 =	vld.idx.msk [tilespmem:v52+s11+$0x0], $0xffff;
	v31 =	vadd.bf16 v31, v47;
	v30 =	vmul.bf16 v30, v42;
	v47 =	vmul.f32 v5, v43  }
0x86: {  	v48 =	vld.idx.msk [tilespmem:v34+s11+$0x0], $0xffff;
	v45 =	vxor.u32 v39, v22;
	v14 =	vmul.f32 v14, v10;
	v5 =	vmul.f32 v5, v6  }
0x87: {  	s20 =	simm.s32 $0x4060;
	v19 =	vld.idx.msk [tilespmem:v35+s11+$0x0], $0xffff;
	v12 =	vmul.bf16 v12, v15;
	v24 =	vadd.bf16 v60, v25;
	v25 =	vmul.f32 v13, v40  }
0x88: {  	v51 =	vld [tilespmem:s20+$0xFFFFFFF0];
	v27 =	vadd.bf16 v36, v27;
	v13 =	vmul.f32 v13, v7;
	v62 =	vadd.bf16 v61, v31  }
0x89: {  	v32 =	vld.idx.msk [tilespmem:v32+s11+$0x0], $0xffff;
	v31 =	vpack.i.f32.bf16 v63, v63;
	v20 =	vpack.i.f32.bf16 v47, v47;
	v21 =	vadd.bf16 v21, v24  }
0x8a: {  	v33 =	vld.idx.msk [tilespmem:v33+s11+$0x0], $0xffff;
	v24 =	vmul.f32 v3, v40;
	v9 =	vadd.bf16 v28, v27;
	v27 =	vmul.f32 v2, v59  }
0x8b: {  	s31 =	simm.s32 $0x2060;
	v6 =	vld [tilespmem:s20+$0x10];
	v14 =	vpack.i.f32.bf16 v14, v14;
	v26 =	vmul.bf16 v46, v26;
	v49 =	vmul.bf16 v37, v31  }
0x8c: {  	v15 =	vld [tilespmem:s31+$0xFFFFFFE0];
	v5 =	vpack.i.f32.bf16 v5, v5;
	v20 =	vmul.bf16 v48, v20;
	v3 =	vmul.f32 v3, v7  }
0x8d: {  	v25 =	vpack.i.f32.bf16 v25, v25;
	v11 =	vld.idx.msk [tilespmem:v11+s11+$0x0], $0xffff;
	v2 =	vmul.f32 v2, v10;
	v14 =	vmul.bf16 v17, v14  }
0x8e: {  	v13 =	vpack.i.f32.bf16 v13, v13;
	v5 =	vmul.bf16 v16, v5;
	v29 =	vmul.f32 v51, v1;
	v23 =	vld.idx.msk [tilespmem:v45+s11+$0x0], $0xffff  }
0x8f: {  	v17 =	vld [tilespmem:s31+$0xFFFFFFF0];
	v25 =	vmul.bf16 v32, v25;
	v18 =	vpack.i.f32.bf16 v24, v24;
	v24 =	vpack.i.f32.bf16 v27, v27  }
0x90: {  	s21 =	simm.s32 $0x60;
	v22 =	vadd.bf16 v30, v62;
	v9 =	vadd.bf16 v26, v9;
	v19 =	vmul.bf16 v19, v24;
	v24 =	vld [tilespmem:s31+$0x10]  }
0x91: {  	v10 =	vld [tilespmem:s21+$0x10];
	v3 =	vpack.i.f32.bf16 v3, v3;
	v18 =	vmul.bf16 v33, v18;
	v21 =	vadd.bf16 v25, v21  }
0x92: {  	v6 =	vmul.f32 v6, v1;
	v15 =	vmul.f32 v15, v1;
	v27 =	vld [tilespmem:s21+$0x0];
	v22 =	vadd.bf16 v49, v22  }
0x93: {  	v7 =	vadd.bf16 v20, v9;
	v18 =	vadd.bf16 v18, v21;
	v13 =	vmul.bf16 v23, v13  }
0x94: {  	v54 =	vtrunc.f32 v15;
	v9 =	vadd.bf16 v19, v22;
	v11 =	vmul.bf16 v11, v3  }
0x95: {  	v16 =	vmul.f32 v17, v1;
	v13 =	vadd.bf16 v13, v18;
	v18 =	vmul.f32 v24, v1  }
0x96: {  	v7 =	vadd.bf16 v12, v7;
	v12 =	vld [tilespmem:s31+$0x0];
	v3 =	vadd.bf16 v14, v9;
	v14 =	vmul.f32 v10, v1  }
0x97: {  	v27 =	vmul.f32 v27, v1;
	v9 =	vtrunc.f32 v18  }
0x98: {  	v10 =	vadd.bf16 v11, v13;
	v13 =	vtrunc.f32 v6;
	v11 =	vcvt.f32.s32 v9  }
0x99: {  	v9 =	vadd.bf16 v5, v7;
	v5 =	vtrunc.f32 v14;
	v7 =	vcvt.f32.s32 v13  }
0x9a: {  	v55 =	vtrunc.f32 v16;
	v5 =	vcvt.f32.s32 v5  }
0x9b: {  	v17 =	vmul.f32 v12, v1;
	v13 =	vmul.u32 $0x9E3779B1, v11;
	v12 =	vmul.u32 $0x30025795, v7  }
0x9c: {  	v11 =	vcvt.s32.f32 v11;
	v7 =	vcvt.s32.f32 v7;
	v19 =	vand.u32 $0xFFFF, v5  }
0x9d: {  	v25 =	vld [tilespmem:s21+$0xFFFFFFE0];
	v20 =	vadd.s32 $0x1, v5;
	v5 =	vcvt.s32.f32 v5;
	v21 =	vand.u32 $0xFFFF, v13  }
0x9e: {  	v22 =	vld [tilespmem:s21+$0xFFFFFFF0];
	v23 =	vand.u32 $0xFFFF, v12;
	v12 =	vadd.s32 $0x5795, v12;
	v20 =	vand.u32 $0xFFFF, v20  }
0x9f: {  	v11 =	vsub.f32 v18, v11;
	v6 =	vsub.f32 v6, v7;
	v7 =	vadd.s32 $0x79B1, v13  }
0xa0: {  	v24 =	vxor.u32 v19, v21;
	v12 =	vand.u32 $0xFFFF, v12;
	v5 =	vsub.f32 v14, v5  }
0xa1: {  	v13 =	vxor.u32 v20, v21;
	v7 =	vand.u32 $0xFFFF, v7;
	v26 =	vxor.u32 v23, v24  }
0xa2: {  	v18 =	vld [tilespmem:s20+$0xFFFFFFE0];
	v50 =	vxor.u32 v23, v13;
	v13 =	vxor.u32 v13, v12;
	v19 =	vxor.u32 v19, v7  }
0xa3: {  	v25 =	vmul.f32 v25, v1;
	v22 =	vmul.f32 v22, v1;
	v57 =	vxor.u32 v23, v19  }
0xa4: {  	v14 =	vxor.u32 v24, v12;
	v24 =	vsub.f32 $1.000000000e+00, v11;
	v21 =	vsub.f32 $1.000000000e+00, v5  }
0xa5: {  	v62 =	vtrunc.f32 v22;
	v59 =	vtrunc.f32 v17;
	v52 =	vsub.f32 $1.000000000e+00, v6  }
0xa6: {  	v7 =	vxor.u32 v20, v7;
	v19 =	vxor.u32 v12, v19;
	v53 =	vmul.f32 v24, v21;
	v26 =	vld.idx.msk [tilespmem:v26+s11+$0x0], $0xffff  }
0xa7: {  	v23 =	vxor.u32 v23, v7;
	v18 =	vmul.f32 v18, v1;
	v24 =	vmul.f32 v24, v5;
	v13 =	vld.idx.msk [tilespmem:v13+s11+$0x0], $0xffff  }
0xa8: {  	v7 =	vxor.u32 v12, v7;
	v21 =	vmul.f32 v11, v21;
	v56 =	vmul.f32 v52, v53;
	v12 =	vld.idx.msk [tilespmem:v57+s11+$0x0], $0xffff  }
0xa9: {  	v2 =	vpack.i.f32.bf16 v2, v2;
	v14 =	vld.idx.msk [tilespmem:v14+s11+$0x0], $0xffff;
	v60 =	vmul.f32 v52, v24;
	v24 =	vmul.f32 v24, v6  }
0xaa: {  	v5 =	vmul.f32 v11, v5;
	v61 =	vmul.f32 v52, v21;
	v34 =	vpack.i.f32.bf16 v56, v56  }
0xab: {  	v28 =	vld.idx.msk [tilespmem:v50+s11+$0x0], $0xffff;
	v31 =	vmul.f32 v53, v6;
	v24 =	vpack.i.f32.bf16 v24, v24;
	v20 =	vmul.bf16 v26, v34  }
0xac: {  	v58 =	vld [tilespmem:s20+$0x0];
	v11 =	vpack.i.f32.bf16 v61, v61;
	v13 =	vmul.bf16 v13, v24;
	v24 =	vcvt.f32.s32 v55  }
0xad: {  	v26 =	vpack.i.f32.bf16 v31, v31;
	v11 =	vmul.bf16 v12, v11;
	v12 =	vcvt.f32.s32 v54  }
0xae: {  	v21 =	vmul.f32 v6, v21;
	v14 =	vmul.bf16 v14, v26;
	v20 =	vadd.bf16 v0, v20  }
0xaf: {  	v26 =	vpack.i.f32.bf16 v60, v60;
	v32 =	vmul.u32 $0x9E3779B1, v24;
	v30 =	vmul.u32 $0x9E3779B1, v12  }
0xb0: {  	v12 =	vcvt.s32.f32 v12;
	v14 =	vadd.bf16 v14, v20;
	v20 =	vmul.bf16 v28, v26  }
0xb1: {  	v19 =	vld.idx.msk [tilespmem:v19+s11+$0x0], $0xffff;
	v31 =	vmul.f32 v58, v1;
	v24 =	vcvt.s32.f32 v24;
	v36 =	vand.u32 $0xFFFF, v32  }
0xb2: {  	v7 =	vld.idx.msk [tilespmem:v7+s11+$0x0], $0xffff;
	v32 =	vadd.s32 $0x79B1, v32;
	v15 =	vsub.f32 v15, v12;
	v14 =	vadd.bf16 v20, v14  }
0xb3: {  	v26 =	vtrunc.f32 v25;
	v32 =	vand.u32 $0xFFFF, v32;
	v20 =	vld.idx.msk [tilespmem:v23+s11+$0x0], $0xffff;
	v23 =	vtrunc.f32 v27  }
0xb4: {  	v28 =	vcvt.f32.s32 v23;
	v45 =	vsub.f32 $1.000000000e+00, v15;
	v13 =	vadd.bf16 v13, v14  }
0xb5: {  	v14 =	vpack.i.f32.bf16 v21, v21;
	v21 =	vmul.f32 v52, v5;
	v5 =	vmul.f32 v6, v5  }
0xb6: {  	v11 =	vadd.bf16 v11, v13;
	v13 =	vmul.bf16 v19, v14;
	v14 =	vcvt.f32.s32 v59  }
0xb7: {  	v19 =	vpack.i.f32.bf16 v21, v21;
	v21 =	vcvt.f32.s32 v26;
	v5 =	vpack.i.f32.bf16 v5, v5  }
0xb8: {  	v41 =	vand.u32 $0xFFFF, v28;
	v26 =	vcvt.s32.f32 v28;
	v5 =	vmul.bf16 v7, v5  }
0xb9: {  	v7 =	vtrunc.f32 v29;
	v6 =	vadd.bf16 v13, v11;
	v11 =	vmul.bf16 v20, v19  }
0xba: {  	v28 =	vadd.s32 $0x1, v28;
	v19 =	vcvt.f32.s32 v62;
	v13 =	vtrunc.f32 v18  }
0xbb: {  	v28 =	vand.u32 $0xFFFF, v28;
	v20 =	vtrunc.f32 v31;
	v7 =	vcvt.f32.s32 v7  }
0xbc: {  	v33 =	vmul.u32 $0x9E3779B1, v14;
	v58 =	vcvt.s32.f32 v14;
	v14 =	vsub.f32 v16, v24  }
0xbd: {  	v16 =	vsub.f32 v27, v26;
	v27 =	vand.u32 $0xFFFF, v30;
	v30 =	vadd.s32 $0x79B1, v30  }
0xbe: {  	v39 =	vand.u32 $0xFFFF, v21;
	v23 =	vcvt.f32.s32 v13;
	v30 =	vand.u32 $0xFFFF, v30  }
0xbf: {  	v6 =	vadd.bf16 v11, v6;
	v57 =	vmul.u32 $0x30025795, v7;
	v7 =	vcvt.s32.f32 v7  }
0xc0: {  	v17 =	vsub.f32 v17, v58;
	v38 =	vand.u32 $0xFFFF, v33;
	v40 =	vand.u32 $0xFFFF, v19  }
0xc1: {  	v48 =	vsub.f32 $1.000000000e+00, v14;
	v50 =	vsub.f32 $1.000000000e+00, v16;
	v33 =	vadd.s32 $0x79B1, v33  }
0xc2: {  	v63 =	vmul.u32 $0x30025795, v23;
	v42 =	vxor.u32 v40, v36;
	v43 =	vxor.u32 v41, v38  }
0xc3: {  	v38 =	vxor.u32 v28, v38;
	v33 =	vand.u32 $0xFFFF, v33;
	v40 =	vxor.u32 v40, v32  }
0xc4: {  	v11 =	vadd.bf16 v5, v6;
	v5 =	vcvt.s32.f32 v21;
	v6 =	vcvt.f32.s32 v20  }
0xc5: {  	v20 =	vcvt.s32.f32 v19;
	v51 =	vsub.f32 $1.000000000e+00, v17;
	v7 =	vsub.f32 v29, v7  }
0xc6: {  	v61 =	vadd.s32 $0x5795, v57;
	v41 =	vxor.u32 v41, v33;
	v28 =	vxor.u32 v28, v33  }
0xc7: {  	v26 =	vand.u32 $0xFFFF, v63;
	v59 =	vmul.u32 $0x30025795, v6;
	v13 =	vsub.f32 v25, v5  }
0xc8: {  	v5 =	vcvt.s32.f32 v23;
	v12 =	vsub.f32 v22, v20;
	v20 =	vcvt.s32.f32 v6  }
0xc9: {  	v22 =	vxor.u32 v39, v27;
	v25 =	vand.u32 $0xFFFF, v57;
	v39 =	vxor.u32 v39, v30  }
0xca: {  	v60 =	vxor.u32 v26, v22;
	v56 =	vxor.u32 v25, v42;
	v44 =	vsub.f32 $1.000000000e+00, v13  }
0xcb: {  	v24 =	vand.u32 $0xFFFF, v59;
	v47 =	vsub.f32 $1.000000000e+00, v12;
	v6 =	vsub.f32 v18, v5  }
0xcc: {  	v18 =	vadd.s32 $0x5795, v63;
	v5 =	vsub.f32 v31, v20;
	v62 =	vadd.s32 $0x5795, v59  }
0xcd: {  	s23 =	simm.s32 $0x6060;
	v20 =	vand.u32 $0xFFFF, v61;
	v63 =	vadd.s32 $0x1, v21;
	v61 =	vadd.s32 $0x1, v19  }
0xce: {  	[tilespmem:s23+$0x10] =	vst v11;
	v11 =	vmul.f32 v15, v13;
	v52 =	vxor.u32 v24, v43;
	v23 =	vand.u32 $0xFFFF, v18  }
0xcf: {  	v18 =	vand.u32 $0xFFFF, v62;
	v62 =	vmul.f32 v51, v50;
	v42 =	vxor.u32 v42, v20  }
0xd0: {  	v29 =	vand.u32 $0xFFFF, v63;
	v46 =	vand.u32 $0xFFFF, v61;
	v51 =	vmul.f32 v51, v16  }
0xd1: {  	v50 =	vmul.f32 v17, v50;
	v57 =	vmul.f32 v45, v44;
	v19 =	vsub.f32 $1.000000000e+00, v6  }
0xd2: {  	v58 =	vxor.u32 v22, v23;
	v22 =	vsub.f32 $1.000000000e+00, v7;
	v21 =	vsub.f32 $1.000000000e+00, v5  }
0xd3: {  	v43 =	vxor.u32 v43, v18;
	v27 =	vxor.u32 v29, v27;
	v45 =	vmul.f32 v45, v13  }
0xd4: {  	v36 =	vxor.u32 v46, v36;
	v44 =	vmul.f32 v15, v44;
	v53 =	vmul.f32 v62, v5  }
0xd5: {  	v29 =	vxor.u32 v29, v30;
	v13 =	vmul.f32 v5, v50;
	v59 =	vld.idx.msk [tilespmem:v60+s11+$0x0], $0xffff;
	v60 =	vmul.f32 v48, v47  }
0xd6: {  	v30 =	vxor.u32 v46, v32;
	v54 =	vmul.f32 v19, v57;
	v63 =	vmul.f32 v21, v62  }
0xd7: {  	s22 =	simm.s32 $0x6020;
	v31 =	vmul.f32 v57, v6;
	v57 =	vxor.u32 v26, v27;
	v48 =	vmul.f32 v48, v12  }
0xd8: {  	[tilespmem:s22+$0x10] =	vst v4;
	v27 =	vxor.u32 v27, v23;
	v47 =	vmul.f32 v14, v47;
	v4 =	vmul.f32 v19, v44  }
0xd9: {  	v49 =	vld.idx.msk [tilespmem:v56+s11+$0x0], $0xffff;
	v56 =	vmul.f32 v6, v44;
	v53 =	vpack.i.f32.bf16 v53, v53;
	v55 =	vmul.f32 v22, v60  }
0xda: {  	v54 =	vpack.i.f32.bf16 v54, v54;
	v37 =	vmul.f32 v60, v7;
	v60 =	vmul.f32 v19, v45  }
0xdb: {  	v31 =	vpack.i.f32.bf16 v31, v31;
	v61 =	vmul.f32 v22, v48;
	v45 =	vmul.f32 v45, v6  }
0xdc: {  	v48 =	vmul.f32 v48, v7;
	v19 =	vmul.f32 v19, v11;
	v34 =	vld.idx.msk [tilespmem:v58+s11+$0x0], $0xffff;
	v58 =	vxor.u32 v25, v36  }
0xdd: {  	v52 =	vld.idx.msk [tilespmem:v52+s11+$0x0], $0xffff;
	v36 =	vxor.u32 v36, v20;
	v55 =	vpack.i.f32.bf16 v55, v55;
	v37 =	vpack.i.f32.bf16 v37, v37  }
0xde: {  	v42 =	vld.idx.msk [tilespmem:v42+s11+$0x0], $0xffff;
	v45 =	vpack.i.f32.bf16 v45, v45;
	v48 =	vpack.i.f32.bf16 v48, v48;
	v19 =	vpack.i.f32.bf16 v19, v19  }
0xdf: {  	v35 =	vmul.bf16 v59, v54;
	v54 =	vpack.i.f32.bf16 v63, v63;
	v49 =	vmul.bf16 v49, v55  }
0xe0: {  	v43 =	vld.idx.msk [tilespmem:v43+s11+$0x0], $0xffff;
	v59 =	vxor.u32 v24, v38;
	v38 =	vxor.u32 v38, v18;
	v63 =	vmul.f32 v21, v51  }
0xe1: {  	v55 =	vld.idx.msk [tilespmem:v57+s11+$0x0], $0xffff;
	v57 =	vxor.u32 v26, v39;
	v51 =	vmul.f32 v51, v5;
	v39 =	vxor.u32 v23, v39  }
0xe2: {  	[tilespmem:s22+$0xFFFFFFE0] =	vst v10;
	v26 =	vxor.u32 v26, v29;
	v29 =	vxor.u32 v23, v29;
	v52 =	vmul.bf16 v52, v54  }
0xe3: {  	[tilespmem:s22+$0xFFFFFFF0] =	vst v9;
	v35 =	vadd.bf16 v0, v35;
	v37 =	vmul.bf16 v42, v37;
	v49 =	vadd.bf16 v0, v49  }
0xe4: {  	v27 =	vld.idx.msk [tilespmem:v27+s11+$0x0], $0xffff;
	v42 =	vpack.i.f32.bf16 v60, v60;
	v54 =	vpack.i.f32.bf16 v63, v63;
	v60 =	vmul.f32 v22, v47  }
0xe5: {  	v51 =	vpack.i.f32.bf16 v51, v51;
	v31 =	vmul.bf16 v34, v31;
	v43 =	vmul.bf16 v43, v53;
	v62 =	vld.idx.msk [tilespmem:v58+s11+$0x0], $0xffff  }
0xe6: {  	v58 =	vxor.u32 v25, v40;
	v53 =	vpack.i.f32.bf16 v61, v61;
	v36 =	vld.idx.msk [tilespmem:v36+s11+$0x0], $0xffff;
	v40 =	vxor.u32 v20, v40  }
0xe7: {  	v25 =	vxor.u32 v25, v30;
	v20 =	vxor.u32 v20, v30;
	v52 =	vadd.bf16 v0, v52;
	v34 =	vld.idx.msk [tilespmem:v59+s11+$0x0], $0xffff  }
0xe8: {  	v37 =	vadd.bf16 v37, v49;
	v31 =	vadd.bf16 v31, v35;
	v42 =	vmul.bf16 v55, v42;
	v38 =	vld.idx.msk [tilespmem:v38+s11+$0x0], $0xffff  }
0xe9: {  	v59 =	vxor.u32 v24, v41;
	v41 =	vxor.u32 v18, v41;
	v63 =	vld.idx.msk [tilespmem:v57+s11+$0x0], $0xffff;
	v27 =	vmul.bf16 v27, v45  }
0xea: {  	v24 =	vxor.u32 v24, v28;
	v55 =	vpack.i.f32.bf16 v4, v4;
	v4 =	vld.idx.msk [tilespmem:v8+s11+$0x0], $0xffff;
	v57 =	vmul.f32 v7, v47  }
0xeb: {  	v8 =	vxor.u32 v18, v28;
	v43 =	vadd.bf16 v43, v52;
	v10 =	vadd.bf16 v42, v31;
	v52 =	vld.idx.msk [tilespmem:v58+s11+$0x0], $0xffff  }
0xec: {  	v31 =	vpack.i.f32.bf16 v60, v60;
	v35 =	vmul.bf16 v62, v53;
	v62 =	vmul.f32 v21, v50;
	v58 =	vld.idx.msk [tilespmem:v39+s11+$0x0], $0xffff  }
0xed: {  	v49 =	vmul.bf16 v36, v48;
	v27 =	vadd.bf16 v27, v10;
	v10 =	vmul.f32 v14, v12;
	v12 =	vld.idx.msk [tilespmem:v25+s11+$0x0], $0xffff  }
0xee: {  	v34 =	vmul.bf16 v34, v54;
	v9 =	vadd.bf16 v35, v37;
	v53 =	vmul.bf16 v38, v51;
	v54 =	vld.idx.msk [tilespmem:v59+s11+$0x0], $0xffff  }
0xef: {  	v33 =	vpack.i.f32.bf16 v62, v62;
	v59 =	vld.idx.msk [tilespmem:v40+s11+$0x0], $0xffff;
	v62 =	vpack.i.f32.bf16 v57, v57;
	v25 =	vmul.f32 v22, v10  }
0xf0: {  	v60 =	vld.idx.msk [tilespmem:v41+s11+$0x0], $0xffff;
	v61 =	vadd.bf16 v34, v43;
	v15 =	vadd.bf16 v49, v9;
	v9 =	vmul.f32 v17, v16  }
0xf1: {  	v17 =	vmul.bf16 v63, v55;
	v16 =	vld.idx.msk [tilespmem:v26+s11+$0x0], $0xffff;
	v26 =	vpack.i.f32.bf16 v56, v56;
	v63 =	vpack.i.f32.bf16 v13, v13  }
0xf2: {  	v13 =	vld.idx.msk [tilespmem:v24+s11+$0x0], $0xffff;
	v31 =	vmul.bf16 v52, v31;
	v24 =	vmul.bf16 v58, v26;
	v14 =	vadd.bf16 v53, v61  }
0xf3: {  	v23 =	vadd.bf16 v17, v27;
	v27 =	vmul.f32 v21, v9;
	v61 =	vmul.bf16 v54, v33  }
0xf4: {  	v21 =	vpack.i.f32.bf16 v25, v25;
	v17 =	vadd.bf16 v31, v15;
	v22 =	vmul.bf16 v59, v62;
	v15 =	vld.idx.msk [tilespmem:v20+s11+$0x0], $0xffff  }
0xf5: {  	s24 =	simm.s32 $0x40;
	s25 =	simm.s32 $0x20A0;
	v25 =	vmul.bf16 v60, v63;
	v20 =	vpack.i.f32.bf16 v27, v27;
	v18 =	vadd.bf16 v61, v14;
	v14 =	vld.idx.msk [tilespmem:v29+s11+$0x0], $0xffff  }
.LBB2_3:
0xf6: {  	v26 =	vld [tilespmem:s25+$0x10];
	s24 =	sadd.s32 $0x40, s24;
	v23 =	vadd.bf16 v24, v23;
	v6 =	vmul.f32 v6, v11;
	v7 =	vmul.f32 v7, v10;
	s20 =	sadd.s32 $0x40, s20  }
0xf7: {  	v11 =	vadd.bf16 v22, v17;
	v5 =	vmul.f32 v5, v9;
	s21 =	sadd.s32 $0x40, s21;
	v10 =	vld [tilespmem:s20+$0x10];
	p0 =	slt.u32 s24, $0x1FC0;
	v17 =	vadd.bf16 v25, v18  }
0xf8: {  	v16 =	vmul.bf16 v16, v19;
	v12 =	vmul.bf16 v12, v21;
	v9 =	vld [tilespmem:s21+$0x10];
	v6 =	vpack.i.f32.bf16 v6, v6  }
0xf9: {  	v13 =	vmul.bf16 v13, v20;
	v7 =	vpack.i.f32.bf16 v7, v7;
	v5 =	vpack.i.f32.bf16 v5, v5;
	v18 =	vld [tilespmem:s25+$0xFFFFFFE0]  }
0xfa: {  	v16 =	vadd.bf16 v16, v23;
	v11 =	vadd.bf16 v12, v11;
	v6 =	vmul.bf16 v14, v6;
	v19 =	vld [tilespmem:s25+$0xFFFFFFF0]  }
0xfb: {  	v13 =	vadd.bf16 v13, v17;
	v7 =	vmul.bf16 v15, v7;
	v12 =	vld [tilespmem:s25+$0x0];
	v14 =	vmul.f32 v26, v1  }
0xfc: {  	v4 =	vmul.bf16 v4, v2;
	v2 =	vmovc v5;
	v6 =	vadd.bf16 v6, v16;
	v15 =	vld [tilespmem:s21+$0xFFFFFFF0];
	v10 =	vmul.f32 v10, v1  }
0xfd: {  	v7 =	vadd.bf16 v7, v11;
	v16 =	vld [tilespmem:s21+$0x0];
	v9 =	vmul.f32 v9, v1;
	v5 =	vtrunc.f32 v14  }
0xfe: {  	v4 =	vadd.bf16 v4, v3;
	v3 =	vmovc v13;
	v11 =	vld [tilespmem:s21+$0xFFFFFFE0];
	v17 =	vcvt.f32.s32 v5;
	v5 =	vtrunc.f32 v10;
	[tilespmem:s23+$0xFFFFFFE0] =	vst v6  }
0xff: {  	v13 =	vld [tilespmem:s20+$0xFFFFFFE0];
	v6 =	vtrunc.f32 v9;
	v20 =	vcvt.f32.s32 v5;
	[tilespmem:s23+$0xFFFFFFF0] =	vst v7  }
0x100: {  	v5 =	vmul.f32 v18, v1;
	v18 =	vld [tilespmem:s20+$0xFFFFFFF0];
	v21 =	vcvt.f32.s32 v6;
	v22 =	vmul.u32 $0x9E3779B1, v17;
	[tilespmem:s22+$0x0] =	vst v4;
	s22 =	smov.u32 s23  }
0x101: {  	v7 =	vmul.f32 v19, v1;
	v6 =	vmul.f32 v12, v1;
	v12 =	vld [tilespmem:s20+$0x0];
	v19 =	vmul.u32 $0x30025795, v20  }
0x102: {  	v23 =	vand.u32 $0xFFFF, v21;
	v24 =	vadd.s32 $0x1, v21;
	v25 =	vand.u32 $0xFFFF, v22;
	v4 =	vld.idx.msk [tilespmem:v8+s11+$0x0], $0xffff  }
0x103: {  	v8 =	vcvt.s32.f32 v21;
	v21 =	vand.u32 $0xFFFF, v19;
	v26 =	vxor.u32 v23, v25  }
0x104: {  	v17 =	vcvt.s32.f32 v17;
	v19 =	vadd.s32 $0x5795, v19;
	v27 =	vxor.u32 v21, v26  }
0x105: {  	v20 =	vcvt.s32.f32 v20;
	v24 =	vand.u32 $0xFFFF, v24;
	v19 =	vand.u32 $0xFFFF, v19  }
0x106: {  	v8 =	vsub.f32 v9, v8;
	v9 =	vsub.f32 v14, v17;
	v14 =	vxor.u32 v26, v19  }
0x107: {  	v10 =	vsub.f32 v10, v20;
	v17 =	vadd.s32 $0x79B1, v22;
	v20 =	vxor.u32 v24, v25  }
0x108: {  	v26 =	vxor.u32 v21, v20;
	v22 =	vsub.f32 $1.000000000e+00, v8;
	v25 =	vsub.f32 $1.000000000e+00, v9  }
0x109: {  	v28 =	vmul.f32 v15, v1;
	v11 =	vmul.f32 v11, v1;
	v17 =	vand.u32 $0xFFFF, v17;
	v27 =	vld.idx.msk [tilespmem:v27+s11+$0x0], $0xffff  }
0x10a: {  	v29 =	vsub.f32 $1.000000000e+00, v10;
	v20 =	vxor.u32 v20, v19;
	v15 =	vmul.f32 v25, v22  }
0x10b: {  	v30 =	vtrunc.f32 v5;
	v16 =	vmul.f32 v16, v1;
	v23 =	vxor.u32 v23, v17;
	v31 =	vld.idx.msk [tilespmem:v14+s11+$0x0], $0xffff  }
0x10c: {  	v32 =	vtrunc.f32 v7;
	v34 =	vxor.u32 v21, v23;
	v33 =	vmul.f32 v29, v15  }
0x10d: {  	v23 =	vxor.u32 v19, v23;
	v14 =	vmul.f32 v13, v1;
	v13 =	vtrunc.f32 v6;
	v26 =	vld.idx.msk [tilespmem:v26+s11+$0x0], $0xffff  }
0x10e: {  	v25 =	vmul.f32 v25, v8;
	v35 =	vmul.f32 v15, v10;
	v33 =	vpack.i.f32.bf16 v33, v33  }
0x10f: {  	v17 =	vxor.u32 v24, v17;
	v15 =	vmul.f32 v18, v1;
	v18 =	vmul.bf16 v27, v33;
	v20 =	vld.idx.msk [tilespmem:v20+s11+$0x0], $0xffff  }
0x110: {  	v21 =	vxor.u32 v21, v17;
	v24 =	vpack.i.f32.bf16 v35, v35;
	v27 =	vmul.f32 v29, v25  }
0x111: {  	v17 =	vxor.u32 v19, v17;
	v18 =	vadd.bf16 v0, v18;
	v24 =	vmul.bf16 v31, v24;
	v31 =	vld.idx.msk [tilespmem:v34+s11+$0x0], $0xffff  }
0x112: {  	v19 =	vmul.f32 v9, v22;
	v25 =	vmul.f32 v25, v10;
	v22 =	vpack.i.f32.bf16 v27, v27  }
0x113: {  	v27 =	vmul.f32 v12, v1;
	v12 =	vadd.bf16 v24, v18;
	v18 =	vmul.bf16 v26, v22;
	v22 =	vld.idx.msk [tilespmem:v23+s11+$0x0], $0xffff  }
0x114: {  	v24 =	vpack.i.f32.bf16 v25, v25;
	v25 =	vmul.f32 v29, v19;
	v23 =	vtrunc.f32 v11  }
0x115: {  	v26 =	vtrunc.f32 v28;
	v12 =	vadd.bf16 v18, v12;
	v18 =	vmul.bf16 v20, v24;
	v20 =	vld.idx.msk [tilespmem:v21+s11+$0x0], $0xffff  }
0x116: {  	v8 =	vmul.f32 v9, v8;
	v19 =	vmul.f32 v10, v19;
	v9 =	vpack.i.f32.bf16 v25, v25  }
0x117: {  	v21 =	vtrunc.f32 v16;
	v12 =	vadd.bf16 v18, v12;
	v9 =	vmul.bf16 v31, v9;
	v17 =	vld.idx.msk [tilespmem:v17+s11+$0x0], $0xffff  }
0x118: {  	v19 =	vpack.i.f32.bf16 v19, v19;
	v24 =	vmul.f32 v29, v8;
	v18 =	vcvt.f32.s32 v30  }
0x119: {  	v25 =	vcvt.f32.s32 v32;
	v9 =	vadd.bf16 v9, v12;
	v12 =	vmul.bf16 v22, v19  }
0x11a: {  	v13 =	vcvt.f32.s32 v13;
	v8 =	vmul.f32 v10, v8;
	v19 =	vpack.i.f32.bf16 v24, v24  }
0x11b: {  	v24 =	vcvt.f32.s32 v23;
	v9 =	vadd.bf16 v12, v9;
	v10 =	vmul.bf16 v20, v19  }
0x11c: {  	v8 =	vpack.i.f32.bf16 v8, v8;
	v19 =	vcvt.f32.s32 v26;
	v20 =	vcvt.f32.s32 v21  }
0x11d: {  	v12 =	vtrunc.f32 v14;
	v9 =	vadd.bf16 v10, v9;
	v8 =	vmul.bf16 v17, v8  }
0x11e: {  	v26 =	vmul.u32 $0x9E3779B1, v18;
	v10 =	vtrunc.f32 v15;
	v17 =	vtrunc.f32 v27  }
0x11f: {  	v12 =	vcvt.f32.s32 v12;
	v21 =	vcvt.f32.s32 v10;
	v8 =	vadd.bf16 v8, v9  }
0x120: {  	s23 =	sadd.s32 $0x40, s23;
	v29 =	vmul.u32 $0x9E3779B1, v25;
	v17 =	vcvt.f32.s32 v17;
	v9 =	vcvt.s32.f32 v24  }
0x121: {  	v30 =	vmul.u32 $0x9E3779B1, v13;
	v10 =	vcvt.s32.f32 v18;
	v18 =	vcvt.s32.f32 v19;
	[tilespmem:s23+$0x10] =	vst v8  }
0x122: {  	v22 =	vcvt.s32.f32 v25;
	v23 =	vcvt.s32.f32 v20;
	v31 =	vmul.u32 $0x30025795, v12  }
0x123: {  	v13 =	vcvt.s32.f32 v13;
	v25 =	vmul.u32 $0x30025795, v21;
	v32 =	vmul.u32 $0x30025795, v17  }
0x124: {  	v9 =	vsub.f32 v11, v9;
	v11 =	vsub.f32 v5, v10;
	v5 =	vcvt.s32.f32 v12  }
0x125: {  	v10 =	vsub.f32 v7, v22;
	v7 =	vcvt.s32.f32 v21;
	v8 =	vsub.f32 v28, v18  }
0x126: {  	v13 =	vsub.f32 v6, v13;
	v17 =	vcvt.s32.f32 v17;
	v12 =	vsub.f32 v16, v23  }
0x127: {  	v33 =	vand.u32 $0xFFFF, v29;
	v34 =	vand.u32 $0xFFFF, v30;
	v28 =	vand.u32 $0xFFFF, v26  }
0x128: {  	v35 =	vand.u32 $0xFFFF, v24;
	v36 =	vand.u32 $0xFFFF, v19;
	v37 =	vand.u32 $0xFFFF, v20  }
0x129: {  	v38 =	vxor.u32 v36, v33;
	v39 =	vxor.u32 v37, v34;
	v21 =	vxor.u32 v35, v28  }
0x12a: {  	v22 =	vand.u32 $0xFFFF, v31;
	v18 =	vand.u32 $0xFFFF, v25;
	v16 =	vand.u32 $0xFFFF, v32  }
0x12b: {  	v40 =	vsub.f32 $1.000000000e+00, v9;
	v41 =	vsub.f32 $1.000000000e+00, v11;
	v42 =	vxor.u32 v22, v21  }
0x12c: {  	v43 =	vsub.f32 $1.000000000e+00, v10;
	v44 =	vxor.u32 v18, v38;
	v23 =	vsub.f32 $1.000000000e+00, v8  }
0x12d: {  	v46 =	vsub.f32 $1.000000000e+00, v13;
	v45 =	vsub.f32 $1.000000000e+00, v12;
	v47 =	vxor.u32 v16, v39  }
0x12e: {  	v6 =	vsub.f32 v14, v5;
	v14 =	vadd.s32 $0x5795, v31;
	v7 =	vsub.f32 v15, v7  }
0x12f: {  	v15 =	vadd.s32 $0x5795, v25;
	v5 =	vsub.f32 v27, v17;
	v25 =	vadd.s32 $0x5795, v32  }
0x130: {  	v17 =	vand.u32 $0xFFFF, v14;
	v15 =	vand.u32 $0xFFFF, v15;
	v14 =	vand.u32 $0xFFFF, v25;
	v27 =	vld.idx.msk [tilespmem:v42+s11+$0x0], $0xffff  }
0x131: {  	v24 =	vadd.s32 $0x1, v24;
	v25 =	vmul.f32 v41, v40;
	v31 =	vmul.f32 v43, v23;
	v32 =	vld.idx.msk [tilespmem:v44+s11+$0x0], $0xffff  }
0x132: {  	v48 =	vmul.f32 v46, v45;
	v42 =	vadd.s32 $0x1, v19;
	v44 =	vadd.s32 $0x1, v20;
	v47 =	vld.idx.msk [tilespmem:v47+s11+$0x0], $0xffff  }
0x133: {  	v49 =	vxor.u32 v21, v17;
	v21 =	vsub.f32 $1.000000000e+00, v7;
	v19 =	vsub.f32 $1.000000000e+00, v6  }
0x134: {  	v38 =	vxor.u32 v38, v15;
	v39 =	vxor.u32 v39, v14;
	v20 =	vsub.f32 $1.000000000e+00, v5  }
0x135: {  	v24 =	vand.u32 $0xFFFF, v24;
	v42 =	vand.u32 $0xFFFF, v42;
	v44 =	vand.u32 $0xFFFF, v44  }
0x136: {  	v28 =	vxor.u32 v24, v28;
	v50 =	vmul.f32 v19, v25;
	v33 =	vxor.u32 v42, v33  }
0x137: {  	v51 =	vmul.f32 v21, v31;
	v34 =	vxor.u32 v44, v34;
	v52 =	vmul.f32 v20, v48  }
0x138: {  	v53 =	vxor.u32 v22, v28;
	v54 =	vxor.u32 v18, v33;
	v55 =	vxor.u32 v16, v34;
	v49 =	vld.idx.msk [tilespmem:v49+s11+$0x0], $0xffff  }
0x139: {  	v51 =	vpack.i.f32.bf16 v51, v51;
	v50 =	vpack.i.f32.bf16 v50, v50;
	v52 =	vpack.i.f32.bf16 v52, v52;
	v38 =	vld.idx.msk [tilespmem:v38+s11+$0x0], $0xffff  }
0x13a: {  	v26 =	vadd.s32 $0x79B1, v26;
	v31 =	vmul.f32 v31, v7;
	v25 =	vmul.f32 v25, v6;
	v39 =	vld.idx.msk [tilespmem:v39+s11+$0x0], $0xffff  }
0x13b: {  	v29 =	vadd.s32 $0x79B1, v29;
	v30 =	vadd.s32 $0x79B1, v30;
	v48 =	vmul.f32 v48, v5  }
0x13c: {  	v41 =	vmul.f32 v41, v9;
	v28 =	vxor.u32 v28, v17;
	v43 =	vmul.f32 v43, v8  }
0x13d: {  	v46 =	vmul.f32 v46, v12;
	v33 =	vxor.u32 v33, v15;
	v27 =	vmul.bf16 v27, v50;
	v50 =	vld.idx.msk [tilespmem:v53+s11+$0x0], $0xffff  }
0x13e: {  	v34 =	vxor.u32 v34, v14;
	v32 =	vmul.bf16 v32, v51;
	v47 =	vmul.bf16 v47, v52;
	v51 =	vld.idx.msk [tilespmem:v54+s11+$0x0], $0xffff  }
0x13f: {  	v29 =	vand.u32 $0xFFFF, v29;
	v30 =	vand.u32 $0xFFFF, v30;
	v26 =	vand.u32 $0xFFFF, v26;
	v52 =	vld.idx.msk [tilespmem:v55+s11+$0x0], $0xffff  }
0x140: {  	v31 =	vpack.i.f32.bf16 v31, v31;
	v25 =	vpack.i.f32.bf16 v25, v25;
	v48 =	vpack.i.f32.bf16 v48, v48  }
0x141: {  	v36 =	vxor.u32 v36, v29;
	v37 =	vxor.u32 v37, v30;
	v35 =	vxor.u32 v35, v26;
	v28 =	vld.idx.msk [tilespmem:v28+s11+$0x0], $0xffff  }
0x142: {  	v27 =	vadd.bf16 v0, v27;
	v53 =	vmul.f32 v19, v41;
	v54 =	vmul.f32 v21, v43;
	v33 =	vld.idx.msk [tilespmem:v33+s11+$0x0], $0xffff  }
0x143: {  	v32 =	vadd.bf16 v0, v32;
	v47 =	vadd.bf16 v0, v47;
	v55 =	vmul.f32 v20, v46;
	v34 =	vld.idx.msk [tilespmem:v34+s11+$0x0], $0xffff  }
0x144: {  	v25 =	vmul.bf16 v49, v25;
	v49 =	vxor.u32 v22, v35;
	v31 =	vmul.bf16 v38, v31  }
0x145: {  	v38 =	vxor.u32 v18, v36;
	v39 =	vmul.bf16 v39, v48;
	v48 =	vxor.u32 v16, v37  }
0x146: {  	v53 =	vpack.i.f32.bf16 v53, v53;
	v54 =	vpack.i.f32.bf16 v54, v54;
	v55 =	vpack.i.f32.bf16 v55, v55  }
0x147: {  	v25 =	vadd.bf16 v25, v27;
	v27 =	vmul.f32 v41, v6;
	v41 =	vmul.f32 v43, v7  }
0x148: {  	v40 =	vmul.f32 v11, v40;
	v31 =	vadd.bf16 v31, v32;
	v32 =	vmul.f32 v46, v5  }
0x149: {  	v45 =	vmul.f32 v13, v45;
	v23 =	vmul.f32 v10, v23;
	v39 =	vadd.bf16 v39, v47;
	v43 =	vld.idx.msk [tilespmem:v49+s11+$0x0], $0xffff  }
0x14a: {  	v35 =	vxor.u32 v17, v35;
	v46 =	vmul.bf16 v50, v53;
	v47 =	vmul.bf16 v51, v54;
	v38 =	vld.idx.msk [tilespmem:v38+s11+$0x0], $0xffff  }
0x14b: {  	v36 =	vxor.u32 v15, v36;
	v37 =	vxor.u32 v14, v37;
	v49 =	vmul.bf16 v52, v55;
	v48 =	vld.idx.msk [tilespmem:v48+s11+$0x0], $0xffff  }
0x14c: {  	v27 =	vpack.i.f32.bf16 v27, v27;
	v41 =	vpack.i.f32.bf16 v41, v41;
	v32 =	vpack.i.f32.bf16 v32, v32  }
0x14d: {  	v24 =	vxor.u32 v24, v26;
	v26 =	vxor.u32 v42, v29;
	v29 =	vxor.u32 v44, v30  }
0x14e: {  	v42 =	vmul.f32 v21, v23;
	v30 =	vmul.f32 v19, v40;
	v25 =	vadd.bf16 v46, v25  }
0x14f: {  	v44 =	vmul.f32 v20, v45;
	v31 =	vadd.bf16 v47, v31;
	v39 =	vadd.bf16 v49, v39;
	v35 =	vld.idx.msk [tilespmem:v35+s11+$0x0], $0xffff  }
0x150: {  	v22 =	vxor.u32 v22, v24;
	v27 =	vmul.bf16 v28, v27;
	v28 =	vmul.bf16 v33, v41;
	v33 =	vld.idx.msk [tilespmem:v36+s11+$0x0], $0xffff  }
0x151: {  	v18 =	vxor.u32 v18, v26;
	v32 =	vmul.bf16 v34, v32;
	v36 =	vxor.u32 v16, v29;
	v34 =	vld.idx.msk [tilespmem:v37+s11+$0x0], $0xffff  }
0x152: {  	v30 =	vpack.i.f32.bf16 v30, v30;
	v41 =	vpack.i.f32.bf16 v44, v44;
	v37 =	vpack.i.f32.bf16 v42, v42  }
0x153: {  	v23 =	vmul.f32 v7, v23;
	v25 =	vadd.bf16 v27, v25;
	v27 =	vmul.f32 v6, v40  }
0x154: {  	v11 =	vmul.f32 v11, v9;
	v28 =	vadd.bf16 v28, v31;
	v31 =	vmul.f32 v5, v45  }
0x155: {  	v9 =	vmul.f32 v13, v12;
	v10 =	vmul.f32 v10, v8;
	v16 =	vld.idx.msk [tilespmem:v22+s11+$0x0], $0xffff;
	v22 =	vadd.bf16 v32, v39  }
0x156: {  	v30 =	vmul.bf16 v43, v30;
	v32 =	vxor.u32 v17, v24;
	v17 =	vmul.bf16 v38, v37;
	v12 =	vld.idx.msk [tilespmem:v18+s11+$0x0], $0xffff  }
0x157: {  	v8 =	vxor.u32 v14, v29;
	v15 =	vxor.u32 v15, v26;
	v18 =	vmul.bf16 v48, v41;
	v13 =	vld.idx.msk [tilespmem:v36+s11+$0x0], $0xffff  }
.Ltmp0:
0x158: {  	v26 =	vpack.i.f32.bf16 v23, v23;
	v14 =	vpack.i.f32.bf16 v27, v27;
	v27 =	vpack.i.f32.bf16 v31, v31;
	(pc) =	sbr.rel @p0 .LBB2_3-.Ltmp0, $4  }
0x159: {  	v19 =	vmul.f32 v19, v11;
	v21 =	vmul.f32 v21, v10;
	v23 =	vadd.bf16 v30, v25  }
0x15a: {  	v20 =	vmul.f32 v20, v9;
	v17 =	vadd.bf16 v17, v28;
	v18 =	vadd.bf16 v18, v22  }
0x15b: {  	v19 =	vpack.i.f32.bf16 v19, v19;
	v24 =	vmul.bf16 v35, v14;
	v22 =	vmul.bf16 v33, v26;
	v14 =	vld.idx.msk [tilespmem:v32+s11+$0x0], $0xffff  }
0x15c: {  	s25 =	sadd.s32 $0x40, s25;
	v21 =	vpack.i.f32.bf16 v21, v21;
	v20 =	vpack.i.f32.bf16 v20, v20;
	v25 =	vmul.bf16 v34, v27;
	v15 =	vld.idx.msk [tilespmem:v15+s11+$0x0], $0xffff  }
0x15d: {  	_ =	sdelay $0x1  }
0x15e: {  	v6 =	vmul.f32 v6, v11  }
0x15f: {  	v7 =	vmul.f32 v7, v10;
	v16 =	vmul.bf16 v16, v19  }
0x160: {  	v23 =	vadd.bf16 v24, v23;
	v8 =	vld.idx.msk [tilespmem:v8+s11+$0x0], $0xffff;
	v5 =	vmul.f32 v5, v9;
	v61 =	vmul.bf16 v12, v21  }
0x161: {  	v59 =	vadd.bf16 v22, v17;
	v13 =	vmul.bf16 v13, v20;
	v2 =	vmul.bf16 v4, v2  }
0x162: {  	v60 =	vadd.bf16 v25, v18;
	v6 =	vpack.i.f32.bf16 v6, v6;
	v7 =	vpack.i.f32.bf16 v7, v7  }
0x163: {  	v62 =	vadd.bf16 v16, v23;
	v9 =	vadd.bf16 v61, v59;
	v6 =	vmul.bf16 v14, v6  }
0x164: {  	v5 =	vpack.i.f32.bf16 v5, v5;
	v2 =	vadd.bf16 v2, v3;
	v7 =	vmul.bf16 v15, v7  }
0x165: {  	v63 =	vadd.bf16 v13, v60;
	v6 =	vadd.bf16 v6, v62;
	v5 =	vmul.bf16 v8, v5  }
0x166: {  	[tilespmem:s22+$0x0] =	vst v2;
	v7 =	vadd.bf16 v7, v9  }
0x167: {  	s18 =	sadd.s32 $0x1, s18;
	[tilespmem:s23+$0xFFFFFFE0] =	vst v6;
	v3 =	vadd.bf16 v5, v63  }
0x168: {  	p0 =	sne.s32 s18, $0x8;
	[tilespmem:s23+$0xFFFFFFF0] =	vst v7  }
.Ltmp1:
0x169: {  	s19 =	sadd.s32 s19, s9;
	[tilespmem:s23+$0x0] =	vst v3;
	(pc) =	sbr.rel @p0 .LBB2_2-.Ltmp1, $4  }
0x16a: {  	[hbm4b:s19+s2] =	stream.linear.scatter [tilespmem:s16], [sflag:$0x1], $0x2000, $0x38;
	[tilespmem:$0x18080] =	vst v63  }
0x16b: {  	_ =	swait.ge [sflag:s12], $0x2000  }
0x16c: {  	[sflag:s12] =	ssyncset.done $0x0  }
0x16d: {  	[sflag:s12] =	ssyncadd.s32 $0xFFFFE000  }
0x16e: {  	s17 =	sadd.s32 $0x1, s17  }
0x16f: {  	p0 =	sne.s32 s17, s10  }
.Ltmp2:
0x170: {  	_ = 	snop;
	(pc) =	sbr.rel @p0 .LBB2_1-.Ltmp2, $1  }
0x171: {  	_ =	sdelay $0x3  }
0x172: {  	_ =	sfence.sel $0x180000  }
0x173: {  	[bflag:$0x0] =	sbarrier.arrive $0xFFFF  }
0x174: {  	p0 =	sne.s32 s0, $0x0;
	_ =	strace $0x90000047  }
0x175: {  	s0 =	sadd.s32 @!p0 $0x100000, s1;
	[bflag:$0x2] =	sbarrier.arrive $0xFFFF  }
0x176: {  	[sflag:s0] =	ssyncadd.tile.s32 @!p0 $0x1;
	_ =	shalt  }
.Lfunc_end2:
_tile_overlayer_lowered:
.L_overlay_start_2:
0x177: {  	(tag) =	ssettag $0x2  }
0x178: {  	s0 =	rddreg [dreg:$0x0];
	s2 =	stileid.u32  }
0x179: {  	s1 =	rddreg [dreg:$0x1];
	p0 =	sne.s32 s2, $0x0  }
0x17a: {  	s3 =	rddreg [dreg:$0x2];
	[bflag:$0x3] =	sbarrier.arrive $0xFFFF;
	s2 =	simm.s32 @!p0 $0x1C01  }
0x17b: {  	[timem:s3], [sflag:s2] =	dma.local @!p0 [hbm:s0], s1  }
0x17c: {  	s0 =	simm.s32 @!p0 $0x1  }
0x17d: {  	_ =	swait.ge @!p0 [sflag:s0], s1  }
0x17e: {  	s1 =	ssub.s32 @!p0 $0x0, s1;
	[sflag:s0] =	ssyncset.done @!p0 $0x0  }
0x17f: {  	[sflag:s0] =	ssyncadd.s32 @!p0 s1  }
0x180: {  	[bflag:$0x3] =	sbarrier.arrive $0xFFFF  }
0x181: {  	_ =	shalt  }

// kernel: kernel.13.cloned.1.call-start
scs
__scs_entry_jumppad:
0x0: {  	(pc) =	sbr.rel $0x88, $3  }
0x1: {  	(tag) =	ssettag $0x0;
	lr =	simm.s32 $0x1  }
0x2: {  	[smem:$0x3F9C] =	sst lr;
	_ =	strace $0xD0000000  }
0x3: {  	_ = 	snop  }
0x4: {  	_ = 	snop  }
0x5: {  	_ = 	snop  }
0x6: {  	_ = 	snop  }
0x7: {  	_ = 	snop  }
__scs_overlays_trampoline_lowered:
0x8: {  	[smem:$0x3FAB] =	sst s0  }
0x9: {  	[smem:$0x3FAC] =	sst s1  }
0xa: {  	[smem:$0x3FAD] =	sst s2  }
0xb: {  	[smem:$0x3FAE] =	sst s3  }
0xc: {  	[smem:$0x3FAF] =	sst s4  }
0xd: {  	[smem:$0x3FB0] =	sst s5  }
0xe: {  	[smem:$0x3FB1] =	sst s6  }
0xf: {  	[smem:$0x3FB2] =	sst s7  }
0x10: {  	[smem:$0x3FB3] =	sst s8  }
0x11: {  	[smem:$0x3FB4] =	sst s9;
	s0 =	simm.s32 @!p0 $0x0  }
0x12: {  	s1 =	sld [smem:$0x3F9A];
	s0 =	simm.s32 @p0 $0x1  }
0x13: {  	[smem:$0x3FB5] =	sst s0;
	s0 =	simm.s32 @!p1 $0x0  }
0x14: {  	s2 =	sld [smem:$0x3F99];
	s0 =	simm.s32 @p1 $0x1  }
0x15: {  	[smem:$0x3FB6] =	sst s0;
	s0 =	simm.s32 @!p2 $0x0  }
0x16: {  	s3 =	sld [smem:$0x3FDB];
	s0 =	simm.s32 @p2 $0x1  }
0x17: {  	s4 =	simm.s32 $0x1BF5;
	[smem:$0x3FB8] =	sst s0  }
0x18: {  	s0 =	sld [smem:$0x3F9B];
	_ =	swait.ge [sflag:s4], $0x0  }
0x19: {  	s7 =	sld [smem:$0x3F9C]  }
0x1a: {  	s8 =	sadd.s32 $0xFFFFE003, lr  }
0x1b: {  	s9 =	sadd.s32 $0xFFFFFEF7, lr;
	s5 =	simm.s32 $0xFFFFFFFF;
	p2 =	slt.u32 s8, $0xFFFFF086  }
0x1c: {  	p1 =	slt.u32 s9, $0xF7A;
	s5 =	simm.s32 @!p2 $0x0  }
0x1d: {  	s5 =	simm.s32 @p1 $0x1;
	p0 =	seq.s32 s7, s2  }
0x1e: {  	s7 =	smul.u32 @!p0 $0xF7A, s2;
	p2 =	seq.s32 @!p0 s5, $0x0  }
0x1f: {  	s9 =	smul.u32 $0xF7A, s1;
	s8 =	simm.s32 @!p0 $0x1BF5;
	p2 =	por !p2, p0  }
0x20: {  	[sflag:s8] =	ssyncset.s32 @!p0 $0xFFFFF086;
	s6 =	sadd.s32 @!p0 s3, s7;
	s7 =	simm.s32 @!p0 $0x108  }
0x21: {  	s3 =	sadd.s32 s3, s9;
	s6 =	sadd.s32 @!p0 $0x88, s6;
	s7 =	simm.s32 @p2 $0x1082  }
0x22: {  	[simem:s7], [sflag:s8] =	dma.local @!p0 [hbm:s6], $0xF7A  }
0x23: {  	s9 =	sor.u32 $0xD0000000, s2;
	s6 =	simm.s32 $0x108;
	_ =	swait.ge @!p0 [sflag:s8], $0x0  }
0x24: {  	s3 =	sadd.s32 $0x88, s3;
	s6 =	simm.s32 @!p1 $0x1082;
	[sflag:s4] =	ssyncset.s32 $0xFFFFF086  }
0x25: {  	[simem:s6], [sflag:s4] =	dma.local [hbm:s3], $0xF7A  }
0x26: {  	[smem:$0x3F9C] =	sst s1;
	(tag) =	ssettag s2;
	_ =	strace s9  }
0x27: {  	s1 =	sld [smem:$0x3FAC]  }
0x28: {  	s2 =	sld [smem:$0x3FAD]  }
0x29: {  	s4 =	sld [smem:$0x3FAF]  }
0x2a: {  	p0 =	seq.s32 s5, $0x0;
	s5 =	sld [smem:$0x3FB0]  }
0x2b: {  	s6 =	sld [smem:$0x3FB1]  }
0x2c: {  	s7 =	sld [smem:$0x3FB2]  }
0x2d: {  	s3 =	simm.s32 $0x108;
	s8 =	sld [smem:$0x3FB3]  }
0x2e: {  	s3 =	simm.s32 @!p0 $0x1082;
	s9 =	sld [smem:$0x3FB4]  }
0x2f: {  	lr =	sadd.s32 s0, s3;
	s0 =	sld [smem:$0x3FAB]  }
0x30: {  	s3 =	sld [smem:$0x3FAE]  }
0x31: {  	[smem:$0x3FB7] =	sst s10  }
0x32: {  	s10 =	sld [smem:$0x3FB5];
	_ =	sdelay $0x3  }
0x33: {  	p0 =	seq.s32 s10, $0x1;
	s10 =	sld [smem:$0x3FB7];
	_ =	sdelay $0x3  }
0x34: {  	[smem:$0x3FB7] =	sst s10  }
0x35: {  	s10 =	sld [smem:$0x3FB6];
	_ =	sdelay $0x3  }
0x36: {  	p1 =	seq.s32 s10, $0x1;
	s10 =	sld [smem:$0x3FB7];
	_ =	sdelay $0x3  }
0x37: {  	[smem:$0x3FB7] =	sst s10  }
0x38: {  	s10 =	sld [smem:$0x3FB8]  }
0x39: {  	_ = 	snop;
	(pc) =	sbr.ind lr, $3  }
0x3a: {  	_ = 	snop  }
0x3b: {  	_ = 	snop  }
0x3c: {  	p2 =	seq.s32 s10, $0x1;
	s10 =	sld [smem:$0x3FB7]  }
0x3d: {  	_ =	shalt  }
0x3e: {  	_ =	shalt  }
0x3f: {  	_ =	shalt  }
0x40: {  	_ =	shalt  }
0x41: {  	_ =	shalt  }
0x42: {  	_ =	shalt  }
0x43: {  	_ =	shalt  }
0x44: {  	_ =	shalt  }
0x45: {  	_ =	shalt  }
0x46: {  	_ =	shalt  }
0x47: {  	_ =	shalt  }
0x48: {  	_ =	shalt  }
0x49: {  	_ =	shalt  }
0x4a: {  	_ =	shalt  }
0x4b: {  	_ =	shalt  }
0x4c: {  	_ =	shalt  }
0x4d: {  	_ =	shalt  }
0x4e: {  	_ =	shalt  }
0x4f: {  	_ =	shalt  }
0x50: {  	_ =	shalt  }
0x51: {  	_ =	shalt  }
0x52: {  	_ =	shalt  }
0x53: {  	_ =	shalt  }
0x54: {  	_ =	shalt  }
0x55: {  	_ =	shalt  }
0x56: {  	_ =	shalt  }
0x57: {  	_ =	shalt  }
0x58: {  	_ =	shalt  }
0x59: {  	_ =	shalt  }
0x5a: {  	_ =	shalt  }
0x5b: {  	_ =	shalt  }
0x5c: {  	_ =	shalt  }
0x5d: {  	_ =	shalt  }
0x5e: {  	_ =	shalt  }
0x5f: {  	_ =	shalt  }
0x60: {  	_ =	shalt  }
0x61: {  	_ =	shalt  }
0x62: {  	_ =	shalt  }
0x63: {  	_ =	shalt  }
0x64: {  	_ =	shalt  }
0x65: {  	_ =	shalt  }
0x66: {  	_ =	shalt  }
0x67: {  	_ =	shalt  }
0x68: {  	_ =	shalt  }
0x69: {  	_ =	shalt  }
0x6a: {  	_ =	shalt  }
0x6b: {  	_ =	shalt  }
0x6c: {  	_ =	shalt  }
0x6d: {  	_ =	shalt  }
0x6e: {  	_ =	shalt  }
0x6f: {  	_ =	shalt  }
0x70: {  	_ =	shalt  }
0x71: {  	_ =	shalt  }
0x72: {  	_ =	shalt  }
0x73: {  	_ =	shalt  }
0x74: {  	_ =	shalt  }
0x75: {  	_ =	shalt  }
0x76: {  	_ =	shalt  }
0x77: {  	_ =	shalt  }
0x78: {  	_ =	shalt  }
0x79: {  	_ =	shalt  }
0x7a: {  	_ =	shalt  }
0x7b: {  	_ =	shalt  }
0x7c: {  	_ =	shalt  }
0x7d: {  	_ =	shalt  }
0x7e: {  	_ =	shalt  }
0x7f: {  	_ =	shalt  }
0x80: {  	_ =	shalt  }
0x81: {  	_ =	shalt  }
0x82: {  	_ =	shalt  }
0x83: {  	_ =	shalt  }
0x84: {  	_ =	shalt  }
0x85: {  	_ =	shalt  }
0x86: {  	_ =	shalt  }
0x87: {  	_ =	shalt  }
.Lfunc_end0:
.L_simem_size_0:
called_computation.2_lowered:
.L_overlay_start_0:
0x88: {  	s2 =	sld [smem:$0x3FD9]  }
0x89: {  	s3 =	sld [smem:$0x3FFE];
	_ =	sdelay $0x1  }
0x8a: {  	s1 =	srdreg.scid  }
0x8b: {  	s0 =	sand.u32 $0x1, s1  }
0x8c: {  	s17 =	sshll.u32 s0, $0xA;
	s2 =	sadd.s32 s3, s2  }
0x8d: {  	s2 =	sadd.s32 s2, s17  }
0x8e: {  	[smem:$0x3FC3] =	sst s2  }
0x8f: {  	_ = 	snop  }
0x90: {  	(tm) =	ssettm $0x1  }
0x91: {  	s18 =	sld [smem:$0x3FFB];
	_ =	sdelay $0x3  }
0x92: {  	_ =	strace s18  }
0x93: {  	s2 =	sld [smem:$0x3FFC];
	_ =	sdelay $0x3  }
0x94: {  	_ =	strace s2  }
0x95: {  	s2 =	sld [smem:$0x3FFD];
	_ =	sdelay $0x3  }
0x96: {  	_ =	strace s2  }
0x97: {  	_ =	strace $0x8FFFFFFF  }
0x98: {  	s19 =	sld [smem:$0x3FDB];
	_ =	sdelay $0x1  }
0x99: {  	s20 =	simm.s32 $_scs_section_size  }
0x9a: {  	s4 =	simm.s32 $_size__tile_overlayer_lowered;
	s5 =	simm.s32 $_tile_overlayer_lowered  }
0x9b: {  	s6 =	simm.s32 $0x1BFF;
	s21 =	sshll.u32 s5, $0x1;
	s3 =	sadd.s32 s20, s19  }
0x9c: {  	s22 =	simm.s32 $0x0;
	s4 =	sshll.u32 s4, $0x1;
	s5 =	sadd.s32 s21, s3  }
0x9d: {  	[timem:s22], [sflag:s6] =	dma.local [hbm:s5], s4  }
0x9e: {  	_ =	swait.ge [sflag:s6], s4  }
0x9f: {  	s4 =	ssub.s32 $0x0, s4;
	[sflag:s6] =	ssyncset.done $0x0  }
0xa0: {  	[sflag:s6] =	ssyncadd.s32 s4;
	_ =	sdelay $0x1  }
0xa1: {  	s23 =	simm.s32 $0x1B8B  }
0xa2: {  	_ =	swait.ge [sflag:s23], $0x1  }
0xa3: {  	[sflag:s23] =	ssyncset.done $0x0  }
0xa4: {  	[sflag:s23] =	ssyncadd.s32 $0xFFFFFFFF  }
0xa5: {  	s4 =	sld [smem:$0x0]  }
0xa6: {  	s5 =	sand.u32 $0xFFFFFFFE, s1  }
0xa7: {  	p0 =	sne.s32 s1, s5  }
0xa8: {  	s5 =	sshll.u32 @p0 s5, $0xE  }
0xa9: {  	s5 =	sadd.s32 @p0 $0x11B8D, s5;
	s6 =	sshll.u32 @p0 s4, $0x11  }
0xaa: {  	s5 =	sor.u32 @p0 s6, s5  }
0xab: {  	[sflag:s5] =	ssyncadd.remote.s32 @p0 $0x1;
	_ =	sdelay $0x1  }
0xac: {  	s5 =	simm.s32 @p0 $0x1B8D  }
0xad: {  	_ =	swait.eq @p0 [sflag:s5], $0x1  }
0xae: {  	[sflag:s5] =	ssyncadd.s32 @p0 $0xFFFFFFFF  }
0xaf: {  	s6 =	sshll.u32 @!p0 s1, $0xE  }
0xb0: {  	s6 =	sor.u32 @!p0 $0x4000, s6;
	s5 =	simm.s32 @!p0 $0x1B8D  }
0xb1: {  	s4 =	sshll.u32 @!p0 s4, $0x11;
	s6 =	sadd.s32 @!p0 $0x11B8D, s6;
	_ =	swait.eq @!p0 [sflag:s5], $0x1  }
0xb2: {  	s4 =	sor.u32 @!p0 s4, s6;
	[sflag:s5] =	ssyncadd.s32 @!p0 $0xFFFFFFFF  }
0xb3: {  	s25 =	simm.s32 $0x1B8E;
	s24 =	sld [smem:$0x3FFE];
	[sflag:s4] =	ssyncadd.remote.s32 @!p0 $0x1  }
0xb4: {  	s26 =	simm.s32 $execute0_lowered;
	[smem:$0x3FD2] =	sst s25  }
0xb5: {  	s5 =	sshll.u32 s26, $0x1;
	_ =	strace $0x80000049;
	[dreg:$0x1] =	wrdreg $0xFFFFFFFF  }
0xb6: {  	s28 =	simm.s32 $_size_execute0_lowered;
	s3 =	sadd.s32 s3, s5;
	[dreg:$0x0] =	wrdreg $0x0  }
0xb7: {  	s5 =	sshll.u32 s28, $0x1;
	[dreg:$0x2] =	wrdreg s3  }
0xb8: {  	[dreg:$0x3] =	wrdreg s5  }
0xb9: {  	[dreg:$0x4] =	wrdreg $0xC0  }
0xba: {  	_ =	task [dreg:s22], $0x5FFFF  }
0xbb: {  	[dreg:$0x1] =	wrdreg $0xFFFFFFFF  }
0xbc: {  	[dreg:$0x0] =	wrdreg $0x60  }
0xbd: {  	[dreg:$0x2] =	wrdreg s24  }
0xbe: {  	[dreg:$0x3] =	wrdreg $0xA  }
0xbf: {  	_ =	task.clear_ibuf [dreg:s22], $0x4FFFF;
	_ =	strace $0x90000049  }
0xc0: {  	s29 =	simm.s32 $0xA;
	_ =	strace $0x8000004B  }
0xc1: {  	_ =	swait.ge [sflag:s29], $0x1  }
0xc2: {  	[sflag:s29] =	ssyncadd.s32 $0xFFFFFFFF  }
0xc3: {  	_ =	strace $0x9000004B  }
0xc4: {  	_ =	sfence  }
0xc5: {  	s30 =	sld [smem:$0x0];
	_ =	sdelay $0x2  }
0xc6: {  	s31 =	sshll.u32 s1, $0xD;
	s1 =	sshrl.u32 s1, $0x2  }
0xc7: {  	s4 =	sand.u32 $0x4000, s31;
	s1 =	sadd.s32 s1, s30  }
0xc8: {  	s0 =	sor.u32 s4, s0;
	s1 =	sshll.u32 s1, $0x11  }
0xc9: {  	s0 =	sor.u32 s1, s0  }
0xca: {  	s0 =	sadd.s32 $0x8F2B, s0  }
0xcb: {  	[sflag:s0] =	ssyncadd.remote.s32 $0x1  }
0xcc: {  	_ =	sfence.sel $0xFFFF  }
0xcd: {  	[dreg:$0x0] =	wrdreg $0xFFFFFFFF;
	(pc) =	sbr.abs _section_cstart, $3  }
0xce: {  	[dreg:$0x1] =	wrdreg $0xFFFFFFFF  }
0xcf: {  	_ =	task.clear_ibuf [dreg:s22], $0x2FFFF;
	_ =	strace $0x9FFFFFFF  }
0xd0: {  	(tm) =	ssettm $0x7FFFFFFF  }
0xd1: {  	_ =	shalt  }
tec
execute0_lowered:
.L_overlay_start_1:
0x0: {  	(tag) =	ssettag $0x1  }
0x1: {  	s9 =	rddreg [dreg:$0x0]  }
0x2: {  	s1 =	stileid.u32;
	s0 =	rddreg [dreg:$0x1]  }
0x3: {  	s3 =	srdreg.scid;
	s2 =	simm.s32 $0x0;
	s12 =	simm.s32 $0x8000  }
0x4: {  	s13 =	simm.s32 $0x1;
	s14 =	simm.s32 $0x18000;
	s15 =	simm.s32 $0x2000  }
0x5: {  	s16 =	simm.s32 $0x4000;
	s17 =	simm.s32 $0x6000;
	s18 =	simm.s32 $0x0  }
0x6: {  	s4 =	sshll.u32 s1, $0x1;
	s3 =	sand.u32 $0x1, s3;
	[smem:$0x7FF] =	sst s2  }
0x7: {  	s8 =	sshll.u32 s1, $0xD;
	s4 =	sand.u32 $0xE, s4;
	s6 =	ssub.s32 $0x2, s3  }
0x8: {  	_ =	strace $0x8000004A;
	s10 =	sor.u32 s3, s4;
	s31 =	sshrl.u32 s6, $0x1  }
0x9: {  	s3 =	sadd.s32 $0x93200, s9;
	s4 =	sshll.u32 s10, $0xD;
	s30 =	sshll.u32 s10, $0x1  }
0xa: {  	s11 =	ssub.s32 s6, s31;
	s10 =	sshll.u32 s10, $0x11;
	s5 =	sadd.s32 s4, s9  }
0xb: {  	s7 =	sadd.s32 s30, s9;
	s4 =	sand.u32 $0x10000, s8;
	s8 =	sadd.s32 $0x36A00, s9  }
0xc: {  	s11 =	smax.u32 s11, $0x1;
	s5 =	sadd.s32 $0x2A00, s5;
	s6 =	sadd.s32 $0x52C00, s7  }
0xd: {  	v0 =	vimm.bf16 $0.0e+00;
	s7 =	sadd.s32 $0x26A00, s9;
	s9 =	sadd.s32 $0x46A00, s9;
	s10 =	sor.u32 s4, s10  }
.LBB2_1:
0xe: {  	[tilespmem:s12], [sflag:$0x1] =	stream.linear.gather [hbm4b:s5+s2], $0x10000, $0x38;
	[tilespmem:$0x18080] =	vst v63  }
0xf: {  	_ =	swait.ge [sflag:s13], $0x10000  }
0x10: {  	[sflag:s13] =	ssyncset.done $0x0  }
0x11: {  	[sflag:s13] =	ssyncadd.s32 $0xFFFF0000  }
0x12: {  	[tilespmem:s14], [sflag:$0x1] =	stream.linear.gather [hbm4b:s6+s2], $0x10, $0x38;
	[tilespmem:$0x18080] =	vst v63  }
0x13: {  	_ =	swait.ge [sflag:s13], $0x10  }
0x14: {  	[sflag:s13] =	ssyncset.done $0x0  }
0x15: {  	[sflag:s13] =	ssyncadd.s32 $0xFFFFFFF0  }
0x16: {  	s19 =	simm.s32 $0x0;
	v1 =	vld [tilespmem:$0x18000]  }
.LBB2_2:
0x17: {  	s20 =	sshll.u32 s19, $0xD  }
0x18: {  	s21 =	sor.u32 s4, s20  }
0x19: {  	s21 =	sshrl.u32 s21, $0x3  }
0x1a: {  	s22 =	sadd.s32 s21, s7  }
0x1b: {  	[tilespmem:s2], [sflag:$0x1] =	stream.linear.gather [hbm4b:s22+s2], $0x2000, $0x38;
	[tilespmem:$0x18080] =	vst v63  }
0x1c: {  	_ =	swait.ge [sflag:s13], $0x2000  }
0x1d: {  	[sflag:s13] =	ssyncset.done $0x0  }
0x1e: {  	s28 =	sadd.s32 s21, s8;
	[sflag:s13] =	ssyncadd.s32 $0xFFFFE000  }
0x1f: {  	[tilespmem:s15], [sflag:$0x1] =	stream.linear.gather [hbm4b:s28+s2], $0x2000, $0x38;
	[tilespmem:$0x18080] =	vst v63  }
0x20: {  	_ =	swait.ge [sflag:s13], $0x2000  }
0x21: {  	[sflag:s13] =	ssyncset.done $0x0  }
0x22: {  	s21 =	sadd.s32 s21, s9;
	[sflag:s13] =	ssyncadd.s32 $0xFFFFE000  }
0x23: {  	[tilespmem:s16], [sflag:$0x1] =	stream.linear.gather [hbm4b:s21+s2], $0x2000, $0x38;
	[tilespmem:$0x18080] =	vst v63  }
0x24: {  	_ =	swait.ge [sflag:s13], $0x2000  }
0x25: {  	[sflag:s13] =	ssyncset.done $0x0  }
0x26: {  	s29 =	simm.s32 $0x2020;
	[sflag:s13] =	ssyncadd.s32 $0xFFFFE000  }
0x27: {  	s30 =	simm.s32 $0x4020;
	v2 =	vld [tilespmem:s29+$0x10]  }
0x28: {  	s23 =	simm.s32 $0x20;
	v3 =	vld [tilespmem:s30+$0x10]  }
0x29: {  	v4 =	vld [tilespmem:s23+$0x10]  }
0x2a: {  	v5 =	vld [tilespmem:s29+$0xFFFFFFE0]  }
0x2b: {  	v6 =	vld [tilespmem:s29+$0xFFFFFFF0]  }
0x2c: {  	v7 =	vld [tilespmem:s29+$0x0]  }
0x2d: {  	v16 =	vld [tilespmem:s23+$0xFFFFFFF0]  }
0x2e: {  	v19 =	vld [tilespmem:s23+$0xFFFFFFE0];
	_ =	sdelay $0x1  }
0x2f: {  	v2 =	vmul.f32 v2, v1;
	v3 =	vmul.f32 v3, v1  }
0x30: {  	v21 =	vld [tilespmem:s23+$0x0];
	v4 =	vmul.f32 v4, v1;
	v5 =	vmul.f32 v5, v1  }
0x31: {  	v23 =	vld [tilespmem:s30+$0xFFFFFFF0];
	v12 =	vmul.f32 v6, v1;
	v13 =	vmul.f32 v7, v1  }
0x32: {  	v19 =	vmul.f32 v19, v1;
	v16 =	vmul.f32 v16, v1  }
0x33: {  	v8 =	vtrunc.f32 v2;
	v9 =	vtrunc.f32 v3  }
0x34: {  	v10 =	vtrunc.f32 v4;
	v8 =	vcvt.f32.s32 v8  }
0x35: {  	v9 =	vcvt.f32.s32 v9;
	v10 =	vcvt.f32.s32 v10  }
0x36: {  	v21 =	vmul.f32 v21, v1;
	v23 =	vmul.f32 v23, v1;
	v11 =	vmul.u32 $0x9E3779B1, v8  }
0x37: {  	v6 =	vmul.u32 $0x30025795, v9;
	v7 =	vand.u32 $0xFFFF, v10;
	v14 =	vadd.s32 $0x1, v10  }
0x38: {  	v10 =	vcvt.s32.f32 v10;
	v8 =	vcvt.s32.f32 v8;
	v15 =	vand.u32 $0xFFFF, v11  }
0x39: {  	v9 =	vcvt.s32.f32 v9;
	v17 =	vand.u32 $0xFFFF, v6;
	v18 =	vxor.u32 v7, v15  }
0x3a: {  	v14 =	vand.u32 $0xFFFF, v14;
	v6 =	vadd.s32 $0x5795, v6;
	v20 =	vxor.u32 v17, v18  }
0x3b: {  	v4 =	vsub.f32 v4, v10;
	v2 =	vsub.f32 v2, v8;
	v6 =	vand.u32 $0xFFFF, v6  }
0x3c: {  	v3 =	vsub.f32 v3, v9;
	v9 =	vadd.s32 $0x79B1, v11;
	v8 =	vxor.u32 v18, v6  }
0x3d: {  	v10 =	vxor.u32 v14, v15;
	v15 =	vsub.f32 $1.000000000e+00, v4;
	v18 =	vsub.f32 $1.000000000e+00, v2  }
0x3e: {  	v26 =	vtrunc.f32 v5;
	v9 =	vand.u32 $0xFFFF, v9;
	v22 =	vxor.u32 v17, v10  }
0x3f: {  	v24 =	vsub.f32 $1.000000000e+00, v3;
	v10 =	vxor.u32 v10, v6;
	v25 =	vmul.f32 v18, v15;
	v20 =	vld.idx.msk [tilespmem:v20+s12+$0x0], $0xffff  }
0x40: {  	v27 =	vtrunc.f32 v12;
	v55 =	vtrunc.f32 v16;
	v11 =	vld [tilespmem:s30+$0xFFFFFFE0];
	v7 =	vxor.u32 v7, v9  }
0x41: {  	v9 =	vxor.u32 v14, v9;
	v29 =	vxor.u32 v17, v7;
	v28 =	vmul.f32 v24, v25;
	v8 =	vld.idx.msk [tilespmem:v8+s12+$0x0], $0xffff  }
0x42: {  	v30 =	vld [tilespmem:s30+$0x0];
	v7 =	vxor.u32 v6, v7;
	v17 =	vxor.u32 v17, v9;
	v18 =	vmul.f32 v18, v4  }
0x43: {  	v15 =	vmul.f32 v2, v15;
	v25 =	vmul.f32 v25, v3;
	v22 =	vld.idx.msk [tilespmem:v22+s12+$0x0], $0xffff;
	v28 =	vpack.i.f32.bf16 v28, v28  }
0x44: {  	v6 =	vxor.u32 v6, v9;
	v2 =	vmul.f32 v2, v4;
	v10 =	vld.idx.msk [tilespmem:v10+s12+$0x0], $0xffff;
	v14 =	vmul.bf16 v20, v28  }
0x45: {  	v31 =	vmul.f32 v11, v1;
	v20 =	vpack.i.f32.bf16 v25, v25;
	v25 =	vmul.f32 v24, v18  }
0x46: {  	v18 =	vmul.f32 v18, v3;
	v8 =	vmul.bf16 v8, v20;
	v14 =	vadd.bf16 v0, v14  }
0x47: {  	v11 =	vtrunc.f32 v13;
	v9 =	vld.idx.msk [tilespmem:v29+s12+$0x0], $0xffff;
	v20 =	vpack.i.f32.bf16 v25, v25;
	v25 =	vmul.f32 v30, v1  }
0x48: {  	v18 =	vpack.i.f32.bf16 v18, v18;
	v8 =	vadd.bf16 v8, v14;
	v14 =	vmul.bf16 v22, v20  }
0x49: {  	v7 =	vld.idx.msk [tilespmem:v7+s12+$0x0], $0xffff;
	v10 =	vmul.bf16 v10, v18;
	v22 =	vmul.f32 v24, v15  }
0x4a: {  	v18 =	vcvt.f32.s32 v27;
	v20 =	vtrunc.f32 v19;
	v8 =	vadd.bf16 v14, v8  }
0x4b: {  	v15 =	vmul.f32 v3, v15;
	v14 =	vld.idx.msk [tilespmem:v17+s12+$0x0], $0xffff;
	v4 =	vpack.i.f32.bf16 v22, v22;
	v17 =	vtrunc.f32 v21  }
0x4c: {  	v4 =	vmul.bf16 v9, v4;
	v9 =	vcvt.f32.s32 v26;
	v8 =	vadd.bf16 v10, v8  }
0x4d: {  	v6 =	vld.idx.msk [tilespmem:v6+s12+$0x0], $0xffff;
	v10 =	vpack.i.f32.bf16 v15, v15;
	v15 =	vmul.f32 v24, v2;
	v2 =	vmul.f32 v3, v2  }
0x4e: {  	v24 =	vmul.u32 $0x9E3779B1, v18;
	v18 =	vcvt.s32.f32 v18;
	v7 =	vmul.bf16 v7, v10  }
0x4f: {  	v22 =	vmul.u32 $0x9E3779B1, v9;
	v4 =	vadd.bf16 v4, v8;
	v8 =	vcvt.f32.s32 v11  }
0x50: {  	v10 =	vpack.i.f32.bf16 v15, v15;
	v15 =	vcvt.f32.s32 v20;
	v20 =	vcvt.f32.s32 v17  }
0x51: {  	v2 =	vpack.i.f32.bf16 v2, v2;
	v59 =	vand.u32 $0xFFFF, v24;
	v24 =	vadd.s32 $0x79B1, v24  }
0x52: {  	v2 =	vmul.bf16 v6, v2;
	v6 =	vtrunc.f32 v25;
	v24 =	vand.u32 $0xFFFF, v24  }
0x53: {  	v3 =	vadd.bf16 v7, v4;
	v4 =	vmul.bf16 v14, v10;
	v14 =	vcvt.f32.s32 v55  }
0x54: {  	v7 =	vtrunc.f32 v31;
	v26 =	vmul.u32 $0x9E3779B1, v8;
	v56 =	vcvt.s32.f32 v20  }
0x55: {  	v58 =	vcvt.s32.f32 v8;
	v8 =	vsub.f32 v12, v18;
	v33 =	vand.u32 $0xFFFF, v15  }
0x56: {  	v35 =	vand.u32 $0xFFFF, v20;
	v20 =	vadd.s32 $0x1, v20;
	v10 =	vcvt.f32.s32 v7  }
0x57: {  	v20 =	vand.u32 $0xFFFF, v20;
	v3 =	vadd.bf16 v4, v3;
	v4 =	vtrunc.f32 v23  }
0x58: {  	v17 =	vcvt.s32.f32 v14;
	v60 =	vand.u32 $0xFFFF, v26;
	v34 =	vand.u32 $0xFFFF, v14  }
0x59: {  	v44 =	vsub.f32 $1.000000000e+00, v8;
	v61 =	vadd.s32 $0x1, v14;
	v26 =	vadd.s32 $0x79B1, v26  }
0x5a: {  	v11 =	vcvt.f32.s32 v4;
	v27 =	vmul.u32 $0x30025795, v10;
	v37 =	vxor.u32 v34, v59  }
0x5b: {  	v38 =	vxor.u32 v35, v60;
	v29 =	vand.u32 $0xFFFF, v61;
	v30 =	vxor.u32 v20, v60  }
0x5c: {  	v26 =	vand.u32 $0xFFFF, v26;
	v4 =	vadd.bf16 v2, v3;
	v2 =	vcvt.s32.f32 v15  }
0x5d: {  	v34 =	vxor.u32 v34, v24;
	v3 =	vcvt.f32.s32 v6;
	v6 =	vcvt.s32.f32 v9  }
0x5e: {  	v28 =	vxor.u32 v29, v59;
	v35 =	vxor.u32 v35, v26;
	v20 =	vxor.u32 v20, v26  }
0x5f: {  	v57 =	vmul.u32 $0x30025795, v11;
	v39 =	vand.u32 $0xFFFF, v27;
	v32 =	vmul.u32 $0x30025795, v3  }
0x60: {  	v7 =	vsub.f32 v19, v2;
	v9 =	vsub.f32 v5, v6;
	v2 =	vcvt.s32.f32 v10  }
0x61: {  	v6 =	vsub.f32 v16, v17;
	v5 =	vcvt.s32.f32 v11;
	v10 =	vsub.f32 v21, v56  }
0x62: {  	v11 =	vsub.f32 v13, v58;
	v12 =	vcvt.s32.f32 v3;
	v21 =	vand.u32 $0xFFFF, v22  }
0x63: {  	v13 =	vadd.s32 $0x5795, v27;
	v22 =	vadd.s32 $0x79B1, v22;
	v36 =	vxor.u32 v33, v21  }
0x64: {  	v18 =	vand.u32 $0xFFFF, v57;
	v16 =	vadd.s32 $0x5795, v57;
	v19 =	vand.u32 $0xFFFF, v13  }
0x65: {  	v22 =	vand.u32 $0xFFFF, v22;
	v40 =	vsub.f32 $1.000000000e+00, v7;
	v41 =	vsub.f32 $1.000000000e+00, v9  }
0x66: {  	v17 =	vand.u32 $0xFFFF, v32;
	v43 =	vsub.f32 $1.000000000e+00, v6;
	v46 =	vsub.f32 $1.000000000e+00, v10  }
0x67: {  	v42 =	vxor.u32 v39, v36;
	v47 =	vsub.f32 $1.000000000e+00, v11;
	v3 =	vsub.f32 v31, v2  }
0x68: {  	v45 =	vxor.u32 v18, v37;
	v5 =	vsub.f32 v23, v5;
	v2 =	vsub.f32 v25, v12  }
0x69: {  	v12 =	vadd.s32 $0x5795, v32;
	v16 =	vand.u32 $0xFFFF, v16;
	v23 =	vadd.s32 $0x1, v15  }
0x6a: {  	v63 =	vxor.u32 v36, v19;
	v52 =	vxor.u32 v18, v28;
	v33 =	vxor.u32 v33, v22  }
0x6b: {  	v48 =	vxor.u32 v17, v38;
	v12 =	vand.u32 $0xFFFF, v12;
	v56 =	vxor.u32 v37, v16  }
0x6c: {  	v23 =	vand.u32 $0xFFFF, v23;
	v53 =	vxor.u32 v17, v30;
	v28 =	vxor.u32 v28, v16  }
0x6d: {  	v25 =	vmul.f32 v41, v40;
	v27 =	vmul.f32 v44, v43;
	v13 =	vsub.f32 $1.000000000e+00, v3  }
0x6e: {  	v62 =	vmul.f32 v47, v46;
	v15 =	vsub.f32 $1.000000000e+00, v5;
	v14 =	vsub.f32 $1.000000000e+00, v2  }
0x6f: {  	v57 =	vxor.u32 v38, v12;
	v41 =	vmul.f32 v41, v7;
	v44 =	vmul.f32 v44, v6  }
0x70: {  	v21 =	vxor.u32 v23, v21;
	v40 =	vmul.f32 v9, v40;
	v43 =	vmul.f32 v8, v43  }
0x71: {  	v30 =	vxor.u32 v30, v12;
	v7 =	vmul.f32 v9, v7;
	v6 =	vmul.f32 v8, v6  }
0x72: {  	v22 =	vxor.u32 v23, v22;
	v58 =	vmul.f32 v13, v25;
	v49 =	vmul.f32 v15, v27  }
0x73: {  	v23 =	vxor.u32 v29, v24;
	v50 =	vmul.f32 v14, v62;
	v25 =	vmul.f32 v25, v3  }
0x74: {  	v8 =	vxor.u32 v12, v20;
	v27 =	vmul.f32 v27, v5;
	v31 =	vmul.f32 v62, v2  }
0x75: {  	v51 =	vxor.u32 v39, v21;
	v60 =	vmul.f32 v13, v41;
	v61 =	vmul.f32 v15, v44;
	v42 =	vld.idx.msk [tilespmem:v42+s12+$0x0], $0xffff  }
0x76: {  	v21 =	vxor.u32 v21, v19;
	v26 =	vmul.f32 v15, v43;
	v15 =	vmul.f32 v15, v6;
	v32 =	vld.idx.msk [tilespmem:v63+s12+$0x0], $0xffff  }
0x77: {  	v63 =	vld.idx.msk [tilespmem:v52+s12+$0x0], $0xffff;
	v52 =	vxor.u32 v18, v34;
	v34 =	vxor.u32 v16, v34;
	v18 =	vxor.u32 v18, v23  }
0x78: {  	v45 =	vld.idx.msk [tilespmem:v45+s12+$0x0], $0xffff;
	v16 =	vxor.u32 v16, v23;
	v38 =	vpack.i.f32.bf16 v58, v58;
	v49 =	vpack.i.f32.bf16 v49, v49  }
0x79: {  	v48 =	vld.idx.msk [tilespmem:v48+s12+$0x0], $0xffff;
	v50 =	vpack.i.f32.bf16 v50, v50;
	v25 =	vpack.i.f32.bf16 v25, v25;
	v27 =	vpack.i.f32.bf16 v27, v27  }
0x7a: {  	v36 =	vld.idx.msk [tilespmem:v56+s12+$0x0], $0xffff;
	v31 =	vpack.i.f32.bf16 v31, v31;
	v56 =	vxor.u32 v17, v35;
	v58 =	vmul.f32 v44, v5  }
0x7b: {  	v28 =	vld.idx.msk [tilespmem:v28+s12+$0x0], $0xffff;
	v35 =	vxor.u32 v12, v35;
	v17 =	vxor.u32 v17, v20;
	v26 =	vpack.i.f32.bf16 v26, v26  }
0x7c: {  	v15 =	vpack.i.f32.bf16 v15, v15;
	v37 =	vld.idx.msk [tilespmem:v57+s12+$0x0], $0xffff;
	v57 =	vmul.f32 v41, v3;
	v38 =	vmul.bf16 v42, v38  }
0x7d: {  	v41 =	vpack.i.f32.bf16 v58, v58;
	v42 =	vmul.f32 v47, v10;
	v45 =	vmul.bf16 v45, v49  }
0x7e: {  	v51 =	vld.idx.msk [tilespmem:v51+s12+$0x0], $0xffff;
	v25 =	vmul.bf16 v32, v25;
	v32 =	vxor.u32 v39, v33;
	v49 =	vpack.i.f32.bf16 v61, v61  }
0x7f: {  	v33 =	vxor.u32 v19, v33;
	v10 =	vmul.f32 v11, v10;
	v59 =	vmul.bf16 v48, v50  }
0x80: {  	v53 =	vld.idx.msk [tilespmem:v53+s12+$0x0], $0xffff;
	v27 =	vmul.bf16 v36, v27;
	v48 =	vpack.i.f32.bf16 v60, v60;
	v36 =	vmul.bf16 v63, v49  }
0x81: {  	v21 =	vld.idx.msk [tilespmem:v21+s12+$0x0], $0xffff;
	v28 =	vmul.bf16 v28, v41;
	v38 =	vadd.bf16 v0, v38;
	v62 =	vmul.f32 v14, v42  }
0x82: {  	v30 =	vld.idx.msk [tilespmem:v30+s12+$0x0], $0xffff;
	v45 =	vadd.bf16 v0, v45;
	v31 =	vmul.bf16 v37, v31;
	v42 =	vmul.f32 v42, v2  }
0x83: {  	v12 =	vld.idx.msk [tilespmem:v18+s12+$0x0], $0xffff;
	v47 =	vadd.bf16 v0, v59;
	v59 =	vmul.f32 v11, v46;
	v60 =	vmul.bf16 v51, v48  }
0x84: {  	v16 =	vld.idx.msk [tilespmem:v16+s12+$0x0], $0xffff;
	v11 =	vxor.u32 v19, v22;
	v50 =	vpack.i.f32.bf16 v62, v62;
	v25 =	vadd.bf16 v25, v38  }
0x85: {  	v17 =	vld.idx.msk [tilespmem:v17+s12+$0x0], $0xffff;
	v27 =	vadd.bf16 v27, v45;
	v38 =	vpack.i.f32.bf16 v57, v57;
	v61 =	vmul.bf16 v53, v50  }
0x86: {  	v37 =	vld.idx.msk [tilespmem:v56+s12+$0x0], $0xffff;
	v42 =	vpack.i.f32.bf16 v42, v42;
	v63 =	vmul.f32 v14, v59;
	v21 =	vmul.bf16 v21, v38  }
0x87: {  	v46 =	vld.idx.msk [tilespmem:v52+s12+$0x0], $0xffff;
	v31 =	vadd.bf16 v31, v47;
	v30 =	vmul.bf16 v30, v42;
	v47 =	vmul.f32 v5, v43  }
0x88: {  	v48 =	vld.idx.msk [tilespmem:v34+s12+$0x0], $0xffff;
	v45 =	vxor.u32 v39, v22;
	v14 =	vmul.f32 v14, v10;
	v5 =	vmul.f32 v5, v6  }
0x89: {  	s21 =	simm.s32 $0x4060;
	v19 =	vld.idx.msk [tilespmem:v35+s12+$0x0], $0xffff;
	v12 =	vmul.bf16 v12, v15;
	v24 =	vadd.bf16 v60, v25;
	v25 =	vmul.f32 v13, v40  }
0x8a: {  	v51 =	vld [tilespmem:s21+$0xFFFFFFF0];
	v27 =	vadd.bf16 v36, v27;
	v13 =	vmul.f32 v13, v7;
	v62 =	vadd.bf16 v61, v31  }
0x8b: {  	v32 =	vld.idx.msk [tilespmem:v32+s12+$0x0], $0xffff;
	v31 =	vpack.i.f32.bf16 v63, v63;
	v20 =	vpack.i.f32.bf16 v47, v47;
	v21 =	vadd.bf16 v21, v24  }
0x8c: {  	v33 =	vld.idx.msk [tilespmem:v33+s12+$0x0], $0xffff;
	v24 =	vmul.f32 v3, v40;
	v9 =	vadd.bf16 v28, v27;
	v27 =	vmul.f32 v2, v59  }
0x8d: {  	s31 =	simm.s32 $0x2060;
	v6 =	vld [tilespmem:s21+$0x10];
	v14 =	vpack.i.f32.bf16 v14, v14;
	v26 =	vmul.bf16 v46, v26;
	v49 =	vmul.bf16 v37, v31  }
0x8e: {  	v15 =	vld [tilespmem:s31+$0xFFFFFFE0];
	v5 =	vpack.i.f32.bf16 v5, v5;
	v20 =	vmul.bf16 v48, v20;
	v3 =	vmul.f32 v3, v7  }
0x8f: {  	v25 =	vpack.i.f32.bf16 v25, v25;
	v11 =	vld.idx.msk [tilespmem:v11+s12+$0x0], $0xffff;
	v2 =	vmul.f32 v2, v10;
	v14 =	vmul.bf16 v17, v14  }
0x90: {  	v13 =	vpack.i.f32.bf16 v13, v13;
	v5 =	vmul.bf16 v16, v5;
	v29 =	vmul.f32 v51, v1;
	v23 =	vld.idx.msk [tilespmem:v45+s12+$0x0], $0xffff  }
0x91: {  	v17 =	vld [tilespmem:s31+$0xFFFFFFF0];
	v25 =	vmul.bf16 v32, v25;
	v18 =	vpack.i.f32.bf16 v24, v24;
	v24 =	vpack.i.f32.bf16 v27, v27  }
0x92: {  	s22 =	simm.s32 $0x60;
	v22 =	vadd.bf16 v30, v62;
	v9 =	vadd.bf16 v26, v9;
	v19 =	vmul.bf16 v19, v24;
	v24 =	vld [tilespmem:s31+$0x10]  }
0x93: {  	v10 =	vld [tilespmem:s22+$0x10];
	v3 =	vpack.i.f32.bf16 v3, v3;
	v18 =	vmul.bf16 v33, v18;
	v21 =	vadd.bf16 v25, v21  }
0x94: {  	v6 =	vmul.f32 v6, v1;
	v15 =	vmul.f32 v15, v1;
	v27 =	vld [tilespmem:s22+$0x0];
	v22 =	vadd.bf16 v49, v22  }
0x95: {  	v7 =	vadd.bf16 v20, v9;
	v18 =	vadd.bf16 v18, v21;
	v13 =	vmul.bf16 v23, v13  }
0x96: {  	v54 =	vtrunc.f32 v15;
	v9 =	vadd.bf16 v19, v22;
	v11 =	vmul.bf16 v11, v3  }
0x97: {  	v16 =	vmul.f32 v17, v1;
	v13 =	vadd.bf16 v13, v18;
	v18 =	vmul.f32 v24, v1  }
0x98: {  	v7 =	vadd.bf16 v12, v7;
	v12 =	vld [tilespmem:s31+$0x0];
	v3 =	vadd.bf16 v14, v9;
	v14 =	vmul.f32 v10, v1  }
0x99: {  	v27 =	vmul.f32 v27, v1;
	v9 =	vtrunc.f32 v18  }
0x9a: {  	v10 =	vadd.bf16 v11, v13;
	v13 =	vtrunc.f32 v6;
	v11 =	vcvt.f32.s32 v9  }
0x9b: {  	v9 =	vadd.bf16 v5, v7;
	v5 =	vtrunc.f32 v14;
	v7 =	vcvt.f32.s32 v13  }
0x9c: {  	v55 =	vtrunc.f32 v16;
	v5 =	vcvt.f32.s32 v5  }
0x9d: {  	v17 =	vmul.f32 v12, v1;
	v13 =	vmul.u32 $0x9E3779B1, v11;
	v12 =	vmul.u32 $0x30025795, v7  }
0x9e: {  	v11 =	vcvt.s32.f32 v11;
	v7 =	vcvt.s32.f32 v7;
	v19 =	vand.u32 $0xFFFF, v5  }
0x9f: {  	v25 =	vld [tilespmem:s22+$0xFFFFFFE0];
	v20 =	vadd.s32 $0x1, v5;
	v5 =	vcvt.s32.f32 v5;
	v21 =	vand.u32 $0xFFFF, v13  }
0xa0: {  	v22 =	vld [tilespmem:s22+$0xFFFFFFF0];
	v23 =	vand.u32 $0xFFFF, v12;
	v12 =	vadd.s32 $0x5795, v12;
	v20 =	vand.u32 $0xFFFF, v20  }
0xa1: {  	v11 =	vsub.f32 v18, v11;
	v6 =	vsub.f32 v6, v7;
	v7 =	vadd.s32 $0x79B1, v13  }
0xa2: {  	v24 =	vxor.u32 v19, v21;
	v12 =	vand.u32 $0xFFFF, v12;
	v5 =	vsub.f32 v14, v5  }
0xa3: {  	v13 =	vxor.u32 v20, v21;
	v7 =	vand.u32 $0xFFFF, v7;
	v26 =	vxor.u32 v23, v24  }
0xa4: {  	v18 =	vld [tilespmem:s21+$0xFFFFFFE0];
	v50 =	vxor.u32 v23, v13;
	v13 =	vxor.u32 v13, v12;
	v19 =	vxor.u32 v19, v7  }
0xa5: {  	v25 =	vmul.f32 v25, v1;
	v22 =	vmul.f32 v22, v1;
	v57 =	vxor.u32 v23, v19  }
0xa6: {  	v14 =	vxor.u32 v24, v12;
	v24 =	vsub.f32 $1.000000000e+00, v11;
	v21 =	vsub.f32 $1.000000000e+00, v5  }
0xa7: {  	v62 =	vtrunc.f32 v22;
	v59 =	vtrunc.f32 v17;
	v52 =	vsub.f32 $1.000000000e+00, v6  }
0xa8: {  	v7 =	vxor.u32 v20, v7;
	v19 =	vxor.u32 v12, v19;
	v53 =	vmul.f32 v24, v21;
	v26 =	vld.idx.msk [tilespmem:v26+s12+$0x0], $0xffff  }
0xa9: {  	v23 =	vxor.u32 v23, v7;
	v18 =	vmul.f32 v18, v1;
	v24 =	vmul.f32 v24, v5;
	v13 =	vld.idx.msk [tilespmem:v13+s12+$0x0], $0xffff  }
0xaa: {  	v7 =	vxor.u32 v12, v7;
	v21 =	vmul.f32 v11, v21;
	v56 =	vmul.f32 v52, v53;
	v12 =	vld.idx.msk [tilespmem:v57+s12+$0x0], $0xffff  }
0xab: {  	v2 =	vpack.i.f32.bf16 v2, v2;
	v14 =	vld.idx.msk [tilespmem:v14+s12+$0x0], $0xffff;
	v60 =	vmul.f32 v52, v24;
	v24 =	vmul.f32 v24, v6  }
0xac: {  	v5 =	vmul.f32 v11, v5;
	v61 =	vmul.f32 v52, v21;
	v34 =	vpack.i.f32.bf16 v56, v56  }
0xad: {  	v28 =	vld.idx.msk [tilespmem:v50+s12+$0x0], $0xffff;
	v31 =	vmul.f32 v53, v6;
	v24 =	vpack.i.f32.bf16 v24, v24;
	v20 =	vmul.bf16 v26, v34  }
0xae: {  	v58 =	vld [tilespmem:s21+$0x0];
	v11 =	vpack.i.f32.bf16 v61, v61;
	v13 =	vmul.bf16 v13, v24;
	v24 =	vcvt.f32.s32 v55  }
0xaf: {  	v26 =	vpack.i.f32.bf16 v31, v31;
	v11 =	vmul.bf16 v12, v11;
	v12 =	vcvt.f32.s32 v54  }
0xb0: {  	v21 =	vmul.f32 v6, v21;
	v14 =	vmul.bf16 v14, v26;
	v20 =	vadd.bf16 v0, v20  }
0xb1: {  	v26 =	vpack.i.f32.bf16 v60, v60;
	v32 =	vmul.u32 $0x9E3779B1, v24;
	v30 =	vmul.u32 $0x9E3779B1, v12  }
0xb2: {  	v12 =	vcvt.s32.f32 v12;
	v14 =	vadd.bf16 v14, v20;
	v20 =	vmul.bf16 v28, v26  }
0xb3: {  	v19 =	vld.idx.msk [tilespmem:v19+s12+$0x0], $0xffff;
	v31 =	vmul.f32 v58, v1;
	v24 =	vcvt.s32.f32 v24;
	v36 =	vand.u32 $0xFFFF, v32  }
0xb4: {  	v7 =	vld.idx.msk [tilespmem:v7+s12+$0x0], $0xffff;
	v32 =	vadd.s32 $0x79B1, v32;
	v15 =	vsub.f32 v15, v12;
	v14 =	vadd.bf16 v20, v14  }
0xb5: {  	v26 =	vtrunc.f32 v25;
	v32 =	vand.u32 $0xFFFF, v32;
	v20 =	vld.idx.msk [tilespmem:v23+s12+$0x0], $0xffff;
	v23 =	vtrunc.f32 v27  }
0xb6: {  	v28 =	vcvt.f32.s32 v23;
	v45 =	vsub.f32 $1.000000000e+00, v15;
	v13 =	vadd.bf16 v13, v14  }
0xb7: {  	v14 =	vpack.i.f32.bf16 v21, v21;
	v21 =	vmul.f32 v52, v5;
	v5 =	vmul.f32 v6, v5  }
0xb8: {  	v11 =	vadd.bf16 v11, v13;
	v13 =	vmul.bf16 v19, v14;
	v14 =	vcvt.f32.s32 v59  }
0xb9: {  	v19 =	vpack.i.f32.bf16 v21, v21;
	v21 =	vcvt.f32.s32 v26;
	v5 =	vpack.i.f32.bf16 v5, v5  }
0xba: {  	v41 =	vand.u32 $0xFFFF, v28;
	v26 =	vcvt.s32.f32 v28;
	v5 =	vmul.bf16 v7, v5  }
0xbb: {  	v7 =	vtrunc.f32 v29;
	v6 =	vadd.bf16 v13, v11;
	v11 =	vmul.bf16 v20, v19  }
0xbc: {  	v28 =	vadd.s32 $0x1, v28;
	v19 =	vcvt.f32.s32 v62;
	v13 =	vtrunc.f32 v18  }
0xbd: {  	v28 =	vand.u32 $0xFFFF, v28;
	v20 =	vtrunc.f32 v31;
	v7 =	vcvt.f32.s32 v7  }
0xbe: {  	v33 =	vmul.u32 $0x9E3779B1, v14;
	v58 =	vcvt.s32.f32 v14;
	v14 =	vsub.f32 v16, v24  }
0xbf: {  	v16 =	vsub.f32 v27, v26;
	v27 =	vand.u32 $0xFFFF, v30;
	v30 =	vadd.s32 $0x79B1, v30  }
0xc0: {  	v39 =	vand.u32 $0xFFFF, v21;
	v23 =	vcvt.f32.s32 v13;
	v30 =	vand.u32 $0xFFFF, v30  }
0xc1: {  	v6 =	vadd.bf16 v11, v6;
	v57 =	vmul.u32 $0x30025795, v7;
	v7 =	vcvt.s32.f32 v7  }
0xc2: {  	v17 =	vsub.f32 v17, v58;
	v38 =	vand.u32 $0xFFFF, v33;
	v40 =	vand.u32 $0xFFFF, v19  }
0xc3: {  	v48 =	vsub.f32 $1.000000000e+00, v14;
	v50 =	vsub.f32 $1.000000000e+00, v16;
	v33 =	vadd.s32 $0x79B1, v33  }
0xc4: {  	v63 =	vmul.u32 $0x30025795, v23;
	v42 =	vxor.u32 v40, v36;
	v43 =	vxor.u32 v41, v38  }
0xc5: {  	v38 =	vxor.u32 v28, v38;
	v33 =	vand.u32 $0xFFFF, v33;
	v40 =	vxor.u32 v40, v32  }
0xc6: {  	v11 =	vadd.bf16 v5, v6;
	v5 =	vcvt.s32.f32 v21;
	v6 =	vcvt.f32.s32 v20  }
0xc7: {  	v20 =	vcvt.s32.f32 v19;
	v51 =	vsub.f32 $1.000000000e+00, v17;
	v7 =	vsub.f32 v29, v7  }
0xc8: {  	v61 =	vadd.s32 $0x5795, v57;
	v41 =	vxor.u32 v41, v33;
	v28 =	vxor.u32 v28, v33  }
0xc9: {  	v26 =	vand.u32 $0xFFFF, v63;
	v59 =	vmul.u32 $0x30025795, v6;
	v13 =	vsub.f32 v25, v5  }
0xca: {  	v5 =	vcvt.s32.f32 v23;
	v12 =	vsub.f32 v22, v20;
	v20 =	vcvt.s32.f32 v6  }
0xcb: {  	v22 =	vxor.u32 v39, v27;
	v25 =	vand.u32 $0xFFFF, v57;
	v39 =	vxor.u32 v39, v30  }
0xcc: {  	v60 =	vxor.u32 v26, v22;
	v56 =	vxor.u32 v25, v42;
	v44 =	vsub.f32 $1.000000000e+00, v13  }
0xcd: {  	v24 =	vand.u32 $0xFFFF, v59;
	v47 =	vsub.f32 $1.000000000e+00, v12;
	v6 =	vsub.f32 v18, v5  }
0xce: {  	v18 =	vadd.s32 $0x5795, v63;
	v5 =	vsub.f32 v31, v20;
	v62 =	vadd.s32 $0x5795, v59  }
0xcf: {  	s24 =	simm.s32 $0x6060;
	v20 =	vand.u32 $0xFFFF, v61;
	v63 =	vadd.s32 $0x1, v21;
	v61 =	vadd.s32 $0x1, v19  }
0xd0: {  	[tilespmem:s24+$0x10] =	vst v11;
	v11 =	vmul.f32 v15, v13;
	v52 =	vxor.u32 v24, v43;
	v23 =	vand.u32 $0xFFFF, v18  }
0xd1: {  	v18 =	vand.u32 $0xFFFF, v62;
	v62 =	vmul.f32 v51, v50;
	v42 =	vxor.u32 v42, v20  }
0xd2: {  	v29 =	vand.u32 $0xFFFF, v63;
	v46 =	vand.u32 $0xFFFF, v61;
	v51 =	vmul.f32 v51, v16  }
0xd3: {  	v50 =	vmul.f32 v17, v50;
	v57 =	vmul.f32 v45, v44;
	v19 =	vsub.f32 $1.000000000e+00, v6  }
0xd4: {  	v58 =	vxor.u32 v22, v23;
	v22 =	vsub.f32 $1.000000000e+00, v7;
	v21 =	vsub.f32 $1.000000000e+00, v5  }
0xd5: {  	v43 =	vxor.u32 v43, v18;
	v27 =	vxor.u32 v29, v27;
	v45 =	vmul.f32 v45, v13  }
0xd6: {  	v36 =	vxor.u32 v46, v36;
	v44 =	vmul.f32 v15, v44;
	v53 =	vmul.f32 v62, v5  }
0xd7: {  	v29 =	vxor.u32 v29, v30;
	v13 =	vmul.f32 v5, v50;
	v59 =	vld.idx.msk [tilespmem:v60+s12+$0x0], $0xffff;
	v60 =	vmul.f32 v48, v47  }
0xd8: {  	v30 =	vxor.u32 v46, v32;
	v54 =	vmul.f32 v19, v57;
	v63 =	vmul.f32 v21, v62  }
0xd9: {  	s23 =	simm.s32 $0x6020;
	v31 =	vmul.f32 v57, v6;
	v57 =	vxor.u32 v26, v27;
	v48 =	vmul.f32 v48, v12  }
0xda: {  	[tilespmem:s23+$0x10] =	vst v4;
	v27 =	vxor.u32 v27, v23;
	v47 =	vmul.f32 v14, v47;
	v4 =	vmul.f32 v19, v44  }
0xdb: {  	v49 =	vld.idx.msk [tilespmem:v56+s12+$0x0], $0xffff;
	v56 =	vmul.f32 v6, v44;
	v53 =	vpack.i.f32.bf16 v53, v53;
	v55 =	vmul.f32 v22, v60  }
0xdc: {  	v54 =	vpack.i.f32.bf16 v54, v54;
	v37 =	vmul.f32 v60, v7;
	v60 =	vmul.f32 v19, v45  }
0xdd: {  	v31 =	vpack.i.f32.bf16 v31, v31;
	v61 =	vmul.f32 v22, v48;
	v45 =	vmul.f32 v45, v6  }
0xde: {  	v48 =	vmul.f32 v48, v7;
	v19 =	vmul.f32 v19, v11;
	v34 =	vld.idx.msk [tilespmem:v58+s12+$0x0], $0xffff;
	v58 =	vxor.u32 v25, v36  }
0xdf: {  	v52 =	vld.idx.msk [tilespmem:v52+s12+$0x0], $0xffff;
	v36 =	vxor.u32 v36, v20;
	v55 =	vpack.i.f32.bf16 v55, v55;
	v37 =	vpack.i.f32.bf16 v37, v37  }
0xe0: {  	v42 =	vld.idx.msk [tilespmem:v42+s12+$0x0], $0xffff;
	v45 =	vpack.i.f32.bf16 v45, v45;
	v48 =	vpack.i.f32.bf16 v48, v48;
	v19 =	vpack.i.f32.bf16 v19, v19  }
0xe1: {  	v35 =	vmul.bf16 v59, v54;
	v54 =	vpack.i.f32.bf16 v63, v63;
	v49 =	vmul.bf16 v49, v55  }
0xe2: {  	v43 =	vld.idx.msk [tilespmem:v43+s12+$0x0], $0xffff;
	v59 =	vxor.u32 v24, v38;
	v38 =	vxor.u32 v38, v18;
	v63 =	vmul.f32 v21, v51  }
0xe3: {  	v55 =	vld.idx.msk [tilespmem:v57+s12+$0x0], $0xffff;
	v57 =	vxor.u32 v26, v39;
	v51 =	vmul.f32 v51, v5;
	v39 =	vxor.u32 v23, v39  }
0xe4: {  	[tilespmem:s23+$0xFFFFFFE0] =	vst v10;
	v26 =	vxor.u32 v26, v29;
	v29 =	vxor.u32 v23, v29;
	v52 =	vmul.bf16 v52, v54  }
0xe5: {  	[tilespmem:s23+$0xFFFFFFF0] =	vst v9;
	v35 =	vadd.bf16 v0, v35;
	v37 =	vmul.bf16 v42, v37;
	v49 =	vadd.bf16 v0, v49  }
0xe6: {  	v27 =	vld.idx.msk [tilespmem:v27+s12+$0x0], $0xffff;
	v42 =	vpack.i.f32.bf16 v60, v60;
	v54 =	vpack.i.f32.bf16 v63, v63;
	v60 =	vmul.f32 v22, v47  }
0xe7: {  	v51 =	vpack.i.f32.bf16 v51, v51;
	v31 =	vmul.bf16 v34, v31;
	v43 =	vmul.bf16 v43, v53;
	v62 =	vld.idx.msk [tilespmem:v58+s12+$0x0], $0xffff  }
0xe8: {  	v58 =	vxor.u32 v25, v40;
	v53 =	vpack.i.f32.bf16 v61, v61;
	v36 =	vld.idx.msk [tilespmem:v36+s12+$0x0], $0xffff;
	v40 =	vxor.u32 v20, v40  }
0xe9: {  	v25 =	vxor.u32 v25, v30;
	v20 =	vxor.u32 v20, v30;
	v52 =	vadd.bf16 v0, v52;
	v34 =	vld.idx.msk [tilespmem:v59+s12+$0x0], $0xffff  }
0xea: {  	v37 =	vadd.bf16 v37, v49;
	v31 =	vadd.bf16 v31, v35;
	v42 =	vmul.bf16 v55, v42;
	v38 =	vld.idx.msk [tilespmem:v38+s12+$0x0], $0xffff  }
0xeb: {  	v59 =	vxor.u32 v24, v41;
	v41 =	vxor.u32 v18, v41;
	v63 =	vld.idx.msk [tilespmem:v57+s12+$0x0], $0xffff;
	v27 =	vmul.bf16 v27, v45  }
0xec: {  	v24 =	vxor.u32 v24, v28;
	v55 =	vpack.i.f32.bf16 v4, v4;
	v4 =	vld.idx.msk [tilespmem:v8+s12+$0x0], $0xffff;
	v57 =	vmul.f32 v7, v47  }
0xed: {  	v8 =	vxor.u32 v18, v28;
	v43 =	vadd.bf16 v43, v52;
	v10 =	vadd.bf16 v42, v31;
	v52 =	vld.idx.msk [tilespmem:v58+s12+$0x0], $0xffff  }
0xee: {  	v31 =	vpack.i.f32.bf16 v60, v60;
	v35 =	vmul.bf16 v62, v53;
	v62 =	vmul.f32 v21, v50;
	v58 =	vld.idx.msk [tilespmem:v39+s12+$0x0], $0xffff  }
0xef: {  	v49 =	vmul.bf16 v36, v48;
	v27 =	vadd.bf16 v27, v10;
	v10 =	vmul.f32 v14, v12;
	v12 =	vld.idx.msk [tilespmem:v25+s12+$0x0], $0xffff  }
0xf0: {  	v34 =	vmul.bf16 v34, v54;
	v9 =	vadd.bf16 v35, v37;
	v53 =	vmul.bf16 v38, v51;
	v54 =	vld.idx.msk [tilespmem:v59+s12+$0x0], $0xffff  }
0xf1: {  	v33 =	vpack.i.f32.bf16 v62, v62;
	v59 =	vld.idx.msk [tilespmem:v40+s12+$0x0], $0xffff;
	v62 =	vpack.i.f32.bf16 v57, v57;
	v25 =	vmul.f32 v22, v10  }
0xf2: {  	v60 =	vld.idx.msk [tilespmem:v41+s12+$0x0], $0xffff;
	v61 =	vadd.bf16 v34, v43;
	v15 =	vadd.bf16 v49, v9;
	v9 =	vmul.f32 v17, v16  }
0xf3: {  	v17 =	vmul.bf16 v63, v55;
	v16 =	vld.idx.msk [tilespmem:v26+s12+$0x0], $0xffff;
	v26 =	vpack.i.f32.bf16 v56, v56;
	v63 =	vpack.i.f32.bf16 v13, v13  }
0xf4: {  	v13 =	vld.idx.msk [tilespmem:v24+s12+$0x0], $0xffff;
	v31 =	vmul.bf16 v52, v31;
	v24 =	vmul.bf16 v58, v26;
	v14 =	vadd.bf16 v53, v61  }
0xf5: {  	v23 =	vadd.bf16 v17, v27;
	v27 =	vmul.f32 v21, v9;
	v61 =	vmul.bf16 v54, v33  }
0xf6: {  	v21 =	vpack.i.f32.bf16 v25, v25;
	v17 =	vadd.bf16 v31, v15;
	v22 =	vmul.bf16 v59, v62;
	v15 =	vld.idx.msk [tilespmem:v20+s12+$0x0], $0xffff  }
0xf7: {  	s25 =	simm.s32 $0x40;
	s26 =	simm.s32 $0x20A0;
	v25 =	vmul.bf16 v60, v63;
	v20 =	vpack.i.f32.bf16 v27, v27;
	v18 =	vadd.bf16 v61, v14;
	v14 =	vld.idx.msk [tilespmem:v29+s12+$0x0], $0xffff  }
.LBB2_3:
0xf8: {  	v26 =	vld [tilespmem:s26+$0x10];
	s25 =	sadd.s32 $0x40, s25;
	v23 =	vadd.bf16 v24, v23;
	v6 =	vmul.f32 v6, v11;
	v7 =	vmul.f32 v7, v10;
	s21 =	sadd.s32 $0x40, s21  }
0xf9: {  	v11 =	vadd.bf16 v22, v17;
	v5 =	vmul.f32 v5, v9;
	s22 =	sadd.s32 $0x40, s22;
	v10 =	vld [tilespmem:s21+$0x10];
	p0 =	slt.u32 s25, $0x1FC0;
	v17 =	vadd.bf16 v25, v18  }
0xfa: {  	v16 =	vmul.bf16 v16, v19;
	v12 =	vmul.bf16 v12, v21;
	v9 =	vld [tilespmem:s22+$0x10];
	v6 =	vpack.i.f32.bf16 v6, v6  }
0xfb: {  	v13 =	vmul.bf16 v13, v20;
	v7 =	vpack.i.f32.bf16 v7, v7;
	v5 =	vpack.i.f32.bf16 v5, v5;
	v18 =	vld [tilespmem:s26+$0xFFFFFFE0]  }
0xfc: {  	v16 =	vadd.bf16 v16, v23;
	v11 =	vadd.bf16 v12, v11;
	v6 =	vmul.bf16 v14, v6;
	v19 =	vld [tilespmem:s26+$0xFFFFFFF0]  }
0xfd: {  	v13 =	vadd.bf16 v13, v17;
	v7 =	vmul.bf16 v15, v7;
	v12 =	vld [tilespmem:s26+$0x0];
	v14 =	vmul.f32 v26, v1  }
0xfe: {  	v4 =	vmul.bf16 v4, v2;
	v2 =	vmovc v5;
	v6 =	vadd.bf16 v6, v16;
	v15 =	vld [tilespmem:s22+$0xFFFFFFF0];
	v10 =	vmul.f32 v10, v1  }
0xff: {  	v7 =	vadd.bf16 v7, v11;
	v16 =	vld [tilespmem:s22+$0x0];
	v9 =	vmul.f32 v9, v1;
	v5 =	vtrunc.f32 v14  }
0x100: {  	v4 =	vadd.bf16 v4, v3;
	v3 =	vmovc v13;
	v11 =	vld [tilespmem:s22+$0xFFFFFFE0];
	v17 =	vcvt.f32.s32 v5;
	v5 =	vtrunc.f32 v10;
	[tilespmem:s24+$0xFFFFFFE0] =	vst v6  }
0x101: {  	v13 =	vld [tilespmem:s21+$0xFFFFFFE0];
	v6 =	vtrunc.f32 v9;
	v20 =	vcvt.f32.s32 v5;
	[tilespmem:s24+$0xFFFFFFF0] =	vst v7  }
0x102: {  	v5 =	vmul.f32 v18, v1;
	v18 =	vld [tilespmem:s21+$0xFFFFFFF0];
	v21 =	vcvt.f32.s32 v6;
	v22 =	vmul.u32 $0x9E3779B1, v17;
	[tilespmem:s23+$0x0] =	vst v4;
	s23 =	smov.u32 s24  }
0x103: {  	v7 =	vmul.f32 v19, v1;
	v6 =	vmul.f32 v12, v1;
	v12 =	vld [tilespmem:s21+$0x0];
	v19 =	vmul.u32 $0x30025795, v20  }
0x104: {  	v23 =	vand.u32 $0xFFFF, v21;
	v24 =	vadd.s32 $0x1, v21;
	v25 =	vand.u32 $0xFFFF, v22;
	v4 =	vld.idx.msk [tilespmem:v8+s12+$0x0], $0xffff  }
0x105: {  	v8 =	vcvt.s32.f32 v21;
	v21 =	vand.u32 $0xFFFF, v19;
	v26 =	vxor.u32 v23, v25  }
0x106: {  	v17 =	vcvt.s32.f32 v17;
	v19 =	vadd.s32 $0x5795, v19;
	v27 =	vxor.u32 v21, v26  }
0x107: {  	v20 =	vcvt.s32.f32 v20;
	v24 =	vand.u32 $0xFFFF, v24;
	v19 =	vand.u32 $0xFFFF, v19  }
0x108: {  	v8 =	vsub.f32 v9, v8;
	v9 =	vsub.f32 v14, v17;
	v14 =	vxor.u32 v26, v19  }
0x109: {  	v10 =	vsub.f32 v10, v20;
	v17 =	vadd.s32 $0x79B1, v22;
	v20 =	vxor.u32 v24, v25  }
0x10a: {  	v26 =	vxor.u32 v21, v20;
	v22 =	vsub.f32 $1.000000000e+00, v8;
	v25 =	vsub.f32 $1.000000000e+00, v9  }
0x10b: {  	v28 =	vmul.f32 v15, v1;
	v11 =	vmul.f32 v11, v1;
	v17 =	vand.u32 $0xFFFF, v17;
	v27 =	vld.idx.msk [tilespmem:v27+s12+$0x0], $0xffff  }
0x10c: {  	v29 =	vsub.f32 $1.000000000e+00, v10;
	v20 =	vxor.u32 v20, v19;
	v15 =	vmul.f32 v25, v22  }
0x10d: {  	v30 =	vtrunc.f32 v5;
	v16 =	vmul.f32 v16, v1;
	v23 =	vxor.u32 v23, v17;
	v31 =	vld.idx.msk [tilespmem:v14+s12+$0x0], $0xffff  }
0x10e: {  	v32 =	vtrunc.f32 v7;
	v34 =	vxor.u32 v21, v23;
	v33 =	vmul.f32 v29, v15  }
0x10f: {  	v23 =	vxor.u32 v19, v23;
	v14 =	vmul.f32 v13, v1;
	v13 =	vtrunc.f32 v6;
	v26 =	vld.idx.msk [tilespmem:v26+s12+$0x0], $0xffff  }
0x110: {  	v25 =	vmul.f32 v25, v8;
	v35 =	vmul.f32 v15, v10;
	v33 =	vpack.i.f32.bf16 v33, v33  }
0x111: {  	v17 =	vxor.u32 v24, v17;
	v15 =	vmul.f32 v18, v1;
	v18 =	vmul.bf16 v27, v33;
	v20 =	vld.idx.msk [tilespmem:v20+s12+$0x0], $0xffff  }
0x112: {  	v21 =	vxor.u32 v21, v17;
	v24 =	vpack.i.f32.bf16 v35, v35;
	v27 =	vmul.f32 v29, v25  }
0x113: {  	v17 =	vxor.u32 v19, v17;
	v18 =	vadd.bf16 v0, v18;
	v24 =	vmul.bf16 v31, v24;
	v31 =	vld.idx.msk [tilespmem:v34+s12+$0x0], $0xffff  }
0x114: {  	v19 =	vmul.f32 v9, v22;
	v25 =	vmul.f32 v25, v10;
	v22 =	vpack.i.f32.bf16 v27, v27  }
0x115: {  	v27 =	vmul.f32 v12, v1;
	v12 =	vadd.bf16 v24, v18;
	v18 =	vmul.bf16 v26, v22;
	v22 =	vld.idx.msk [tilespmem:v23+s12+$0x0], $0xffff  }
0x116: {  	v24 =	vpack.i.f32.bf16 v25, v25;
	v25 =	vmul.f32 v29, v19;
	v23 =	vtrunc.f32 v11  }
0x117: {  	v26 =	vtrunc.f32 v28;
	v12 =	vadd.bf16 v18, v12;
	v18 =	vmul.bf16 v20, v24;
	v20 =	vld.idx.msk [tilespmem:v21+s12+$0x0], $0xffff  }
0x118: {  	v8 =	vmul.f32 v9, v8;
	v19 =	vmul.f32 v10, v19;
	v9 =	vpack.i.f32.bf16 v25, v25  }
0x119: {  	v21 =	vtrunc.f32 v16;
	v12 =	vadd.bf16 v18, v12;
	v9 =	vmul.bf16 v31, v9;
	v17 =	vld.idx.msk [tilespmem:v17+s12+$0x0], $0xffff  }
0x11a: {  	v19 =	vpack.i.f32.bf16 v19, v19;
	v24 =	vmul.f32 v29, v8;
	v18 =	vcvt.f32.s32 v30  }
0x11b: {  	v25 =	vcvt.f32.s32 v32;
	v9 =	vadd.bf16 v9, v12;
	v12 =	vmul.bf16 v22, v19  }
0x11c: {  	v13 =	vcvt.f32.s32 v13;
	v8 =	vmul.f32 v10, v8;
	v19 =	vpack.i.f32.bf16 v24, v24  }
0x11d: {  	v24 =	vcvt.f32.s32 v23;
	v9 =	vadd.bf16 v12, v9;
	v10 =	vmul.bf16 v20, v19  }
0x11e: {  	v8 =	vpack.i.f32.bf16 v8, v8;
	v19 =	vcvt.f32.s32 v26;
	v20 =	vcvt.f32.s32 v21  }
0x11f: {  	v12 =	vtrunc.f32 v14;
	v9 =	vadd.bf16 v10, v9;
	v8 =	vmul.bf16 v17, v8  }
0x120: {  	v26 =	vmul.u32 $0x9E3779B1, v18;
	v10 =	vtrunc.f32 v15;
	v17 =	vtrunc.f32 v27  }
0x121: {  	v12 =	vcvt.f32.s32 v12;
	v21 =	vcvt.f32.s32 v10;
	v8 =	vadd.bf16 v8, v9  }
0x122: {  	s24 =	sadd.s32 $0x40, s24;
	v29 =	vmul.u32 $0x9E3779B1, v25;
	v17 =	vcvt.f32.s32 v17;
	v9 =	vcvt.s32.f32 v24  }
0x123: {  	v30 =	vmul.u32 $0x9E3779B1, v13;
	v10 =	vcvt.s32.f32 v18;
	v18 =	vcvt.s32.f32 v19;
	[tilespmem:s24+$0x10] =	vst v8  }
0x124: {  	v22 =	vcvt.s32.f32 v25;
	v23 =	vcvt.s32.f32 v20;
	v31 =	vmul.u32 $0x30025795, v12  }
0x125: {  	v13 =	vcvt.s32.f32 v13;
	v25 =	vmul.u32 $0x30025795, v21;
	v32 =	vmul.u32 $0x30025795, v17  }
0x126: {  	v9 =	vsub.f32 v11, v9;
	v11 =	vsub.f32 v5, v10;
	v5 =	vcvt.s32.f32 v12  }
0x127: {  	v10 =	vsub.f32 v7, v22;
	v7 =	vcvt.s32.f32 v21;
	v8 =	vsub.f32 v28, v18  }
0x128: {  	v13 =	vsub.f32 v6, v13;
	v17 =	vcvt.s32.f32 v17;
	v12 =	vsub.f32 v16, v23  }
0x129: {  	v33 =	vand.u32 $0xFFFF, v29;
	v34 =	vand.u32 $0xFFFF, v30;
	v28 =	vand.u32 $0xFFFF, v26  }
0x12a: {  	v35 =	vand.u32 $0xFFFF, v24;
	v36 =	vand.u32 $0xFFFF, v19;
	v37 =	vand.u32 $0xFFFF, v20  }
0x12b: {  	v38 =	vxor.u32 v36, v33;
	v39 =	vxor.u32 v37, v34;
	v21 =	vxor.u32 v35, v28  }
0x12c: {  	v22 =	vand.u32 $0xFFFF, v31;
	v18 =	vand.u32 $0xFFFF, v25;
	v16 =	vand.u32 $0xFFFF, v32  }
0x12d: {  	v40 =	vsub.f32 $1.000000000e+00, v9;
	v41 =	vsub.f32 $1.000000000e+00, v11;
	v42 =	vxor.u32 v22, v21  }
0x12e: {  	v43 =	vsub.f32 $1.000000000e+00, v10;
	v44 =	vxor.u32 v18, v38;
	v23 =	vsub.f32 $1.000000000e+00, v8  }
0x12f: {  	v46 =	vsub.f32 $1.000000000e+00, v13;
	v45 =	vsub.f32 $1.000000000e+00, v12;
	v47 =	vxor.u32 v16, v39  }
0x130: {  	v6 =	vsub.f32 v14, v5;
	v14 =	vadd.s32 $0x5795, v31;
	v7 =	vsub.f32 v15, v7  }
0x131: {  	v15 =	vadd.s32 $0x5795, v25;
	v5 =	vsub.f32 v27, v17;
	v25 =	vadd.s32 $0x5795, v32  }
0x132: {  	v17 =	vand.u32 $0xFFFF, v14;
	v15 =	vand.u32 $0xFFFF, v15;
	v14 =	vand.u32 $0xFFFF, v25;
	v27 =	vld.idx.msk [tilespmem:v42+s12+$0x0], $0xffff  }
0x133: {  	v24 =	vadd.s32 $0x1, v24;
	v25 =	vmul.f32 v41, v40;
	v31 =	vmul.f32 v43, v23;
	v32 =	vld.idx.msk [tilespmem:v44+s12+$0x0], $0xffff  }
0x134: {  	v48 =	vmul.f32 v46, v45;
	v42 =	vadd.s32 $0x1, v19;
	v44 =	vadd.s32 $0x1, v20;
	v47 =	vld.idx.msk [tilespmem:v47+s12+$0x0], $0xffff  }
0x135: {  	v49 =	vxor.u32 v21, v17;
	v21 =	vsub.f32 $1.000000000e+00, v7;
	v19 =	vsub.f32 $1.000000000e+00, v6  }
0x136: {  	v38 =	vxor.u32 v38, v15;
	v39 =	vxor.u32 v39, v14;
	v20 =	vsub.f32 $1.000000000e+00, v5  }
0x137: {  	v24 =	vand.u32 $0xFFFF, v24;
	v42 =	vand.u32 $0xFFFF, v42;
	v44 =	vand.u32 $0xFFFF, v44  }
0x138: {  	v28 =	vxor.u32 v24, v28;
	v50 =	vmul.f32 v19, v25;
	v33 =	vxor.u32 v42, v33  }
0x139: {  	v51 =	vmul.f32 v21, v31;
	v34 =	vxor.u32 v44, v34;
	v52 =	vmul.f32 v20, v48  }
0x13a: {  	v53 =	vxor.u32 v22, v28;
	v54 =	vxor.u32 v18, v33;
	v55 =	vxor.u32 v16, v34;
	v49 =	vld.idx.msk [tilespmem:v49+s12+$0x0], $0xffff  }
0x13b: {  	v51 =	vpack.i.f32.bf16 v51, v51;
	v50 =	vpack.i.f32.bf16 v50, v50;
	v52 =	vpack.i.f32.bf16 v52, v52;
	v38 =	vld.idx.msk [tilespmem:v38+s12+$0x0], $0xffff  }
0x13c: {  	v26 =	vadd.s32 $0x79B1, v26;
	v31 =	vmul.f32 v31, v7;
	v25 =	vmul.f32 v25, v6;
	v39 =	vld.idx.msk [tilespmem:v39+s12+$0x0], $0xffff  }
0x13d: {  	v29 =	vadd.s32 $0x79B1, v29;
	v30 =	vadd.s32 $0x79B1, v30;
	v48 =	vmul.f32 v48, v5  }
0x13e: {  	v41 =	vmul.f32 v41, v9;
	v28 =	vxor.u32 v28, v17;
	v43 =	vmul.f32 v43, v8  }
0x13f: {  	v46 =	vmul.f32 v46, v12;
	v33 =	vxor.u32 v33, v15;
	v27 =	vmul.bf16 v27, v50;
	v50 =	vld.idx.msk [tilespmem:v53+s12+$0x0], $0xffff  }
0x140: {  	v34 =	vxor.u32 v34, v14;
	v32 =	vmul.bf16 v32, v51;
	v47 =	vmul.bf16 v47, v52;
	v51 =	vld.idx.msk [tilespmem:v54+s12+$0x0], $0xffff  }
0x141: {  	v29 =	vand.u32 $0xFFFF, v29;
	v30 =	vand.u32 $0xFFFF, v30;
	v26 =	vand.u32 $0xFFFF, v26;
	v52 =	vld.idx.msk [tilespmem:v55+s12+$0x0], $0xffff  }
0x142: {  	v31 =	vpack.i.f32.bf16 v31, v31;
	v25 =	vpack.i.f32.bf16 v25, v25;
	v48 =	vpack.i.f32.bf16 v48, v48  }
0x143: {  	v36 =	vxor.u32 v36, v29;
	v37 =	vxor.u32 v37, v30;
	v35 =	vxor.u32 v35, v26;
	v28 =	vld.idx.msk [tilespmem:v28+s12+$0x0], $0xffff  }
0x144: {  	v27 =	vadd.bf16 v0, v27;
	v53 =	vmul.f32 v19, v41;
	v54 =	vmul.f32 v21, v43;
	v33 =	vld.idx.msk [tilespmem:v33+s12+$0x0], $0xffff  }
0x145: {  	v32 =	vadd.bf16 v0, v32;
	v47 =	vadd.bf16 v0, v47;
	v55 =	vmul.f32 v20, v46;
	v34 =	vld.idx.msk [tilespmem:v34+s12+$0x0], $0xffff  }
0x146: {  	v25 =	vmul.bf16 v49, v25;
	v49 =	vxor.u32 v22, v35;
	v31 =	vmul.bf16 v38, v31  }
0x147: {  	v38 =	vxor.u32 v18, v36;
	v39 =	vmul.bf16 v39, v48;
	v48 =	vxor.u32 v16, v37  }
0x148: {  	v53 =	vpack.i.f32.bf16 v53, v53;
	v54 =	vpack.i.f32.bf16 v54, v54;
	v55 =	vpack.i.f32.bf16 v55, v55  }
0x149: {  	v25 =	vadd.bf16 v25, v27;
	v27 =	vmul.f32 v41, v6;
	v41 =	vmul.f32 v43, v7  }
0x14a: {  	v40 =	vmul.f32 v11, v40;
	v31 =	vadd.bf16 v31, v32;
	v32 =	vmul.f32 v46, v5  }
0x14b: {  	v45 =	vmul.f32 v13, v45;
	v23 =	vmul.f32 v10, v23;
	v39 =	vadd.bf16 v39, v47;
	v43 =	vld.idx.msk [tilespmem:v49+s12+$0x0], $0xffff  }
0x14c: {  	v35 =	vxor.u32 v17, v35;
	v46 =	vmul.bf16 v50, v53;
	v47 =	vmul.bf16 v51, v54;
	v38 =	vld.idx.msk [tilespmem:v38+s12+$0x0], $0xffff  }
0x14d: {  	v36 =	vxor.u32 v15, v36;
	v37 =	vxor.u32 v14, v37;
	v49 =	vmul.bf16 v52, v55;
	v48 =	vld.idx.msk [tilespmem:v48+s12+$0x0], $0xffff  }
0x14e: {  	v27 =	vpack.i.f32.bf16 v27, v27;
	v41 =	vpack.i.f32.bf16 v41, v41;
	v32 =	vpack.i.f32.bf16 v32, v32  }
0x14f: {  	v24 =	vxor.u32 v24, v26;
	v26 =	vxor.u32 v42, v29;
	v29 =	vxor.u32 v44, v30  }
0x150: {  	v42 =	vmul.f32 v21, v23;
	v30 =	vmul.f32 v19, v40;
	v25 =	vadd.bf16 v46, v25  }
0x151: {  	v44 =	vmul.f32 v20, v45;
	v31 =	vadd.bf16 v47, v31;
	v39 =	vadd.bf16 v49, v39;
	v35 =	vld.idx.msk [tilespmem:v35+s12+$0x0], $0xffff  }
0x152: {  	v22 =	vxor.u32 v22, v24;
	v27 =	vmul.bf16 v28, v27;
	v28 =	vmul.bf16 v33, v41;
	v33 =	vld.idx.msk [tilespmem:v36+s12+$0x0], $0xffff  }
0x153: {  	v18 =	vxor.u32 v18, v26;
	v32 =	vmul.bf16 v34, v32;
	v36 =	vxor.u32 v16, v29;
	v34 =	vld.idx.msk [tilespmem:v37+s12+$0x0], $0xffff  }
0x154: {  	v30 =	vpack.i.f32.bf16 v30, v30;
	v41 =	vpack.i.f32.bf16 v44, v44;
	v37 =	vpack.i.f32.bf16 v42, v42  }
0x155: {  	v23 =	vmul.f32 v7, v23;
	v25 =	vadd.bf16 v27, v25;
	v27 =	vmul.f32 v6, v40  }
0x156: {  	v11 =	vmul.f32 v11, v9;
	v28 =	vadd.bf16 v28, v31;
	v31 =	vmul.f32 v5, v45  }
0x157: {  	v9 =	vmul.f32 v13, v12;
	v10 =	vmul.f32 v10, v8;
	v16 =	vld.idx.msk [tilespmem:v22+s12+$0x0], $0xffff;
	v22 =	vadd.bf16 v32, v39  }
0x158: {  	v30 =	vmul.bf16 v43, v30;
	v32 =	vxor.u32 v17, v24;
	v17 =	vmul.bf16 v38, v37;
	v12 =	vld.idx.msk [tilespmem:v18+s12+$0x0], $0xffff  }
0x159: {  	v8 =	vxor.u32 v14, v29;
	v15 =	vxor.u32 v15, v26;
	v18 =	vmul.bf16 v48, v41;
	v13 =	vld.idx.msk [tilespmem:v36+s12+$0x0], $0xffff  }
.Ltmp0:
0x15a: {  	v26 =	vpack.i.f32.bf16 v23, v23;
	v14 =	vpack.i.f32.bf16 v27, v27;
	v27 =	vpack.i.f32.bf16 v31, v31;
	(pc) =	sbr.rel @p0 .LBB2_3-.Ltmp0, $4  }
0x15b: {  	v19 =	vmul.f32 v19, v11;
	v21 =	vmul.f32 v21, v10;
	v23 =	vadd.bf16 v30, v25  }
0x15c: {  	v20 =	vmul.f32 v20, v9;
	v17 =	vadd.bf16 v17, v28;
	v18 =	vadd.bf16 v18, v22  }
0x15d: {  	v19 =	vpack.i.f32.bf16 v19, v19;
	v24 =	vmul.bf16 v35, v14;
	v22 =	vmul.bf16 v33, v26;
	v14 =	vld.idx.msk [tilespmem:v32+s12+$0x0], $0xffff  }
0x15e: {  	s26 =	sadd.s32 $0x40, s26;
	v21 =	vpack.i.f32.bf16 v21, v21;
	v20 =	vpack.i.f32.bf16 v20, v20;
	v25 =	vmul.bf16 v34, v27;
	v15 =	vld.idx.msk [tilespmem:v15+s12+$0x0], $0xffff  }
0x15f: {  	_ =	sdelay $0x1  }
0x160: {  	v6 =	vmul.f32 v6, v11  }
0x161: {  	v7 =	vmul.f32 v7, v10;
	v16 =	vmul.bf16 v16, v19  }
0x162: {  	v23 =	vadd.bf16 v24, v23;
	v8 =	vld.idx.msk [tilespmem:v8+s12+$0x0], $0xffff;
	v5 =	vmul.f32 v5, v9;
	v61 =	vmul.bf16 v12, v21  }
0x163: {  	v59 =	vadd.bf16 v22, v17;
	v13 =	vmul.bf16 v13, v20;
	v2 =	vmul.bf16 v4, v2  }
0x164: {  	v60 =	vadd.bf16 v25, v18;
	v6 =	vpack.i.f32.bf16 v6, v6;
	v7 =	vpack.i.f32.bf16 v7, v7  }
0x165: {  	v62 =	vadd.bf16 v16, v23;
	v9 =	vadd.bf16 v61, v59;
	v6 =	vmul.bf16 v14, v6  }
0x166: {  	v5 =	vpack.i.f32.bf16 v5, v5;
	v2 =	vadd.bf16 v2, v3;
	v7 =	vmul.bf16 v15, v7  }
0x167: {  	v63 =	vadd.bf16 v13, v60;
	v6 =	vadd.bf16 v6, v62;
	v5 =	vmul.bf16 v8, v5  }
0x168: {  	[tilespmem:s23+$0x0] =	vst v2;
	v7 =	vadd.bf16 v7, v9  }
0x169: {  	s20 =	sadd.s32 s10, s20;
	s19 =	sadd.s32 $0x1, s19;
	[tilespmem:s24+$0xFFFFFFE0] =	vst v6;
	v3 =	vadd.bf16 v5, v63  }
0x16a: {  	s20 =	sshrl.u32 s20, $0x3;
	p0 =	sne.s32 s19, $0x8;
	[tilespmem:s24+$0xFFFFFFF0] =	vst v7  }
.Ltmp1:
0x16b: {  	s20 =	sadd.s32 s3, s20;
	[tilespmem:s24+$0x0] =	vst v3;
	(pc) =	sbr.rel @p0 .LBB2_2-.Ltmp1, $4  }
0x16c: {  	[hbm4b:s20+s2] =	stream.linear.scatter [tilespmem:s17], [sflag:$0x1], $0x2000, $0x38;
	[tilespmem:$0x18080] =	vst v63  }
0x16d: {  	_ =	swait.ge [sflag:s13], $0x2000  }
0x16e: {  	[sflag:s13] =	ssyncset.done $0x0  }
0x16f: {  	[sflag:s13] =	ssyncadd.s32 $0xFFFFE000  }
0x170: {  	s18 =	sadd.s32 $0x1, s18  }
0x171: {  	p0 =	sne.s32 s18, s11  }
.Ltmp2:
0x172: {  	_ = 	snop;
	(pc) =	sbr.rel @p0 .LBB2_1-.Ltmp2, $1  }
0x173: {  	_ =	sdelay $0x3  }
0x174: {  	_ =	sfence.sel $0x180000  }
0x175: {  	[bflag:$0x0] =	sbarrier.arrive $0xFFFF  }
0x176: {  	p0 =	sne.s32 s1, $0x0;
	_ =	strace $0x9000004A  }
0x177: {  	s0 =	sadd.s32 @!p0 $0x100000, s0;
	[bflag:$0x2] =	sbarrier.arrive $0xFFFF  }
0x178: {  	[sflag:s0] =	ssyncadd.tile.s32 @!p0 $0x1;
	_ =	shalt  }
.Lfunc_end2:
_tile_overlayer_lowered:
.L_overlay_start_2:
0x179: {  	(tag) =	ssettag $0x2  }
0x17a: {  	s0 =	rddreg [dreg:$0x0];
	s2 =	stileid.u32  }
0x17b: {  	s1 =	rddreg [dreg:$0x1];
	p0 =	sne.s32 s2, $0x0  }
0x17c: {  	s3 =	rddreg [dreg:$0x2];
	[bflag:$0x3] =	sbarrier.arrive $0xFFFF;
	s2 =	simm.s32 @!p0 $0x1C01  }
0x17d: {  	[timem:s3], [sflag:s2] =	dma.local @!p0 [hbm:s0], s1  }
0x17e: {  	s0 =	simm.s32 @!p0 $0x1  }
0x17f: {  	_ =	swait.ge @!p0 [sflag:s0], s1  }
0x180: {  	s1 =	ssub.s32 @!p0 $0x0, s1;
	[sflag:s0] =	ssyncset.done @!p0 $0x0  }
0x181: {  	[sflag:s0] =	ssyncadd.s32 @!p0 s1  }
0x182: {  	[bflag:$0x3] =	sbarrier.arrive $0xFFFF  }
0x183: {  	_ =	shalt  }

// kernel: kernel.16.cloned.1.call-start
scs
__scs_entry_jumppad:
0x0: {  	(pc) =	sbr.rel $0x88, $3  }
0x1: {  	(tag) =	ssettag $0x0;
	lr =	simm.s32 $0x1  }
0x2: {  	[smem:$0x3F9C] =	sst lr;
	_ =	strace $0xD0000000  }
0x3: {  	_ = 	snop  }
0x4: {  	_ = 	snop  }
0x5: {  	_ = 	snop  }
0x6: {  	_ = 	snop  }
0x7: {  	_ = 	snop  }
__scs_overlays_trampoline_lowered:
0x8: {  	[smem:$0x3FAB] =	sst s0  }
0x9: {  	[smem:$0x3FAC] =	sst s1  }
0xa: {  	[smem:$0x3FAD] =	sst s2  }
0xb: {  	[smem:$0x3FAE] =	sst s3  }
0xc: {  	[smem:$0x3FAF] =	sst s4  }
0xd: {  	[smem:$0x3FB0] =	sst s5  }
0xe: {  	[smem:$0x3FB1] =	sst s6  }
0xf: {  	[smem:$0x3FB2] =	sst s7  }
0x10: {  	[smem:$0x3FB3] =	sst s8  }
0x11: {  	[smem:$0x3FB4] =	sst s9;
	s0 =	simm.s32 @!p0 $0x0  }
0x12: {  	s1 =	sld [smem:$0x3F9A];
	s0 =	simm.s32 @p0 $0x1  }
0x13: {  	[smem:$0x3FB5] =	sst s0;
	s0 =	simm.s32 @!p1 $0x0  }
0x14: {  	s2 =	sld [smem:$0x3F99];
	s0 =	simm.s32 @p1 $0x1  }
0x15: {  	[smem:$0x3FB6] =	sst s0;
	s0 =	simm.s32 @!p2 $0x0  }
0x16: {  	s3 =	sld [smem:$0x3FDB];
	s0 =	simm.s32 @p2 $0x1  }
0x17: {  	s4 =	simm.s32 $0x1BF5;
	[smem:$0x3FB8] =	sst s0  }
0x18: {  	s0 =	sld [smem:$0x3F9B];
	_ =	swait.ge [sflag:s4], $0x0  }
0x19: {  	s7 =	sld [smem:$0x3F9C]  }
0x1a: {  	s8 =	sadd.s32 $0xFFFFE003, lr  }
0x1b: {  	s9 =	sadd.s32 $0xFFFFFEF7, lr;
	s5 =	simm.s32 $0xFFFFFFFF;
	p2 =	slt.u32 s8, $0xFFFFF086  }
0x1c: {  	p1 =	slt.u32 s9, $0xF7A;
	s5 =	simm.s32 @!p2 $0x0  }
0x1d: {  	s5 =	simm.s32 @p1 $0x1;
	p0 =	seq.s32 s7, s2  }
0x1e: {  	s7 =	smul.u32 @!p0 $0xF7A, s2;
	p2 =	seq.s32 @!p0 s5, $0x0  }
0x1f: {  	s9 =	smul.u32 $0xF7A, s1;
	s8 =	simm.s32 @!p0 $0x1BF5;
	p2 =	por !p2, p0  }
0x20: {  	[sflag:s8] =	ssyncset.s32 @!p0 $0xFFFFF086;
	s6 =	sadd.s32 @!p0 s3, s7;
	s7 =	simm.s32 @!p0 $0x108  }
0x21: {  	s3 =	sadd.s32 s3, s9;
	s6 =	sadd.s32 @!p0 $0x88, s6;
	s7 =	simm.s32 @p2 $0x1082  }
0x22: {  	[simem:s7], [sflag:s8] =	dma.local @!p0 [hbm:s6], $0xF7A  }
0x23: {  	s9 =	sor.u32 $0xD0000000, s2;
	s6 =	simm.s32 $0x108;
	_ =	swait.ge @!p0 [sflag:s8], $0x0  }
0x24: {  	s3 =	sadd.s32 $0x88, s3;
	s6 =	simm.s32 @!p1 $0x1082;
	[sflag:s4] =	ssyncset.s32 $0xFFFFF086  }
0x25: {  	[simem:s6], [sflag:s4] =	dma.local [hbm:s3], $0xF7A  }
0x26: {  	[smem:$0x3F9C] =	sst s1;
	(tag) =	ssettag s2;
	_ =	strace s9  }
0x27: {  	s1 =	sld [smem:$0x3FAC]  }
0x28: {  	s2 =	sld [smem:$0x3FAD]  }
0x29: {  	s4 =	sld [smem:$0x3FAF]  }
0x2a: {  	p0 =	seq.s32 s5, $0x0;
	s5 =	sld [smem:$0x3FB0]  }
0x2b: {  	s6 =	sld [smem:$0x3FB1]  }
0x2c: {  	s7 =	sld [smem:$0x3FB2]  }
0x2d: {  	s3 =	simm.s32 $0x108;
	s8 =	sld [smem:$0x3FB3]  }
0x2e: {  	s3 =	simm.s32 @!p0 $0x1082;
	s9 =	sld [smem:$0x3FB4]  }
0x2f: {  	lr =	sadd.s32 s0, s3;
	s0 =	sld [smem:$0x3FAB]  }
0x30: {  	s3 =	sld [smem:$0x3FAE]  }
0x31: {  	[smem:$0x3FB7] =	sst s10  }
0x32: {  	s10 =	sld [smem:$0x3FB5];
	_ =	sdelay $0x3  }
0x33: {  	p0 =	seq.s32 s10, $0x1;
	s10 =	sld [smem:$0x3FB7];
	_ =	sdelay $0x3  }
0x34: {  	[smem:$0x3FB7] =	sst s10  }
0x35: {  	s10 =	sld [smem:$0x3FB6];
	_ =	sdelay $0x3  }
0x36: {  	p1 =	seq.s32 s10, $0x1;
	s10 =	sld [smem:$0x3FB7];
	_ =	sdelay $0x3  }
0x37: {  	[smem:$0x3FB7] =	sst s10  }
0x38: {  	s10 =	sld [smem:$0x3FB8]  }
0x39: {  	_ = 	snop;
	(pc) =	sbr.ind lr, $3  }
0x3a: {  	_ = 	snop  }
0x3b: {  	_ = 	snop  }
0x3c: {  	p2 =	seq.s32 s10, $0x1;
	s10 =	sld [smem:$0x3FB7]  }
0x3d: {  	_ =	shalt  }
0x3e: {  	_ =	shalt  }
0x3f: {  	_ =	shalt  }
0x40: {  	_ =	shalt  }
0x41: {  	_ =	shalt  }
0x42: {  	_ =	shalt  }
0x43: {  	_ =	shalt  }
0x44: {  	_ =	shalt  }
0x45: {  	_ =	shalt  }
0x46: {  	_ =	shalt  }
0x47: {  	_ =	shalt  }
0x48: {  	_ =	shalt  }
0x49: {  	_ =	shalt  }
0x4a: {  	_ =	shalt  }
0x4b: {  	_ =	shalt  }
0x4c: {  	_ =	shalt  }
0x4d: {  	_ =	shalt  }
0x4e: {  	_ =	shalt  }
0x4f: {  	_ =	shalt  }
0x50: {  	_ =	shalt  }
0x51: {  	_ =	shalt  }
0x52: {  	_ =	shalt  }
0x53: {  	_ =	shalt  }
0x54: {  	_ =	shalt  }
0x55: {  	_ =	shalt  }
0x56: {  	_ =	shalt  }
0x57: {  	_ =	shalt  }
0x58: {  	_ =	shalt  }
0x59: {  	_ =	shalt  }
0x5a: {  	_ =	shalt  }
0x5b: {  	_ =	shalt  }
0x5c: {  	_ =	shalt  }
0x5d: {  	_ =	shalt  }
0x5e: {  	_ =	shalt  }
0x5f: {  	_ =	shalt  }
0x60: {  	_ =	shalt  }
0x61: {  	_ =	shalt  }
0x62: {  	_ =	shalt  }
0x63: {  	_ =	shalt  }
0x64: {  	_ =	shalt  }
0x65: {  	_ =	shalt  }
0x66: {  	_ =	shalt  }
0x67: {  	_ =	shalt  }
0x68: {  	_ =	shalt  }
0x69: {  	_ =	shalt  }
0x6a: {  	_ =	shalt  }
0x6b: {  	_ =	shalt  }
0x6c: {  	_ =	shalt  }
0x6d: {  	_ =	shalt  }
0x6e: {  	_ =	shalt  }
0x6f: {  	_ =	shalt  }
0x70: {  	_ =	shalt  }
0x71: {  	_ =	shalt  }
0x72: {  	_ =	shalt  }
0x73: {  	_ =	shalt  }
0x74: {  	_ =	shalt  }
0x75: {  	_ =	shalt  }
0x76: {  	_ =	shalt  }
0x77: {  	_ =	shalt  }
0x78: {  	_ =	shalt  }
0x79: {  	_ =	shalt  }
0x7a: {  	_ =	shalt  }
0x7b: {  	_ =	shalt  }
0x7c: {  	_ =	shalt  }
0x7d: {  	_ =	shalt  }
0x7e: {  	_ =	shalt  }
0x7f: {  	_ =	shalt  }
0x80: {  	_ =	shalt  }
0x81: {  	_ =	shalt  }
0x82: {  	_ =	shalt  }
0x83: {  	_ =	shalt  }
0x84: {  	_ =	shalt  }
0x85: {  	_ =	shalt  }
0x86: {  	_ =	shalt  }
0x87: {  	_ =	shalt  }
.Lfunc_end0:
.L_simem_size_0:
called_computation.3_lowered:
.L_overlay_start_0:
0x88: {  	s2 =	sld [smem:$0x3FD9]  }
0x89: {  	s3 =	sld [smem:$0x3FFE];
	_ =	sdelay $0x1  }
0x8a: {  	s1 =	srdreg.scid  }
0x8b: {  	s0 =	sand.u32 $0x1, s1  }
0x8c: {  	s17 =	sshll.u32 s0, $0xA;
	s2 =	sadd.s32 s3, s2  }
0x8d: {  	s2 =	sadd.s32 s2, s17  }
0x8e: {  	[smem:$0x3FC3] =	sst s2  }
0x8f: {  	_ = 	snop  }
0x90: {  	(tm) =	ssettm $0x1  }
0x91: {  	s18 =	sld [smem:$0x3FFB];
	_ =	sdelay $0x3  }
0x92: {  	_ =	strace s18  }
0x93: {  	s2 =	sld [smem:$0x3FFC];
	_ =	sdelay $0x3  }
0x94: {  	_ =	strace s2  }
0x95: {  	s2 =	sld [smem:$0x3FFD];
	_ =	sdelay $0x3  }
0x96: {  	_ =	strace s2  }
0x97: {  	_ =	strace $0x8FFFFFFF  }
0x98: {  	s19 =	sld [smem:$0x3FDB];
	_ =	sdelay $0x1  }
0x99: {  	s20 =	simm.s32 $_scs_section_size  }
0x9a: {  	s4 =	simm.s32 $_size__tile_overlayer_lowered;
	s5 =	simm.s32 $_tile_overlayer_lowered  }
0x9b: {  	s6 =	simm.s32 $0x1BFF;
	s21 =	sshll.u32 s5, $0x1;
	s3 =	sadd.s32 s20, s19  }
0x9c: {  	s22 =	simm.s32 $0x0;
	s4 =	sshll.u32 s4, $0x1;
	s5 =	sadd.s32 s21, s3  }
0x9d: {  	[timem:s22], [sflag:s6] =	dma.local [hbm:s5], s4  }
0x9e: {  	_ =	swait.ge [sflag:s6], s4  }
0x9f: {  	s4 =	ssub.s32 $0x0, s4;
	[sflag:s6] =	ssyncset.done $0x0  }
0xa0: {  	[sflag:s6] =	ssyncadd.s32 s4;
	_ =	sdelay $0x1  }
0xa1: {  	s23 =	simm.s32 $0x1B8B  }
0xa2: {  	_ =	swait.ge [sflag:s23], $0x1  }
0xa3: {  	[sflag:s23] =	ssyncset.done $0x0  }
0xa4: {  	[sflag:s23] =	ssyncadd.s32 $0xFFFFFFFF  }
0xa5: {  	s4 =	sld [smem:$0x0]  }
0xa6: {  	s5 =	sand.u32 $0xFFFFFFFE, s1  }
0xa7: {  	p0 =	sne.s32 s1, s5  }
0xa8: {  	s5 =	sshll.u32 @p0 s5, $0xE  }
0xa9: {  	s5 =	sadd.s32 @p0 $0x11B8D, s5;
	s6 =	sshll.u32 @p0 s4, $0x11  }
0xaa: {  	s5 =	sor.u32 @p0 s6, s5  }
0xab: {  	[sflag:s5] =	ssyncadd.remote.s32 @p0 $0x1;
	_ =	sdelay $0x1  }
0xac: {  	s5 =	simm.s32 @p0 $0x1B8D  }
0xad: {  	_ =	swait.eq @p0 [sflag:s5], $0x1  }
0xae: {  	[sflag:s5] =	ssyncadd.s32 @p0 $0xFFFFFFFF  }
0xaf: {  	s6 =	sshll.u32 @!p0 s1, $0xE  }
0xb0: {  	s6 =	sor.u32 @!p0 $0x4000, s6;
	s5 =	simm.s32 @!p0 $0x1B8D  }
0xb1: {  	s4 =	sshll.u32 @!p0 s4, $0x11;
	s6 =	sadd.s32 @!p0 $0x11B8D, s6;
	_ =	swait.eq @!p0 [sflag:s5], $0x1  }
0xb2: {  	s4 =	sor.u32 @!p0 s4, s6;
	[sflag:s5] =	ssyncadd.s32 @!p0 $0xFFFFFFFF  }
0xb3: {  	s25 =	simm.s32 $0x1B8E;
	s24 =	sld [smem:$0x3FFE];
	[sflag:s4] =	ssyncadd.remote.s32 @!p0 $0x1  }
0xb4: {  	s26 =	simm.s32 $execute0_lowered;
	[smem:$0x3FD2] =	sst s25  }
0xb5: {  	s5 =	sshll.u32 s26, $0x1;
	_ =	strace $0x8000004C;
	[dreg:$0x1] =	wrdreg $0xFFFFFFFF  }
0xb6: {  	s28 =	simm.s32 $_size_execute0_lowered;
	s3 =	sadd.s32 s3, s5;
	[dreg:$0x0] =	wrdreg $0x0  }
0xb7: {  	s5 =	sshll.u32 s28, $0x1;
	[dreg:$0x2] =	wrdreg s3  }
0xb8: {  	[dreg:$0x3] =	wrdreg s5  }
0xb9: {  	[dreg:$0x4] =	wrdreg $0xC0  }
0xba: {  	_ =	task [dreg:s22], $0x5FFFF  }
0xbb: {  	[dreg:$0x1] =	wrdreg $0xFFFFFFFF  }
0xbc: {  	[dreg:$0x0] =	wrdreg $0x60  }
0xbd: {  	[dreg:$0x2] =	wrdreg s24  }
0xbe: {  	[dreg:$0x3] =	wrdreg $0xB  }
0xbf: {  	_ =	task.clear_ibuf [dreg:s22], $0x4FFFF;
	_ =	strace $0x9000004C  }
0xc0: {  	s29 =	simm.s32 $0xB;
	_ =	strace $0x8000004E  }
0xc1: {  	_ =	swait.ge [sflag:s29], $0x1  }
0xc2: {  	[sflag:s29] =	ssyncadd.s32 $0xFFFFFFFF  }
0xc3: {  	_ =	strace $0x9000004E  }
0xc4: {  	_ =	sfence  }
0xc5: {  	s30 =	sld [smem:$0x0];
	_ =	sdelay $0x2  }
0xc6: {  	s31 =	sshll.u32 s1, $0xD;
	s1 =	sshrl.u32 s1, $0x2  }
0xc7: {  	s4 =	sand.u32 $0x4000, s31;
	s1 =	sadd.s32 s1, s30  }
0xc8: {  	s0 =	sor.u32 s4, s0;
	s1 =	sshll.u32 s1, $0x11  }
0xc9: {  	s0 =	sor.u32 s1, s0  }
0xca: {  	s0 =	sadd.s32 $0x8F2B, s0  }
0xcb: {  	[sflag:s0] =	ssyncadd.remote.s32 $0x1  }
0xcc: {  	_ =	sfence.sel $0xFFFF  }
0xcd: {  	[dreg:$0x0] =	wrdreg $0xFFFFFFFF;
	(pc) =	sbr.abs _section_cstart, $3  }
0xce: {  	[dreg:$0x1] =	wrdreg $0xFFFFFFFF  }
0xcf: {  	_ =	task.clear_ibuf [dreg:s22], $0x2FFFF;
	_ =	strace $0x9FFFFFFF  }
0xd0: {  	(tm) =	ssettm $0x7FFFFFFF  }
0xd1: {  	_ =	shalt  }
tec
execute0_lowered:
.L_overlay_start_1:
0x0: {  	(tag) =	ssettag $0x1  }
0x1: {  	s9 =	rddreg [dreg:$0x0]  }
0x2: {  	s1 =	stileid.u32;
	s0 =	rddreg [dreg:$0x1]  }
0x3: {  	s3 =	srdreg.scid;
	s2 =	simm.s32 $0x0;
	s12 =	simm.s32 $0x8000  }
0x4: {  	s13 =	simm.s32 $0x1;
	s14 =	simm.s32 $0x18000;
	s15 =	simm.s32 $0x2000  }
0x5: {  	s16 =	simm.s32 $0x4000;
	s17 =	simm.s32 $0x6000;
	s18 =	simm.s32 $0x0  }
0x6: {  	s4 =	sshll.u32 s1, $0x1;
	s3 =	sand.u32 $0x1, s3;
	[smem:$0x7FF] =	sst s2  }
0x7: {  	s8 =	sshll.u32 s1, $0xD;
	s4 =	sand.u32 $0xE, s4;
	s6 =	ssub.s32 $0x2, s3  }
0x8: {  	_ =	strace $0x8000004D;
	s10 =	sor.u32 s3, s4;
	s31 =	sshrl.u32 s6, $0x1  }
0x9: {  	s3 =	sadd.s32 $0xD3200, s9;
	s4 =	sshll.u32 s10, $0xD;
	s30 =	sshll.u32 s10, $0x1  }
0xa: {  	s11 =	ssub.s32 s6, s31;
	s10 =	sshll.u32 s10, $0x11;
	s5 =	sadd.s32 s4, s9  }
0xb: {  	s7 =	sadd.s32 s30, s9;
	s4 =	sand.u32 $0x10000, s8;
	s8 =	sadd.s32 $0x3AA00, s9  }
0xc: {  	s11 =	smax.u32 s11, $0x1;
	s5 =	sadd.s32 $0x2A00, s5;
	s6 =	sadd.s32 $0x52E00, s7  }
0xd: {  	v0 =	vimm.bf16 $0.0e+00;
	s7 =	sadd.s32 $0x2AA00, s9;
	s9 =	sadd.s32 $0x4AA00, s9;
	s10 =	sor.u32 s4, s10  }
.LBB2_1:
0xe: {  	[tilespmem:s12], [sflag:$0x1] =	stream.linear.gather [hbm4b:s5+s2], $0x10000, $0x38;
	[tilespmem:$0x18080] =	vst v63  }
0xf: {  	_ =	swait.ge [sflag:s13], $0x10000  }
0x10: {  	[sflag:s13] =	ssyncset.done $0x0  }
0x11: {  	[sflag:s13] =	ssyncadd.s32 $0xFFFF0000  }
0x12: {  	[tilespmem:s14], [sflag:$0x1] =	stream.linear.gather [hbm4b:s6+s2], $0x10, $0x38;
	[tilespmem:$0x18080] =	vst v63  }
0x13: {  	_ =	swait.ge [sflag:s13], $0x10  }
0x14: {  	[sflag:s13] =	ssyncset.done $0x0  }
0x15: {  	[sflag:s13] =	ssyncadd.s32 $0xFFFFFFF0  }
0x16: {  	s19 =	simm.s32 $0x0;
	v1 =	vld [tilespmem:$0x18000]  }
.LBB2_2:
0x17: {  	s20 =	sshll.u32 s19, $0xD  }
0x18: {  	s21 =	sor.u32 s4, s20  }
0x19: {  	s21 =	sshrl.u32 s21, $0x3  }
0x1a: {  	s22 =	sadd.s32 s21, s7  }
0x1b: {  	[tilespmem:s2], [sflag:$0x1] =	stream.linear.gather [hbm4b:s22+s2], $0x2000, $0x38;
	[tilespmem:$0x18080] =	vst v63  }
0x1c: {  	_ =	swait.ge [sflag:s13], $0x2000  }
0x1d: {  	[sflag:s13] =	ssyncset.done $0x0  }
0x1e: {  	s28 =	sadd.s32 s21, s8;
	[sflag:s13] =	ssyncadd.s32 $0xFFFFE000  }
0x1f: {  	[tilespmem:s15], [sflag:$0x1] =	stream.linear.gather [hbm4b:s28+s2], $0x2000, $0x38;
	[tilespmem:$0x18080] =	vst v63  }
0x20: {  	_ =	swait.ge [sflag:s13], $0x2000  }
0x21: {  	[sflag:s13] =	ssyncset.done $0x0  }
0x22: {  	s21 =	sadd.s32 s21, s9;
	[sflag:s13] =	ssyncadd.s32 $0xFFFFE000  }
0x23: {  	[tilespmem:s16], [sflag:$0x1] =	stream.linear.gather [hbm4b:s21+s2], $0x2000, $0x38;
	[tilespmem:$0x18080] =	vst v63  }
0x24: {  	_ =	swait.ge [sflag:s13], $0x2000  }
0x25: {  	[sflag:s13] =	ssyncset.done $0x0  }
0x26: {  	s29 =	simm.s32 $0x2020;
	[sflag:s13] =	ssyncadd.s32 $0xFFFFE000  }
0x27: {  	s30 =	simm.s32 $0x4020;
	v2 =	vld [tilespmem:s29+$0x10]  }
0x28: {  	s23 =	simm.s32 $0x20;
	v3 =	vld [tilespmem:s30+$0x10]  }
0x29: {  	v4 =	vld [tilespmem:s23+$0x10]  }
0x2a: {  	v5 =	vld [tilespmem:s29+$0xFFFFFFE0]  }
0x2b: {  	v6 =	vld [tilespmem:s29+$0xFFFFFFF0]  }
0x2c: {  	v7 =	vld [tilespmem:s29+$0x0]  }
0x2d: {  	v16 =	vld [tilespmem:s23+$0xFFFFFFF0]  }
0x2e: {  	v19 =	vld [tilespmem:s23+$0xFFFFFFE0];
	_ =	sdelay $0x1  }
0x2f: {  	v2 =	vmul.f32 v2, v1;
	v3 =	vmul.f32 v3, v1  }
0x30: {  	v21 =	vld [tilespmem:s23+$0x0];
	v4 =	vmul.f32 v4, v1;
	v5 =	vmul.f32 v5, v1  }
0x31: {  	v23 =	vld [tilespmem:s30+$0xFFFFFFF0];
	v12 =	vmul.f32 v6, v1;
	v13 =	vmul.f32 v7, v1  }
0x32: {  	v19 =	vmul.f32 v19, v1;
	v16 =	vmul.f32 v16, v1  }
0x33: {  	v8 =	vtrunc.f32 v2;
	v9 =	vtrunc.f32 v3  }
0x34: {  	v10 =	vtrunc.f32 v4;
	v8 =	vcvt.f32.s32 v8  }
0x35: {  	v9 =	vcvt.f32.s32 v9;
	v10 =	vcvt.f32.s32 v10  }
0x36: {  	v21 =	vmul.f32 v21, v1;
	v23 =	vmul.f32 v23, v1;
	v11 =	vmul.u32 $0x9E3779B1, v8  }
0x37: {  	v6 =	vmul.u32 $0x30025795, v9;
	v7 =	vand.u32 $0xFFFF, v10;
	v14 =	vadd.s32 $0x1, v10  }
0x38: {  	v10 =	vcvt.s32.f32 v10;
	v8 =	vcvt.s32.f32 v8;
	v15 =	vand.u32 $0xFFFF, v11  }
0x39: {  	v9 =	vcvt.s32.f32 v9;
	v17 =	vand.u32 $0xFFFF, v6;
	v18 =	vxor.u32 v7, v15  }
0x3a: {  	v14 =	vand.u32 $0xFFFF, v14;
	v6 =	vadd.s32 $0x5795, v6;
	v20 =	vxor.u32 v17, v18  }
0x3b: {  	v4 =	vsub.f32 v4, v10;
	v2 =	vsub.f32 v2, v8;
	v6 =	vand.u32 $0xFFFF, v6  }
0x3c: {  	v3 =	vsub.f32 v3, v9;
	v9 =	vadd.s32 $0x79B1, v11;
	v8 =	vxor.u32 v18, v6  }
0x3d: {  	v10 =	vxor.u32 v14, v15;
	v15 =	vsub.f32 $1.000000000e+00, v4;
	v18 =	vsub.f32 $1.000000000e+00, v2  }
0x3e: {  	v26 =	vtrunc.f32 v5;
	v9 =	vand.u32 $0xFFFF, v9;
	v22 =	vxor.u32 v17, v10  }
0x3f: {  	v24 =	vsub.f32 $1.000000000e+00, v3;
	v10 =	vxor.u32 v10, v6;
	v25 =	vmul.f32 v18, v15;
	v20 =	vld.idx.msk [tilespmem:v20+s12+$0x0], $0xffff  }
0x40: {  	v27 =	vtrunc.f32 v12;
	v55 =	vtrunc.f32 v16;
	v11 =	vld [tilespmem:s30+$0xFFFFFFE0];
	v7 =	vxor.u32 v7, v9  }
0x41: {  	v9 =	vxor.u32 v14, v9;
	v29 =	vxor.u32 v17, v7;
	v28 =	vmul.f32 v24, v25;
	v8 =	vld.idx.msk [tilespmem:v8+s12+$0x0], $0xffff  }
0x42: {  	v30 =	vld [tilespmem:s30+$0x0];
	v7 =	vxor.u32 v6, v7;
	v17 =	vxor.u32 v17, v9;
	v18 =	vmul.f32 v18, v4  }
0x43: {  	v15 =	vmul.f32 v2, v15;
	v25 =	vmul.f32 v25, v3;
	v22 =	vld.idx.msk [tilespmem:v22+s12+$0x0], $0xffff;
	v28 =	vpack.i.f32.bf16 v28, v28  }
0x44: {  	v6 =	vxor.u32 v6, v9;
	v2 =	vmul.f32 v2, v4;
	v10 =	vld.idx.msk [tilespmem:v10+s12+$0x0], $0xffff;
	v14 =	vmul.bf16 v20, v28  }
0x45: {  	v31 =	vmul.f32 v11, v1;
	v20 =	vpack.i.f32.bf16 v25, v25;
	v25 =	vmul.f32 v24, v18  }
0x46: {  	v18 =	vmul.f32 v18, v3;
	v8 =	vmul.bf16 v8, v20;
	v14 =	vadd.bf16 v0, v14  }
0x47: {  	v11 =	vtrunc.f32 v13;
	v9 =	vld.idx.msk [tilespmem:v29+s12+$0x0], $0xffff;
	v20 =	vpack.i.f32.bf16 v25, v25;
	v25 =	vmul.f32 v30, v1  }
0x48: {  	v18 =	vpack.i.f32.bf16 v18, v18;
	v8 =	vadd.bf16 v8, v14;
	v14 =	vmul.bf16 v22, v20  }
0x49: {  	v7 =	vld.idx.msk [tilespmem:v7+s12+$0x0], $0xffff;
	v10 =	vmul.bf16 v10, v18;
	v22 =	vmul.f32 v24, v15  }
0x4a: {  	v18 =	vcvt.f32.s32 v27;
	v20 =	vtrunc.f32 v19;
	v8 =	vadd.bf16 v14, v8  }
0x4b: {  	v15 =	vmul.f32 v3, v15;
	v14 =	vld.idx.msk [tilespmem:v17+s12+$0x0], $0xffff;
	v4 =	vpack.i.f32.bf16 v22, v22;
	v17 =	vtrunc.f32 v21  }
0x4c: {  	v4 =	vmul.bf16 v9, v4;
	v9 =	vcvt.f32.s32 v26;
	v8 =	vadd.bf16 v10, v8  }
0x4d: {  	v6 =	vld.idx.msk [tilespmem:v6+s12+$0x0], $0xffff;
	v10 =	vpack.i.f32.bf16 v15, v15;
	v15 =	vmul.f32 v24, v2;
	v2 =	vmul.f32 v3, v2  }
0x4e: {  	v24 =	vmul.u32 $0x9E3779B1, v18;
	v18 =	vcvt.s32.f32 v18;
	v7 =	vmul.bf16 v7, v10  }
0x4f: {  	v22 =	vmul.u32 $0x9E3779B1, v9;
	v4 =	vadd.bf16 v4, v8;
	v8 =	vcvt.f32.s32 v11  }
0x50: {  	v10 =	vpack.i.f32.bf16 v15, v15;
	v15 =	vcvt.f32.s32 v20;
	v20 =	vcvt.f32.s32 v17  }
0x51: {  	v2 =	vpack.i.f32.bf16 v2, v2;
	v59 =	vand.u32 $0xFFFF, v24;
	v24 =	vadd.s32 $0x79B1, v24  }
0x52: {  	v2 =	vmul.bf16 v6, v2;
	v6 =	vtrunc.f32 v25;
	v24 =	vand.u32 $0xFFFF, v24  }
0x53: {  	v3 =	vadd.bf16 v7, v4;
	v4 =	vmul.bf16 v14, v10;
	v14 =	vcvt.f32.s32 v55  }
0x54: {  	v7 =	vtrunc.f32 v31;
	v26 =	vmul.u32 $0x9E3779B1, v8;
	v56 =	vcvt.s32.f32 v20  }
0x55: {  	v58 =	vcvt.s32.f32 v8;
	v8 =	vsub.f32 v12, v18;
	v33 =	vand.u32 $0xFFFF, v15  }
0x56: {  	v35 =	vand.u32 $0xFFFF, v20;
	v20 =	vadd.s32 $0x1, v20;
	v10 =	vcvt.f32.s32 v7  }
0x57: {  	v20 =	vand.u32 $0xFFFF, v20;
	v3 =	vadd.bf16 v4, v3;
	v4 =	vtrunc.f32 v23  }
0x58: {  	v17 =	vcvt.s32.f32 v14;
	v60 =	vand.u32 $0xFFFF, v26;
	v34 =	vand.u32 $0xFFFF, v14  }
0x59: {  	v44 =	vsub.f32 $1.000000000e+00, v8;
	v61 =	vadd.s32 $0x1, v14;
	v26 =	vadd.s32 $0x79B1, v26  }
0x5a: {  	v11 =	vcvt.f32.s32 v4;
	v27 =	vmul.u32 $0x30025795, v10;
	v37 =	vxor.u32 v34, v59  }
0x5b: {  	v38 =	vxor.u32 v35, v60;
	v29 =	vand.u32 $0xFFFF, v61;
	v30 =	vxor.u32 v20, v60  }
0x5c: {  	v26 =	vand.u32 $0xFFFF, v26;
	v4 =	vadd.bf16 v2, v3;
	v2 =	vcvt.s32.f32 v15  }
0x5d: {  	v34 =	vxor.u32 v34, v24;
	v3 =	vcvt.f32.s32 v6;
	v6 =	vcvt.s32.f32 v9  }
0x5e: {  	v28 =	vxor.u32 v29, v59;
	v35 =	vxor.u32 v35, v26;
	v20 =	vxor.u32 v20, v26  }
0x5f: {  	v57 =	vmul.u32 $0x30025795, v11;
	v39 =	vand.u32 $0xFFFF, v27;
	v32 =	vmul.u32 $0x30025795, v3  }
0x60: {  	v7 =	vsub.f32 v19, v2;
	v9 =	vsub.f32 v5, v6;
	v2 =	vcvt.s32.f32 v10  }
0x61: {  	v6 =	vsub.f32 v16, v17;
	v5 =	vcvt.s32.f32 v11;
	v10 =	vsub.f32 v21, v56  }
0x62: {  	v11 =	vsub.f32 v13, v58;
	v12 =	vcvt.s32.f32 v3;
	v21 =	vand.u32 $0xFFFF, v22  }
0x63: {  	v13 =	vadd.s32 $0x5795, v27;
	v22 =	vadd.s32 $0x79B1, v22;
	v36 =	vxor.u32 v33, v21  }
0x64: {  	v18 =	vand.u32 $0xFFFF, v57;
	v16 =	vadd.s32 $0x5795, v57;
	v19 =	vand.u32 $0xFFFF, v13  }
0x65: {  	v22 =	vand.u32 $0xFFFF, v22;
	v40 =	vsub.f32 $1.000000000e+00, v7;
	v41 =	vsub.f32 $1.000000000e+00, v9  }
0x66: {  	v17 =	vand.u32 $0xFFFF, v32;
	v43 =	vsub.f32 $1.000000000e+00, v6;
	v46 =	vsub.f32 $1.000000000e+00, v10  }
0x67: {  	v42 =	vxor.u32 v39, v36;
	v47 =	vsub.f32 $1.000000000e+00, v11;
	v3 =	vsub.f32 v31, v2  }
0x68: {  	v45 =	vxor.u32 v18, v37;
	v5 =	vsub.f32 v23, v5;
	v2 =	vsub.f32 v25, v12  }
0x69: {  	v12 =	vadd.s32 $0x5795, v32;
	v16 =	vand.u32 $0xFFFF, v16;
	v23 =	vadd.s32 $0x1, v15  }
0x6a: {  	v63 =	vxor.u32 v36, v19;
	v52 =	vxor.u32 v18, v28;
	v33 =	vxor.u32 v33, v22  }
0x6b: {  	v48 =	vxor.u32 v17, v38;
	v12 =	vand.u32 $0xFFFF, v12;
	v56 =	vxor.u32 v37, v16  }
0x6c: {  	v23 =	vand.u32 $0xFFFF, v23;
	v53 =	vxor.u32 v17, v30;
	v28 =	vxor.u32 v28, v16  }
0x6d: {  	v25 =	vmul.f32 v41, v40;
	v27 =	vmul.f32 v44, v43;
	v13 =	vsub.f32 $1.000000000e+00, v3  }
0x6e: {  	v62 =	vmul.f32 v47, v46;
	v15 =	vsub.f32 $1.000000000e+00, v5;
	v14 =	vsub.f32 $1.000000000e+00, v2  }
0x6f: {  	v57 =	vxor.u32 v38, v12;
	v41 =	vmul.f32 v41, v7;
	v44 =	vmul.f32 v44, v6  }
0x70: {  	v21 =	vxor.u32 v23, v21;
	v40 =	vmul.f32 v9, v40;
	v43 =	vmul.f32 v8, v43  }
0x71: {  	v30 =	vxor.u32 v30, v12;
	v7 =	vmul.f32 v9, v7;
	v6 =	vmul.f32 v8, v6  }
0x72: {  	v22 =	vxor.u32 v23, v22;
	v58 =	vmul.f32 v13, v25;
	v49 =	vmul.f32 v15, v27  }
0x73: {  	v23 =	vxor.u32 v29, v24;
	v50 =	vmul.f32 v14, v62;
	v25 =	vmul.f32 v25, v3  }
0x74: {  	v8 =	vxor.u32 v12, v20;
	v27 =	vmul.f32 v27, v5;
	v31 =	vmul.f32 v62, v2  }
0x75: {  	v51 =	vxor.u32 v39, v21;
	v60 =	vmul.f32 v13, v41;
	v61 =	vmul.f32 v15, v44;
	v42 =	vld.idx.msk [tilespmem:v42+s12+$0x0], $0xffff  }
0x76: {  	v21 =	vxor.u32 v21, v19;
	v26 =	vmul.f32 v15, v43;
	v15 =	vmul.f32 v15, v6;
	v32 =	vld.idx.msk [tilespmem:v63+s12+$0x0], $0xffff  }
0x77: {  	v63 =	vld.idx.msk [tilespmem:v52+s12+$0x0], $0xffff;
	v52 =	vxor.u32 v18, v34;
	v34 =	vxor.u32 v16, v34;
	v18 =	vxor.u32 v18, v23  }
0x78: {  	v45 =	vld.idx.msk [tilespmem:v45+s12+$0x0], $0xffff;
	v16 =	vxor.u32 v16, v23;
	v38 =	vpack.i.f32.bf16 v58, v58;
	v49 =	vpack.i.f32.bf16 v49, v49  }
0x79: {  	v48 =	vld.idx.msk [tilespmem:v48+s12+$0x0], $0xffff;
	v50 =	vpack.i.f32.bf16 v50, v50;
	v25 =	vpack.i.f32.bf16 v25, v25;
	v27 =	vpack.i.f32.bf16 v27, v27  }
0x7a: {  	v36 =	vld.idx.msk [tilespmem:v56+s12+$0x0], $0xffff;
	v31 =	vpack.i.f32.bf16 v31, v31;
	v56 =	vxor.u32 v17, v35;
	v58 =	vmul.f32 v44, v5  }
0x7b: {  	v28 =	vld.idx.msk [tilespmem:v28+s12+$0x0], $0xffff;
	v35 =	vxor.u32 v12, v35;
	v17 =	vxor.u32 v17, v20;
	v26 =	vpack.i.f32.bf16 v26, v26  }
0x7c: {  	v15 =	vpack.i.f32.bf16 v15, v15;
	v37 =	vld.idx.msk [tilespmem:v57+s12+$0x0], $0xffff;
	v57 =	vmul.f32 v41, v3;
	v38 =	vmul.bf16 v42, v38  }
0x7d: {  	v41 =	vpack.i.f32.bf16 v58, v58;
	v42 =	vmul.f32 v47, v10;
	v45 =	vmul.bf16 v45, v49  }
0x7e: {  	v51 =	vld.idx.msk [tilespmem:v51+s12+$0x0], $0xffff;
	v25 =	vmul.bf16 v32, v25;
	v32 =	vxor.u32 v39, v33;
	v49 =	vpack.i.f32.bf16 v61, v61  }
0x7f: {  	v33 =	vxor.u32 v19, v33;
	v10 =	vmul.f32 v11, v10;
	v59 =	vmul.bf16 v48, v50  }
0x80: {  	v53 =	vld.idx.msk [tilespmem:v53+s12+$0x0], $0xffff;
	v27 =	vmul.bf16 v36, v27;
	v48 =	vpack.i.f32.bf16 v60, v60;
	v36 =	vmul.bf16 v63, v49  }
0x81: {  	v21 =	vld.idx.msk [tilespmem:v21+s12+$0x0], $0xffff;
	v28 =	vmul.bf16 v28, v41;
	v38 =	vadd.bf16 v0, v38;
	v62 =	vmul.f32 v14, v42  }
0x82: {  	v30 =	vld.idx.msk [tilespmem:v30+s12+$0x0], $0xffff;
	v45 =	vadd.bf16 v0, v45;
	v31 =	vmul.bf16 v37, v31;
	v42 =	vmul.f32 v42, v2  }
0x83: {  	v12 =	vld.idx.msk [tilespmem:v18+s12+$0x0], $0xffff;
	v47 =	vadd.bf16 v0, v59;
	v59 =	vmul.f32 v11, v46;
	v60 =	vmul.bf16 v51, v48  }
0x84: {  	v16 =	vld.idx.msk [tilespmem:v16+s12+$0x0], $0xffff;
	v11 =	vxor.u32 v19, v22;
	v50 =	vpack.i.f32.bf16 v62, v62;
	v25 =	vadd.bf16 v25, v38  }
0x85: {  	v17 =	vld.idx.msk [tilespmem:v17+s12+$0x0], $0xffff;
	v27 =	vadd.bf16 v27, v45;
	v38 =	vpack.i.f32.bf16 v57, v57;
	v61 =	vmul.bf16 v53, v50  }
0x86: {  	v37 =	vld.idx.msk [tilespmem:v56+s12+$0x0], $0xffff;
	v42 =	vpack.i.f32.bf16 v42, v42;
	v63 =	vmul.f32 v14, v59;
	v21 =	vmul.bf16 v21, v38  }
0x87: {  	v46 =	vld.idx.msk [tilespmem:v52+s12+$0x0], $0xffff;
	v31 =	vadd.bf16 v31, v47;
	v30 =	vmul.bf16 v30, v42;
	v47 =	vmul.f32 v5, v43  }
0x88: {  	v48 =	vld.idx.msk [tilespmem:v34+s12+$0x0], $0xffff;
	v45 =	vxor.u32 v39, v22;
	v14 =	vmul.f32 v14, v10;
	v5 =	vmul.f32 v5, v6  }
0x89: {  	s21 =	simm.s32 $0x4060;
	v19 =	vld.idx.msk [tilespmem:v35+s12+$0x0], $0xffff;
	v12 =	vmul.bf16 v12, v15;
	v24 =	vadd.bf16 v60, v25;
	v25 =	vmul.f32 v13, v40  }
0x8a: {  	v51 =	vld [tilespmem:s21+$0xFFFFFFF0];
	v27 =	vadd.bf16 v36, v27;
	v13 =	vmul.f32 v13, v7;
	v62 =	vadd.bf16 v61, v31  }
0x8b: {  	v32 =	vld.idx.msk [tilespmem:v32+s12+$0x0], $0xffff;
	v31 =	vpack.i.f32.bf16 v63, v63;
	v20 =	vpack.i.f32.bf16 v47, v47;
	v21 =	vadd.bf16 v21, v24  }
0x8c: {  	v33 =	vld.idx.msk [tilespmem:v33+s12+$0x0], $0xffff;
	v24 =	vmul.f32 v3, v40;
	v9 =	vadd.bf16 v28, v27;
	v27 =	vmul.f32 v2, v59  }
0x8d: {  	s31 =	simm.s32 $0x2060;
	v6 =	vld [tilespmem:s21+$0x10];
	v14 =	vpack.i.f32.bf16 v14, v14;
	v26 =	vmul.bf16 v46, v26;
	v49 =	vmul.bf16 v37, v31  }
0x8e: {  	v15 =	vld [tilespmem:s31+$0xFFFFFFE0];
	v5 =	vpack.i.f32.bf16 v5, v5;
	v20 =	vmul.bf16 v48, v20;
	v3 =	vmul.f32 v3, v7  }
0x8f: {  	v25 =	vpack.i.f32.bf16 v25, v25;
	v11 =	vld.idx.msk [tilespmem:v11+s12+$0x0], $0xffff;
	v2 =	vmul.f32 v2, v10;
	v14 =	vmul.bf16 v17, v14  }
0x90: {  	v13 =	vpack.i.f32.bf16 v13, v13;
	v5 =	vmul.bf16 v16, v5;
	v29 =	vmul.f32 v51, v1;
	v23 =	vld.idx.msk [tilespmem:v45+s12+$0x0], $0xffff  }
0x91: {  	v17 =	vld [tilespmem:s31+$0xFFFFFFF0];
	v25 =	vmul.bf16 v32, v25;
	v18 =	vpack.i.f32.bf16 v24, v24;
	v24 =	vpack.i.f32.bf16 v27, v27  }
0x92: {  	s22 =	simm.s32 $0x60;
	v22 =	vadd.bf16 v30, v62;
	v9 =	vadd.bf16 v26, v9;
	v19 =	vmul.bf16 v19, v24;
	v24 =	vld [tilespmem:s31+$0x10]  }
0x93: {  	v10 =	vld [tilespmem:s22+$0x10];
	v3 =	vpack.i.f32.bf16 v3, v3;
	v18 =	vmul.bf16 v33, v18;
	v21 =	vadd.bf16 v25, v21  }
0x94: {  	v6 =	vmul.f32 v6, v1;
	v15 =	vmul.f32 v15, v1;
	v27 =	vld [tilespmem:s22+$0x0];
	v22 =	vadd.bf16 v49, v22  }
0x95: {  	v7 =	vadd.bf16 v20, v9;
	v18 =	vadd.bf16 v18, v21;
	v13 =	vmul.bf16 v23, v13  }
0x96: {  	v54 =	vtrunc.f32 v15;
	v9 =	vadd.bf16 v19, v22;
	v11 =	vmul.bf16 v11, v3  }
0x97: {  	v16 =	vmul.f32 v17, v1;
	v13 =	vadd.bf16 v13, v18;
	v18 =	vmul.f32 v24, v1  }
0x98: {  	v7 =	vadd.bf16 v12, v7;
	v12 =	vld [tilespmem:s31+$0x0];
	v3 =	vadd.bf16 v14, v9;
	v14 =	vmul.f32 v10, v1  }
0x99: {  	v27 =	vmul.f32 v27, v1;
	v9 =	vtrunc.f32 v18  }
0x9a: {  	v10 =	vadd.bf16 v11, v13;
	v13 =	vtrunc.f32 v6;
	v11 =	vcvt.f32.s32 v9  }
0x9b: {  	v9 =	vadd.bf16 v5, v7;
	v5 =	vtrunc.f32 v14;
	v7 =	vcvt.f32.s32 v13  }
0x9c: {  	v55 =	vtrunc.f32 v16;
	v5 =	vcvt.f32.s32 v5  }
0x9d: {  	v17 =	vmul.f32 v12, v1;
	v13 =	vmul.u32 $0x9E3779B1, v11;
	v12 =	vmul.u32 $0x30025795, v7  }
0x9e: {  	v11 =	vcvt.s32.f32 v11;
	v7 =	vcvt.s32.f32 v7;
	v19 =	vand.u32 $0xFFFF, v5  }
0x9f: {  	v25 =	vld [tilespmem:s22+$0xFFFFFFE0];
	v20 =	vadd.s32 $0x1, v5;
	v5 =	vcvt.s32.f32 v5;
	v21 =	vand.u32 $0xFFFF, v13  }
0xa0: {  	v22 =	vld [tilespmem:s22+$0xFFFFFFF0];
	v23 =	vand.u32 $0xFFFF, v12;
	v12 =	vadd.s32 $0x5795, v12;
	v20 =	vand.u32 $0xFFFF, v20  }
0xa1: {  	v11 =	vsub.f32 v18, v11;
	v6 =	vsub.f32 v6, v7;
	v7 =	vadd.s32 $0x79B1, v13  }
0xa2: {  	v24 =	vxor.u32 v19, v21;
	v12 =	vand.u32 $0xFFFF, v12;
	v5 =	vsub.f32 v14, v5  }
0xa3: {  	v13 =	vxor.u32 v20, v21;
	v7 =	vand.u32 $0xFFFF, v7;
	v26 =	vxor.u32 v23, v24  }
0xa4: {  	v18 =	vld [tilespmem:s21+$0xFFFFFFE0];
	v50 =	vxor.u32 v23, v13;
	v13 =	vxor.u32 v13, v12;
	v19 =	vxor.u32 v19, v7  }
0xa5: {  	v25 =	vmul.f32 v25, v1;
	v22 =	vmul.f32 v22, v1;
	v57 =	vxor.u32 v23, v19  }
0xa6: {  	v14 =	vxor.u32 v24, v12;
	v24 =	vsub.f32 $1.000000000e+00, v11;
	v21 =	vsub.f32 $1.000000000e+00, v5  }
0xa7: {  	v62 =	vtrunc.f32 v22;
	v59 =	vtrunc.f32 v17;
	v52 =	vsub.f32 $1.000000000e+00, v6  }
0xa8: {  	v7 =	vxor.u32 v20, v7;
	v19 =	vxor.u32 v12, v19;
	v53 =	vmul.f32 v24, v21;
	v26 =	vld.idx.msk [tilespmem:v26+s12+$0x0], $0xffff  }
0xa9: {  	v23 =	vxor.u32 v23, v7;
	v18 =	vmul.f32 v18, v1;
	v24 =	vmul.f32 v24, v5;
	v13 =	vld.idx.msk [tilespmem:v13+s12+$0x0], $0xffff  }
0xaa: {  	v7 =	vxor.u32 v12, v7;
	v21 =	vmul.f32 v11, v21;
	v56 =	vmul.f32 v52, v53;
	v12 =	vld.idx.msk [tilespmem:v57+s12+$0x0], $0xffff  }
0xab: {  	v2 =	vpack.i.f32.bf16 v2, v2;
	v14 =	vld.idx.msk [tilespmem:v14+s12+$0x0], $0xffff;
	v60 =	vmul.f32 v52, v24;
	v24 =	vmul.f32 v24, v6  }
0xac: {  	v5 =	vmul.f32 v11, v5;
	v61 =	vmul.f32 v52, v21;
	v34 =	vpack.i.f32.bf16 v56, v56  }
0xad: {  	v28 =	vld.idx.msk [tilespmem:v50+s12+$0x0], $0xffff;
	v31 =	vmul.f32 v53, v6;
	v24 =	vpack.i.f32.bf16 v24, v24;
	v20 =	vmul.bf16 v26, v34  }
0xae: {  	v58 =	vld [tilespmem:s21+$0x0];
	v11 =	vpack.i.f32.bf16 v61, v61;
	v13 =	vmul.bf16 v13, v24;
	v24 =	vcvt.f32.s32 v55  }
0xaf: {  	v26 =	vpack.i.f32.bf16 v31, v31;
	v11 =	vmul.bf16 v12, v11;
	v12 =	vcvt.f32.s32 v54  }
0xb0: {  	v21 =	vmul.f32 v6, v21;
	v14 =	vmul.bf16 v14, v26;
	v20 =	vadd.bf16 v0, v20  }
0xb1: {  	v26 =	vpack.i.f32.bf16 v60, v60;
	v32 =	vmul.u32 $0x9E3779B1, v24;
	v30 =	vmul.u32 $0x9E3779B1, v12  }
0xb2: {  	v12 =	vcvt.s32.f32 v12;
	v14 =	vadd.bf16 v14, v20;
	v20 =	vmul.bf16 v28, v26  }
0xb3: {  	v19 =	vld.idx.msk [tilespmem:v19+s12+$0x0], $0xffff;
	v31 =	vmul.f32 v58, v1;
	v24 =	vcvt.s32.f32 v24;
	v36 =	vand.u32 $0xFFFF, v32  }
0xb4: {  	v7 =	vld.idx.msk [tilespmem:v7+s12+$0x0], $0xffff;
	v32 =	vadd.s32 $0x79B1, v32;
	v15 =	vsub.f32 v15, v12;
	v14 =	vadd.bf16 v20, v14  }
0xb5: {  	v26 =	vtrunc.f32 v25;
	v32 =	vand.u32 $0xFFFF, v32;
	v20 =	vld.idx.msk [tilespmem:v23+s12+$0x0], $0xffff;
	v23 =	vtrunc.f32 v27  }
0xb6: {  	v28 =	vcvt.f32.s32 v23;
	v45 =	vsub.f32 $1.000000000e+00, v15;
	v13 =	vadd.bf16 v13, v14  }
0xb7: {  	v14 =	vpack.i.f32.bf16 v21, v21;
	v21 =	vmul.f32 v52, v5;
	v5 =	vmul.f32 v6, v5  }
0xb8: {  	v11 =	vadd.bf16 v11, v13;
	v13 =	vmul.bf16 v19, v14;
	v14 =	vcvt.f32.s32 v59  }
0xb9: {  	v19 =	vpack.i.f32.bf16 v21, v21;
	v21 =	vcvt.f32.s32 v26;
	v5 =	vpack.i.f32.bf16 v5, v5  }
0xba: {  	v41 =	vand.u32 $0xFFFF, v28;
	v26 =	vcvt.s32.f32 v28;
	v5 =	vmul.bf16 v7, v5  }
0xbb: {  	v7 =	vtrunc.f32 v29;
	v6 =	vadd.bf16 v13, v11;
	v11 =	vmul.bf16 v20, v19  }
0xbc: {  	v28 =	vadd.s32 $0x1, v28;
	v19 =	vcvt.f32.s32 v62;
	v13 =	vtrunc.f32 v18  }
0xbd: {  	v28 =	vand.u32 $0xFFFF, v28;
	v20 =	vtrunc.f32 v31;
	v7 =	vcvt.f32.s32 v7  }
0xbe: {  	v33 =	vmul.u32 $0x9E3779B1, v14;
	v58 =	vcvt.s32.f32 v14;
	v14 =	vsub.f32 v16, v24  }
0xbf: {  	v16 =	vsub.f32 v27, v26;
	v27 =	vand.u32 $0xFFFF, v30;
	v30 =	vadd.s32 $0x79B1, v30  }
0xc0: {  	v39 =	vand.u32 $0xFFFF, v21;
	v23 =	vcvt.f32.s32 v13;
	v30 =	vand.u32 $0xFFFF, v30  }
0xc1: {  	v6 =	vadd.bf16 v11, v6;
	v57 =	vmul.u32 $0x30025795, v7;
	v7 =	vcvt.s32.f32 v7  }
0xc2: {  	v17 =	vsub.f32 v17, v58;
	v38 =	vand.u32 $0xFFFF, v33;
	v40 =	vand.u32 $0xFFFF, v19  }
0xc3: {  	v48 =	vsub.f32 $1.000000000e+00, v14;
	v50 =	vsub.f32 $1.000000000e+00, v16;
	v33 =	vadd.s32 $0x79B1, v33  }
0xc4: {  	v63 =	vmul.u32 $0x30025795, v23;
	v42 =	vxor.u32 v40, v36;
	v43 =	vxor.u32 v41, v38  }
0xc5: {  	v38 =	vxor.u32 v28, v38;
	v33 =	vand.u32 $0xFFFF, v33;
	v40 =	vxor.u32 v40, v32  }
0xc6: {  	v11 =	vadd.bf16 v5, v6;
	v5 =	vcvt.s32.f32 v21;
	v6 =	vcvt.f32.s32 v20  }
0xc7: {  	v20 =	vcvt.s32.f32 v19;
	v51 =	vsub.f32 $1.000000000e+00, v17;
	v7 =	vsub.f32 v29, v7  }
0xc8: {  	v61 =	vadd.s32 $0x5795, v57;
	v41 =	vxor.u32 v41, v33;
	v28 =	vxor.u32 v28, v33  }
0xc9: {  	v26 =	vand.u32 $0xFFFF, v63;
	v59 =	vmul.u32 $0x30025795, v6;
	v13 =	vsub.f32 v25, v5  }
0xca: {  	v5 =	vcvt.s32.f32 v23;
	v12 =	vsub.f32 v22, v20;
	v20 =	vcvt.s32.f32 v6  }
0xcb: {  	v22 =	vxor.u32 v39, v27;
	v25 =	vand.u32 $0xFFFF, v57;
	v39 =	vxor.u32 v39, v30  }
0xcc: {  	v60 =	vxor.u32 v26, v22;
	v56 =	vxor.u32 v25, v42;
	v44 =	vsub.f32 $1.000000000e+00, v13  }
0xcd: {  	v24 =	vand.u32 $0xFFFF, v59;
	v47 =	vsub.f32 $1.000000000e+00, v12;
	v6 =	vsub.f32 v18, v5  }
0xce: {  	v18 =	vadd.s32 $0x5795, v63;
	v5 =	vsub.f32 v31, v20;
	v62 =	vadd.s32 $0x5795, v59  }
0xcf: {  	s24 =	simm.s32 $0x6060;
	v20 =	vand.u32 $0xFFFF, v61;
	v63 =	vadd.s32 $0x1, v21;
	v61 =	vadd.s32 $0x1, v19  }
0xd0: {  	[tilespmem:s24+$0x10] =	vst v11;
	v11 =	vmul.f32 v15, v13;
	v52 =	vxor.u32 v24, v43;
	v23 =	vand.u32 $0xFFFF, v18  }
0xd1: {  	v18 =	vand.u32 $0xFFFF, v62;
	v62 =	vmul.f32 v51, v50;
	v42 =	vxor.u32 v42, v20  }
0xd2: {  	v29 =	vand.u32 $0xFFFF, v63;
	v46 =	vand.u32 $0xFFFF, v61;
	v51 =	vmul.f32 v51, v16  }
0xd3: {  	v50 =	vmul.f32 v17, v50;
	v57 =	vmul.f32 v45, v44;
	v19 =	vsub.f32 $1.000000000e+00, v6  }
0xd4: {  	v58 =	vxor.u32 v22, v23;
	v22 =	vsub.f32 $1.000000000e+00, v7;
	v21 =	vsub.f32 $1.000000000e+00, v5  }
0xd5: {  	v43 =	vxor.u32 v43, v18;
	v27 =	vxor.u32 v29, v27;
	v45 =	vmul.f32 v45, v13  }
0xd6: {  	v36 =	vxor.u32 v46, v36;
	v44 =	vmul.f32 v15, v44;
	v53 =	vmul.f32 v62, v5  }
0xd7: {  	v29 =	vxor.u32 v29, v30;
	v13 =	vmul.f32 v5, v50;
	v59 =	vld.idx.msk [tilespmem:v60+s12+$0x0], $0xffff;
	v60 =	vmul.f32 v48, v47  }
0xd8: {  	v30 =	vxor.u32 v46, v32;
	v54 =	vmul.f32 v19, v57;
	v63 =	vmul.f32 v21, v62  }
0xd9: {  	s23 =	simm.s32 $0x6020;
	v31 =	vmul.f32 v57, v6;
	v57 =	vxor.u32 v26, v27;
	v48 =	vmul.f32 v48, v12  }
0xda: {  	[tilespmem:s23+$0x10] =	vst v4;
	v27 =	vxor.u32 v27, v23;
	v47 =	vmul.f32 v14, v47;
	v4 =	vmul.f32 v19, v44  }
0xdb: {  	v49 =	vld.idx.msk [tilespmem:v56+s12+$0x0], $0xffff;
	v56 =	vmul.f32 v6, v44;
	v53 =	vpack.i.f32.bf16 v53, v53;
	v55 =	vmul.f32 v22, v60  }
0xdc: {  	v54 =	vpack.i.f32.bf16 v54, v54;
	v37 =	vmul.f32 v60, v7;
	v60 =	vmul.f32 v19, v45  }
0xdd: {  	v31 =	vpack.i.f32.bf16 v31, v31;
	v61 =	vmul.f32 v22, v48;
	v45 =	vmul.f32 v45, v6  }
0xde: {  	v48 =	vmul.f32 v48, v7;
	v19 =	vmul.f32 v19, v11;
	v34 =	vld.idx.msk [tilespmem:v58+s12+$0x0], $0xffff;
	v58 =	vxor.u32 v25, v36  }
0xdf: {  	v52 =	vld.idx.msk [tilespmem:v52+s12+$0x0], $0xffff;
	v36 =	vxor.u32 v36, v20;
	v55 =	vpack.i.f32.bf16 v55, v55;
	v37 =	vpack.i.f32.bf16 v37, v37  }
0xe0: {  	v42 =	vld.idx.msk [tilespmem:v42+s12+$0x0], $0xffff;
	v45 =	vpack.i.f32.bf16 v45, v45;
	v48 =	vpack.i.f32.bf16 v48, v48;
	v19 =	vpack.i.f32.bf16 v19, v19  }
0xe1: {  	v35 =	vmul.bf16 v59, v54;
	v54 =	vpack.i.f32.bf16 v63, v63;
	v49 =	vmul.bf16 v49, v55  }
0xe2: {  	v43 =	vld.idx.msk [tilespmem:v43+s12+$0x0], $0xffff;
	v59 =	vxor.u32 v24, v38;
	v38 =	vxor.u32 v38, v18;
	v63 =	vmul.f32 v21, v51  }
0xe3: {  	v55 =	vld.idx.msk [tilespmem:v57+s12+$0x0], $0xffff;
	v57 =	vxor.u32 v26, v39;
	v51 =	vmul.f32 v51, v5;
	v39 =	vxor.u32 v23, v39  }
0xe4: {  	[tilespmem:s23+$0xFFFFFFE0] =	vst v10;
	v26 =	vxor.u32 v26, v29;
	v29 =	vxor.u32 v23, v29;
	v52 =	vmul.bf16 v52, v54  }
0xe5: {  	[tilespmem:s23+$0xFFFFFFF0] =	vst v9;
	v35 =	vadd.bf16 v0, v35;
	v37 =	vmul.bf16 v42, v37;
	v49 =	vadd.bf16 v0, v49  }
0xe6: {  	v27 =	vld.idx.msk [tilespmem:v27+s12+$0x0], $0xffff;
	v42 =	vpack.i.f32.bf16 v60, v60;
	v54 =	vpack.i.f32.bf16 v63, v63;
	v60 =	vmul.f32 v22, v47  }
0xe7: {  	v51 =	vpack.i.f32.bf16 v51, v51;
	v31 =	vmul.bf16 v34, v31;
	v43 =	vmul.bf16 v43, v53;
	v62 =	vld.idx.msk [tilespmem:v58+s12+$0x0], $0xffff  }
0xe8: {  	v58 =	vxor.u32 v25, v40;
	v53 =	vpack.i.f32.bf16 v61, v61;
	v36 =	vld.idx.msk [tilespmem:v36+s12+$0x0], $0xffff;
	v40 =	vxor.u32 v20, v40  }
0xe9: {  	v25 =	vxor.u32 v25, v30;
	v20 =	vxor.u32 v20, v30;
	v52 =	vadd.bf16 v0, v52;
	v34 =	vld.idx.msk [tilespmem:v59+s12+$0x0], $0xffff  }
0xea: {  	v37 =	vadd.bf16 v37, v49;
	v31 =	vadd.bf16 v31, v35;
	v42 =	vmul.bf16 v55, v42;
	v38 =	vld.idx.msk [tilespmem:v38+s12+$0x0], $0xffff  }
0xeb: {  	v59 =	vxor.u32 v24, v41;
	v41 =	vxor.u32 v18, v41;
	v63 =	vld.idx.msk [tilespmem:v57+s12+$0x0], $0xffff;
	v27 =	vmul.bf16 v27, v45  }
0xec: {  	v24 =	vxor.u32 v24, v28;
	v55 =	vpack.i.f32.bf16 v4, v4;
	v4 =	vld.idx.msk [tilespmem:v8+s12+$0x0], $0xffff;
	v57 =	vmul.f32 v7, v47  }
0xed: {  	v8 =	vxor.u32 v18, v28;
	v43 =	vadd.bf16 v43, v52;
	v10 =	vadd.bf16 v42, v31;
	v52 =	vld.idx.msk [tilespmem:v58+s12+$0x0], $0xffff  }
0xee: {  	v31 =	vpack.i.f32.bf16 v60, v60;
	v35 =	vmul.bf16 v62, v53;
	v62 =	vmul.f32 v21, v50;
	v58 =	vld.idx.msk [tilespmem:v39+s12+$0x0], $0xffff  }
0xef: {  	v49 =	vmul.bf16 v36, v48;
	v27 =	vadd.bf16 v27, v10;
	v10 =	vmul.f32 v14, v12;
	v12 =	vld.idx.msk [tilespmem:v25+s12+$0x0], $0xffff  }
0xf0: {  	v34 =	vmul.bf16 v34, v54;
	v9 =	vadd.bf16 v35, v37;
	v53 =	vmul.bf16 v38, v51;
	v54 =	vld.idx.msk [tilespmem:v59+s12+$0x0], $0xffff  }
0xf1: {  	v33 =	vpack.i.f32.bf16 v62, v62;
	v59 =	vld.idx.msk [tilespmem:v40+s12+$0x0], $0xffff;
	v62 =	vpack.i.f32.bf16 v57, v57;
	v25 =	vmul.f32 v22, v10  }
0xf2: {  	v60 =	vld.idx.msk [tilespmem:v41+s12+$0x0], $0xffff;
	v61 =	vadd.bf16 v34, v43;
	v15 =	vadd.bf16 v49, v9;
	v9 =	vmul.f32 v17, v16  }
0xf3: {  	v17 =	vmul.bf16 v63, v55;
	v16 =	vld.idx.msk [tilespmem:v26+s12+$0x0], $0xffff;
	v26 =	vpack.i.f32.bf16 v56, v56;
	v63 =	vpack.i.f32.bf16 v13, v13  }
0xf4: {  	v13 =	vld.idx.msk [tilespmem:v24+s12+$0x0], $0xffff;
	v31 =	vmul.bf16 v52, v31;
	v24 =	vmul.bf16 v58, v26;
	v14 =	vadd.bf16 v53, v61  }
0xf5: {  	v23 =	vadd.bf16 v17, v27;
	v27 =	vmul.f32 v21, v9;
	v61 =	vmul.bf16 v54, v33  }
0xf6: {  	v21 =	vpack.i.f32.bf16 v25, v25;
	v17 =	vadd.bf16 v31, v15;
	v22 =	vmul.bf16 v59, v62;
	v15 =	vld.idx.msk [tilespmem:v20+s12+$0x0], $0xffff  }
0xf7: {  	s25 =	simm.s32 $0x40;
	s26 =	simm.s32 $0x20A0;
	v25 =	vmul.bf16 v60, v63;
	v20 =	vpack.i.f32.bf16 v27, v27;
	v18 =	vadd.bf16 v61, v14;
	v14 =	vld.idx.msk [tilespmem:v29+s12+$0x0], $0xffff  }
.LBB2_3:
0xf8: {  	v26 =	vld [tilespmem:s26+$0x10];
	s25 =	sadd.s32 $0x40, s25;
	v23 =	vadd.bf16 v24, v23;
	v6 =	vmul.f32 v6, v11;
	v7 =	vmul.f32 v7, v10;
	s21 =	sadd.s32 $0x40, s21  }
0xf9: {  	v11 =	vadd.bf16 v22, v17;
	v5 =	vmul.f32 v5, v9;
	s22 =	sadd.s32 $0x40, s22;
	v10 =	vld [tilespmem:s21+$0x10];
	p0 =	slt.u32 s25, $0x1FC0;
	v17 =	vadd.bf16 v25, v18  }
0xfa: {  	v16 =	vmul.bf16 v16, v19;
	v12 =	vmul.bf16 v12, v21;
	v9 =	vld [tilespmem:s22+$0x10];
	v6 =	vpack.i.f32.bf16 v6, v6  }
0xfb: {  	v13 =	vmul.bf16 v13, v20;
	v7 =	vpack.i.f32.bf16 v7, v7;
	v5 =	vpack.i.f32.bf16 v5, v5;
	v18 =	vld [tilespmem:s26+$0xFFFFFFE0]  }
0xfc: {  	v16 =	vadd.bf16 v16, v23;
	v11 =	vadd.bf16 v12, v11;
	v6 =	vmul.bf16 v14, v6;
	v19 =	vld [tilespmem:s26+$0xFFFFFFF0]  }
0xfd: {  	v13 =	vadd.bf16 v13, v17;
	v7 =	vmul.bf16 v15, v7;
	v12 =	vld [tilespmem:s26+$0x0];
	v14 =	vmul.f32 v26, v1  }
0xfe: {  	v4 =	vmul.bf16 v4, v2;
	v2 =	vmovc v5;
	v6 =	vadd.bf16 v6, v16;
	v15 =	vld [tilespmem:s22+$0xFFFFFFF0];
	v10 =	vmul.f32 v10, v1  }
0xff: {  	v7 =	vadd.bf16 v7, v11;
	v16 =	vld [tilespmem:s22+$0x0];
	v9 =	vmul.f32 v9, v1;
	v5 =	vtrunc.f32 v14  }
0x100: {  	v4 =	vadd.bf16 v4, v3;
	v3 =	vmovc v13;
	v11 =	vld [tilespmem:s22+$0xFFFFFFE0];
	v17 =	vcvt.f32.s32 v5;
	v5 =	vtrunc.f32 v10;
	[tilespmem:s24+$0xFFFFFFE0] =	vst v6  }
0x101: {  	v13 =	vld [tilespmem:s21+$0xFFFFFFE0];
	v6 =	vtrunc.f32 v9;
	v20 =	vcvt.f32.s32 v5;
	[tilespmem:s24+$0xFFFFFFF0] =	vst v7  }
0x102: {  	v5 =	vmul.f32 v18, v1;
	v18 =	vld [tilespmem:s21+$0xFFFFFFF0];
	v21 =	vcvt.f32.s32 v6;
	v22 =	vmul.u32 $0x9E3779B1, v17;
	[tilespmem:s23+$0x0] =	vst v4;
	s23 =	smov.u32 s24  }
0x103: {  	v7 =	vmul.f32 v19, v1;
	v6 =	vmul.f32 v12, v1;
	v12 =	vld [tilespmem:s21+$0x0];
	v19 =	vmul.u32 $0x30025795, v20  }
0x104: {  	v23 =	vand.u32 $0xFFFF, v21;
	v24 =	vadd.s32 $0x1, v21;
	v25 =	vand.u32 $0xFFFF, v22;
	v4 =	vld.idx.msk [tilespmem:v8+s12+$0x0], $0xffff  }
0x105: {  	v8 =	vcvt.s32.f32 v21;
	v21 =	vand.u32 $0xFFFF, v19;
	v26 =	vxor.u32 v23, v25  }
0x106: {  	v17 =	vcvt.s32.f32 v17;
	v19 =	vadd.s32 $0x5795, v19;
	v27 =	vxor.u32 v21, v26  }
0x107: {  	v20 =	vcvt.s32.f32 v20;
	v24 =	vand.u32 $0xFFFF, v24;
	v19 =	vand.u32 $0xFFFF, v19  }
0x108: {  	v8 =	vsub.f32 v9, v8;
	v9 =	vsub.f32 v14, v17;
	v14 =	vxor.u32 v26, v19  }
0x109: {  	v10 =	vsub.f32 v10, v20;
	v17 =	vadd.s32 $0x79B1, v22;
	v20 =	vxor.u32 v24, v25  }
0x10a: {  	v26 =	vxor.u32 v21, v20;
	v22 =	vsub.f32 $1.000000000e+00, v8;
	v25 =	vsub.f32 $1.000000000e+00, v9  }
0x10b: {  	v28 =	vmul.f32 v15, v1;
	v11 =	vmul.f32 v11, v1;
	v17 =	vand.u32 $0xFFFF, v17;
	v27 =	vld.idx.msk [tilespmem:v27+s12+$0x0], $0xffff  }
0x10c: {  	v29 =	vsub.f32 $1.000000000e+00, v10;
	v20 =	vxor.u32 v20, v19;
	v15 =	vmul.f32 v25, v22  }
0x10d: {  	v30 =	vtrunc.f32 v5;
	v16 =	vmul.f32 v16, v1;
	v23 =	vxor.u32 v23, v17;
	v31 =	vld.idx.msk [tilespmem:v14+s12+$0x0], $0xffff  }
0x10e: {  	v32 =	vtrunc.f32 v7;
	v34 =	vxor.u32 v21, v23;
	v33 =	vmul.f32 v29, v15  }
0x10f: {  	v23 =	vxor.u32 v19, v23;
	v14 =	vmul.f32 v13, v1;
	v13 =	vtrunc.f32 v6;
	v26 =	vld.idx.msk [tilespmem:v26+s12+$0x0], $0xffff  }
0x110: {  	v25 =	vmul.f32 v25, v8;
	v35 =	vmul.f32 v15, v10;
	v33 =	vpack.i.f32.bf16 v33, v33  }
0x111: {  	v17 =	vxor.u32 v24, v17;
	v15 =	vmul.f32 v18, v1;
	v18 =	vmul.bf16 v27, v33;
	v20 =	vld.idx.msk [tilespmem:v20+s12+$0x0], $0xffff  }
0x112: {  	v21 =	vxor.u32 v21, v17;
	v24 =	vpack.i.f32.bf16 v35, v35;
	v27 =	vmul.f32 v29, v25  }
0x113: {  	v17 =	vxor.u32 v19, v17;
	v18 =	vadd.bf16 v0, v18;
	v24 =	vmul.bf16 v31, v24;
	v31 =	vld.idx.msk [tilespmem:v34+s12+$0x0], $0xffff  }
0x114: {  	v19 =	vmul.f32 v9, v22;
	v25 =	vmul.f32 v25, v10;
	v22 =	vpack.i.f32.bf16 v27, v27  }
0x115: {  	v27 =	vmul.f32 v12, v1;
	v12 =	vadd.bf16 v24, v18;
	v18 =	vmul.bf16 v26, v22;
	v22 =	vld.idx.msk [tilespmem:v23+s12+$0x0], $0xffff  }
0x116: {  	v24 =	vpack.i.f32.bf16 v25, v25;
	v25 =	vmul.f32 v29, v19;
	v23 =	vtrunc.f32 v11  }
0x117: {  	v26 =	vtrunc.f32 v28;
	v12 =	vadd.bf16 v18, v12;
	v18 =	vmul.bf16 v20, v24;
	v20 =	vld.idx.msk [tilespmem:v21+s12+$0x0], $0xffff  }
0x118: {  	v8 =	vmul.f32 v9, v8;
	v19 =	vmul.f32 v10, v19;
	v9 =	vpack.i.f32.bf16 v25, v25  }
0x119: {  	v21 =	vtrunc.f32 v16;
	v12 =	vadd.bf16 v18, v12;
	v9 =	vmul.bf16 v31, v9;
	v17 =	vld.idx.msk [tilespmem:v17+s12+$0x0], $0xffff  }
0x11a: {  	v19 =	vpack.i.f32.bf16 v19, v19;
	v24 =	vmul.f32 v29, v8;
	v18 =	vcvt.f32.s32 v30  }
0x11b: {  	v25 =	vcvt.f32.s32 v32;
	v9 =	vadd.bf16 v9, v12;
	v12 =	vmul.bf16 v22, v19  }
0x11c: {  	v13 =	vcvt.f32.s32 v13;
	v8 =	vmul.f32 v10, v8;
	v19 =	vpack.i.f32.bf16 v24, v24  }
0x11d: {  	v24 =	vcvt.f32.s32 v23;
	v9 =	vadd.bf16 v12, v9;
	v10 =	vmul.bf16 v20, v19  }
0x11e: {  	v8 =	vpack.i.f32.bf16 v8, v8;
	v19 =	vcvt.f32.s32 v26;
	v20 =	vcvt.f32.s32 v21  }
0x11f: {  	v12 =	vtrunc.f32 v14;
	v9 =	vadd.bf16 v10, v9;
	v8 =	vmul.bf16 v17, v8  }
0x120: {  	v26 =	vmul.u32 $0x9E3779B1, v18;
	v10 =	vtrunc.f32 v15;
	v17 =	vtrunc.f32 v27  }
0x121: {  	v12 =	vcvt.f32.s32 v12;
	v21 =	vcvt.f32.s32 v10;
	v8 =	vadd.bf16 v8, v9  }
0x122: {  	s24 =	sadd.s32 $0x40, s24;
	v29 =	vmul.u32 $0x9E3779B1, v25;
	v17 =	vcvt.f32.s32 v17;
	v9 =	vcvt.s32.f32 v24  }
0x123: {  	v30 =	vmul.u32 $0x9E3779B1, v13;
	v10 =	vcvt.s32.f32 v18;
	v18 =	vcvt.s32.f32 v19;
	[tilespmem:s24+$0x10] =	vst v8  }
0x124: {  	v22 =	vcvt.s32.f32 v25;
	v23 =	vcvt.s32.f32 v20;
	v31 =	vmul.u32 $0x30025795, v12  }
0x125: {  	v13 =	vcvt.s32.f32 v13;
	v25 =	vmul.u32 $0x30025795, v21;
	v32 =	vmul.u32 $0x30025795, v17  }
0x126: {  	v9 =	vsub.f32 v11, v9;
	v11 =	vsub.f32 v5, v10;
	v5 =	vcvt.s32.f32 v12  }
0x127: {  	v10 =	vsub.f32 v7, v22;
	v7 =	vcvt.s32.f32 v21;
	v8 =	vsub.f32 v28, v18  }
0x128: {  	v13 =	vsub.f32 v6, v13;
	v17 =	vcvt.s32.f32 v17;
	v12 =	vsub.f32 v16, v23  }
0x129: {  	v33 =	vand.u32 $0xFFFF, v29;
	v34 =	vand.u32 $0xFFFF, v30;
	v28 =	vand.u32 $0xFFFF, v26  }
0x12a: {  	v35 =	vand.u32 $0xFFFF, v24;
	v36 =	vand.u32 $0xFFFF, v19;
	v37 =	vand.u32 $0xFFFF, v20  }
0x12b: {  	v38 =	vxor.u32 v36, v33;
	v39 =	vxor.u32 v37, v34;
	v21 =	vxor.u32 v35, v28  }
0x12c: {  	v22 =	vand.u32 $0xFFFF, v31;
	v18 =	vand.u32 $0xFFFF, v25;
	v16 =	vand.u32 $0xFFFF, v32  }
0x12d: {  	v40 =	vsub.f32 $1.000000000e+00, v9;
	v41 =	vsub.f32 $1.000000000e+00, v11;
	v42 =	vxor.u32 v22, v21  }
0x12e: {  	v43 =	vsub.f32 $1.000000000e+00, v10;
	v44 =	vxor.u32 v18, v38;
	v23 =	vsub.f32 $1.000000000e+00, v8  }
0x12f: {  	v46 =	vsub.f32 $1.000000000e+00, v13;
	v45 =	vsub.f32 $1.000000000e+00, v12;
	v47 =	vxor.u32 v16, v39  }
0x130: {  	v6 =	vsub.f32 v14, v5;
	v14 =	vadd.s32 $0x5795, v31;
	v7 =	vsub.f32 v15, v7  }
0x131: {  	v15 =	vadd.s32 $0x5795, v25;
	v5 =	vsub.f32 v27, v17;
	v25 =	vadd.s32 $0x5795, v32  }
0x132: {  	v17 =	vand.u32 $0xFFFF, v14;
	v15 =	vand.u32 $0xFFFF, v15;
	v14 =	vand.u32 $0xFFFF, v25;
	v27 =	vld.idx.msk [tilespmem:v42+s12+$0x0], $0xffff  }
0x133: {  	v24 =	vadd.s32 $0x1, v24;
	v25 =	vmul.f32 v41, v40;
	v31 =	vmul.f32 v43, v23;
	v32 =	vld.idx.msk [tilespmem:v44+s12+$0x0], $0xffff  }
0x134: {  	v48 =	vmul.f32 v46, v45;
	v42 =	vadd.s32 $0x1, v19;
	v44 =	vadd.s32 $0x1, v20;
	v47 =	vld.idx.msk [tilespmem:v47+s12+$0x0], $0xffff  }
0x135: {  	v49 =	vxor.u32 v21, v17;
	v21 =	vsub.f32 $1.000000000e+00, v7;
	v19 =	vsub.f32 $1.000000000e+00, v6  }
0x136: {  	v38 =	vxor.u32 v38, v15;
	v39 =	vxor.u32 v39, v14;
	v20 =	vsub.f32 $1.000000000e+00, v5  }
0x137: {  	v24 =	vand.u32 $0xFFFF, v24;
	v42 =	vand.u32 $0xFFFF, v42;
	v44 =	vand.u32 $0xFFFF, v44  }
0x138: {  	v28 =	vxor.u32 v24, v28;
	v50 =	vmul.f32 v19, v25;
	v33 =	vxor.u32 v42, v33  }
0x139: {  	v51 =	vmul.f32 v21, v31;
	v34 =	vxor.u32 v44, v34;
	v52 =	vmul.f32 v20, v48  }
0x13a: {  	v53 =	vxor.u32 v22, v28;
	v54 =	vxor.u32 v18, v33;
	v55 =	vxor.u32 v16, v34;
	v49 =	vld.idx.msk [tilespmem:v49+s12+$0x0], $0xffff  }
0x13b: {  	v51 =	vpack.i.f32.bf16 v51, v51;
	v50 =	vpack.i.f32.bf16 v50, v50;
	v52 =	vpack.i.f32.bf16 v52, v52;
	v38 =	vld.idx.msk [tilespmem:v38+s12+$0x0], $0xffff  }
0x13c: {  	v26 =	vadd.s32 $0x79B1, v26;
	v31 =	vmul.f32 v31, v7;
	v25 =	vmul.f32 v25, v6;
	v39 =	vld.idx.msk [tilespmem:v39+s12+$0x0], $0xffff  }
0x13d: {  	v29 =	vadd.s32 $0x79B1, v29;
	v30 =	vadd.s32 $0x79B1, v30;
	v48 =	vmul.f32 v48, v5  }
0x13e: {  	v41 =	vmul.f32 v41, v9;
	v28 =	vxor.u32 v28, v17;
	v43 =	vmul.f32 v43, v8  }
0x13f: {  	v46 =	vmul.f32 v46, v12;
	v33 =	vxor.u32 v33, v15;
	v27 =	vmul.bf16 v27, v50;
	v50 =	vld.idx.msk [tilespmem:v53+s12+$0x0], $0xffff  }
0x140: {  	v34 =	vxor.u32 v34, v14;
	v32 =	vmul.bf16 v32, v51;
	v47 =	vmul.bf16 v47, v52;
	v51 =	vld.idx.msk [tilespmem:v54+s12+$0x0], $0xffff  }
0x141: {  	v29 =	vand.u32 $0xFFFF, v29;
	v30 =	vand.u32 $0xFFFF, v30;
	v26 =	vand.u32 $0xFFFF, v26;
	v52 =	vld.idx.msk [tilespmem:v55+s12+$0x0], $0xffff  }
0x142: {  	v31 =	vpack.i.f32.bf16 v31, v31;
	v25 =	vpack.i.f32.bf16 v25, v25;
	v48 =	vpack.i.f32.bf16 v48, v48  }
0x143: {  	v36 =	vxor.u32 v36, v29;
	v37 =	vxor.u32 v37, v30;
	v35 =	vxor.u32 v35, v26;
	v28 =	vld.idx.msk [tilespmem:v28+s12+$0x0], $0xffff  }
0x144: {  	v27 =	vadd.bf16 v0, v27;
	v53 =	vmul.f32 v19, v41;
	v54 =	vmul.f32 v21, v43;
	v33 =	vld.idx.msk [tilespmem:v33+s12+$0x0], $0xffff  }
0x145: {  	v32 =	vadd.bf16 v0, v32;
	v47 =	vadd.bf16 v0, v47;
	v55 =	vmul.f32 v20, v46;
	v34 =	vld.idx.msk [tilespmem:v34+s12+$0x0], $0xffff  }
0x146: {  	v25 =	vmul.bf16 v49, v25;
	v49 =	vxor.u32 v22, v35;
	v31 =	vmul.bf16 v38, v31  }
0x147: {  	v38 =	vxor.u32 v18, v36;
	v39 =	vmul.bf16 v39, v48;
	v48 =	vxor.u32 v16, v37  }
0x148: {  	v53 =	vpack.i.f32.bf16 v53, v53;
	v54 =	vpack.i.f32.bf16 v54, v54;
	v55 =	vpack.i.f32.bf16 v55, v55  }
0x149: {  	v25 =	vadd.bf16 v25, v27;
	v27 =	vmul.f32 v41, v6;
	v41 =	vmul.f32 v43, v7  }
0x14a: {  	v40 =	vmul.f32 v11, v40;
	v31 =	vadd.bf16 v31, v32;
	v32 =	vmul.f32 v46, v5  }
0x14b: {  	v45 =	vmul.f32 v13, v45;
	v23 =	vmul.f32 v10, v23;
	v39 =	vadd.bf16 v39, v47;
	v43 =	vld.idx.msk [tilespmem:v49+s12+$0x0], $0xffff  }
0x14c: {  	v35 =	vxor.u32 v17, v35;
	v46 =	vmul.bf16 v50, v53;
	v47 =	vmul.bf16 v51, v54;
	v38 =	vld.idx.msk [tilespmem:v38+s12+$0x0], $0xffff  }
0x14d: {  	v36 =	vxor.u32 v15, v36;
	v37 =	vxor.u32 v14, v37;
	v49 =	vmul.bf16 v52, v55;
	v48 =	vld.idx.msk [tilespmem:v48+s12+$0x0], $0xffff  }
0x14e: {  	v27 =	vpack.i.f32.bf16 v27, v27;
	v41 =	vpack.i.f32.bf16 v41, v41;
	v32 =	vpack.i.f32.bf16 v32, v32  }
0x14f: {  	v24 =	vxor.u32 v24, v26;
	v26 =	vxor.u32 v42, v29;
	v29 =	vxor.u32 v44, v30  }
0x150: {  	v42 =	vmul.f32 v21, v23;
	v30 =	vmul.f32 v19, v40;
	v25 =	vadd.bf16 v46, v25  }
0x151: {  	v44 =	vmul.f32 v20, v45;
	v31 =	vadd.bf16 v47, v31;
	v39 =	vadd.bf16 v49, v39;
	v35 =	vld.idx.msk [tilespmem:v35+s12+$0x0], $0xffff  }
0x152: {  	v22 =	vxor.u32 v22, v24;
	v27 =	vmul.bf16 v28, v27;
	v28 =	vmul.bf16 v33, v41;
	v33 =	vld.idx.msk [tilespmem:v36+s12+$0x0], $0xffff  }
0x153: {  	v18 =	vxor.u32 v18, v26;
	v32 =	vmul.bf16 v34, v32;
	v36 =	vxor.u32 v16, v29;
	v34 =	vld.idx.msk [tilespmem:v37+s12+$0x0], $0xffff  }
0x154: {  	v30 =	vpack.i.f32.bf16 v30, v30;
	v41 =	vpack.i.f32.bf16 v44, v44;
	v37 =	vpack.i.f32.bf16 v42, v42  }
0x155: {  	v23 =	vmul.f32 v7, v23;
	v25 =	vadd.bf16 v27, v25;
	v27 =	vmul.f32 v6, v40  }
0x156: {  	v11 =	vmul.f32 v11, v9;
	v28 =	vadd.bf16 v28, v31;
	v31 =	vmul.f32 v5, v45  }
0x157: {  	v9 =	vmul.f32 v13, v12;
	v10 =	vmul.f32 v10, v8;
	v16 =	vld.idx.msk [tilespmem:v22+s12+$0x0], $0xffff;
	v22 =	vadd.bf16 v32, v39  }
0x158: {  	v30 =	vmul.bf16 v43, v30;
	v32 =	vxor.u32 v17, v24;
	v17 =	vmul.bf16 v38, v37;
	v12 =	vld.idx.msk [tilespmem:v18+s12+$0x0], $0xffff  }
0x159: {  	v8 =	vxor.u32 v14, v29;
	v15 =	vxor.u32 v15, v26;
	v18 =	vmul.bf16 v48, v41;
	v13 =	vld.idx.msk [tilespmem:v36+s12+$0x0], $0xffff  }
.Ltmp0:
0x15a: {  	v26 =	vpack.i.f32.bf16 v23, v23;
	v14 =	vpack.i.f32.bf16 v27, v27;
	v27 =	vpack.i.f32.bf16 v31, v31;
	(pc) =	sbr.rel @p0 .LBB2_3-.Ltmp0, $4  }
0x15b: {  	v19 =	vmul.f32 v19, v11;
	v21 =	vmul.f32 v21, v10;
	v23 =	vadd.bf16 v30, v25  }
0x15c: {  	v20 =	vmul.f32 v20, v9;
	v17 =	vadd.bf16 v17, v28;
	v18 =	vadd.bf16 v18, v22  }
0x15d: {  	v19 =	vpack.i.f32.bf16 v19, v19;
	v24 =	vmul.bf16 v35, v14;
	v22 =	vmul.bf16 v33, v26;
	v14 =	vld.idx.msk [tilespmem:v32+s12+$0x0], $0xffff  }
0x15e: {  	s26 =	sadd.s32 $0x40, s26;
	v21 =	vpack.i.f32.bf16 v21, v21;
	v20 =	vpack.i.f32.bf16 v20, v20;
	v25 =	vmul.bf16 v34, v27;
	v15 =	vld.idx.msk [tilespmem:v15+s12+$0x0], $0xffff  }
0x15f: {  	_ =	sdelay $0x1  }
0x160: {  	v6 =	vmul.f32 v6, v11  }
0x161: {  	v7 =	vmul.f32 v7, v10;
	v16 =	vmul.bf16 v16, v19  }
0x162: {  	v23 =	vadd.bf16 v24, v23;
	v8 =	vld.idx.msk [tilespmem:v8+s12+$0x0], $0xffff;
	v5 =	vmul.f32 v5, v9;
	v61 =	vmul.bf16 v12, v21  }
0x163: {  	v59 =	vadd.bf16 v22, v17;
	v13 =	vmul.bf16 v13, v20;
	v2 =	vmul.bf16 v4, v2  }
0x164: {  	v60 =	vadd.bf16 v25, v18;
	v6 =	vpack.i.f32.bf16 v6, v6;
	v7 =	vpack.i.f32.bf16 v7, v7  }
0x165: {  	v62 =	vadd.bf16 v16, v23;
	v9 =	vadd.bf16 v61, v59;
	v6 =	vmul.bf16 v14, v6  }
0x166: {  	v5 =	vpack.i.f32.bf16 v5, v5;
	v2 =	vadd.bf16 v2, v3;
	v7 =	vmul.bf16 v15, v7  }
0x167: {  	v63 =	vadd.bf16 v13, v60;
	v6 =	vadd.bf16 v6, v62;
	v5 =	vmul.bf16 v8, v5  }
0x168: {  	[tilespmem:s23+$0x0] =	vst v2;
	v7 =	vadd.bf16 v7, v9  }
0x169: {  	s20 =	sadd.s32 s10, s20;
	s19 =	sadd.s32 $0x1, s19;
	[tilespmem:s24+$0xFFFFFFE0] =	vst v6;
	v3 =	vadd.bf16 v5, v63  }
0x16a: {  	s20 =	sshrl.u32 s20, $0x3;
	p0 =	sne.s32 s19, $0x8;
	[tilespmem:s24+$0xFFFFFFF0] =	vst v7  }
.Ltmp1:
0x16b: {  	s20 =	sadd.s32 s3, s20;
	[tilespmem:s24+$0x0] =	vst v3;
	(pc) =	sbr.rel @p0 .LBB2_2-.Ltmp1, $4  }
0x16c: {  	[hbm4b:s20+s2] =	stream.linear.scatter [tilespmem:s17], [sflag:$0x1], $0x2000, $0x38;
	[tilespmem:$0x18080] =	vst v63  }
0x16d: {  	_ =	swait.ge [sflag:s13], $0x2000  }
0x16e: {  	[sflag:s13] =	ssyncset.done $0x0  }
0x16f: {  	[sflag:s13] =	ssyncadd.s32 $0xFFFFE000  }
0x170: {  	s18 =	sadd.s32 $0x1, s18  }
0x171: {  	p0 =	sne.s32 s18, s11  }
.Ltmp2:
0x172: {  	_ = 	snop;
	(pc) =	sbr.rel @p0 .LBB2_1-.Ltmp2, $1  }
0x173: {  	_ =	sdelay $0x3  }
0x174: {  	_ =	sfence.sel $0x180000  }
0x175: {  	[bflag:$0x0] =	sbarrier.arrive $0xFFFF  }
0x176: {  	p0 =	sne.s32 s1, $0x0;
	_ =	strace $0x9000004D  }
0x177: {  	s0 =	sadd.s32 @!p0 $0x100000, s0;
	[bflag:$0x2] =	sbarrier.arrive $0xFFFF  }
0x178: {  	[sflag:s0] =	ssyncadd.tile.s32 @!p0 $0x1;
	_ =	shalt  }
.Lfunc_end2:
_tile_overlayer_lowered:
.L_overlay_start_2:
0x179: {  	(tag) =	ssettag $0x2  }
0x17a: {  	s0 =	rddreg [dreg:$0x0];
	s2 =	stileid.u32  }
0x17b: {  	s1 =	rddreg [dreg:$0x1];
	p0 =	sne.s32 s2, $0x0  }
0x17c: {  	s3 =	rddreg [dreg:$0x2];
	[bflag:$0x3] =	sbarrier.arrive $0xFFFF;
	s2 =	simm.s32 @!p0 $0x1C01  }
0x17d: {  	[timem:s3], [sflag:s2] =	dma.local @!p0 [hbm:s0], s1  }
0x17e: {  	s0 =	simm.s32 @!p0 $0x1  }
0x17f: {  	_ =	swait.ge @!p0 [sflag:s0], s1  }
0x180: {  	s1 =	ssub.s32 @!p0 $0x0, s1;
	[sflag:s0] =	ssyncset.done @!p0 $0x0  }
0x181: {  	[sflag:s0] =	ssyncadd.s32 @!p0 s1  }
0x182: {  	[bflag:$0x3] =	sbarrier.arrive $0xFFFF  }
0x183: {  	_ =	shalt  }

// kernel: kernel.19.cloned.1.call-start
scs
__scs_entry_jumppad:
0x0: {  	(pc) =	sbr.rel $0x88, $3  }
0x1: {  	(tag) =	ssettag $0x0;
	lr =	simm.s32 $0x1  }
0x2: {  	[smem:$0x3F9C] =	sst lr;
	_ =	strace $0xD0000000  }
0x3: {  	_ = 	snop  }
0x4: {  	_ = 	snop  }
0x5: {  	_ = 	snop  }
0x6: {  	_ = 	snop  }
0x7: {  	_ = 	snop  }
__scs_overlays_trampoline_lowered:
0x8: {  	[smem:$0x3FAB] =	sst s0  }
0x9: {  	[smem:$0x3FAC] =	sst s1  }
0xa: {  	[smem:$0x3FAD] =	sst s2  }
0xb: {  	[smem:$0x3FAE] =	sst s3  }
0xc: {  	[smem:$0x3FAF] =	sst s4  }
0xd: {  	[smem:$0x3FB0] =	sst s5  }
0xe: {  	[smem:$0x3FB1] =	sst s6  }
0xf: {  	[smem:$0x3FB2] =	sst s7  }
0x10: {  	[smem:$0x3FB3] =	sst s8  }
0x11: {  	[smem:$0x3FB4] =	sst s9;
	s0 =	simm.s32 @!p0 $0x0  }
0x12: {  	s1 =	sld [smem:$0x3F9A];
	s0 =	simm.s32 @p0 $0x1  }
0x13: {  	[smem:$0x3FB5] =	sst s0;
	s0 =	simm.s32 @!p1 $0x0  }
0x14: {  	s2 =	sld [smem:$0x3F99];
	s0 =	simm.s32 @p1 $0x1  }
0x15: {  	[smem:$0x3FB6] =	sst s0;
	s0 =	simm.s32 @!p2 $0x0  }
0x16: {  	s3 =	sld [smem:$0x3FDB];
	s0 =	simm.s32 @p2 $0x1  }
0x17: {  	s4 =	simm.s32 $0x1BF5;
	[smem:$0x3FB8] =	sst s0  }
0x18: {  	s0 =	sld [smem:$0x3F9B];
	_ =	swait.ge [sflag:s4], $0x0  }
0x19: {  	s7 =	sld [smem:$0x3F9C]  }
0x1a: {  	s8 =	sadd.s32 $0xFFFFE003, lr  }
0x1b: {  	s9 =	sadd.s32 $0xFFFFFEF7, lr;
	s5 =	simm.s32 $0xFFFFFFFF;
	p2 =	slt.u32 s8, $0xFFFFF086  }
0x1c: {  	p1 =	slt.u32 s9, $0xF7A;
	s5 =	simm.s32 @!p2 $0x0  }
0x1d: {  	s5 =	simm.s32 @p1 $0x1;
	p0 =	seq.s32 s7, s2  }
0x1e: {  	s7 =	smul.u32 @!p0 $0xF7A, s2;
	p2 =	seq.s32 @!p0 s5, $0x0  }
0x1f: {  	s9 =	smul.u32 $0xF7A, s1;
	s8 =	simm.s32 @!p0 $0x1BF5;
	p2 =	por !p2, p0  }
0x20: {  	[sflag:s8] =	ssyncset.s32 @!p0 $0xFFFFF086;
	s6 =	sadd.s32 @!p0 s3, s7;
	s7 =	simm.s32 @!p0 $0x108  }
0x21: {  	s3 =	sadd.s32 s3, s9;
	s6 =	sadd.s32 @!p0 $0x88, s6;
	s7 =	simm.s32 @p2 $0x1082  }
0x22: {  	[simem:s7], [sflag:s8] =	dma.local @!p0 [hbm:s6], $0xF7A  }
0x23: {  	s9 =	sor.u32 $0xD0000000, s2;
	s6 =	simm.s32 $0x108;
	_ =	swait.ge @!p0 [sflag:s8], $0x0  }
0x24: {  	s3 =	sadd.s32 $0x88, s3;
	s6 =	simm.s32 @!p1 $0x1082;
	[sflag:s4] =	ssyncset.s32 $0xFFFFF086  }
0x25: {  	[simem:s6], [sflag:s4] =	dma.local [hbm:s3], $0xF7A  }
0x26: {  	[smem:$0x3F9C] =	sst s1;
	(tag) =	ssettag s2;
	_ =	strace s9  }
0x27: {  	s1 =	sld [smem:$0x3FAC]  }
0x28: {  	s2 =	sld [smem:$0x3FAD]  }
0x29: {  	s4 =	sld [smem:$0x3FAF]  }
0x2a: {  	p0 =	seq.s32 s5, $0x0;
	s5 =	sld [smem:$0x3FB0]  }
0x2b: {  	s6 =	sld [smem:$0x3FB1]  }
0x2c: {  	s7 =	sld [smem:$0x3FB2]  }
0x2d: {  	s3 =	simm.s32 $0x108;
	s8 =	sld [smem:$0x3FB3]  }
0x2e: {  	s3 =	simm.s32 @!p0 $0x1082;
	s9 =	sld [smem:$0x3FB4]  }
0x2f: {  	lr =	sadd.s32 s0, s3;
	s0 =	sld [smem:$0x3FAB]  }
0x30: {  	s3 =	sld [smem:$0x3FAE]  }
0x31: {  	[smem:$0x3FB7] =	sst s10  }
0x32: {  	s10 =	sld [smem:$0x3FB5];
	_ =	sdelay $0x3  }
0x33: {  	p0 =	seq.s32 s10, $0x1;
	s10 =	sld [smem:$0x3FB7];
	_ =	sdelay $0x3  }
0x34: {  	[smem:$0x3FB7] =	sst s10  }
0x35: {  	s10 =	sld [smem:$0x3FB6];
	_ =	sdelay $0x3  }
0x36: {  	p1 =	seq.s32 s10, $0x1;
	s10 =	sld [smem:$0x3FB7];
	_ =	sdelay $0x3  }
0x37: {  	[smem:$0x3FB7] =	sst s10  }
0x38: {  	s10 =	sld [smem:$0x3FB8]  }
0x39: {  	_ = 	snop;
	(pc) =	sbr.ind lr, $3  }
0x3a: {  	_ = 	snop  }
0x3b: {  	_ = 	snop  }
0x3c: {  	p2 =	seq.s32 s10, $0x1;
	s10 =	sld [smem:$0x3FB7]  }
0x3d: {  	_ =	shalt  }
0x3e: {  	_ =	shalt  }
0x3f: {  	_ =	shalt  }
0x40: {  	_ =	shalt  }
0x41: {  	_ =	shalt  }
0x42: {  	_ =	shalt  }
0x43: {  	_ =	shalt  }
0x44: {  	_ =	shalt  }
0x45: {  	_ =	shalt  }
0x46: {  	_ =	shalt  }
0x47: {  	_ =	shalt  }
0x48: {  	_ =	shalt  }
0x49: {  	_ =	shalt  }
0x4a: {  	_ =	shalt  }
0x4b: {  	_ =	shalt  }
0x4c: {  	_ =	shalt  }
0x4d: {  	_ =	shalt  }
0x4e: {  	_ =	shalt  }
0x4f: {  	_ =	shalt  }
0x50: {  	_ =	shalt  }
0x51: {  	_ =	shalt  }
0x52: {  	_ =	shalt  }
0x53: {  	_ =	shalt  }
0x54: {  	_ =	shalt  }
0x55: {  	_ =	shalt  }
0x56: {  	_ =	shalt  }
0x57: {  	_ =	shalt  }
0x58: {  	_ =	shalt  }
0x59: {  	_ =	shalt  }
0x5a: {  	_ =	shalt  }
0x5b: {  	_ =	shalt  }
0x5c: {  	_ =	shalt  }
0x5d: {  	_ =	shalt  }
0x5e: {  	_ =	shalt  }
0x5f: {  	_ =	shalt  }
0x60: {  	_ =	shalt  }
0x61: {  	_ =	shalt  }
0x62: {  	_ =	shalt  }
0x63: {  	_ =	shalt  }
0x64: {  	_ =	shalt  }
0x65: {  	_ =	shalt  }
0x66: {  	_ =	shalt  }
0x67: {  	_ =	shalt  }
0x68: {  	_ =	shalt  }
0x69: {  	_ =	shalt  }
0x6a: {  	_ =	shalt  }
0x6b: {  	_ =	shalt  }
0x6c: {  	_ =	shalt  }
0x6d: {  	_ =	shalt  }
0x6e: {  	_ =	shalt  }
0x6f: {  	_ =	shalt  }
0x70: {  	_ =	shalt  }
0x71: {  	_ =	shalt  }
0x72: {  	_ =	shalt  }
0x73: {  	_ =	shalt  }
0x74: {  	_ =	shalt  }
0x75: {  	_ =	shalt  }
0x76: {  	_ =	shalt  }
0x77: {  	_ =	shalt  }
0x78: {  	_ =	shalt  }
0x79: {  	_ =	shalt  }
0x7a: {  	_ =	shalt  }
0x7b: {  	_ =	shalt  }
0x7c: {  	_ =	shalt  }
0x7d: {  	_ =	shalt  }
0x7e: {  	_ =	shalt  }
0x7f: {  	_ =	shalt  }
0x80: {  	_ =	shalt  }
0x81: {  	_ =	shalt  }
0x82: {  	_ =	shalt  }
0x83: {  	_ =	shalt  }
0x84: {  	_ =	shalt  }
0x85: {  	_ =	shalt  }
0x86: {  	_ =	shalt  }
0x87: {  	_ =	shalt  }
.Lfunc_end0:
.L_simem_size_0:
called_computation.4_lowered:
.L_overlay_start_0:
0x88: {  	s2 =	sld [smem:$0x3FD9]  }
0x89: {  	s3 =	sld [smem:$0x3FFE];
	_ =	sdelay $0x1  }
0x8a: {  	s1 =	srdreg.scid  }
0x8b: {  	s0 =	sand.u32 $0x1, s1  }
0x8c: {  	s17 =	sshll.u32 s0, $0xA;
	s2 =	sadd.s32 s3, s2  }
0x8d: {  	s2 =	sadd.s32 s2, s17  }
0x8e: {  	[smem:$0x3FC3] =	sst s2  }
0x8f: {  	_ = 	snop  }
0x90: {  	s18 =	sld [smem:$0x3FD0];
	(tm) =	ssettm $0x1  }
0x91: {  	s19 =	sld [smem:$0x3FFB];
	_ =	sdelay $0x3  }
0x92: {  	_ =	strace s19  }
0x93: {  	s2 =	sld [smem:$0x3FFC];
	_ =	sdelay $0x3  }
0x94: {  	_ =	strace s2  }
0x95: {  	s2 =	sld [smem:$0x3FFD];
	_ =	sdelay $0x3  }
0x96: {  	_ =	strace s2  }
0x97: {  	_ =	strace $0x8FFFFFFF  }
0x98: {  	s20 =	sld [smem:$0x3FDB];
	_ =	sdelay $0x1  }
0x99: {  	s4 =	simm.s32 $_scs_section_size  }
0x9a: {  	s5 =	simm.s32 $_size__tile_overlayer_lowered;
	s6 =	simm.s32 $_tile_overlayer_lowered  }
0x9b: {  	s7 =	simm.s32 $0x1BFF;
	s21 =	sshll.u32 s6, $0x1;
	s4 =	sadd.s32 s4, s20  }
0x9c: {  	s22 =	simm.s32 $0x0;
	s5 =	sshll.u32 s5, $0x1;
	s6 =	sadd.s32 s21, s4  }
0x9d: {  	[timem:s22], [sflag:s7] =	dma.local [hbm:s6], s5  }
0x9e: {  	_ =	swait.ge [sflag:s7], s5  }
0x9f: {  	s5 =	ssub.s32 $0x0, s5;
	[sflag:s7] =	ssyncset.done $0x0  }
0xa0: {  	[sflag:s7] =	ssyncadd.s32 s5;
	_ =	sdelay $0x1  }
0xa1: {  	s23 =	simm.s32 $0x1B8B  }
0xa2: {  	_ =	swait.ge [sflag:s23], $0x1  }
0xa3: {  	[sflag:s23] =	ssyncset.done $0x0  }
0xa4: {  	[sflag:s23] =	ssyncadd.s32 $0xFFFFFFFF  }
0xa5: {  	s5 =	sld [smem:$0x0]  }
0xa6: {  	s6 =	sand.u32 $0xFFFFFFFE, s1  }
0xa7: {  	p0 =	sne.s32 s1, s6  }
0xa8: {  	s6 =	sshll.u32 @p0 s6, $0xE  }
0xa9: {  	s6 =	sadd.s32 @p0 $0x11B8D, s6;
	s7 =	sshll.u32 @p0 s5, $0x11  }
0xaa: {  	s6 =	sor.u32 @p0 s7, s6  }
0xab: {  	[sflag:s6] =	ssyncadd.remote.s32 @p0 $0x1;
	_ =	sdelay $0x1  }
0xac: {  	s6 =	simm.s32 @p0 $0x1B8D  }
0xad: {  	_ =	swait.eq @p0 [sflag:s6], $0x1  }
0xae: {  	[sflag:s6] =	ssyncadd.s32 @p0 $0xFFFFFFFF  }
0xaf: {  	s7 =	sshll.u32 @!p0 s1, $0xE  }
0xb0: {  	s7 =	sor.u32 @!p0 $0x4000, s7;
	s6 =	simm.s32 @!p0 $0x1B8D  }
0xb1: {  	s5 =	sshll.u32 @!p0 s5, $0x11;
	s7 =	sadd.s32 @!p0 $0x11B8D, s7;
	_ =	swait.eq @!p0 [sflag:s6], $0x1  }
0xb2: {  	s5 =	sor.u32 @!p0 s5, s7;
	[sflag:s6] =	ssyncadd.s32 @!p0 $0xFFFFFFFF  }
0xb3: {  	s25 =	simm.s32 $0x1B8E;
	s24 =	sld [smem:$0x3FFE];
	[sflag:s5] =	ssyncadd.remote.s32 @!p0 $0x1  }
0xb4: {  	s26 =	simm.s32 $execute0_lowered;
	[smem:$0x3FD2] =	sst s25  }
0xb5: {  	s6 =	sshll.u32 s26, $0x1;
	_ =	strace $0x8000004F;
	[dreg:$0x1] =	wrdreg $0xFFFFFFFF  }
0xb6: {  	s28 =	simm.s32 $_size_execute0_lowered;
	s4 =	sadd.s32 s4, s6;
	[dreg:$0x0] =	wrdreg $0x0  }
0xb7: {  	s6 =	sshll.u32 s28, $0x1;
	[dreg:$0x2] =	wrdreg s4  }
0xb8: {  	[dreg:$0x3] =	wrdreg s6  }
0xb9: {  	[dreg:$0x4] =	wrdreg $0xC0  }
0xba: {  	_ =	task [dreg:s22], $0x5FFFF  }
0xbb: {  	[dreg:$0x1] =	wrdreg $0xFFFFFFFF  }
0xbc: {  	[dreg:$0x0] =	wrdreg $0x60  }
0xbd: {  	[dreg:$0x2] =	wrdreg s24  }
0xbe: {  	[dreg:$0x3] =	wrdreg s18  }
0xbf: {  	[dreg:$0x4] =	wrdreg $0xC  }
0xc0: {  	_ =	task.clear_ibuf [dreg:s22], $0x5FFFF;
	_ =	strace $0x9000004F  }
0xc1: {  	s29 =	simm.s32 $0xC;
	_ =	strace $0x80000051  }
0xc2: {  	_ =	swait.ge [sflag:s29], $0x1  }
0xc3: {  	[sflag:s29] =	ssyncadd.s32 $0xFFFFFFFF  }
0xc4: {  	_ =	strace $0x90000051  }
0xc5: {  	_ =	sfence  }
0xc6: {  	s30 =	sld [smem:$0x0];
	_ =	sdelay $0x2  }
0xc7: {  	s31 =	sshll.u32 s1, $0xD;
	s1 =	sshrl.u32 s1, $0x2  }
0xc8: {  	s4 =	sand.u32 $0x4000, s31;
	s1 =	sadd.s32 s1, s30  }
0xc9: {  	s0 =	sor.u32 s4, s0;
	s1 =	sshll.u32 s1, $0x11  }
0xca: {  	s0 =	sor.u32 s1, s0  }
0xcb: {  	s0 =	sadd.s32 $0x8F2B, s0  }
0xcc: {  	[sflag:s0] =	ssyncadd.remote.s32 $0x1  }
0xcd: {  	_ =	sfence.sel $0xFFFF  }
0xce: {  	[dreg:$0x0] =	wrdreg $0xFFFFFFFF;
	(pc) =	sbr.abs _section_cstart, $3  }
0xcf: {  	[dreg:$0x1] =	wrdreg $0xFFFFFFFF  }
0xd0: {  	_ =	task.clear_ibuf [dreg:s22], $0x2FFFF;
	_ =	strace $0x9FFFFFFF  }
0xd1: {  	(tm) =	ssettm $0x7FFFFFFF  }
tec
execute0_lowered:
.L_overlay_start_1:
0x0: {  	(tag) =	ssettag $0x1  }
0x1: {  	s0 =	stileid.u32  }
0x2: {  	s9 =	rddreg [dreg:$0x0];
	s1 =	srdreg.scid  }
0x3: {  	s2 =	rddreg [dreg:$0x1];
	s12 =	simm.s32 $0x8000;
	s13 =	simm.s32 $0x1  }
0x4: {  	s14 =	simm.s32 $0x18000;
	s15 =	simm.s32 $0x2000;
	s16 =	simm.s32 $0x4000  }
0x5: {  	s17 =	simm.s32 $0x6000;
	s18 =	simm.s32 $0x0;
	s3 =	sshll.u32 s0, $0x1  }
0x6: {  	s4 =	sand.u32 $0x1, s1;
	s1 =	rddreg [dreg:$0x2];
	s5 =	sand.u32 $0xE, s3  }
0x7: {  	s8 =	sshll.u32 s0, $0xD;
	s3 =	simm.s32 $0x0;
	s10 =	sor.u32 s4, s5  }
0x8: {  	[smem:$0x7FF] =	sst s3;
	s4 =	ssub.s32 $0x2, s4;
	s5 =	sshll.u32 s10, $0xD  }
0x9: {  	_ =	strace $0x80000050;
	s6 =	sshll.u32 s10, $0x1;
	s7 =	sshrl.u32 s4, $0x1  }
0xa: {  	s10 =	sshll.u32 s10, $0x11;
	s5 =	sadd.s32 s5, s9;
	s6 =	sadd.s32 s6, s9  }
0xb: {  	s11 =	ssub.s32 s4, s7;
	s4 =	sand.u32 $0x10000, s8;
	s7 =	sadd.s32 $0x2EA00, s9  }
0xc: {  	s8 =	sadd.s32 $0x3EA00, s9;
	s9 =	sadd.s32 $0x4EA00, s9;
	s5 =	sadd.s32 $0x2A00, s5  }
0xd: {  	v0 =	vimm.bf16 $0.0e+00;
	s6 =	sadd.s32 $0x53000, s6;
	s10 =	sor.u32 s4, s10;
	s11 =	smax.u32 s11, $0x1  }
.LBB2_1:
0xe: {  	[tilespmem:s12], [sflag:$0x1] =	stream.linear.gather [hbm4b:s5+s3], $0x10000, $0x38;
	[tilespmem:$0x18080] =	vst v63  }
0xf: {  	_ =	swait.ge [sflag:s13], $0x10000  }
0x10: {  	[sflag:s13] =	ssyncset.done $0x0  }
0x11: {  	[sflag:s13] =	ssyncadd.s32 $0xFFFF0000  }
0x12: {  	[tilespmem:s14], [sflag:$0x1] =	stream.linear.gather [hbm4b:s6+s3], $0x10, $0x38;
	[tilespmem:$0x18080] =	vst v63  }
0x13: {  	_ =	swait.ge [sflag:s13], $0x10  }
0x14: {  	[sflag:s13] =	ssyncset.done $0x0  }
0x15: {  	[sflag:s13] =	ssyncadd.s32 $0xFFFFFFF0  }
0x16: {  	s19 =	simm.s32 $0x0;
	v1 =	vld [tilespmem:$0x18000]  }
.LBB2_2:
0x17: {  	s20 =	sshll.u32 s19, $0xD  }
0x18: {  	s21 =	sor.u32 s4, s20  }
0x19: {  	s21 =	sshrl.u32 s21, $0x3  }
0x1a: {  	s22 =	sadd.s32 s21, s7  }
0x1b: {  	[tilespmem:s3], [sflag:$0x1] =	stream.linear.gather [hbm4b:s22+s3], $0x2000, $0x38;
	[tilespmem:$0x18080] =	vst v63  }
0x1c: {  	_ =	swait.ge [sflag:s13], $0x2000  }
0x1d: {  	[sflag:s13] =	ssyncset.done $0x0  }
0x1e: {  	s28 =	sadd.s32 s21, s8;
	[sflag:s13] =	ssyncadd.s32 $0xFFFFE000  }
0x1f: {  	[tilespmem:s15], [sflag:$0x1] =	stream.linear.gather [hbm4b:s28+s3], $0x2000, $0x38;
	[tilespmem:$0x18080] =	vst v63  }
0x20: {  	_ =	swait.ge [sflag:s13], $0x2000  }
0x21: {  	[sflag:s13] =	ssyncset.done $0x0  }
0x22: {  	s21 =	sadd.s32 s21, s9;
	[sflag:s13] =	ssyncadd.s32 $0xFFFFE000  }
0x23: {  	[tilespmem:s16], [sflag:$0x1] =	stream.linear.gather [hbm4b:s21+s3], $0x2000, $0x38;
	[tilespmem:$0x18080] =	vst v63  }
0x24: {  	_ =	swait.ge [sflag:s13], $0x2000  }
0x25: {  	[sflag:s13] =	ssyncset.done $0x0  }
0x26: {  	s29 =	simm.s32 $0x2020;
	[sflag:s13] =	ssyncadd.s32 $0xFFFFE000  }
0x27: {  	s30 =	simm.s32 $0x4020;
	v2 =	vld [tilespmem:s29+$0x10]  }
0x28: {  	s23 =	simm.s32 $0x20;
	v3 =	vld [tilespmem:s30+$0x10]  }
0x29: {  	v4 =	vld [tilespmem:s23+$0x10]  }
0x2a: {  	v5 =	vld [tilespmem:s29+$0xFFFFFFE0]  }
0x2b: {  	v6 =	vld [tilespmem:s29+$0xFFFFFFF0]  }
0x2c: {  	v7 =	vld [tilespmem:s29+$0x0]  }
0x2d: {  	v16 =	vld [tilespmem:s23+$0xFFFFFFF0]  }
0x2e: {  	v19 =	vld [tilespmem:s23+$0xFFFFFFE0];
	_ =	sdelay $0x1  }
0x2f: {  	v2 =	vmul.f32 v2, v1;
	v3 =	vmul.f32 v3, v1  }
0x30: {  	v21 =	vld [tilespmem:s23+$0x0];
	v4 =	vmul.f32 v4, v1;
	v5 =	vmul.f32 v5, v1  }
0x31: {  	v23 =	vld [tilespmem:s30+$0xFFFFFFF0];
	v12 =	vmul.f32 v6, v1;
	v13 =	vmul.f32 v7, v1  }
0x32: {  	v19 =	vmul.f32 v19, v1;
	v16 =	vmul.f32 v16, v1  }
0x33: {  	v8 =	vtrunc.f32 v2;
	v9 =	vtrunc.f32 v3  }
0x34: {  	v10 =	vtrunc.f32 v4;
	v8 =	vcvt.f32.s32 v8  }
0x35: {  	v9 =	vcvt.f32.s32 v9;
	v10 =	vcvt.f32.s32 v10  }
0x36: {  	v21 =	vmul.f32 v21, v1;
	v23 =	vmul.f32 v23, v1;
	v11 =	vmul.u32 $0x9E3779B1, v8  }
0x37: {  	v6 =	vmul.u32 $0x30025795, v9;
	v7 =	vand.u32 $0xFFFF, v10;
	v14 =	vadd.s32 $0x1, v10  }
0x38: {  	v10 =	vcvt.s32.f32 v10;
	v8 =	vcvt.s32.f32 v8;
	v15 =	vand.u32 $0xFFFF, v11  }
0x39: {  	v9 =	vcvt.s32.f32 v9;
	v17 =	vand.u32 $0xFFFF, v6;
	v18 =	vxor.u32 v7, v15  }
0x3a: {  	v14 =	vand.u32 $0xFFFF, v14;
	v6 =	vadd.s32 $0x5795, v6;
	v20 =	vxor.u32 v17, v18  }
0x3b: {  	v4 =	vsub.f32 v4, v10;
	v2 =	vsub.f32 v2, v8;
	v6 =	vand.u32 $0xFFFF, v6  }
0x3c: {  	v3 =	vsub.f32 v3, v9;
	v9 =	vadd.s32 $0x79B1, v11;
	v8 =	vxor.u32 v18, v6  }
0x3d: {  	v10 =	vxor.u32 v14, v15;
	v15 =	vsub.f32 $1.000000000e+00, v4;
	v18 =	vsub.f32 $1.000000000e+00, v2  }
0x3e: {  	v26 =	vtrunc.f32 v5;
	v9 =	vand.u32 $0xFFFF, v9;
	v22 =	vxor.u32 v17, v10  }
0x3f: {  	v24 =	vsub.f32 $1.000000000e+00, v3;
	v10 =	vxor.u32 v10, v6;
	v25 =	vmul.f32 v18, v15;
	v20 =	vld.idx.msk [tilespmem:v20+s12+$0x0], $0xffff  }
0x40: {  	v27 =	vtrunc.f32 v12;
	v55 =	vtrunc.f32 v16;
	v11 =	vld [tilespmem:s30+$0xFFFFFFE0];
	v7 =	vxor.u32 v7, v9  }
0x41: {  	v9 =	vxor.u32 v14, v9;
	v29 =	vxor.u32 v17, v7;
	v28 =	vmul.f32 v24, v25;
	v8 =	vld.idx.msk [tilespmem:v8+s12+$0x0], $0xffff  }
0x42: {  	v30 =	vld [tilespmem:s30+$0x0];
	v7 =	vxor.u32 v6, v7;
	v17 =	vxor.u32 v17, v9;
	v18 =	vmul.f32 v18, v4  }
0x43: {  	v15 =	vmul.f32 v2, v15;
	v25 =	vmul.f32 v25, v3;
	v22 =	vld.idx.msk [tilespmem:v22+s12+$0x0], $0xffff;
	v28 =	vpack.i.f32.bf16 v28, v28  }
0x44: {  	v6 =	vxor.u32 v6, v9;
	v2 =	vmul.f32 v2, v4;
	v10 =	vld.idx.msk [tilespmem:v10+s12+$0x0], $0xffff;
	v14 =	vmul.bf16 v20, v28  }
0x45: {  	v31 =	vmul.f32 v11, v1;
	v20 =	vpack.i.f32.bf16 v25, v25;
	v25 =	vmul.f32 v24, v18  }
0x46: {  	v18 =	vmul.f32 v18, v3;
	v8 =	vmul.bf16 v8, v20;
	v14 =	vadd.bf16 v0, v14  }
0x47: {  	v11 =	vtrunc.f32 v13;
	v9 =	vld.idx.msk [tilespmem:v29+s12+$0x0], $0xffff;
	v20 =	vpack.i.f32.bf16 v25, v25;
	v25 =	vmul.f32 v30, v1  }
0x48: {  	v18 =	vpack.i.f32.bf16 v18, v18;
	v8 =	vadd.bf16 v8, v14;
	v14 =	vmul.bf16 v22, v20  }
0x49: {  	v7 =	vld.idx.msk [tilespmem:v7+s12+$0x0], $0xffff;
	v10 =	vmul.bf16 v10, v18;
	v22 =	vmul.f32 v24, v15  }
0x4a: {  	v18 =	vcvt.f32.s32 v27;
	v20 =	vtrunc.f32 v19;
	v8 =	vadd.bf16 v14, v8  }
0x4b: {  	v15 =	vmul.f32 v3, v15;
	v14 =	vld.idx.msk [tilespmem:v17+s12+$0x0], $0xffff;
	v4 =	vpack.i.f32.bf16 v22, v22;
	v17 =	vtrunc.f32 v21  }
0x4c: {  	v4 =	vmul.bf16 v9, v4;
	v9 =	vcvt.f32.s32 v26;
	v8 =	vadd.bf16 v10, v8  }
0x4d: {  	v6 =	vld.idx.msk [tilespmem:v6+s12+$0x0], $0xffff;
	v10 =	vpack.i.f32.bf16 v15, v15;
	v15 =	vmul.f32 v24, v2;
	v2 =	vmul.f32 v3, v2  }
0x4e: {  	v24 =	vmul.u32 $0x9E3779B1, v18;
	v18 =	vcvt.s32.f32 v18;
	v7 =	vmul.bf16 v7, v10  }
0x4f: {  	v22 =	vmul.u32 $0x9E3779B1, v9;
	v4 =	vadd.bf16 v4, v8;
	v8 =	vcvt.f32.s32 v11  }
0x50: {  	v10 =	vpack.i.f32.bf16 v15, v15;
	v15 =	vcvt.f32.s32 v20;
	v20 =	vcvt.f32.s32 v17  }
0x51: {  	v2 =	vpack.i.f32.bf16 v2, v2;
	v59 =	vand.u32 $0xFFFF, v24;
	v24 =	vadd.s32 $0x79B1, v24  }
0x52: {  	v2 =	vmul.bf16 v6, v2;
	v6 =	vtrunc.f32 v25;
	v24 =	vand.u32 $0xFFFF, v24  }
0x53: {  	v3 =	vadd.bf16 v7, v4;
	v4 =	vmul.bf16 v14, v10;
	v14 =	vcvt.f32.s32 v55  }
0x54: {  	v7 =	vtrunc.f32 v31;
	v26 =	vmul.u32 $0x9E3779B1, v8;
	v56 =	vcvt.s32.f32 v20  }
0x55: {  	v58 =	vcvt.s32.f32 v8;
	v8 =	vsub.f32 v12, v18;
	v33 =	vand.u32 $0xFFFF, v15  }
0x56: {  	v35 =	vand.u32 $0xFFFF, v20;
	v20 =	vadd.s32 $0x1, v20;
	v10 =	vcvt.f32.s32 v7  }
0x57: {  	v20 =	vand.u32 $0xFFFF, v20;
	v3 =	vadd.bf16 v4, v3;
	v4 =	vtrunc.f32 v23  }
0x58: {  	v17 =	vcvt.s32.f32 v14;
	v60 =	vand.u32 $0xFFFF, v26;
	v34 =	vand.u32 $0xFFFF, v14  }
0x59: {  	v44 =	vsub.f32 $1.000000000e+00, v8;
	v61 =	vadd.s32 $0x1, v14;
	v26 =	vadd.s32 $0x79B1, v26  }
0x5a: {  	v11 =	vcvt.f32.s32 v4;
	v27 =	vmul.u32 $0x30025795, v10;
	v37 =	vxor.u32 v34, v59  }
0x5b: {  	v38 =	vxor.u32 v35, v60;
	v29 =	vand.u32 $0xFFFF, v61;
	v30 =	vxor.u32 v20, v60  }
0x5c: {  	v26 =	vand.u32 $0xFFFF, v26;
	v4 =	vadd.bf16 v2, v3;
	v2 =	vcvt.s32.f32 v15  }
0x5d: {  	v34 =	vxor.u32 v34, v24;
	v3 =	vcvt.f32.s32 v6;
	v6 =	vcvt.s32.f32 v9  }
0x5e: {  	v28 =	vxor.u32 v29, v59;
	v35 =	vxor.u32 v35, v26;
	v20 =	vxor.u32 v20, v26  }
0x5f: {  	v57 =	vmul.u32 $0x30025795, v11;
	v39 =	vand.u32 $0xFFFF, v27;
	v32 =	vmul.u32 $0x30025795, v3  }
0x60: {  	v7 =	vsub.f32 v19, v2;
	v9 =	vsub.f32 v5, v6;
	v2 =	vcvt.s32.f32 v10  }
0x61: {  	v6 =	vsub.f32 v16, v17;
	v5 =	vcvt.s32.f32 v11;
	v10 =	vsub.f32 v21, v56  }
0x62: {  	v11 =	vsub.f32 v13, v58;
	v12 =	vcvt.s32.f32 v3;
	v21 =	vand.u32 $0xFFFF, v22  }
0x63: {  	v13 =	vadd.s32 $0x5795, v27;
	v22 =	vadd.s32 $0x79B1, v22;
	v36 =	vxor.u32 v33, v21  }
0x64: {  	v18 =	vand.u32 $0xFFFF, v57;
	v16 =	vadd.s32 $0x5795, v57;
	v19 =	vand.u32 $0xFFFF, v13  }
0x65: {  	v22 =	vand.u32 $0xFFFF, v22;
	v40 =	vsub.f32 $1.000000000e+00, v7;
	v41 =	vsub.f32 $1.000000000e+00, v9  }
0x66: {  	v17 =	vand.u32 $0xFFFF, v32;
	v43 =	vsub.f32 $1.000000000e+00, v6;
	v46 =	vsub.f32 $1.000000000e+00, v10  }
0x67: {  	v42 =	vxor.u32 v39, v36;
	v47 =	vsub.f32 $1.000000000e+00, v11;
	v3 =	vsub.f32 v31, v2  }
0x68: {  	v45 =	vxor.u32 v18, v37;
	v5 =	vsub.f32 v23, v5;
	v2 =	vsub.f32 v25, v12  }
0x69: {  	v12 =	vadd.s32 $0x5795, v32;
	v16 =	vand.u32 $0xFFFF, v16;
	v23 =	vadd.s32 $0x1, v15  }
0x6a: {  	v63 =	vxor.u32 v36, v19;
	v52 =	vxor.u32 v18, v28;
	v33 =	vxor.u32 v33, v22  }
0x6b: {  	v48 =	vxor.u32 v17, v38;
	v12 =	vand.u32 $0xFFFF, v12;
	v56 =	vxor.u32 v37, v16  }
0x6c: {  	v23 =	vand.u32 $0xFFFF, v23;
	v53 =	vxor.u32 v17, v30;
	v28 =	vxor.u32 v28, v16  }
0x6d: {  	v25 =	vmul.f32 v41, v40;
	v27 =	vmul.f32 v44, v43;
	v13 =	vsub.f32 $1.000000000e+00, v3  }
0x6e: {  	v62 =	vmul.f32 v47, v46;
	v15 =	vsub.f32 $1.000000000e+00, v5;
	v14 =	vsub.f32 $1.000000000e+00, v2  }
0x6f: {  	v57 =	vxor.u32 v38, v12;
	v41 =	vmul.f32 v41, v7;
	v44 =	vmul.f32 v44, v6  }
0x70: {  	v21 =	vxor.u32 v23, v21;
	v40 =	vmul.f32 v9, v40;
	v43 =	vmul.f32 v8, v43  }
0x71: {  	v30 =	vxor.u32 v30, v12;
	v7 =	vmul.f32 v9, v7;
	v6 =	vmul.f32 v8, v6  }
0x72: {  	v22 =	vxor.u32 v23, v22;
	v58 =	vmul.f32 v13, v25;
	v49 =	vmul.f32 v15, v27  }
0x73: {  	v23 =	vxor.u32 v29, v24;
	v50 =	vmul.f32 v14, v62;
	v25 =	vmul.f32 v25, v3  }
0x74: {  	v8 =	vxor.u32 v12, v20;
	v27 =	vmul.f32 v27, v5;
	v31 =	vmul.f32 v62, v2  }
0x75: {  	v51 =	vxor.u32 v39, v21;
	v60 =	vmul.f32 v13, v41;
	v61 =	vmul.f32 v15, v44;
	v42 =	vld.idx.msk [tilespmem:v42+s12+$0x0], $0xffff  }
0x76: {  	v21 =	vxor.u32 v21, v19;
	v26 =	vmul.f32 v15, v43;
	v15 =	vmul.f32 v15, v6;
	v32 =	vld.idx.msk [tilespmem:v63+s12+$0x0], $0xffff  }
0x77: {  	v63 =	vld.idx.msk [tilespmem:v52+s12+$0x0], $0xffff;
	v52 =	vxor.u32 v18, v34;
	v34 =	vxor.u32 v16, v34;
	v18 =	vxor.u32 v18, v23  }
0x78: {  	v45 =	vld.idx.msk [tilespmem:v45+s12+$0x0], $0xffff;
	v16 =	vxor.u32 v16, v23;
	v38 =	vpack.i.f32.bf16 v58, v58;
	v49 =	vpack.i.f32.bf16 v49, v49  }
0x79: {  	v48 =	vld.idx.msk [tilespmem:v48+s12+$0x0], $0xffff;
	v50 =	vpack.i.f32.bf16 v50, v50;
	v25 =	vpack.i.f32.bf16 v25, v25;
	v27 =	vpack.i.f32.bf16 v27, v27  }
0x7a: {  	v36 =	vld.idx.msk [tilespmem:v56+s12+$0x0], $0xffff;
	v31 =	vpack.i.f32.bf16 v31, v31;
	v56 =	vxor.u32 v17, v35;
	v58 =	vmul.f32 v44, v5  }
0x7b: {  	v28 =	vld.idx.msk [tilespmem:v28+s12+$0x0], $0xffff;
	v35 =	vxor.u32 v12, v35;
	v17 =	vxor.u32 v17, v20;
	v26 =	vpack.i.f32.bf16 v26, v26  }
0x7c: {  	v15 =	vpack.i.f32.bf16 v15, v15;
	v37 =	vld.idx.msk [tilespmem:v57+s12+$0x0], $0xffff;
	v57 =	vmul.f32 v41, v3;
	v38 =	vmul.bf16 v42, v38  }
0x7d: {  	v41 =	vpack.i.f32.bf16 v58, v58;
	v42 =	vmul.f32 v47, v10;
	v45 =	vmul.bf16 v45, v49  }
0x7e: {  	v51 =	vld.idx.msk [tilespmem:v51+s12+$0x0], $0xffff;
	v25 =	vmul.bf16 v32, v25;
	v32 =	vxor.u32 v39, v33;
	v49 =	vpack.i.f32.bf16 v61, v61  }
0x7f: {  	v33 =	vxor.u32 v19, v33;
	v10 =	vmul.f32 v11, v10;
	v59 =	vmul.bf16 v48, v50  }
0x80: {  	v53 =	vld.idx.msk [tilespmem:v53+s12+$0x0], $0xffff;
	v27 =	vmul.bf16 v36, v27;
	v48 =	vpack.i.f32.bf16 v60, v60;
	v36 =	vmul.bf16 v63, v49  }
0x81: {  	v21 =	vld.idx.msk [tilespmem:v21+s12+$0x0], $0xffff;
	v28 =	vmul.bf16 v28, v41;
	v38 =	vadd.bf16 v0, v38;
	v62 =	vmul.f32 v14, v42  }
0x82: {  	v30 =	vld.idx.msk [tilespmem:v30+s12+$0x0], $0xffff;
	v45 =	vadd.bf16 v0, v45;
	v31 =	vmul.bf16 v37, v31;
	v42 =	vmul.f32 v42, v2  }
0x83: {  	v12 =	vld.idx.msk [tilespmem:v18+s12+$0x0], $0xffff;
	v47 =	vadd.bf16 v0, v59;
	v59 =	vmul.f32 v11, v46;
	v60 =	vmul.bf16 v51, v48  }
0x84: {  	v16 =	vld.idx.msk [tilespmem:v16+s12+$0x0], $0xffff;
	v11 =	vxor.u32 v19, v22;
	v50 =	vpack.i.f32.bf16 v62, v62;
	v25 =	vadd.bf16 v25, v38  }
0x85: {  	v17 =	vld.idx.msk [tilespmem:v17+s12+$0x0], $0xffff;
	v27 =	vadd.bf16 v27, v45;
	v38 =	vpack.i.f32.bf16 v57, v57;
	v61 =	vmul.bf16 v53, v50  }
0x86: {  	v37 =	vld.idx.msk [tilespmem:v56+s12+$0x0], $0xffff;
	v42 =	vpack.i.f32.bf16 v42, v42;
	v63 =	vmul.f32 v14, v59;
	v21 =	vmul.bf16 v21, v38  }
0x87: {  	v46 =	vld.idx.msk [tilespmem:v52+s12+$0x0], $0xffff;
	v31 =	vadd.bf16 v31, v47;
	v30 =	vmul.bf16 v30, v42;
	v47 =	vmul.f32 v5, v43  }
0x88: {  	v48 =	vld.idx.msk [tilespmem:v34+s12+$0x0], $0xffff;
	v45 =	vxor.u32 v39, v22;
	v14 =	vmul.f32 v14, v10;
	v5 =	vmul.f32 v5, v6  }
0x89: {  	s21 =	simm.s32 $0x4060;
	v19 =	vld.idx.msk [tilespmem:v35+s12+$0x0], $0xffff;
	v12 =	vmul.bf16 v12, v15;
	v24 =	vadd.bf16 v60, v25;
	v25 =	vmul.f32 v13, v40  }
0x8a: {  	v51 =	vld [tilespmem:s21+$0xFFFFFFF0];
	v27 =	vadd.bf16 v36, v27;
	v13 =	vmul.f32 v13, v7;
	v62 =	vadd.bf16 v61, v31  }
0x8b: {  	v32 =	vld.idx.msk [tilespmem:v32+s12+$0x0], $0xffff;
	v31 =	vpack.i.f32.bf16 v63, v63;
	v20 =	vpack.i.f32.bf16 v47, v47;
	v21 =	vadd.bf16 v21, v24  }
0x8c: {  	v33 =	vld.idx.msk [tilespmem:v33+s12+$0x0], $0xffff;
	v24 =	vmul.f32 v3, v40;
	v9 =	vadd.bf16 v28, v27;
	v27 =	vmul.f32 v2, v59  }
0x8d: {  	s31 =	simm.s32 $0x2060;
	v6 =	vld [tilespmem:s21+$0x10];
	v14 =	vpack.i.f32.bf16 v14, v14;
	v26 =	vmul.bf16 v46, v26;
	v49 =	vmul.bf16 v37, v31  }
0x8e: {  	v15 =	vld [tilespmem:s31+$0xFFFFFFE0];
	v5 =	vpack.i.f32.bf16 v5, v5;
	v20 =	vmul.bf16 v48, v20;
	v3 =	vmul.f32 v3, v7  }
0x8f: {  	v25 =	vpack.i.f32.bf16 v25, v25;
	v11 =	vld.idx.msk [tilespmem:v11+s12+$0x0], $0xffff;
	v2 =	vmul.f32 v2, v10;
	v14 =	vmul.bf16 v17, v14  }
0x90: {  	v13 =	vpack.i.f32.bf16 v13, v13;
	v5 =	vmul.bf16 v16, v5;
	v29 =	vmul.f32 v51, v1;
	v23 =	vld.idx.msk [tilespmem:v45+s12+$0x0], $0xffff  }
0x91: {  	v17 =	vld [tilespmem:s31+$0xFFFFFFF0];
	v25 =	vmul.bf16 v32, v25;
	v18 =	vpack.i.f32.bf16 v24, v24;
	v24 =	vpack.i.f32.bf16 v27, v27  }
0x92: {  	s22 =	simm.s32 $0x60;
	v22 =	vadd.bf16 v30, v62;
	v9 =	vadd.bf16 v26, v9;
	v19 =	vmul.bf16 v19, v24;
	v24 =	vld [tilespmem:s31+$0x10]  }
0x93: {  	v10 =	vld [tilespmem:s22+$0x10];
	v3 =	vpack.i.f32.bf16 v3, v3;
	v18 =	vmul.bf16 v33, v18;
	v21 =	vadd.bf16 v25, v21  }
0x94: {  	v6 =	vmul.f32 v6, v1;
	v15 =	vmul.f32 v15, v1;
	v27 =	vld [tilespmem:s22+$0x0];
	v22 =	vadd.bf16 v49, v22  }
0x95: {  	v7 =	vadd.bf16 v20, v9;
	v18 =	vadd.bf16 v18, v21;
	v13 =	vmul.bf16 v23, v13  }
0x96: {  	v54 =	vtrunc.f32 v15;
	v9 =	vadd.bf16 v19, v22;
	v11 =	vmul.bf16 v11, v3  }
0x97: {  	v16 =	vmul.f32 v17, v1;
	v13 =	vadd.bf16 v13, v18;
	v18 =	vmul.f32 v24, v1  }
0x98: {  	v7 =	vadd.bf16 v12, v7;
	v12 =	vld [tilespmem:s31+$0x0];
	v3 =	vadd.bf16 v14, v9;
	v14 =	vmul.f32 v10, v1  }
0x99: {  	v27 =	vmul.f32 v27, v1;
	v9 =	vtrunc.f32 v18  }
0x9a: {  	v10 =	vadd.bf16 v11, v13;
	v13 =	vtrunc.f32 v6;
	v11 =	vcvt.f32.s32 v9  }
0x9b: {  	v9 =	vadd.bf16 v5, v7;
	v5 =	vtrunc.f32 v14;
	v7 =	vcvt.f32.s32 v13  }
0x9c: {  	v55 =	vtrunc.f32 v16;
	v5 =	vcvt.f32.s32 v5  }
0x9d: {  	v17 =	vmul.f32 v12, v1;
	v13 =	vmul.u32 $0x9E3779B1, v11;
	v12 =	vmul.u32 $0x30025795, v7  }
0x9e: {  	v11 =	vcvt.s32.f32 v11;
	v7 =	vcvt.s32.f32 v7;
	v19 =	vand.u32 $0xFFFF, v5  }
0x9f: {  	v25 =	vld [tilespmem:s22+$0xFFFFFFE0];
	v20 =	vadd.s32 $0x1, v5;
	v5 =	vcvt.s32.f32 v5;
	v21 =	vand.u32 $0xFFFF, v13  }
0xa0: {  	v22 =	vld [tilespmem:s22+$0xFFFFFFF0];
	v23 =	vand.u32 $0xFFFF, v12;
	v12 =	vadd.s32 $0x5795, v12;
	v20 =	vand.u32 $0xFFFF, v20  }
0xa1: {  	v11 =	vsub.f32 v18, v11;
	v6 =	vsub.f32 v6, v7;
	v7 =	vadd.s32 $0x79B1, v13  }
0xa2: {  	v24 =	vxor.u32 v19, v21;
	v12 =	vand.u32 $0xFFFF, v12;
	v5 =	vsub.f32 v14, v5  }
0xa3: {  	v13 =	vxor.u32 v20, v21;
	v7 =	vand.u32 $0xFFFF, v7;
	v26 =	vxor.u32 v23, v24  }
0xa4: {  	v18 =	vld [tilespmem:s21+$0xFFFFFFE0];
	v50 =	vxor.u32 v23, v13;
	v13 =	vxor.u32 v13, v12;
	v19 =	vxor.u32 v19, v7  }
0xa5: {  	v25 =	vmul.f32 v25, v1;
	v22 =	vmul.f32 v22, v1;
	v57 =	vxor.u32 v23, v19  }
0xa6: {  	v14 =	vxor.u32 v24, v12;
	v24 =	vsub.f32 $1.000000000e+00, v11;
	v21 =	vsub.f32 $1.000000000e+00, v5  }
0xa7: {  	v62 =	vtrunc.f32 v22;
	v59 =	vtrunc.f32 v17;
	v52 =	vsub.f32 $1.000000000e+00, v6  }
0xa8: {  	v7 =	vxor.u32 v20, v7;
	v19 =	vxor.u32 v12, v19;
	v53 =	vmul.f32 v24, v21;
	v26 =	vld.idx.msk [tilespmem:v26+s12+$0x0], $0xffff  }
0xa9: {  	v23 =	vxor.u32 v23, v7;
	v18 =	vmul.f32 v18, v1;
	v24 =	vmul.f32 v24, v5;
	v13 =	vld.idx.msk [tilespmem:v13+s12+$0x0], $0xffff  }
0xaa: {  	v7 =	vxor.u32 v12, v7;
	v21 =	vmul.f32 v11, v21;
	v56 =	vmul.f32 v52, v53;
	v12 =	vld.idx.msk [tilespmem:v57+s12+$0x0], $0xffff  }
0xab: {  	v2 =	vpack.i.f32.bf16 v2, v2;
	v14 =	vld.idx.msk [tilespmem:v14+s12+$0x0], $0xffff;
	v60 =	vmul.f32 v52, v24;
	v24 =	vmul.f32 v24, v6  }
0xac: {  	v5 =	vmul.f32 v11, v5;
	v61 =	vmul.f32 v52, v21;
	v34 =	vpack.i.f32.bf16 v56, v56  }
0xad: {  	v28 =	vld.idx.msk [tilespmem:v50+s12+$0x0], $0xffff;
	v31 =	vmul.f32 v53, v6;
	v24 =	vpack.i.f32.bf16 v24, v24;
	v20 =	vmul.bf16 v26, v34  }
0xae: {  	v58 =	vld [tilespmem:s21+$0x0];
	v11 =	vpack.i.f32.bf16 v61, v61;
	v13 =	vmul.bf16 v13, v24;
	v24 =	vcvt.f32.s32 v55  }
0xaf: {  	v26 =	vpack.i.f32.bf16 v31, v31;
	v11 =	vmul.bf16 v12, v11;
	v12 =	vcvt.f32.s32 v54  }
0xb0: {  	v21 =	vmul.f32 v6, v21;
	v14 =	vmul.bf16 v14, v26;
	v20 =	vadd.bf16 v0, v20  }
0xb1: {  	v26 =	vpack.i.f32.bf16 v60, v60;
	v32 =	vmul.u32 $0x9E3779B1, v24;
	v30 =	vmul.u32 $0x9E3779B1, v12  }
0xb2: {  	v12 =	vcvt.s32.f32 v12;
	v14 =	vadd.bf16 v14, v20;
	v20 =	vmul.bf16 v28, v26  }
0xb3: {  	v19 =	vld.idx.msk [tilespmem:v19+s12+$0x0], $0xffff;
	v31 =	vmul.f32 v58, v1;
	v24 =	vcvt.s32.f32 v24;
	v36 =	vand.u32 $0xFFFF, v32  }
0xb4: {  	v7 =	vld.idx.msk [tilespmem:v7+s12+$0x0], $0xffff;
	v32 =	vadd.s32 $0x79B1, v32;
	v15 =	vsub.f32 v15, v12;
	v14 =	vadd.bf16 v20, v14  }
0xb5: {  	v26 =	vtrunc.f32 v25;
	v32 =	vand.u32 $0xFFFF, v32;
	v20 =	vld.idx.msk [tilespmem:v23+s12+$0x0], $0xffff;
	v23 =	vtrunc.f32 v27  }
0xb6: {  	v28 =	vcvt.f32.s32 v23;
	v45 =	vsub.f32 $1.000000000e+00, v15;
	v13 =	vadd.bf16 v13, v14  }
0xb7: {  	v14 =	vpack.i.f32.bf16 v21, v21;
	v21 =	vmul.f32 v52, v5;
	v5 =	vmul.f32 v6, v5  }
0xb8: {  	v11 =	vadd.bf16 v11, v13;
	v13 =	vmul.bf16 v19, v14;
	v14 =	vcvt.f32.s32 v59  }
0xb9: {  	v19 =	vpack.i.f32.bf16 v21, v21;
	v21 =	vcvt.f32.s32 v26;
	v5 =	vpack.i.f32.bf16 v5, v5  }
0xba: {  	v41 =	vand.u32 $0xFFFF, v28;
	v26 =	vcvt.s32.f32 v28;
	v5 =	vmul.bf16 v7, v5  }
0xbb: {  	v7 =	vtrunc.f32 v29;
	v6 =	vadd.bf16 v13, v11;
	v11 =	vmul.bf16 v20, v19  }
0xbc: {  	v28 =	vadd.s32 $0x1, v28;
	v19 =	vcvt.f32.s32 v62;
	v13 =	vtrunc.f32 v18  }
0xbd: {  	v28 =	vand.u32 $0xFFFF, v28;
	v20 =	vtrunc.f32 v31;
	v7 =	vcvt.f32.s32 v7  }
0xbe: {  	v33 =	vmul.u32 $0x9E3779B1, v14;
	v58 =	vcvt.s32.f32 v14;
	v14 =	vsub.f32 v16, v24  }
0xbf: {  	v16 =	vsub.f32 v27, v26;
	v27 =	vand.u32 $0xFFFF, v30;
	v30 =	vadd.s32 $0x79B1, v30  }
0xc0: {  	v39 =	vand.u32 $0xFFFF, v21;
	v23 =	vcvt.f32.s32 v13;
	v30 =	vand.u32 $0xFFFF, v30  }
0xc1: {  	v6 =	vadd.bf16 v11, v6;
	v57 =	vmul.u32 $0x30025795, v7;
	v7 =	vcvt.s32.f32 v7  }
0xc2: {  	v17 =	vsub.f32 v17, v58;
	v38 =	vand.u32 $0xFFFF, v33;
	v40 =	vand.u32 $0xFFFF, v19  }
0xc3: {  	v48 =	vsub.f32 $1.000000000e+00, v14;
	v50 =	vsub.f32 $1.000000000e+00, v16;
	v33 =	vadd.s32 $0x79B1, v33  }
0xc4: {  	v63 =	vmul.u32 $0x30025795, v23;
	v42 =	vxor.u32 v40, v36;
	v43 =	vxor.u32 v41, v38  }
0xc5: {  	v38 =	vxor.u32 v28, v38;
	v33 =	vand.u32 $0xFFFF, v33;
	v40 =	vxor.u32 v40, v32  }
0xc6: {  	v11 =	vadd.bf16 v5, v6;
	v5 =	vcvt.s32.f32 v21;
	v6 =	vcvt.f32.s32 v20  }
0xc7: {  	v20 =	vcvt.s32.f32 v19;
	v51 =	vsub.f32 $1.000000000e+00, v17;
	v7 =	vsub.f32 v29, v7  }
0xc8: {  	v61 =	vadd.s32 $0x5795, v57;
	v41 =	vxor.u32 v41, v33;
	v28 =	vxor.u32 v28, v33  }
0xc9: {  	v26 =	vand.u32 $0xFFFF, v63;
	v59 =	vmul.u32 $0x30025795, v6;
	v13 =	vsub.f32 v25, v5  }
0xca: {  	v5 =	vcvt.s32.f32 v23;
	v12 =	vsub.f32 v22, v20;
	v20 =	vcvt.s32.f32 v6  }
0xcb: {  	v22 =	vxor.u32 v39, v27;
	v25 =	vand.u32 $0xFFFF, v57;
	v39 =	vxor.u32 v39, v30  }
0xcc: {  	v60 =	vxor.u32 v26, v22;
	v56 =	vxor.u32 v25, v42;
	v44 =	vsub.f32 $1.000000000e+00, v13  }
0xcd: {  	v24 =	vand.u32 $0xFFFF, v59;
	v47 =	vsub.f32 $1.000000000e+00, v12;
	v6 =	vsub.f32 v18, v5  }
0xce: {  	v18 =	vadd.s32 $0x5795, v63;
	v5 =	vsub.f32 v31, v20;
	v62 =	vadd.s32 $0x5795, v59  }
0xcf: {  	s24 =	simm.s32 $0x6060;
	v20 =	vand.u32 $0xFFFF, v61;
	v63 =	vadd.s32 $0x1, v21;
	v61 =	vadd.s32 $0x1, v19  }
0xd0: {  	[tilespmem:s24+$0x10] =	vst v11;
	v11 =	vmul.f32 v15, v13;
	v52 =	vxor.u32 v24, v43;
	v23 =	vand.u32 $0xFFFF, v18  }
0xd1: {  	v18 =	vand.u32 $0xFFFF, v62;
	v62 =	vmul.f32 v51, v50;
	v42 =	vxor.u32 v42, v20  }
0xd2: {  	v29 =	vand.u32 $0xFFFF, v63;
	v46 =	vand.u32 $0xFFFF, v61;
	v51 =	vmul.f32 v51, v16  }
0xd3: {  	v50 =	vmul.f32 v17, v50;
	v57 =	vmul.f32 v45, v44;
	v19 =	vsub.f32 $1.000000000e+00, v6  }
0xd4: {  	v58 =	vxor.u32 v22, v23;
	v22 =	vsub.f32 $1.000000000e+00, v7;
	v21 =	vsub.f32 $1.000000000e+00, v5  }
0xd5: {  	v43 =	vxor.u32 v43, v18;
	v27 =	vxor.u32 v29, v27;
	v45 =	vmul.f32 v45, v13  }
0xd6: {  	v36 =	vxor.u32 v46, v36;
	v44 =	vmul.f32 v15, v44;
	v53 =	vmul.f32 v62, v5  }
0xd7: {  	v29 =	vxor.u32 v29, v30;
	v13 =	vmul.f32 v5, v50;
	v59 =	vld.idx.msk [tilespmem:v60+s12+$0x0], $0xffff;
	v60 =	vmul.f32 v48, v47  }
0xd8: {  	v30 =	vxor.u32 v46, v32;
	v54 =	vmul.f32 v19, v57;
	v63 =	vmul.f32 v21, v62  }
0xd9: {  	s23 =	simm.s32 $0x6020;
	v31 =	vmul.f32 v57, v6;
	v57 =	vxor.u32 v26, v27;
	v48 =	vmul.f32 v48, v12  }
0xda: {  	[tilespmem:s23+$0x10] =	vst v4;
	v27 =	vxor.u32 v27, v23;
	v47 =	vmul.f32 v14, v47;
	v4 =	vmul.f32 v19, v44  }
0xdb: {  	v49 =	vld.idx.msk [tilespmem:v56+s12+$0x0], $0xffff;
	v56 =	vmul.f32 v6, v44;
	v53 =	vpack.i.f32.bf16 v53, v53;
	v55 =	vmul.f32 v22, v60  }
0xdc: {  	v54 =	vpack.i.f32.bf16 v54, v54;
	v37 =	vmul.f32 v60, v7;
	v60 =	vmul.f32 v19, v45  }
0xdd: {  	v31 =	vpack.i.f32.bf16 v31, v31;
	v61 =	vmul.f32 v22, v48;
	v45 =	vmul.f32 v45, v6  }
0xde: {  	v48 =	vmul.f32 v48, v7;
	v19 =	vmul.f32 v19, v11;
	v34 =	vld.idx.msk [tilespmem:v58+s12+$0x0], $0xffff;
	v58 =	vxor.u32 v25, v36  }
0xdf: {  	v52 =	vld.idx.msk [tilespmem:v52+s12+$0x0], $0xffff;
	v36 =	vxor.u32 v36, v20;
	v55 =	vpack.i.f32.bf16 v55, v55;
	v37 =	vpack.i.f32.bf16 v37, v37  }
0xe0: {  	v42 =	vld.idx.msk [tilespmem:v42+s12+$0x0], $0xffff;
	v45 =	vpack.i.f32.bf16 v45, v45;
	v48 =	vpack.i.f32.bf16 v48, v48;
	v19 =	vpack.i.f32.bf16 v19, v19  }
0xe1: {  	v35 =	vmul.bf16 v59, v54;
	v54 =	vpack.i.f32.bf16 v63, v63;
	v49 =	vmul.bf16 v49, v55  }
0xe2: {  	v43 =	vld.idx.msk [tilespmem:v43+s12+$0x0], $0xffff;
	v59 =	vxor.u32 v24, v38;
	v38 =	vxor.u32 v38, v18;
	v63 =	vmul.f32 v21, v51  }
0xe3: {  	v55 =	vld.idx.msk [tilespmem:v57+s12+$0x0], $0xffff;
	v57 =	vxor.u32 v26, v39;
	v51 =	vmul.f32 v51, v5;
	v39 =	vxor.u32 v23, v39  }
0xe4: {  	[tilespmem:s23+$0xFFFFFFE0] =	vst v10;
	v26 =	vxor.u32 v26, v29;
	v29 =	vxor.u32 v23, v29;
	v52 =	vmul.bf16 v52, v54  }
0xe5: {  	[tilespmem:s23+$0xFFFFFFF0] =	vst v9;
	v35 =	vadd.bf16 v0, v35;
	v37 =	vmul.bf16 v42, v37;
	v49 =	vadd.bf16 v0, v49  }
0xe6: {  	v27 =	vld.idx.msk [tilespmem:v27+s12+$0x0], $0xffff;
	v42 =	vpack.i.f32.bf16 v60, v60;
	v54 =	vpack.i.f32.bf16 v63, v63;
	v60 =	vmul.f32 v22, v47  }
0xe7: {  	v51 =	vpack.i.f32.bf16 v51, v51;
	v31 =	vmul.bf16 v34, v31;
	v43 =	vmul.bf16 v43, v53;
	v62 =	vld.idx.msk [tilespmem:v58+s12+$0x0], $0xffff  }
0xe8: {  	v58 =	vxor.u32 v25, v40;
	v53 =	vpack.i.f32.bf16 v61, v61;
	v36 =	vld.idx.msk [tilespmem:v36+s12+$0x0], $0xffff;
	v40 =	vxor.u32 v20, v40  }
0xe9: {  	v25 =	vxor.u32 v25, v30;
	v20 =	vxor.u32 v20, v30;
	v52 =	vadd.bf16 v0, v52;
	v34 =	vld.idx.msk [tilespmem:v59+s12+$0x0], $0xffff  }
0xea: {  	v37 =	vadd.bf16 v37, v49;
	v31 =	vadd.bf16 v31, v35;
	v42 =	vmul.bf16 v55, v42;
	v38 =	vld.idx.msk [tilespmem:v38+s12+$0x0], $0xffff  }
0xeb: {  	v59 =	vxor.u32 v24, v41;
	v41 =	vxor.u32 v18, v41;
	v63 =	vld.idx.msk [tilespmem:v57+s12+$0x0], $0xffff;
	v27 =	vmul.bf16 v27, v45  }
0xec: {  	v24 =	vxor.u32 v24, v28;
	v55 =	vpack.i.f32.bf16 v4, v4;
	v4 =	vld.idx.msk [tilespmem:v8+s12+$0x0], $0xffff;
	v57 =	vmul.f32 v7, v47  }
0xed: {  	v8 =	vxor.u32 v18, v28;
	v43 =	vadd.bf16 v43, v52;
	v10 =	vadd.bf16 v42, v31;
	v52 =	vld.idx.msk [tilespmem:v58+s12+$0x0], $0xffff  }
0xee: {  	v31 =	vpack.i.f32.bf16 v60, v60;
	v35 =	vmul.bf16 v62, v53;
	v62 =	vmul.f32 v21, v50;
	v58 =	vld.idx.msk [tilespmem:v39+s12+$0x0], $0xffff  }
0xef: {  	v49 =	vmul.bf16 v36, v48;
	v27 =	vadd.bf16 v27, v10;
	v10 =	vmul.f32 v14, v12;
	v12 =	vld.idx.msk [tilespmem:v25+s12+$0x0], $0xffff  }
0xf0: {  	v34 =	vmul.bf16 v34, v54;
	v9 =	vadd.bf16 v35, v37;
	v53 =	vmul.bf16 v38, v51;
	v54 =	vld.idx.msk [tilespmem:v59+s12+$0x0], $0xffff  }
0xf1: {  	v33 =	vpack.i.f32.bf16 v62, v62;
	v59 =	vld.idx.msk [tilespmem:v40+s12+$0x0], $0xffff;
	v62 =	vpack.i.f32.bf16 v57, v57;
	v25 =	vmul.f32 v22, v10  }
0xf2: {  	v60 =	vld.idx.msk [tilespmem:v41+s12+$0x0], $0xffff;
	v61 =	vadd.bf16 v34, v43;
	v15 =	vadd.bf16 v49, v9;
	v9 =	vmul.f32 v17, v16  }
0xf3: {  	v17 =	vmul.bf16 v63, v55;
	v16 =	vld.idx.msk [tilespmem:v26+s12+$0x0], $0xffff;
	v26 =	vpack.i.f32.bf16 v56, v56;
	v63 =	vpack.i.f32.bf16 v13, v13  }
0xf4: {  	v13 =	vld.idx.msk [tilespmem:v24+s12+$0x0], $0xffff;
	v31 =	vmul.bf16 v52, v31;
	v24 =	vmul.bf16 v58, v26;
	v14 =	vadd.bf16 v53, v61  }
0xf5: {  	v23 =	vadd.bf16 v17, v27;
	v27 =	vmul.f32 v21, v9;
	v61 =	vmul.bf16 v54, v33  }
0xf6: {  	v21 =	vpack.i.f32.bf16 v25, v25;
	v17 =	vadd.bf16 v31, v15;
	v22 =	vmul.bf16 v59, v62;
	v15 =	vld.idx.msk [tilespmem:v20+s12+$0x0], $0xffff  }
0xf7: {  	s25 =	simm.s32 $0x40;
	s26 =	simm.s32 $0x20A0;
	v25 =	vmul.bf16 v60, v63;
	v20 =	vpack.i.f32.bf16 v27, v27;
	v18 =	vadd.bf16 v61, v14;
	v14 =	vld.idx.msk [tilespmem:v29+s12+$0x0], $0xffff  }
.LBB2_3:
0xf8: {  	v26 =	vld [tilespmem:s26+$0x10];
	s25 =	sadd.s32 $0x40, s25;
	v23 =	vadd.bf16 v24, v23;
	v6 =	vmul.f32 v6, v11;
	v7 =	vmul.f32 v7, v10;
	s21 =	sadd.s32 $0x40, s21  }
0xf9: {  	v11 =	vadd.bf16 v22, v17;
	v5 =	vmul.f32 v5, v9;
	s22 =	sadd.s32 $0x40, s22;
	v10 =	vld [tilespmem:s21+$0x10];
	p0 =	slt.u32 s25, $0x1FC0;
	v17 =	vadd.bf16 v25, v18  }
0xfa: {  	v16 =	vmul.bf16 v16, v19;
	v12 =	vmul.bf16 v12, v21;
	v9 =	vld [tilespmem:s22+$0x10];
	v6 =	vpack.i.f32.bf16 v6, v6  }
0xfb: {  	v13 =	vmul.bf16 v13, v20;
	v7 =	vpack.i.f32.bf16 v7, v7;
	v5 =	vpack.i.f32.bf16 v5, v5;
	v18 =	vld [tilespmem:s26+$0xFFFFFFE0]  }
0xfc: {  	v16 =	vadd.bf16 v16, v23;
	v11 =	vadd.bf16 v12, v11;
	v6 =	vmul.bf16 v14, v6;
	v19 =	vld [tilespmem:s26+$0xFFFFFFF0]  }
0xfd: {  	v13 =	vadd.bf16 v13, v17;
	v7 =	vmul.bf16 v15, v7;
	v12 =	vld [tilespmem:s26+$0x0];
	v14 =	vmul.f32 v26, v1  }
0xfe: {  	v4 =	vmul.bf16 v4, v2;
	v2 =	vmovc v5;
	v6 =	vadd.bf16 v6, v16;
	v15 =	vld [tilespmem:s22+$0xFFFFFFF0];
	v10 =	vmul.f32 v10, v1  }
0xff: {  	v7 =	vadd.bf16 v7, v11;
	v16 =	vld [tilespmem:s22+$0x0];
	v9 =	vmul.f32 v9, v1;
	v5 =	vtrunc.f32 v14  }
0x100: {  	v4 =	vadd.bf16 v4, v3;
	v3 =	vmovc v13;
	v11 =	vld [tilespmem:s22+$0xFFFFFFE0];
	v17 =	vcvt.f32.s32 v5;
	v5 =	vtrunc.f32 v10;
	[tilespmem:s24+$0xFFFFFFE0] =	vst v6  }
0x101: {  	v13 =	vld [tilespmem:s21+$0xFFFFFFE0];
	v6 =	vtrunc.f32 v9;
	v20 =	vcvt.f32.s32 v5;
	[tilespmem:s24+$0xFFFFFFF0] =	vst v7  }
0x102: {  	v5 =	vmul.f32 v18, v1;
	v18 =	vld [tilespmem:s21+$0xFFFFFFF0];
	v21 =	vcvt.f32.s32 v6;
	v22 =	vmul.u32 $0x9E3779B1, v17;
	[tilespmem:s23+$0x0] =	vst v4;
	s23 =	smov.u32 s24  }
0x103: {  	v7 =	vmul.f32 v19, v1;
	v6 =	vmul.f32 v12, v1;
	v12 =	vld [tilespmem:s21+$0x0];
	v19 =	vmul.u32 $0x30025795, v20  }
0x104: {  	v23 =	vand.u32 $0xFFFF, v21;
	v24 =	vadd.s32 $0x1, v21;
	v25 =	vand.u32 $0xFFFF, v22;
	v4 =	vld.idx.msk [tilespmem:v8+s12+$0x0], $0xffff  }
0x105: {  	v8 =	vcvt.s32.f32 v21;
	v21 =	vand.u32 $0xFFFF, v19;
	v26 =	vxor.u32 v23, v25  }
0x106: {  	v17 =	vcvt.s32.f32 v17;
	v19 =	vadd.s32 $0x5795, v19;
	v27 =	vxor.u32 v21, v26  }
0x107: {  	v20 =	vcvt.s32.f32 v20;
	v24 =	vand.u32 $0xFFFF, v24;
	v19 =	vand.u32 $0xFFFF, v19  }
0x108: {  	v8 =	vsub.f32 v9, v8;
	v9 =	vsub.f32 v14, v17;
	v14 =	vxor.u32 v26, v19  }
0x109: {  	v10 =	vsub.f32 v10, v20;
	v17 =	vadd.s32 $0x79B1, v22;
	v20 =	vxor.u32 v24, v25  }
0x10a: {  	v26 =	vxor.u32 v21, v20;
	v22 =	vsub.f32 $1.000000000e+00, v8;
	v25 =	vsub.f32 $1.000000000e+00, v9  }
0x10b: {  	v28 =	vmul.f32 v15, v1;
	v11 =	vmul.f32 v11, v1;
	v17 =	vand.u32 $0xFFFF, v17;
	v27 =	vld.idx.msk [tilespmem:v27+s12+$0x0], $0xffff  }
0x10c: {  	v29 =	vsub.f32 $1.000000000e+00, v10;
	v20 =	vxor.u32 v20, v19;
	v15 =	vmul.f32 v25, v22  }
0x10d: {  	v30 =	vtrunc.f32 v5;
	v16 =	vmul.f32 v16, v1;
	v23 =	vxor.u32 v23, v17;
	v31 =	vld.idx.msk [tilespmem:v14+s12+$0x0], $0xffff  }
0x10e: {  	v32 =	vtrunc.f32 v7;
	v34 =	vxor.u32 v21, v23;
	v33 =	vmul.f32 v29, v15  }
0x10f: {  	v23 =	vxor.u32 v19, v23;
	v14 =	vmul.f32 v13, v1;
	v13 =	vtrunc.f32 v6;
	v26 =	vld.idx.msk [tilespmem:v26+s12+$0x0], $0xffff  }
0x110: {  	v25 =	vmul.f32 v25, v8;
	v35 =	vmul.f32 v15, v10;
	v33 =	vpack.i.f32.bf16 v33, v33  }
0x111: {  	v17 =	vxor.u32 v24, v17;
	v15 =	vmul.f32 v18, v1;
	v18 =	vmul.bf16 v27, v33;
	v20 =	vld.idx.msk [tilespmem:v20+s12+$0x0], $0xffff  }
0x112: {  	v21 =	vxor.u32 v21, v17;
	v24 =	vpack.i.f32.bf16 v35, v35;
	v27 =	vmul.f32 v29, v25  }
0x113: {  	v17 =	vxor.u32 v19, v17;
	v18 =	vadd.bf16 v0, v18;
	v24 =	vmul.bf16 v31, v24;
	v31 =	vld.idx.msk [tilespmem:v34+s12+$0x0], $0xffff  }
0x114: {  	v19 =	vmul.f32 v9, v22;
	v25 =	vmul.f32 v25, v10;
	v22 =	vpack.i.f32.bf16 v27, v27  }
0x115: {  	v27 =	vmul.f32 v12, v1;
	v12 =	vadd.bf16 v24, v18;
	v18 =	vmul.bf16 v26, v22;
	v22 =	vld.idx.msk [tilespmem:v23+s12+$0x0], $0xffff  }
0x116: {  	v24 =	vpack.i.f32.bf16 v25, v25;
	v25 =	vmul.f32 v29, v19;
	v23 =	vtrunc.f32 v11  }
0x117: {  	v26 =	vtrunc.f32 v28;
	v12 =	vadd.bf16 v18, v12;
	v18 =	vmul.bf16 v20, v24;
	v20 =	vld.idx.msk [tilespmem:v21+s12+$0x0], $0xffff  }
0x118: {  	v8 =	vmul.f32 v9, v8;
	v19 =	vmul.f32 v10, v19;
	v9 =	vpack.i.f32.bf16 v25, v25  }
0x119: {  	v21 =	vtrunc.f32 v16;
	v12 =	vadd.bf16 v18, v12;
	v9 =	vmul.bf16 v31, v9;
	v17 =	vld.idx.msk [tilespmem:v17+s12+$0x0], $0xffff  }
0x11a: {  	v19 =	vpack.i.f32.bf16 v19, v19;
	v24 =	vmul.f32 v29, v8;
	v18 =	vcvt.f32.s32 v30  }
0x11b: {  	v25 =	vcvt.f32.s32 v32;
	v9 =	vadd.bf16 v9, v12;
	v12 =	vmul.bf16 v22, v19  }
0x11c: {  	v13 =	vcvt.f32.s32 v13;
	v8 =	vmul.f32 v10, v8;
	v19 =	vpack.i.f32.bf16 v24, v24  }
0x11d: {  	v24 =	vcvt.f32.s32 v23;
	v9 =	vadd.bf16 v12, v9;
	v10 =	vmul.bf16 v20, v19  }
0x11e: {  	v8 =	vpack.i.f32.bf16 v8, v8;
	v19 =	vcvt.f32.s32 v26;
	v20 =	vcvt.f32.s32 v21  }
0x11f: {  	v12 =	vtrunc.f32 v14;
	v9 =	vadd.bf16 v10, v9;
	v8 =	vmul.bf16 v17, v8  }
0x120: {  	v26 =	vmul.u32 $0x9E3779B1, v18;
	v10 =	vtrunc.f32 v15;
	v17 =	vtrunc.f32 v27  }
0x121: {  	v12 =	vcvt.f32.s32 v12;
	v21 =	vcvt.f32.s32 v10;
	v8 =	vadd.bf16 v8, v9  }
0x122: {  	s24 =	sadd.s32 $0x40, s24;
	v29 =	vmul.u32 $0x9E3779B1, v25;
	v17 =	vcvt.f32.s32 v17;
	v9 =	vcvt.s32.f32 v24  }
0x123: {  	v30 =	vmul.u32 $0x9E3779B1, v13;
	v10 =	vcvt.s32.f32 v18;
	v18 =	vcvt.s32.f32 v19;
	[tilespmem:s24+$0x10] =	vst v8  }
0x124: {  	v22 =	vcvt.s32.f32 v25;
	v23 =	vcvt.s32.f32 v20;
	v31 =	vmul.u32 $0x30025795, v12  }
0x125: {  	v13 =	vcvt.s32.f32 v13;
	v25 =	vmul.u32 $0x30025795, v21;
	v32 =	vmul.u32 $0x30025795, v17  }
0x126: {  	v9 =	vsub.f32 v11, v9;
	v11 =	vsub.f32 v5, v10;
	v5 =	vcvt.s32.f32 v12  }
0x127: {  	v10 =	vsub.f32 v7, v22;
	v7 =	vcvt.s32.f32 v21;
	v8 =	vsub.f32 v28, v18  }
0x128: {  	v13 =	vsub.f32 v6, v13;
	v17 =	vcvt.s32.f32 v17;
	v12 =	vsub.f32 v16, v23  }
0x129: {  	v33 =	vand.u32 $0xFFFF, v29;
	v34 =	vand.u32 $0xFFFF, v30;
	v28 =	vand.u32 $0xFFFF, v26  }
0x12a: {  	v35 =	vand.u32 $0xFFFF, v24;
	v36 =	vand.u32 $0xFFFF, v19;
	v37 =	vand.u32 $0xFFFF, v20  }
0x12b: {  	v38 =	vxor.u32 v36, v33;
	v39 =	vxor.u32 v37, v34;
	v21 =	vxor.u32 v35, v28  }
0x12c: {  	v22 =	vand.u32 $0xFFFF, v31;
	v18 =	vand.u32 $0xFFFF, v25;
	v16 =	vand.u32 $0xFFFF, v32  }
0x12d: {  	v40 =	vsub.f32 $1.000000000e+00, v9;
	v41 =	vsub.f32 $1.000000000e+00, v11;
	v42 =	vxor.u32 v22, v21  }
0x12e: {  	v43 =	vsub.f32 $1.000000000e+00, v10;
	v44 =	vxor.u32 v18, v38;
	v23 =	vsub.f32 $1.000000000e+00, v8  }
0x12f: {  	v46 =	vsub.f32 $1.000000000e+00, v13;
	v45 =	vsub.f32 $1.000000000e+00, v12;
	v47 =	vxor.u32 v16, v39  }
0x130: {  	v6 =	vsub.f32 v14, v5;
	v14 =	vadd.s32 $0x5795, v31;
	v7 =	vsub.f32 v15, v7  }
0x131: {  	v15 =	vadd.s32 $0x5795, v25;
	v5 =	vsub.f32 v27, v17;
	v25 =	vadd.s32 $0x5795, v32  }
0x132: {  	v17 =	vand.u32 $0xFFFF, v14;
	v15 =	vand.u32 $0xFFFF, v15;
	v14 =	vand.u32 $0xFFFF, v25;
	v27 =	vld.idx.msk [tilespmem:v42+s12+$0x0], $0xffff  }
0x133: {  	v24 =	vadd.s32 $0x1, v24;
	v25 =	vmul.f32 v41, v40;
	v31 =	vmul.f32 v43, v23;
	v32 =	vld.idx.msk [tilespmem:v44+s12+$0x0], $0xffff  }
0x134: {  	v48 =	vmul.f32 v46, v45;
	v42 =	vadd.s32 $0x1, v19;
	v44 =	vadd.s32 $0x1, v20;
	v47 =	vld.idx.msk [tilespmem:v47+s12+$0x0], $0xffff  }
0x135: {  	v49 =	vxor.u32 v21, v17;
	v21 =	vsub.f32 $1.000000000e+00, v7;
	v19 =	vsub.f32 $1.000000000e+00, v6  }
0x136: {  	v38 =	vxor.u32 v38, v15;
	v39 =	vxor.u32 v39, v14;
	v20 =	vsub.f32 $1.000000000e+00, v5  }
0x137: {  	v24 =	vand.u32 $0xFFFF, v24;
	v42 =	vand.u32 $0xFFFF, v42;
	v44 =	vand.u32 $0xFFFF, v44  }
0x138: {  	v28 =	vxor.u32 v24, v28;
	v50 =	vmul.f32 v19, v25;
	v33 =	vxor.u32 v42, v33  }
0x139: {  	v51 =	vmul.f32 v21, v31;
	v34 =	vxor.u32 v44, v34;
	v52 =	vmul.f32 v20, v48  }
0x13a: {  	v53 =	vxor.u32 v22, v28;
	v54 =	vxor.u32 v18, v33;
	v55 =	vxor.u32 v16, v34;
	v49 =	vld.idx.msk [tilespmem:v49+s12+$0x0], $0xffff  }
0x13b: {  	v51 =	vpack.i.f32.bf16 v51, v51;
	v50 =	vpack.i.f32.bf16 v50, v50;
	v52 =	vpack.i.f32.bf16 v52, v52;
	v38 =	vld.idx.msk [tilespmem:v38+s12+$0x0], $0xffff  }
0x13c: {  	v26 =	vadd.s32 $0x79B1, v26;
	v31 =	vmul.f32 v31, v7;
	v25 =	vmul.f32 v25, v6;
	v39 =	vld.idx.msk [tilespmem:v39+s12+$0x0], $0xffff  }
0x13d: {  	v29 =	vadd.s32 $0x79B1, v29;
	v30 =	vadd.s32 $0x79B1, v30;
	v48 =	vmul.f32 v48, v5  }
0x13e: {  	v41 =	vmul.f32 v41, v9;
	v28 =	vxor.u32 v28, v17;
	v43 =	vmul.f32 v43, v8  }
0x13f: {  	v46 =	vmul.f32 v46, v12;
	v33 =	vxor.u32 v33, v15;
	v27 =	vmul.bf16 v27, v50;
	v50 =	vld.idx.msk [tilespmem:v53+s12+$0x0], $0xffff  }
0x140: {  	v34 =	vxor.u32 v34, v14;
	v32 =	vmul.bf16 v32, v51;
	v47 =	vmul.bf16 v47, v52;
	v51 =	vld.idx.msk [tilespmem:v54+s12+$0x0], $0xffff  }
0x141: {  	v29 =	vand.u32 $0xFFFF, v29;
	v30 =	vand.u32 $0xFFFF, v30;
	v26 =	vand.u32 $0xFFFF, v26;
	v52 =	vld.idx.msk [tilespmem:v55+s12+$0x0], $0xffff  }
0x142: {  	v31 =	vpack.i.f32.bf16 v31, v31;
	v25 =	vpack.i.f32.bf16 v25, v25;
	v48 =	vpack.i.f32.bf16 v48, v48  }
0x143: {  	v36 =	vxor.u32 v36, v29;
	v37 =	vxor.u32 v37, v30;
	v35 =	vxor.u32 v35, v26;
	v28 =	vld.idx.msk [tilespmem:v28+s12+$0x0], $0xffff  }
0x144: {  	v27 =	vadd.bf16 v0, v27;
	v53 =	vmul.f32 v19, v41;
	v54 =	vmul.f32 v21, v43;
	v33 =	vld.idx.msk [tilespmem:v33+s12+$0x0], $0xffff  }
0x145: {  	v32 =	vadd.bf16 v0, v32;
	v47 =	vadd.bf16 v0, v47;
	v55 =	vmul.f32 v20, v46;
	v34 =	vld.idx.msk [tilespmem:v34+s12+$0x0], $0xffff  }
0x146: {  	v25 =	vmul.bf16 v49, v25;
	v49 =	vxor.u32 v22, v35;
	v31 =	vmul.bf16 v38, v31  }
0x147: {  	v38 =	vxor.u32 v18, v36;
	v39 =	vmul.bf16 v39, v48;
	v48 =	vxor.u32 v16, v37  }
0x148: {  	v53 =	vpack.i.f32.bf16 v53, v53;
	v54 =	vpack.i.f32.bf16 v54, v54;
	v55 =	vpack.i.f32.bf16 v55, v55  }
0x149: {  	v25 =	vadd.bf16 v25, v27;
	v27 =	vmul.f32 v41, v6;
	v41 =	vmul.f32 v43, v7  }
0x14a: {  	v40 =	vmul.f32 v11, v40;
	v31 =	vadd.bf16 v31, v32;
	v32 =	vmul.f32 v46, v5  }
0x14b: {  	v45 =	vmul.f32 v13, v45;
	v23 =	vmul.f32 v10, v23;
	v39 =	vadd.bf16 v39, v47;
	v43 =	vld.idx.msk [tilespmem:v49+s12+$0x0], $0xffff  }
0x14c: {  	v35 =	vxor.u32 v17, v35;
	v46 =	vmul.bf16 v50, v53;
	v47 =	vmul.bf16 v51, v54;
	v38 =	vld.idx.msk [tilespmem:v38+s12+$0x0], $0xffff  }
0x14d: {  	v36 =	vxor.u32 v15, v36;
	v37 =	vxor.u32 v14, v37;
	v49 =	vmul.bf16 v52, v55;
	v48 =	vld.idx.msk [tilespmem:v48+s12+$0x0], $0xffff  }
0x14e: {  	v27 =	vpack.i.f32.bf16 v27, v27;
	v41 =	vpack.i.f32.bf16 v41, v41;
	v32 =	vpack.i.f32.bf16 v32, v32  }
0x14f: {  	v24 =	vxor.u32 v24, v26;
	v26 =	vxor.u32 v42, v29;
	v29 =	vxor.u32 v44, v30  }
0x150: {  	v42 =	vmul.f32 v21, v23;
	v30 =	vmul.f32 v19, v40;
	v25 =	vadd.bf16 v46, v25  }
0x151: {  	v44 =	vmul.f32 v20, v45;
	v31 =	vadd.bf16 v47, v31;
	v39 =	vadd.bf16 v49, v39;
	v35 =	vld.idx.msk [tilespmem:v35+s12+$0x0], $0xffff  }
0x152: {  	v22 =	vxor.u32 v22, v24;
	v27 =	vmul.bf16 v28, v27;
	v28 =	vmul.bf16 v33, v41;
	v33 =	vld.idx.msk [tilespmem:v36+s12+$0x0], $0xffff  }
0x153: {  	v18 =	vxor.u32 v18, v26;
	v32 =	vmul.bf16 v34, v32;
	v36 =	vxor.u32 v16, v29;
	v34 =	vld.idx.msk [tilespmem:v37+s12+$0x0], $0xffff  }
0x154: {  	v30 =	vpack.i.f32.bf16 v30, v30;
	v41 =	vpack.i.f32.bf16 v44, v44;
	v37 =	vpack.i.f32.bf16 v42, v42  }
0x155: {  	v23 =	vmul.f32 v7, v23;
	v25 =	vadd.bf16 v27, v25;
	v27 =	vmul.f32 v6, v40  }
0x156: {  	v11 =	vmul.f32 v11, v9;
	v28 =	vadd.bf16 v28, v31;
	v31 =	vmul.f32 v5, v45  }
0x157: {  	v9 =	vmul.f32 v13, v12;
	v10 =	vmul.f32 v10, v8;
	v16 =	vld.idx.msk [tilespmem:v22+s12+$0x0], $0xffff;
	v22 =	vadd.bf16 v32, v39  }
0x158: {  	v30 =	vmul.bf16 v43, v30;
	v32 =	vxor.u32 v17, v24;
	v17 =	vmul.bf16 v38, v37;
	v12 =	vld.idx.msk [tilespmem:v18+s12+$0x0], $0xffff  }
0x159: {  	v8 =	vxor.u32 v14, v29;
	v15 =	vxor.u32 v15, v26;
	v18 =	vmul.bf16 v48, v41;
	v13 =	vld.idx.msk [tilespmem:v36+s12+$0x0], $0xffff  }
.Ltmp0:
0x15a: {  	v26 =	vpack.i.f32.bf16 v23, v23;
	v14 =	vpack.i.f32.bf16 v27, v27;
	v27 =	vpack.i.f32.bf16 v31, v31;
	(pc) =	sbr.rel @p0 .LBB2_3-.Ltmp0, $4  }
0x15b: {  	v19 =	vmul.f32 v19, v11;
	v21 =	vmul.f32 v21, v10;
	v23 =	vadd.bf16 v30, v25  }
0x15c: {  	v20 =	vmul.f32 v20, v9;
	v17 =	vadd.bf16 v17, v28;
	v18 =	vadd.bf16 v18, v22  }
0x15d: {  	v19 =	vpack.i.f32.bf16 v19, v19;
	v24 =	vmul.bf16 v35, v14;
	v22 =	vmul.bf16 v33, v26;
	v14 =	vld.idx.msk [tilespmem:v32+s12+$0x0], $0xffff  }
0x15e: {  	s26 =	sadd.s32 $0x40, s26;
	v21 =	vpack.i.f32.bf16 v21, v21;
	v20 =	vpack.i.f32.bf16 v20, v20;
	v25 =	vmul.bf16 v34, v27;
	v15 =	vld.idx.msk [tilespmem:v15+s12+$0x0], $0xffff  }
0x15f: {  	_ =	sdelay $0x1  }
0x160: {  	v6 =	vmul.f32 v6, v11  }
0x161: {  	v7 =	vmul.f32 v7, v10;
	v16 =	vmul.bf16 v16, v19  }
0x162: {  	v23 =	vadd.bf16 v24, v23;
	v8 =	vld.idx.msk [tilespmem:v8+s12+$0x0], $0xffff;
	v5 =	vmul.f32 v5, v9;
	v61 =	vmul.bf16 v12, v21  }
0x163: {  	v59 =	vadd.bf16 v22, v17;
	v13 =	vmul.bf16 v13, v20;
	v2 =	vmul.bf16 v4, v2  }
0x164: {  	v60 =	vadd.bf16 v25, v18;
	v6 =	vpack.i.f32.bf16 v6, v6;
	v7 =	vpack.i.f32.bf16 v7, v7  }
0x165: {  	v62 =	vadd.bf16 v16, v23;
	v9 =	vadd.bf16 v61, v59;
	v6 =	vmul.bf16 v14, v6  }
0x166: {  	v5 =	vpack.i.f32.bf16 v5, v5;
	v2 =	vadd.bf16 v2, v3;
	v7 =	vmul.bf16 v15, v7  }
0x167: {  	v63 =	vadd.bf16 v13, v60;
	v6 =	vadd.bf16 v6, v62;
	v5 =	vmul.bf16 v8, v5  }
0x168: {  	[tilespmem:s23+$0x0] =	vst v2;
	v7 =	vadd.bf16 v7, v9  }
0x169: {  	s20 =	sadd.s32 s10, s20;
	s19 =	sadd.s32 $0x1, s19;
	[tilespmem:s24+$0xFFFFFFE0] =	vst v6;
	v3 =	vadd.bf16 v5, v63  }
0x16a: {  	s20 =	sshrl.u32 s20, $0x3;
	p0 =	sne.s32 s19, $0x8;
	[tilespmem:s24+$0xFFFFFFF0] =	vst v7  }
.Ltmp1:
0x16b: {  	s20 =	sadd.s32 s2, s20;
	[tilespmem:s24+$0x0] =	vst v3;
	(pc) =	sbr.rel @p0 .LBB2_2-.Ltmp1, $4  }
0x16c: {  	[hbm4b:s20+s3] =	stream.linear.scatter [tilespmem:s17], [sflag:$0x1], $0x2000, $0x38;
	[tilespmem:$0x18080] =	vst v63  }
0x16d: {  	_ =	swait.ge [sflag:s13], $0x2000  }
0x16e: {  	[sflag:s13] =	ssyncset.done $0x0  }
0x16f: {  	[sflag:s13] =	ssyncadd.s32 $0xFFFFE000  }
0x170: {  	s18 =	sadd.s32 $0x1, s18  }
0x171: {  	p0 =	sne.s32 s18, s11  }
.Ltmp2:
0x172: {  	_ = 	snop;
	(pc) =	sbr.rel @p0 .LBB2_1-.Ltmp2, $1  }
0x173: {  	_ =	sdelay $0x3  }
0x174: {  	_ =	sfence.sel $0x180000  }
0x175: {  	[bflag:$0x0] =	sbarrier.arrive $0xFFFF  }
0x176: {  	p0 =	sne.s32 s0, $0x0;
	_ =	strace $0x90000050  }
0x177: {  	s0 =	sadd.s32 @!p0 $0x100000, s1;
	[bflag:$0x2] =	sbarrier.arrive $0xFFFF  }
0x178: {  	[sflag:s0] =	ssyncadd.tile.s32 @!p0 $0x1;
	_ =	shalt  }
.Lfunc_end2:
_tile_overlayer_lowered:
.L_overlay_start_2:
0x179: {  	(tag) =	ssettag $0x2  }
0x17a: {  	s0 =	rddreg [dreg:$0x0];
	s2 =	stileid.u32  }
0x17b: {  	s1 =	rddreg [dreg:$0x1];
	p0 =	sne.s32 s2, $0x0  }
0x17c: {  	s3 =	rddreg [dreg:$0x2];
	[bflag:$0x3] =	sbarrier.arrive $0xFFFF;
	s2 =	simm.s32 @!p0 $0x1C01  }
0x17d: {  	[timem:s3], [sflag:s2] =	dma.local @!p0 [hbm:s0], s1  }
0x17e: {  	s0 =	simm.s32 @!p0 $0x1  }
0x17f: {  	_ =	swait.ge @!p0 [sflag:s0], s1  }
0x180: {  	s1 =	ssub.s32 @!p0 $0x0, s1;
	[sflag:s0] =	ssyncset.done @!p0 $0x0  }
0x181: {  	[sflag:s0] =	ssyncadd.s32 @!p0 s1  }
0x182: {  	[bflag:$0x3] =	sbarrier.arrive $0xFFFF  }
0x183: {  	_ =	shalt  }

// kernel: sparse-core-data-format-call.cloned.1.call-start
scs
called_computation_lowered:
.L_overlay_start_0:
0x0: {  	s2 =	sld [smem:$0x3FD9]  }
0x1: {  	s3 =	sld [smem:$0x3FFE];
	_ =	sdelay $0x1  }
0x2: {  	s1 =	srdreg.scid  }
0x3: {  	s0 =	sand.u32 $0x1, s1  }
0x4: {  	s18 =	sshll.u32 s0, $0xA;
	s2 =	sadd.s32 s3, s2  }
0x5: {  	s2 =	sadd.s32 s2, s18  }
0x6: {  	[smem:$0x3FC3] =	sst s2  }
0x7: {  	_ = 	snop  }
0x8: {  	s2 =	sld [smem:$0x3FD0];
	(tm) =	ssettm $0x1  }
0x9: {  	s19 =	sld [smem:$0x3FFB];
	_ =	sdelay $0x3  }
0xa: {  	_ =	strace s19  }
0xb: {  	s3 =	sld [smem:$0x3FFC];
	_ =	sdelay $0x3  }
0xc: {  	_ =	strace s3  }
0xd: {  	s3 =	sld [smem:$0x3FFD];
	_ =	sdelay $0x3  }
0xe: {  	_ =	strace s3  }
0xf: {  	_ =	strace $0x8FFFFFFF  }
0x10: {  	s20 =	sld [smem:$0x3FDB];
	_ =	sdelay $0x1  }
0x11: {  	s4 =	simm.s32 $_scs_section_size  }
0x12: {  	s5 =	simm.s32 $_size__tile_overlayer_lowered;
	s6 =	simm.s32 $_tile_overlayer_lowered  }
0x13: {  	s23 =	simm.s32 $0x1BFF;
	s22 =	sshll.u32 s6, $0x1;
	s3 =	sadd.s32 s4, s20  }
0x14: {  	s7 =	simm.s32 $0x0;
	s21 =	sshll.u32 s5, $0x1;
	s5 =	sadd.s32 s22, s3  }
0x15: {  	[timem:s7], [sflag:s23] =	dma.local [hbm:s5], s21  }
0x16: {  	_ =	swait.ge [sflag:s23], s21  }
0x17: {  	s4 =	ssub.s32 $0x0, s21;
	[sflag:s23] =	ssyncset.done $0x0  }
0x18: {  	[sflag:s23] =	ssyncadd.s32 s4;
	_ =	sdelay $0x1  }
0x19: {  	s24 =	simm.s32 $0x1B8B  }
0x1a: {  	_ =	swait.ge [sflag:s24], $0x1  }
0x1b: {  	[sflag:s24] =	ssyncset.done $0x0  }
0x1c: {  	s26 =	simm.s32 $0x1B8E;
	s25 =	sld [smem:$0x3FFE];
	[sflag:s24] =	ssyncadd.s32 $0xFFFFFFFF  }
0x1d: {  	s27 =	simm.s32 $execute0_lowered;
	[smem:$0x3FD2] =	sst s26  }
0x1e: {  	s5 =	sshll.u32 s27, $0x1;
	_ =	strace $0x80000052;
	[dreg:$0x1] =	wrdreg $0xFFFFFFFF  }
0x1f: {  	s28 =	simm.s32 $_size_execute0_lowered;
	s3 =	sadd.s32 s3, s5;
	[dreg:$0x0] =	wrdreg $0x0  }
0x20: {  	s5 =	sshll.u32 s28, $0x1;
	[dreg:$0x2] =	wrdreg s3  }
0x21: {  	[dreg:$0x3] =	wrdreg s5  }
0x22: {  	[dreg:$0x4] =	wrdreg $0xC0  }
0x23: {  	_ =	task [dreg:s7], $0x5FFFF  }
0x24: {  	[dreg:$0x1] =	wrdreg $0xFFFFFFFF  }
0x25: {  	[dreg:$0x0] =	wrdreg $0x60  }
0x26: {  	[dreg:$0x2] =	wrdreg s25  }
0x27: {  	[dreg:$0x3] =	wrdreg s2  }
0x28: {  	[dreg:$0x4] =	wrdreg $0x9  }
0x29: {  	_ =	task.clear_ibuf [dreg:s7], $0x5FFFF;
	_ =	strace $0x90000052  }
0x2a: {  	s29 =	simm.s32 $0x9;
	_ =	strace $0x80000054  }
0x2b: {  	_ =	swait.ge [sflag:s29], $0x1  }
0x2c: {  	[sflag:s29] =	ssyncadd.s32 $0xFFFFFFFF  }
0x2d: {  	_ =	strace $0x90000054  }
0x2e: {  	_ =	sfence  }
0x2f: {  	s30 =	sld [smem:$0x0];
	_ =	sdelay $0x2  }
0x30: {  	s31 =	sshll.u32 s1, $0xD;
	s1 =	sshrl.u32 s1, $0x2  }
0x31: {  	s3 =	sand.u32 $0x4000, s31;
	s1 =	sadd.s32 s1, s30  }
0x32: {  	s0 =	sor.u32 s3, s0;
	s1 =	sshll.u32 s1, $0x11  }
0x33: {  	s0 =	sor.u32 s1, s0  }
0x34: {  	s0 =	sadd.s32 $0x8F2B, s0  }
0x35: {  	[sflag:s0] =	ssyncadd.remote.s32 $0x1  }
0x36: {  	_ =	sfence.sel $0xFFFF  }
0x37: {  	[dreg:$0x0] =	wrdreg $0xFFFFFFFF;
	(pc) =	sbr.abs _section_cstart, $3  }
0x38: {  	[dreg:$0x1] =	wrdreg $0xFFFFFFFF  }
0x39: {  	_ =	task.clear_ibuf [dreg:s7], $0x2FFFF;
	_ =	strace $0x9FFFFFFF  }
0x3a: {  	(tm) =	ssettm $0x7FFFFFFF  }
0x3b: {  	_ =	shalt  }
tec
execute0_lowered:
.L_overlay_start_1:
0x0: {  	(tag) =	ssettag $0x1  }
0x1: {  	s0 =	srdreg.scid;
	s6 =	rddreg [dreg:$0x0]  }
0x2: {  	s3 =	rddreg [dreg:$0x1];
	s1 =	sshll.u32 s0, $0x4  }
0x3: {  	s7 =	simm.s32 $0x1;
	s0 =	stileid.u32;
	s1 =	sand.u32 $0x10, s1  }
0x4: {  	s8 =	simm.s32 $0x2;
	s13 =	simm.s32 $0x0;
	s1 =	sor.u32 s0, s1  }
0x5: {  	s9 =	simm.s32 $0x80000;
	s10 =	simm.s32 $0x0;
	s2 =	sshll.u32 s1, $0x1  }
0x6: {  	s12 =	simm.s32 $0x0;
	s6 =	sadd.s32 $0x113200, s6;
	s5 =	ssub.s32 $0x1000, s2  }
.Ltmp0:
0x7: {  	s1 =	rddreg [dreg:$0x2];
	s4 =	sand.u32 $0x3E, s5;
	(pc) =	sbr.rel .LBB1_1-.Ltmp0, $4  }
0x8: {  	_ =	strace $0x80000053;
	s11 =	smov.u32 s2;
	p0 =	sne.s32 s4, $0x0  }
0x9: {  	s5 =	sshrl.u32 s5, $0x6;
	s4 =	simm.s32 $0x1;
	s7 =	simm.s32 @!p0 $0x0  }
0xa: {  	[sflag:s4] =	ssyncpa.u1 $0x0;
	p0 =	por $0x0, $0x0;
	s5 =	sadd.s32 s7, s5  }
0xb: {  	[sflag:s8] =	ssyncpa.u1 $0x0;
	s8 =	simm.s32 $0x100;
	s7 =	sadd.s32 $0x1, s5  }
.LBB1_7:
0xc: {  	p1 =	slt.u32 s12, $0x2  }
0xd: {  	p2 =	sgt.s32 @!p1 s13, $0xFFE  }
0xe: {  	s14 =	smov.u32 s13;
	s15 =	sshra.s32 @!p1 s13, $0x1F;
	p2 =	por !p2, p1  }
0xf: {  	s13 =	sand.u32 @!p1 s15, s13;
	s14 =	simm.s32 @p2 $0xFFE  }
0x10: {  	s13 =	ssub.s32 @!p1 s14, s13  }
0x11: {  	s14 =	ssub.s32 @!p1 $0x1000, s13  }
0x12: {  	s13 =	sadd.s32 @!p1 $0xFFFFF002, s13;
	s14 =	smul.u32 @!p1 $0x6E00, s14  }
0x13: {  	p2 =	sgt.s32 @!p1 s13, $0x1  }
0x14: {  	s15 =	sadd.s32 $0x40, s11;
	p2 =	por !p2, p1;
	s13 =	sshrl.u32 @!p1 s14, $0x2  }
0x15: {  	s13 =	simm.s32 @!p2 $0x0;
	p2 =	sgt.s32 s15, $0xFFF  }
0x16: {  	s15 =	smov.u32 @p2 s2;
	p2 =	sne.s32 s12, s7  }
.Ltmp1:
0x17: {  	_ = 	snop;
	(pc) =	sbr.rel @!p2 .LBB1_8-.Ltmp1, $4  }
0x18: {  	s14 =	simm.s32 @!p1 $0x2  }
0x19: {  	p0 =	por !p0, !p0;
	_ =	swait.ge @!p1 [sflag:s14], s13;
	s16 =	ssub.s32 @!p1 $0x0, s13  }
0x1a: {  	s13 =	smov.u32 s10;
	s12 =	sadd.s32 $0x1, s12;
	[sflag:s14] =	ssyncset.done @!p1 $0x0  }
0x1b: {  	s10 =	smov.u32 s11;
	s11 =	smov.u32 s15;
	[sflag:s14] =	ssyncadd.s32 @!p1 s16  }
.LBB1_1:
0x1c: {  	p1 =	sge.u32 s12, s5  }
0x1d: {  	s31 =	sadd.s32 $0xFFFFFFFF, s12;
	s14 =	sxor.u32 @!p1 $0xFFFFFFFF, s12  }
0x1e: {  	s15 =	sshll.u32 @!p1 s11, $0xB;
	s16 =	simm.s32 @!p1 $0x40;
	s14 =	sshll.u32 @!p1 s14, $0xE  }
0x1f: {  	s17 =	simm.s32 @!p1 $0x80;
	s15 =	sadd.s32 @!p1 s6, s15;
	s14 =	sand.u32 @!p1 $0x4000, s14  }
0x20: {  	[tilespmem:s14], [sflag:$0x1] =	stream.strided.gather @!p1 [hbm4b:s15+s16], $0x4000, s17, s16, $0x38;
	[tilespmem:$0x10100] =	vst v63  }
0x21: {  	p1 =	sge.u32 s31, s5  }
.Ltmp2:
0x22: {  	_ = 	snop;
	(pc) =	sbr.rel @p1 .LBB1_7-.Ltmp2, $1  }
0x23: {  	_ =	sdelay $0x3  }
0x24: {  	s14 =	simm.s32 $0x1;
	s16 =	sand.u32 $0x1, s12  }
0x25: {  	_ =	swait.ge [sflag:s4], $0x4000;
	s14 =	simm.s32 @!p0 $0x0;
	s16 =	smul.u32 $0x10200, s16  }
0x26: {  	p2 =	por $0x1, $0x1;
	[sflag:s4] =	ssyncset.done $0x0;
	s15 =	smul.u32 $0x10200, s14  }
0x27: {  	s17 =	sshll.u32 s14, $0x10;
	[sflag:s4] =	ssyncadd.s32 $0xFFFFC000;
	s30 =	sshrl.u32 s16, $0x2  }
0x28: {  	s31 =	sshrl.u32 s17, $0x2;
	s17 =	simm.s32 $0x0;
	s15 =	sshrl.u32 s15, $0x2  }
0x29: {  	s14 =	sor.u32 $0x8000, s30;
	s16 =	sadd.s32 $0x20, s31;
	s15 =	sor.u32 $0x8000, s15  }
.LBB1_3:
0x2a: {  	s18 =	sshll.u32 s17, $0xD  }
0x2b: {  	s18 =	sand.u32 $0x3FFFE000, s18  }
0x2c: {  	s20 =	sadd.s32 s18, s16  }
0x2d: {  	s31 =	smul.u32 $0x204, s17;
	v3 =	vld [tilespmem:s20+$0x10]  }
0x2e: {  	v1 =	vld [tilespmem:s20+$0xFFFFFFF0]  }
0x2f: {  	s17 =	sshra.s32 s31, $0x2;
	v0 =	vld [tilespmem:s20+$0x0]  }
0x30: {  	s17 =	sadd.s32 s17, s15;
	v2 =	vld [tilespmem:s20+$0xFFFFFFE0]  }
0x31: {  	s18 =	sadd.s32 $0x0, s17  }
0x32: {  	p1 =	por p2, p2;
	s19 =	simm.s32 $0x4;
	s20 =	sadd.s32 $0x40, s20;
	[tilespmem:s18+$0x3060 ss:$0x102] =	vst.msk $0xffff, v3  }
.LBB1_4:
0x33: {  	v3 =	vld [tilespmem:s20+$0x10];
	p2 =	sne.s32 s19, $0x1FC;
	[tilespmem:s18+$0x1020 ss:$0x102] =	vst.msk $0xffff, v1;
	s21 =	smov.u32 s19;
	s19 =	sadd.s32 $0x4, s19  }
.Ltmp3:
0x34: {  	v1 =	vld [tilespmem:s20+$0xFFFFFFF0];
	[tilespmem:s18+$0x2040 ss:$0x102] =	vst.msk $0xffff, v0;
	(pc) =	sbr.rel @p2 .LBB1_4-.Ltmp3, $4  }
0x35: {  	v0 =	vld [tilespmem:s20+$0x0];
	[tilespmem:s18+$0x0 ss:$0x102] =	vst.msk $0xffff, v2  }
0x36: {  	s18 =	sshra.s32 s21, $0x2;
	v2 =	vld [tilespmem:s20+$0xFFFFFFE0]  }
0x37: {  	s18 =	sadd.s32 s18, s17  }
0x38: {  	s20 =	sadd.s32 $0x40, s20;
	[tilespmem:s18+$0x3060 ss:$0x102] =	vst.msk $0xffff, v3  }
.Ltmp4:
0x39: {  	(pc) =	sbr.rel @p1 .LBB1_3-.Ltmp4, $4  }
0x3a: {  	_ = 	snop  }
0x3b: {  	[tilespmem:s18+$0x1020 ss:$0x102] =	vst.msk $0xffff, v1  }
0x3c: {  	[tilespmem:s18+$0x2040 ss:$0x102] =	vst.msk $0xffff, v0  }
0x3d: {  	s17 =	simm.s32 $0x1;
	p2 =	por $0x0, $0x0;
	[tilespmem:s18+$0x0 ss:$0x102] =	vst.msk $0xffff, v2  }
0x3e: {  	p1 =	sgt.s32 s10, $0xFFE;
	s15 =	smov.u32 s10;
	s16 =	sshra.s32 s10, $0x1F  }
0x3f: {  	s15 =	simm.s32 @!p1 $0xFFE;
	s16 =	sand.u32 s16, s10  }
0x40: {  	s15 =	ssub.s32 s15, s16  }
0x41: {  	s16 =	ssub.s32 $0x1000, s15  }
0x42: {  	s16 =	smul.u32 $0x6E00, s16  }
.Ltmp5:
0x43: {  	_ = 	snop;
	(pc) =	sbr.rel .LBB1_7-.Ltmp5, $4  }
0x44: {  	s17 =	sshll.u32 s10, $0x4;
	s15 =	sadd.s32 $0xFFFFF002, s15  }
0x45: {  	s31 =	sand.u32 $0xFFF0, s17;
	p1 =	sgt.s32 s15, $0x1;
	s15 =	sshrl.u32 s16, $0x2  }
0x46: {  	s16 =	sadd.s32 s3, s31;
	s15 =	simm.s32 @p1 $0x0  }
0x47: {  	[hbm4b:s16+s8] =	stream.strided.scatter [tilespmem:s14], [sflag:$0x2], s15, s9, s8, $0x20;
	[tilespmem:$0x10100] =	vst v63  }
.LBB1_8:
0x48: {  	_ =	sfence.sel $0x180000  }
0x49: {  	s2 =	simm.s32 $0x1;
	[bflag:$0x0] =	sbarrier.arrive $0xFFFF  }
0x4a: {  	s31 =	simm.s32 $0x2;
	[sflag:s2] =	ssyncpa.u1 $0x1  }
0x4b: {  	[sflag:s31] =	ssyncpa.u1 $0x1  }
0x4c: {  	p0 =	sne.s32 s0, $0x0;
	_ =	strace $0x90000053  }
0x4d: {  	s0 =	sadd.s32 @!p0 $0x100000, s1;
	[bflag:$0x2] =	sbarrier.arrive $0xFFFF  }
0x4e: {  	[sflag:s0] =	ssyncadd.tile.s32 @!p0 $0x1;
	_ =	shalt  }
.Lfunc_end1:
_tile_overlayer_lowered:
.L_overlay_start_2:
0x4f: {  	(tag) =	ssettag $0x2  }
0x50: {  	s0 =	rddreg [dreg:$0x0];
	s2 =	stileid.u32  }
0x51: {  	s1 =	rddreg [dreg:$0x1];
	p0 =	sne.s32 s2, $0x0  }
0x52: {  	s3 =	rddreg [dreg:$0x2];
	[bflag:$0x3] =	sbarrier.arrive $0xFFFF;
	s2 =	simm.s32 @!p0 $0x1C01  }
0x53: {  	[timem:s3], [sflag:s2] =	dma.local @!p0 [hbm:s0], s1  }
0x54: {  	s0 =	simm.s32 @!p0 $0x1  }
0x55: {  	_ =	swait.ge @!p0 [sflag:s0], s1  }
0x56: {  	s1 =	ssub.s32 @!p0 $0x0, s1;
	[sflag:s0] =	ssyncset.done @!p0 $0x0  }
0x57: {  	[sflag:s0] =	ssyncadd.s32 @!p0 s1  }
0x58: {  	[bflag:$0x3] =	sbarrier.arrive $0xFFFF  }
0x59: {  	_ =	shalt  }

</sc_bundles>
